<compile_context>
chip_gen: v7x
topology: tpu7x:2x2x1
jax: 0.10.2.dev20260603
libtpu: 0.0.44.dev20260713+nightly
codegen_flags: <defaults>
</compile_context>

<pallas_src>
import functools

import jax
import jax.numpy as jnp
from jax import lax
from jax.experimental import pallas as pl
from jax.experimental.pallas import tpu as pltpu
from jax.experimental.pallas import tpu_sc as plsc

_N = 10000
_E = 320000
_D = 128
_NC = 2
_NS = 16
_NW = _NC * _NS
_K = 128
_NP = 10240
_RPT = _NP // _NS
_EP = 327680
_CPW = _EP // _NW // _K
_ERows = _EP // _K

_mesh = plsc.VectorSubcoreMesh(core_axis_name="c", subcore_axis_name="s")


def _zero_rows(rows_ref, nrows):
    z = jnp.zeros((16,), jnp.float32)

    def body(i, _):
        r = i // 8
        col = (i % 8) * 16
        rows_ref[r, pl.ds(col, 16)] = z
        return _

    lax.fori_loop(0, nrows * 8, body, None)


def _copy_tile_slice(src_at, dst_at, stage_ref, rbase):
    for k in range(_RPT // _K):
        pltpu.sync_copy(src_at(pl.ds(rbase + k * _K, _K)), stage_ref)
        pltpu.sync_copy(stage_ref, dst_at(pl.ds(rbase + k * _K, _K)))


_HB = 16384
_HPT = _HB // _NS


def _deg_body(pidx_hbm, out_hbm, idx_v, hist, tmp, acc):
    c = lax.axis_index("c")
    s = lax.axis_index("s")
    wid = c * _NS + s
    ones16 = jnp.ones((16,), jnp.float32)
    z16 = jnp.zeros((16,), jnp.float32)

    def zero(i, _):
        hist[pl.ds(i * 16, 16)] = z16
        return _

    lax.fori_loop(0, _HB // 16, zero, None)

    pltpu.sync_copy(pidx_hbm.at[pl.ds(wid * _CPW, _CPW)], idx_v)

    def chunk(cc, _):
        row = idx_v.at[cc]
        for g in range(_K // 16):
            d16 = lax.shift_right_logical(row[pl.ds(g * 16, 16)], 14)
            plsc.addupdate_scatter(hist, [d16], ones16)
        return _

    lax.fori_loop(0, _CPW, chunk, None)

    pltpu.sync_copy(hist, acc.at[pl.ds(s * _HB, _HB)])
    plsc.subcore_barrier()
    rb = s * _HPT
    pltpu.sync_copy(acc.at[pl.ds(rb, _HPT)], hist.at[pl.ds(0, _HPT)])

    def hsum(h, _):
        pltpu.sync_copy(acc.at[pl.ds(h * _HB + rb, _HPT)], tmp)
        for j in range(_HPT // 16):
            sl = pl.ds(j * 16, 16)
            hist[sl] = hist[sl] + tmp[sl]
        return _

    lax.fori_loop(1, _NS, hsum, None)
    obase = pl.multiple_of(c * _HB + rb, 8)
    pltpu.sync_copy(hist.at[pl.ds(0, _HPT)], out_hbm.at[pl.ds(obase, _HPT)])


_deg_kernel = pl.kernel(
    _deg_body,
    out_type=jax.ShapeDtypeStruct((_NC * _HB,), jnp.float32),
    mesh=_mesh,
    compiler_params=pltpu.CompilerParams(needs_layout_passes=False),
    scratch_types=[
        pltpu.VMEM((_CPW, _K), jnp.int32),
        pltpu.VMEM((_HB,), jnp.float32),
        pltpu.VMEM((_HPT,), jnp.float32),
        pltpu.VMEM_SHARED((_NS * _HB,), jnp.float32),
    ],
)


def _unpack_chunk(pidx, cc, sref, dref):
    row = pidx.at[cc]
    for g in range(_K // 16):
        sl = pl.ds(g * 16, 16)
        p = row[sl]
        sref[sl] = lax.bitwise_and(p, 16383)
        dref[sl] = lax.shift_right_logical(p, 14)


def _agg_body(pidx_hbm, hs_hbm, out_hbm,
              pidx, sidx0, didx0, sidx1, didx1, rows0, rows1, sem0, sem1, acc):
    c = lax.axis_index("c")
    s = lax.axis_index("s")
    wid = c * _NS + s
    rbase = s * _RPT

    _zero_rows(rows0, _K)
    for k in range(_RPT // _K):
        pltpu.sync_copy(rows0, acc.at[pl.ds(rbase + k * _K, _K)])
    plsc.subcore_barrier()

    pltpu.sync_copy(pidx_hbm.at[pl.ds(wid * _CPW, _CPW)], pidx)

    _unpack_chunk(pidx, 0, sidx0, didx0)
    pltpu.async_copy(hs_hbm.at[sidx0], rows0, sem0)

    def chunk2(g, _):
        c0 = g * 2
        _unpack_chunk(pidx, c0 + 1, sidx1, didx1)
        pltpu.async_copy(hs_hbm.at[sidx1], rows1, sem1)
        pltpu.make_async_copy(hs_hbm.at[sidx0], rows0, sem0).wait()
        pltpu.sync_copy(rows0, acc.at[didx0], add=True)

        @pl.when(c0 + 2 < _CPW)
        def _():
            _unpack_chunk(pidx, c0 + 2, sidx0, didx0)
            pltpu.async_copy(hs_hbm.at[sidx0], rows0, sem0)

        pltpu.make_async_copy(hs_hbm.at[sidx1], rows1, sem1).wait()
        pltpu.sync_copy(rows1, acc.at[didx1], add=True)
        return _

    lax.fori_loop(0, _CPW // 2, chunk2, None)
    plsc.subcore_barrier()

    @pl.when(c == 0)
    def _():
        _copy_tile_slice(lambda d: acc.at[d], lambda d: out_hbm.at[0, d], rows0, rbase)

    @pl.when(c == 1)
    def _():
        _copy_tile_slice(lambda d: acc.at[d], lambda d: out_hbm.at[1, d], rows0, rbase)


_agg_kernel = pl.kernel(
    _agg_body,
    out_type=jax.ShapeDtypeStruct((_NC, _NP, _D), jnp.float32),
    mesh=_mesh,
    scratch_types=[
        pltpu.VMEM((_CPW, _K), jnp.int32),
        pltpu.VMEM((_K,), jnp.int32),
        pltpu.VMEM((_K,), jnp.int32),
        pltpu.VMEM((_K,), jnp.int32),
        pltpu.VMEM((_K,), jnp.int32),
        pltpu.VMEM((_K, _D), jnp.float32),
        pltpu.VMEM((_K, _D), jnp.float32),
        pltpu.SemaphoreType.DMA,
        pltpu.SemaphoreType.DMA,
        pltpu.VMEM_SHARED((_NP, _D), jnp.float32),
    ],
)


def _mm_body(x_ref, w_ref, o_ref):
    o_ref[...] = jnp.dot(x_ref[...], w_ref[...], preferred_element_type=jnp.float32)


_mm_call = pl.pallas_call(
    _mm_body, out_shape=jax.ShapeDtypeStruct((_N, _D), jnp.float32))


def _scale_body(d0_ref, d1_ref, h_ref, hs_ref, dinv_ref):
    d = d0_ref[...] + d1_ref[...] + 1.0
    dinv = lax.rsqrt(d)
    dinv_ref[...] = dinv
    hs_ref[0:_N, :] = h_ref[...] * dinv
    hs_ref[_N:_NP, :] = jnp.zeros((_NP - _N, _D), jnp.float32)


_scale_call = pl.pallas_call(
    _scale_body,
    out_shape=[
        jax.ShapeDtypeStruct((_NP, _D), jnp.float32),
        jax.ShapeDtypeStruct((_N, 1), jnp.float32),
    ],
)


def _bn_prelu(g, gamma, beta, a):
    mu = jnp.mean(g, axis=0, keepdims=True)
    va = jnp.mean((g - mu) ** 2, axis=0, keepdims=True)
    y = (g - mu) * lax.rsqrt(va + 1e-5) * gamma + beta
    return jnp.where(y >= 0.0, y, a * y)


def _mid_body(msg_ref, hs_ref, dinv_ref, b_ref, gamma_ref, beta_ref, a_ref,
              w_ref, o_ref):
    agg = msg_ref[0, 0:_N, :] + msg_ref[1, 0:_N, :] + hs_ref[0:_N, :]
    g = agg * dinv_ref[...] + b_ref[...]
    t = _bn_prelu(g, gamma_ref[...], beta_ref[...], a_ref[...])
    h2 = jnp.dot(t, w_ref[...], preferred_element_type=jnp.float32)
    o_ref[0:_N, :] = h2 * dinv_ref[...]
    o_ref[_N:_NP, :] = jnp.zeros((_NP - _N, _D), jnp.float32)


_mid_call = pl.pallas_call(
    _mid_body, out_shape=jax.ShapeDtypeStruct((_NP, _D), jnp.float32))


def _fin_body(msg_ref, hs_ref, dinv_ref, b_ref, gamma_ref, beta_ref, a_ref,
              o_ref):
    agg = msg_ref[0, 0:_N, :] + msg_ref[1, 0:_N, :] + hs_ref[0:_N, :]
    g = agg * dinv_ref[...] + b_ref[...]
    o_ref[...] = _bn_prelu(g, gamma_ref[...], beta_ref[...], a_ref[...])


_fin_call = pl.pallas_call(
    _fin_body, out_shape=jax.ShapeDtypeStruct((_N, _D), jnp.float32))


def kernel(x, edge_index, W1, b1, gamma1, beta1, a1, W2, b2, gamma2, beta2, a2):
    padv = _N + jax.lax.rem(jnp.arange(_EP - _E, dtype=jnp.int32),
                            jnp.int32(_NP - _N))
    eip = jnp.concatenate([edge_index, jnp.stack([padv, padv])], axis=1)
    pidx2d = (eip[0] | (eip[1] << 14)).reshape(_ERows, _K)
    b1r = b1.reshape(1, _D)
    b2r = b2.reshape(1, _D)
    g1r = gamma1.reshape(1, _D)
    g2r = gamma2.reshape(1, _D)
    be1r = beta1.reshape(1, _D)
    be2r = beta2.reshape(1, _D)
    a1r = a1.reshape(1, 1)
    a2r = a2.reshape(1, 1)

    degacc = _deg_kernel(pidx2d)
    d0 = degacc[:_N].reshape(-1, 1)
    d1 = degacc[_HB:_HB + _N].reshape(-1, 1)
    h1 = _mm_call(x, W1)
    hs1, dinv = _scale_call(d0, d1, h1)
    msg1 = _agg_kernel(pidx2d, hs1)
    hs2 = _mid_call(msg1, hs1, dinv, b1r, g1r, be1r, a1r, W2)
    msg2 = _agg_kernel(pidx2d, hs2)
    return _fin_call(msg2, hs2, dinv, b2r, g2r, be2r, a2r)

# --- scband reference (transcript-rebuilt; emitter-appended) ---
"""Pipeline reference for scband-gcn-9242769621286 (READ-ONLY COPY).

The authoritative reference and input builder live on the scoring server;
editing this copy changes nothing except your own understanding.
"""

import jax, jax.numpy as jnp
import numpy as np

N = 10000
E = 320000
D = 128


def setup_inputs(seed: int = 0) -> dict:
    key = jax.random.key(seed)
    ks = jax.random.split(key, 8)
    x = jax.random.normal(ks[0], (N, D), dtype=jnp.float32)
    edge_index = jax.random.randint(ks[1], (2, E), 0, N, dtype=jnp.int32)
    # GCNConv layer 1 params (glorot-ish init)
    W1 = jax.random.normal(ks[2], (D, D), dtype=jnp.float32) * (1.0 / np.sqrt(D))
    b1 = jnp.zeros((D,), dtype=jnp.float32)
    gamma1 = jnp.ones((D,), dtype=jnp.float32)
    beta1 = jnp.zeros((D,), dtype=jnp.float32)
    a1 = jnp.full((1,), 0.25, dtype=jnp.float32)
    # GCNConv layer 2 params
    W2 = jax.random.normal(ks[3], (D, D), dtype=jnp.float32) * (1.0 / np.sqrt(D))
    b2 = jnp.zeros((D,), dtype=jnp.float32)
    gamma2 = jnp.ones((D,), dtype=jnp.float32)
    beta2 = jnp.zeros((D,), dtype=jnp.float32)
    a2 = jnp.full((1,), 0.25, dtype=jnp.float32)
    return {
        "x": x, "edge_index": edge_index,
        "W1": W1, "b1": b1, "gamma1": gamma1, "beta1": beta1, "a1": a1,
        "W2": W2, "b2": b2, "gamma2": gamma2, "beta2": beta2, "a2": a2,
    }


def _gcn_conv(x, edge_index, W, b):
    n = x.shape[0]
    src = edge_index[0]
    dst = edge_index[1]
    # add self-loops (PyG GCNConv default add_self_loops=True)
    loop = jnp.arange(n, dtype=src.dtype)
    src = jnp.concatenate([src, loop])
    dst = jnp.concatenate([dst, loop])
    # symmetric normalization D^{-1/2} (A+I) D^{-1/2}
    deg = jax.ops.segment_sum(jnp.ones_like(dst, dtype=x.dtype), dst, num_segments=n)
    dinv = jnp.where(deg > 0, 1.0 / jnp.sqrt(deg), 0.0)
    norm = dinv[src] * dinv[dst]
    h = x @ W
    msg = jnp.take(h, src, axis=0) * norm[:, None]
    out = jax.ops.segment_sum(msg, dst, num_segments=n)
    return out + b


def _batchnorm(x, gamma, beta, eps=1e-5):
    # training-mode BatchNorm1d over node dimension (biased variance)
    mean = jnp.mean(x, axis=0)
    var = jnp.mean((x - mean) ** 2, axis=0)
    return (x - mean) / jnp.sqrt(var + eps) * gamma + beta


def _prelu(x, a):
    return jnp.where(x >= 0, x, a * x)


def reference(x, edge_index, W1, b1, gamma1, beta1, a1, W2, b2, gamma2, beta2, a2):
    h = _gcn_conv(x, edge_index, W1, b1)
    h = _batchnorm(h, gamma1, beta1)
    h = _prelu(h, a1)
    h = _gcn_conv(h, edge_index, W2, b2)
    h = _batchnorm(h, gamma2, beta2)
    h = _prelu(h, a2)
    return h

if __name__ == "__main__":
    import jax
    _d = setup_inputs()
    print(jax.jit(kernel)(*tuple(_d.values())))

</pallas_src>

<mosaic_0001>
#map = affine_map<(d0, d1) -> (0, 0)>
#map1 = affine_map<(d0, d1) -> (0)>
module attributes {stable_mosaic.version = 14 : i64} {
  func.func @_deg_body(%arg0: i32, %arg1: i32, %arg2: memref<2560x128xi32, #tpu.memory_space<hbm>>, %arg3: memref<32768xf32, #tpu.memory_space<hbm>>, %arg4: memref<80x128xi32, #tpu.memory_space<vmem>>, %arg5: memref<16384xf32, #tpu.memory_space<vmem>>, %arg6: memref<1024xf32, #tpu.memory_space<vmem>>, %arg7: memref<262144xf32, #tpu.memory_space<vmem_shared>>) attributes {dimension_semantics = [#tpu.dimension_semantics<core_parallel>, #tpu.dimension_semantics<subcore_parallel>], iteration_bounds = array<i64: 2, 16>, scalar_prefetch = 0 : i64, scratch_operands = 4 : i64, tpu.core_type = #tpu.core_type<sc_vector_subcore>, window_params = [{transform_indices = #map}, {transform_indices = #map1}]} {
    %mul3A = arith.constant 16 : i32
    %mul3A_0 = arith.muli %arg0, %mul3A : i32
    %add3A = arith.addi %mul3A_0, %arg1 : i32
    %broadcast_in_dim3A = arith.constant 1.000000e+00 : f32
    %broadcast_in_dim3A_1 = vector.broadcast %broadcast_in_dim3A : f32 to vector<16xf32>
    %broadcast_in_dim3A_2 = arith.constant 0.000000e+00 : f32
    %broadcast_in_dim3A_3 = vector.broadcast %broadcast_in_dim3A_2 : f32 to vector<16xf32>
    %scan3A = arith.constant 0 : i32
    %scan3A_4 = arith.constant 1024 : i32
    %scan3A_5 = arith.addi %scan3A, %scan3A_4 : i32
    %scan3A_6 = arith.constant 1 : i32
    scf.for %scan3A_27 = %scan3A to %scan3A_5 step %scan3A_6  : i32 {
      %mul3A_28 = arith.constant 16 : i32
      %mul3A_29 = arith.muli %scan3A_27, %mul3A_28 : i32
      %swap3A = arith.index_cast %mul3A_29 : i32 to index
      %swap3A_30 = tpu.vector_load %arg5[%swap3A] {strides = array<i32>} : memref<16384xf32, #tpu.memory_space<vmem>>, vector<16xf32>,
      tpu.vector_store %arg5[%swap3A], %broadcast_in_dim3A_3 {strides = array<i32>} : memref<16384xf32, #tpu.memory_space<vmem>>, vector<16xf32>,
    }
    %scan3A_7 = arith.constant 1024 : i32
    %mul3A_8 = arith.constant 80 : i32
    %mul3A_9 = arith.muli %add3A, %mul3A_8 : i32
    "tpu.region"() ({
      %run_scoped3A = tpu.sem_alloc : memref<!tpu.dma_semaphore, #tpu.memory_space<semaphore_mem>>
      %dma_start3A = arith.constant 0 : i32
      %dma_start3A_27 = tpu.memref_slice %arg2[%mul3A_9, %dma_start3A] : memref<2560x128xi32, #tpu.memory_space<hbm>> -> memref<80x128xi32, #tpu.memory_space<hbm>>
      %dma_start3A_28 = arith.constant 0 : i32
      %dma_start3A_29 = tpu.memref_slice %arg2[%mul3A_9, %dma_start3A_28] : memref<2560x128xi32, #tpu.memory_space<hbm>> -> memref<80x128xi32, #tpu.memory_space<hbm>>
      tpu.enqueue_dma source(%dma_start3A_29 : memref<80x128xi32, #tpu.memory_space<hbm>>) target(%arg4 : memref<80x128xi32, #tpu.memory_space<vmem>>) target_semaphore(%run_scoped3A : memref<!tpu.dma_semaphore, #tpu.memory_space<semaphore_mem>>)
      %dma_wait3A = arith.constant 0 : i32
      %dma_wait3A_30 = tpu.memref_slice %arg2[%mul3A_9, %dma_wait3A] : memref<2560x128xi32, #tpu.memory_space<hbm>> -> memref<80x128xi32, #tpu.memory_space<hbm>>
      %dma_wait3A_31 = arith.constant 0 : i32
      %dma_wait3A_32 = tpu.memref_slice %arg2[%mul3A_9, %dma_wait3A_31] : memref<2560x128xi32, #tpu.memory_space<hbm>> -> memref<80x128xi32, #tpu.memory_space<hbm>>
      tpu.wait_dma2 semaphore(%run_scoped3A : memref<!tpu.dma_semaphore, #tpu.memory_space<semaphore_mem>>) src(%dma_wait3A_32 : memref<80x128xi32, #tpu.memory_space<hbm>>) dst(%arg4 : memref<80x128xi32, #tpu.memory_space<vmem>>)
      tpu.yield
    }) : () -> ()
    %scan3A_10 = arith.constant 0 : i32
    %scan3A_11 = arith.constant 80 : i32
    %scan3A_12 = arith.addi %scan3A_10, %scan3A_11 : i32
    %scan3A_13 = arith.constant 1 : i32
    scf.for %scan3A_27 = %scan3A_10 to %scan3A_12 step %scan3A_13  : i32 {
      %get3A = arith.constant 0 : i32
      %get3A_28 = tpu.memref_slice %arg4[%scan3A_27, %get3A] : memref<80x128xi32, #tpu.memory_space<vmem>> -> memref<1x128xi32, #tpu.memory_space<vmem>>
      %get3A_29 = tpu.memref_squeeze %get3A_28 : memref<1x128xi32, #tpu.memory_space<vmem>> -> memref<128xi32, #tpu.memory_space<vmem>>
      %get3A_30 = arith.constant 0 : index
      %get3A_31 = tpu.vector_load %get3A_29[%get3A_30] {strides = array<i32>} : memref<128xi32, #tpu.memory_space<vmem>>, vector<16xi32>,
      %shift_right_logical3A = arith.constant 14 : i32
      %shift_right_logical3A_32 = vector.broadcast %shift_right_logical3A : i32 to vector<16xi32>
      %shift_right_logical3A_33 = arith.shrui %get3A_31, %shift_right_logical3A_32 : vector<16xi32>
      tpu.vector_store_idx %arg5[%shift_right_logical3A_33], %broadcast_in_dim3A_1 {add = true} : memref<16384xf32, #tpu.memory_space<vmem>>[vector<16xi32>], vector<16xf32>,
      %get3A_34 = arith.constant 0 : i32
      %get3A_35 = tpu.memref_slice %arg4[%scan3A_27, %get3A_34] : memref<80x128xi32, #tpu.memory_space<vmem>> -> memref<1x128xi32, #tpu.memory_space<vmem>>
      %get3A_36 = tpu.memref_squeeze %get3A_35 : memref<1x128xi32, #tpu.memory_space<vmem>> -> memref<128xi32, #tpu.memory_space<vmem>>
      %get3A_37 = arith.constant 16 : index
      %get3A_38 = tpu.vector_load %get3A_36[%get3A_37] {strides = array<i32>} : memref<128xi32, #tpu.memory_space<vmem>>, vector<16xi32>,
      %shift_right_logical3A_39 = arith.constant 14 : i32
      %shift_right_logical3A_40 = vector.broadcast %shift_right_logical3A_39 : i32 to vector<16xi32>
      %shift_right_logical3A_41 = arith.shrui %get3A_38, %shift_right_logical3A_40 : vector<16xi32>
      tpu.vector_store_idx %arg5[%shift_right_logical3A_41], %broadcast_in_dim3A_1 {add = true} : memref<16384xf32, #tpu.memory_space<vmem>>[vector<16xi32>], vector<16xf32>,
      %get3A_42 = arith.constant 0 : i32
      %get3A_43 = tpu.memref_slice %arg4[%scan3A_27, %get3A_42] : memref<80x128xi32, #tpu.memory_space<vmem>> -> memref<1x128xi32, #tpu.memory_space<vmem>>
      %get3A_44 = tpu.memref_squeeze %get3A_43 : memref<1x128xi32, #tpu.memory_space<vmem>> -> memref<128xi32, #tpu.memory_space<vmem>>
      %get3A_45 = arith.constant 32 : index
      %get3A_46 = tpu.vector_load %get3A_44[%get3A_45] {strides = array<i32>} : memref<128xi32, #tpu.memory_space<vmem>>, vector<16xi32>,
      %shift_right_logical3A_47 = arith.constant 14 : i32
      %shift_right_logical3A_48 = vector.broadcast %shift_right_logical3A_47 : i32 to vector<16xi32>
      %shift_right_logical3A_49 = arith.shrui %get3A_46, %shift_right_logical3A_48 : vector<16xi32>
      tpu.vector_store_idx %arg5[%shift_right_logical3A_49], %broadcast_in_dim3A_1 {add = true} : memref<16384xf32, #tpu.memory_space<vmem>>[vector<16xi32>], vector<16xf32>,
      %get3A_50 = arith.constant 0 : i32
      %get3A_51 = tpu.memref_slice %arg4[%scan3A_27, %get3A_50] : memref<80x128xi32, #tpu.memory_space<vmem>> -> memref<1x128xi32, #tpu.memory_space<vmem>>
      %get3A_52 = tpu.memref_squeeze %get3A_51 : memref<1x128xi32, #tpu.memory_space<vmem>> -> memref<128xi32, #tpu.memory_space<vmem>>
      %get3A_53 = arith.constant 48 : index
      %get3A_54 = tpu.vector_load %get3A_52[%get3A_53] {strides = array<i32>} : memref<128xi32, #tpu.memory_space<vmem>>, vector<16xi32>,
      %shift_right_logical3A_55 = arith.constant 14 : i32
      %shift_right_logical3A_56 = vector.broadcast %shift_right_logical3A_55 : i32 to vector<16xi32>
      %shift_right_logical3A_57 = arith.shrui %get3A_54, %shift_right_logical3A_56 : vector<16xi32>
      tpu.vector_store_idx %arg5[%shift_right_logical3A_57], %broadcast_in_dim3A_1 {add = true} : memref<16384xf32, #tpu.memory_space<vmem>>[vector<16xi32>], vector<16xf32>,
      %get3A_58 = arith.constant 0 : i32
      %get3A_59 = tpu.memref_slice %arg4[%scan3A_27, %get3A_58] : memref<80x128xi32, #tpu.memory_space<vmem>> -> memref<1x128xi32, #tpu.memory_space<vmem>>
      %get3A_60 = tpu.memref_squeeze %get3A_59 : memref<1x128xi32, #tpu.memory_space<vmem>> -> memref<128xi32, #tpu.memory_space<vmem>>
      %get3A_61 = arith.constant 64 : index
      %get3A_62 = tpu.vector_load %get3A_60[%get3A_61] {strides = array<i32>} : memref<128xi32, #tpu.memory_space<vmem>>, vector<16xi32>,
      %shift_right_logical3A_63 = arith.constant 14 : i32
      %shift_right_logical3A_64 = vector.broadcast %shift_right_logical3A_63 : i32 to vector<16xi32>
      %shift_right_logical3A_65 = arith.shrui %get3A_62, %shift_right_logical3A_64 : vector<16xi32>
      tpu.vector_store_idx %arg5[%shift_right_logical3A_65], %broadcast_in_dim3A_1 {add = true} : memref<16384xf32, #tpu.memory_space<vmem>>[vector<16xi32>], vector<16xf32>,
      %get3A_66 = arith.constant 0 : i32
      %get3A_67 = tpu.memref_slice %arg4[%scan3A_27, %get3A_66] : memref<80x128xi32, #tpu.memory_space<vmem>> -> memref<1x128xi32, #tpu.memory_space<vmem>>
      %get3A_68 = tpu.memref_squeeze %get3A_67 : memref<1x128xi32, #tpu.memory_space<vmem>> -> memref<128xi32, #tpu.memory_space<vmem>>
      %get3A_69 = arith.constant 80 : index
      %get3A_70 = tpu.vector_load %get3A_68[%get3A_69] {strides = array<i32>} : memref<128xi32, #tpu.memory_space<vmem>>, vector<16xi32>,
      %shift_right_logical3A_71 = arith.constant 14 : i32
      %shift_right_logical3A_72 = vector.broadcast %shift_right_logical3A_71 : i32 to vector<16xi32>
      %shift_right_logical3A_73 = arith.shrui %get3A_70, %shift_right_logical3A_72 : vector<16xi32>
      tpu.vector_store_idx %arg5[%shift_right_logical3A_73], %broadcast_in_dim3A_1 {add = true} : memref<16384xf32, #tpu.memory_space<vmem>>[vector<16xi32>], vector<16xf32>,
      %get3A_74 = arith.constant 0 : i32
      %get3A_75 = tpu.memref_slice %arg4[%scan3A_27, %get3A_74] : memref<80x128xi32, #tpu.memory_space<vmem>> -> memref<1x128xi32, #tpu.memory_space<vmem>>
      %get3A_76 = tpu.memref_squeeze %get3A_75 : memref<1x128xi32, #tpu.memory_space<vmem>> -> memref<128xi32, #tpu.memory_space<vmem>>
      %get3A_77 = arith.constant 96 : index
      %get3A_78 = tpu.vector_load %get3A_76[%get3A_77] {strides = array<i32>} : memref<128xi32, #tpu.memory_space<vmem>>, vector<16xi32>,
      %shift_right_logical3A_79 = arith.constant 14 : i32
      %shift_right_logical3A_80 = vector.broadcast %shift_right_logical3A_79 : i32 to vector<16xi32>
      %shift_right_logical3A_81 = arith.shrui %get3A_78, %shift_right_logical3A_80 : vector<16xi32>
      tpu.vector_store_idx %arg5[%shift_right_logical3A_81], %broadcast_in_dim3A_1 {add = true} : memref<16384xf32, #tpu.memory_space<vmem>>[vector<16xi32>], vector<16xf32>,
      %get3A_82 = arith.constant 0 : i32
      %get3A_83 = tpu.memref_slice %arg4[%scan3A_27, %get3A_82] : memref<80x128xi32, #tpu.memory_space<vmem>> -> memref<1x128xi32, #tpu.memory_space<vmem>>
      %get3A_84 = tpu.memref_squeeze %get3A_83 : memref<1x128xi32, #tpu.memory_space<vmem>> -> memref<128xi32, #tpu.memory_space<vmem>>
      %get3A_85 = arith.constant 112 : index
      %get3A_86 = tpu.vector_load %get3A_84[%get3A_85] {strides = array<i32>} : memref<128xi32, #tpu.memory_space<vmem>>, vector<16xi32>,
      %shift_right_logical3A_87 = arith.constant 14 : i32
      %shift_right_logical3A_88 = vector.broadcast %shift_right_logical3A_87 : i32 to vector<16xi32>
      %shift_right_logical3A_89 = arith.shrui %get3A_86, %shift_right_logical3A_88 : vector<16xi32>
      tpu.vector_store_idx %arg5[%shift_right_logical3A_89], %broadcast_in_dim3A_1 {add = true} : memref<16384xf32, #tpu.memory_space<vmem>>[vector<16xi32>], vector<16xf32>,
    }
    %scan3A_14 = arith.constant 80 : i32
    %mul3A_15 = arith.constant 16384 : i32
    %mul3A_16 = arith.muli %arg1, %mul3A_15 : i32
    "tpu.region"() ({
      %run_scoped3A = tpu.sem_alloc : memref<!tpu.dma_semaphore, #tpu.memory_space<semaphore_mem>>
      %dma_start3A = tpu.memref_slice %arg7[%mul3A_16] : memref<262144xf32, #tpu.memory_space<vmem_shared>> -> memref<16384xf32, #tpu.memory_space<vmem_shared>>
      %dma_start3A_27 = tpu.memref_slice %arg7[%mul3A_16] : memref<262144xf32, #tpu.memory_space<vmem_shared>> -> memref<16384xf32, #tpu.memory_space<vmem_shared>>
      tpu.enqueue_dma source(%arg5 : memref<16384xf32, #tpu.memory_space<vmem>>) target(%dma_start3A_27 : memref<16384xf32, #tpu.memory_space<vmem_shared>>) target_semaphore(%run_scoped3A : memref<!tpu.dma_semaphore, #tpu.memory_space<semaphore_mem>>)
      %dma_wait3A = tpu.memref_slice %arg7[%mul3A_16] : memref<262144xf32, #tpu.memory_space<vmem_shared>> -> memref<16384xf32, #tpu.memory_space<vmem_shared>>
      %dma_wait3A_28 = tpu.memref_slice %arg7[%mul3A_16] : memref<262144xf32, #tpu.memory_space<vmem_shared>> -> memref<16384xf32, #tpu.memory_space<vmem_shared>>
      tpu.wait_dma2 semaphore(%run_scoped3A : memref<!tpu.dma_semaphore, #tpu.memory_space<semaphore_mem>>) src(%arg5 : memref<16384xf32, #tpu.memory_space<vmem>>) dst(%dma_wait3A_28 : memref<16384xf32, #tpu.memory_space<vmem_shared>>)
      tpu.yield
    }) : () -> ()
    %barrier3A = arith.constant 0 : index
    tpu.barrier barrier_id(%barrier3A)
    %mul3A_17 = arith.constant 1024 : i32
    %mul3A_18 = arith.muli %arg1, %mul3A_17 : i32
    "tpu.region"() ({
      %run_scoped3A = tpu.sem_alloc : memref<!tpu.dma_semaphore, #tpu.memory_space<semaphore_mem>>
      %dma_start3A = arith.constant 0 : i32
      %dma_start3A_27 = tpu.memref_slice %arg5[%dma_start3A] : memref<16384xf32, #tpu.memory_space<vmem>> -> memref<1024xf32, #tpu.memory_space<vmem>>
      %dma_start3A_28 = tpu.memref_slice %arg7[%mul3A_18] : memref<262144xf32, #tpu.memory_space<vmem_shared>> -> memref<1024xf32, #tpu.memory_space<vmem_shared>>
      %dma_start3A_29 = arith.constant 0 : i32
      %dma_start3A_30 = tpu.memref_slice %arg5[%dma_start3A_29] : memref<16384xf32, #tpu.memory_space<vmem>> -> memref<1024xf32, #tpu.memory_space<vmem>>
      %dma_start3A_31 = tpu.memref_slice %arg7[%mul3A_18] : memref<262144xf32, #tpu.memory_space<vmem_shared>> -> memref<1024xf32, #tpu.memory_space<vmem_shared>>
      tpu.enqueue_dma source(%dma_start3A_31 : memref<1024xf32, #tpu.memory_space<vmem_shared>>) target(%dma_start3A_30 : memref<1024xf32, #tpu.memory_space<vmem>>) target_semaphore(%run_scoped3A : memref<!tpu.dma_semaphore, #tpu.memory_space<semaphore_mem>>)
      %dma_wait3A = arith.constant 0 : i32
      %dma_wait3A_32 = tpu.memref_slice %arg5[%dma_wait3A] : memref<16384xf32, #tpu.memory_space<vmem>> -> memref<1024xf32, #tpu.memory_space<vmem>>
      %dma_wait3A_33 = tpu.memref_slice %arg7[%mul3A_18] : memref<262144xf32, #tpu.memory_space<vmem_shared>> -> memref<1024xf32, #tpu.memory_space<vmem_shared>>
      %dma_wait3A_34 = arith.constant 0 : i32
      %dma_wait3A_35 = tpu.memref_slice %arg5[%dma_wait3A_34] : memref<16384xf32, #tpu.memory_space<vmem>> -> memref<1024xf32, #tpu.memory_space<vmem>>
      %dma_wait3A_36 = tpu.memref_slice %arg7[%mul3A_18] : memref<262144xf32, #tpu.memory_space<vmem_shared>> -> memref<1024xf32, #tpu.memory_space<vmem_shared>>
      tpu.wait_dma2 semaphore(%run_scoped3A : memref<!tpu.dma_semaphore, #tpu.memory_space<semaphore_mem>>) src(%dma_wait3A_36 : memref<1024xf32, #tpu.memory_space<vmem_shared>>) dst(%dma_wait3A_35 : memref<1024xf32, #tpu.memory_space<vmem>>)
      tpu.yield
    }) : () -> ()
    %scan3A_19 = arith.constant 1 : i32
    %scan3A_20 = arith.constant 15 : i32
    %scan3A_21 = arith.addi %scan3A_19, %scan3A_20 : i32
    %scan3A_22 = arith.constant 1 : i32
    scf.for %scan3A_27 = %scan3A_19 to %scan3A_21 step %scan3A_22  : i32 {
      %mul3A_28 = arith.constant 16384 : i32
      %mul3A_29 = arith.muli %scan3A_27, %mul3A_28 : i32
      %add3A_30 = arith.addi %mul3A_29, %mul3A_18 : i32
      "tpu.region"() ({
        %run_scoped3A = tpu.sem_alloc : memref<!tpu.dma_semaphore, #tpu.memory_space<semaphore_mem>>
        %dma_start3A = tpu.memref_slice %arg7[%add3A_30] : memref<262144xf32, #tpu.memory_space<vmem_shared>> -> memref<1024xf32, #tpu.memory_space<vmem_shared>>
        %dma_start3A_477 = tpu.memref_slice %arg7[%add3A_30] : memref<262144xf32, #tpu.memory_space<vmem_shared>> -> memref<1024xf32, #tpu.memory_space<vmem_shared>>
        tpu.enqueue_dma source(%dma_start3A_477 : memref<1024xf32, #tpu.memory_space<vmem_shared>>) target(%arg6 : memref<1024xf32, #tpu.memory_space<vmem>>) target_semaphore(%run_scoped3A : memref<!tpu.dma_semaphore, #tpu.memory_space<semaphore_mem>>)
        %dma_wait3A = tpu.memref_slice %arg7[%add3A_30] : memref<262144xf32, #tpu.memory_space<vmem_shared>> -> memref<1024xf32, #tpu.memory_space<vmem_shared>>
        %dma_wait3A_478 = tpu.memref_slice %arg7[%add3A_30] : memref<262144xf32, #tpu.memory_space<vmem_shared>> -> memref<1024xf32, #tpu.memory_space<vmem_shared>>
        tpu.wait_dma2 semaphore(%run_scoped3A : memref<!tpu.dma_semaphore, #tpu.memory_space<semaphore_mem>>) src(%dma_wait3A_478 : memref<1024xf32, #tpu.memory_space<vmem_shared>>) dst(%arg6 : memref<1024xf32, #tpu.memory_space<vmem>>)
        tpu.yield
      }) : () -> ()
      %get3A = arith.constant 0 : index
      %get3A_31 = tpu.vector_load %arg5[%get3A] {strides = array<i32>} : memref<16384xf32, #tpu.memory_space<vmem>>, vector<16xf32>,
      %get3A_32 = arith.constant 0 : index
      %get3A_33 = tpu.vector_load %arg6[%get3A_32] {strides = array<i32>} : memref<1024xf32, #tpu.memory_space<vmem>>, vector<16xf32>,
      %add3A_34 = arith.addf %get3A_31, %get3A_33 : vector<16xf32>
      %swap3A = arith.constant 0 : index
      %swap3A_35 = tpu.vector_load %arg5[%swap3A] {strides = array<i32>} : memref<16384xf32, #tpu.memory_space<vmem>>, vector<16xf32>,
      tpu.vector_store %arg5[%swap3A], %add3A_34 {strides = array<i32>} : memref<16384xf32, #tpu.memory_space<vmem>>, vector<16xf32>,
      %get3A_36 = arith.constant 16 : index
      %get3A_37 = tpu.vector_load %arg5[%get3A_36] {strides = array<i32>} : memref<16384xf32, #tpu.memory_space<vmem>>, vector<16xf32>,
      %get3A_38 = arith.constant 16 : index
      %get3A_39 = tpu.vector_load %arg6[%get3A_38] {strides = array<i32>} : memref<1024xf32, #tpu.memory_space<vmem>>, vector<16xf32>,
      %add3A_40 = arith.addf %get3A_37, %get3A_39 : vector<16xf32>
      %swap3A_41 = arith.constant 16 : index
      %swap3A_42 = tpu.vector_load %arg5[%swap3A_41] {strides = array<i32>} : memref<16384xf32, #tpu.memory_space<vmem>>, vector<16xf32>,
      tpu.vector_store %arg5[%swap3A_41], %add3A_40 {strides = array<i32>} : memref<16384xf32, #tpu.memory_space<vmem>>, vector<16xf32>,
      %get3A_43 = arith.constant 32 : index
      %get3A_44 = tpu.vector_load %arg5[%get3A_43] {strides = array<i32>} : memref<16384xf32, #tpu.memory_space<vmem>>, vector<16xf32>,
      %get3A_45 = arith.constant 32 : index
      %get3A_46 = tpu.vector_load %arg6[%get3A_45] {strides = array<i32>} : memref<1024xf32, #tpu.memory_space<vmem>>, vector<16xf32>,
      %add3A_47 = arith.addf %get3A_44, %get3A_46 : vector<16xf32>
      %swap3A_48 = arith.constant 32 : index
      %swap3A_49 = tpu.vector_load %arg5[%swap3A_48] {strides = array<i32>} : memref<16384xf32, #tpu.memory_space<vmem>>, vector<16xf32>,
      tpu.vector_store %arg5[%swap3A_48], %add3A_47 {strides = array<i32>} : memref<16384xf32, #tpu.memory_space<vmem>>, vector<16xf32>,
      %get3A_50 = arith.constant 48 : index
      %get3A_51 = tpu.vector_load %arg5[%get3A_50] {strides = array<i32>} : memref<16384xf32, #tpu.memory_space<vmem>>, vector<16xf32>,
      %get3A_52 = arith.constant 48 : index
      %get3A_53 = tpu.vector_load %arg6[%get3A_52] {strides = array<i32>} : memref<1024xf32, #tpu.memory_space<vmem>>, vector<16xf32>,
      %add3A_54 = arith.addf %get3A_51, %get3A_53 : vector<16xf32>
      %swap3A_55 = arith.constant 48 : index
      %swap3A_56 = tpu.vector_load %arg5[%swap3A_55] {strides = array<i32>} : memref<16384xf32, #tpu.memory_space<vmem>>, vector<16xf32>,
      tpu.vector_store %arg5[%swap3A_55], %add3A_54 {strides = array<i32>} : memref<16384xf32, #tpu.memory_space<vmem>>, vector<16xf32>,
      %get3A_57 = arith.constant 64 : index
      %get3A_58 = tpu.vector_load %arg5[%get3A_57] {strides = array<i32>} : memref<16384xf32, #tpu.memory_space<vmem>>, vector<16xf32>,
      %get3A_59 = arith.constant 64 : index
      %get3A_60 = tpu.vector_load %arg6[%get3A_59] {strides = array<i32>} : memref<1024xf32, #tpu.memory_space<vmem>>, vector<16xf32>,
      %add3A_61 = arith.addf %get3A_58, %get3A_60 : vector<16xf32>
      %swap3A_62 = arith.constant 64 : index
      %swap3A_63 = tpu.vector_load %arg5[%swap3A_62] {strides = array<i32>} : memref<16384xf32, #tpu.memory_space<vmem>>, vector<16xf32>,
      tpu.vector_store %arg5[%swap3A_62], %add3A_61 {strides = array<i32>} : memref<16384xf32, #tpu.memory_space<vmem>>, vector<16xf32>,
      %get3A_64 = arith.constant 80 : index
      %get3A_65 = tpu.vector_load %arg5[%get3A_64] {strides = array<i32>} : memref<16384xf32, #tpu.memory_space<vmem>>, vector<16xf32>,
      %get3A_66 = arith.constant 80 : index
      %get3A_67 = tpu.vector_load %arg6[%get3A_66] {strides = array<i32>} : memref<1024xf32, #tpu.memory_space<vmem>>, vector<16xf32>,
      %add3A_68 = arith.addf %get3A_65, %get3A_67 : vector<16xf32>
      %swap3A_69 = arith.constant 80 : index
      %swap3A_70 = tpu.vector_load %arg5[%swap3A_69] {strides = array<i32>} : memref<16384xf32, #tpu.memory_space<vmem>>, vector<16xf32>,
      tpu.vector_store %arg5[%swap3A_69], %add3A_68 {strides = array<i32>} : memref<16384xf32, #tpu.memory_space<vmem>>, vector<16xf32>,
      %get3A_71 = arith.constant 96 : index
      %get3A_72 = tpu.vector_load %arg5[%get3A_71] {strides = array<i32>} : memref<16384xf32, #tpu.memory_space<vmem>>, vector<16xf32>,
      %get3A_73 = arith.constant 96 : index
      %get3A_74 = tpu.vector_load %arg6[%get3A_73] {strides = array<i32>} : memref<1024xf32, #tpu.memory_space<vmem>>, vector<16xf32>,
      %add3A_75 = arith.addf %get3A_72, %get3A_74 : vector<16xf32>
      %swap3A_76 = arith.constant 96 : index
      %swap3A_77 = tpu.vector_load %arg5[%swap3A_76] {strides = array<i32>} : memref<16384xf32, #tpu.memory_space<vmem>>, vector<16xf32>,
      tpu.vector_store %arg5[%swap3A_76], %add3A_75 {strides = array<i32>} : memref<16384xf32, #tpu.memory_space<vmem>>, vector<16xf32>,
      %get3A_78 = arith.constant 112 : index
      %get3A_79 = tpu.vector_load %arg5[%get3A_78] {strides = array<i32>} : memref<16384xf32, #tpu.memory_space<vmem>>, vector<16xf32>,
      %get3A_80 = arith.constant 112 : index
      %get3A_81 = tpu.vector_load %arg6[%get3A_80] {strides = array<i32>} : memref<1024xf32, #tpu.memory_space<vmem>>, vector<16xf32>,
      %add3A_82 = arith.addf %get3A_79, %get3A_81 : vector<16xf32>
      %swap3A_83 = arith.constant 112 : index
      %swap3A_84 = tpu.vector_load %arg5[%swap3A_83] {strides = array<i32>} : memref<16384xf32, #tpu.memory_space<vmem>>, vector<16xf32>,
      tpu.vector_store %arg5[%swap3A_83], %add3A_82 {strides = array<i32>} : memref<16384xf32, #tpu.memory_space<vmem>>, vector<16xf32>,
      %get3A_85 = arith.constant 128 : index
      %get3A_86 = tpu.vector_load %arg5[%get3A_85] {strides = array<i32>} : memref<16384xf32, #tpu.memory_space<vmem>>, vector<16xf32>,
      %get3A_87 = arith.constant 128 : index
      %get3A_88 = tpu.vector_load %arg6[%get3A_87] {strides = array<i32>} : memref<1024xf32, #tpu.memory_space<vmem>>, vector<16xf32>,
      %add3A_89 = arith.addf %get3A_86, %get3A_88 : vector<16xf32>
      %swap3A_90 = arith.constant 128 : index
      %swap3A_91 = tpu.vector_load %arg5[%swap3A_90] {strides = array<i32>} : memref<16384xf32, #tpu.memory_space<vmem>>, vector<16xf32>,
      tpu.vector_store %arg5[%swap3A_90], %add3A_89 {strides = array<i32>} : memref<16384xf32, #tpu.memory_space<vmem>>, vector<16xf32>,
      %get3A_92 = arith.constant 144 : index
      %get3A_93 = tpu.vector_load %arg5[%get3A_92] {strides = array<i32>} : memref<16384xf32, #tpu.memory_space<vmem>>, vector<16xf32>,
      %get3A_94 = arith.constant 144 : index
      %get3A_95 = tpu.vector_load %arg6[%get3A_94] {strides = array<i32>} : memref<1024xf32, #tpu.memory_space<vmem>>, vector<16xf32>,
      %add3A_96 = arith.addf %get3A_93, %get3A_95 : vector<16xf32>
      %swap3A_97 = arith.constant 144 : index
      %swap3A_98 = tpu.vector_load %arg5[%swap3A_97] {strides = array<i32>} : memref<16384xf32, #tpu.memory_space<vmem>>, vector<16xf32>,
      tpu.vector_store %arg5[%swap3A_97], %add3A_96 {strides = array<i32>} : memref<16384xf32, #tpu.memory_space<vmem>>, vector<16xf32>,
      %get3A_99 = arith.constant 160 : index
      %get3A_100 = tpu.vector_load %arg5[%get3A_99] {strides = array<i32>} : memref<16384xf32, #tpu.memory_space<vmem>>, vector<16xf32>,
      %get3A_101 = arith.constant 160 : index
      %get3A_102 = tpu.vector_load %arg6[%get3A_101] {strides = array<i32>} : memref<1024xf32, #tpu.memory_space<vmem>>, vector<16xf32>,
      %add3A_103 = arith.addf %get3A_100, %get3A_102 : vector<16xf32>
      %swap3A_104 = arith.constant 160 : index
      %swap3A_105 = tpu.vector_load %arg5[%swap3A_104] {strides = array<i32>} : memref<16384xf32, #tpu.memory_space<vmem>>, vector<16xf32>,
      tpu.vector_store %arg5[%swap3A_104], %add3A_103 {strides = array<i32>} : memref<16384xf32, #tpu.memory_space<vmem>>, vector<16xf32>,
      %get3A_106 = arith.constant 176 : index
      %get3A_107 = tpu.vector_load %arg5[%get3A_106] {strides = array<i32>} : memref<16384xf32, #tpu.memory_space<vmem>>, vector<16xf32>,
      %get3A_108 = arith.constant 176 : index
      %get3A_109 = tpu.vector_load %arg6[%get3A_108] {strides = array<i32>} : memref<1024xf32, #tpu.memory_space<vmem>>, vector<16xf32>,
      %add3A_110 = arith.addf %get3A_107, %get3A_109 : vector<16xf32>
      %swap3A_111 = arith.constant 176 : index
      %swap3A_112 = tpu.vector_load %arg5[%swap3A_111] {strides = array<i32>} : memref<16384xf32, #tpu.memory_space<vmem>>, vector<16xf32>,
      tpu.vector_store %arg5[%swap3A_111], %add3A_110 {strides = array<i32>} : memref<16384xf32, #tpu.memory_space<vmem>>, vector<16xf32>,
      %get3A_113 = arith.constant 192 : index
      %get3A_114 = tpu.vector_load %arg5[%get3A_113] {strides = array<i32>} : memref<16384xf32, #tpu.memory_space<vmem>>, vector<16xf32>,
      %get3A_115 = arith.constant 192 : index
      %get3A_116 = tpu.vector_load %arg6[%get3A_115] {strides = array<i32>} : memref<1024xf32, #tpu.memory_space<vmem>>, vector<16xf32>,
      %add3A_117 = arith.addf %get3A_114, %get3A_116 : vector<16xf32>
      %swap3A_118 = arith.constant 192 : index
      %swap3A_119 = tpu.vector_load %arg5[%swap3A_118] {strides = array<i32>} : memref<16384xf32, #tpu.memory_space<vmem>>, vector<16xf32>,
      tpu.vector_store %arg5[%swap3A_118], %add3A_117 {strides = array<i32>} : memref<16384xf32, #tpu.memory_space<vmem>>, vector<16xf32>,
      %get3A_120 = arith.constant 208 : index
      %get3A_121 = tpu.vector_load %arg5[%get3A_120] {strides = array<i32>} : memref<16384xf32, #tpu.memory_space<vmem>>, vector<16xf32>,
      %get3A_122 = arith.constant 208 : index
      %get3A_123 = tpu.vector_load %arg6[%get3A_122] {strides = array<i32>} : memref<1024xf32, #tpu.memory_space<vmem>>, vector<16xf32>,
      %add3A_124 = arith.addf %get3A_121, %get3A_123 : vector<16xf32>
      %swap3A_125 = arith.constant 208 : index
      %swap3A_126 = tpu.vector_load %arg5[%swap3A_125] {strides = array<i32>} : memref<16384xf32, #tpu.memory_space<vmem>>, vector<16xf32>,
      tpu.vector_store %arg5[%swap3A_125], %add3A_124 {strides = array<i32>} : memref<16384xf32, #tpu.memory_space<vmem>>, vector<16xf32>,
      %get3A_127 = arith.constant 224 : index
      %get3A_128 = tpu.vector_load %arg5[%get3A_127] {strides = array<i32>} : memref<16384xf32, #tpu.memory_space<vmem>>, vector<16xf32>,
      %get3A_129 = arith.constant 224 : index
      %get3A_130 = tpu.vector_load %arg6[%get3A_129] {strides = array<i32>} : memref<1024xf32, #tpu.memory_space<vmem>>, vector<16xf32>,
      %add3A_131 = arith.addf %get3A_128, %get3A_130 : vector<16xf32>
      %swap3A_132 = arith.constant 224 : index
      %swap3A_133 = tpu.vector_load %arg5[%swap3A_132] {strides = array<i32>} : memref<16384xf32, #tpu.memory_space<vmem>>, vector<16xf32>,
      tpu.vector_store %arg5[%swap3A_132], %add3A_131 {strides = array<i32>} : memref<16384xf32, #tpu.memory_space<vmem>>, vector<16xf32>,
      %get3A_134 = arith.constant 240 : index
      %get3A_135 = tpu.vector_load %arg5[%get3A_134] {strides = array<i32>} : memref<16384xf32, #tpu.memory_space<vmem>>, vector<16xf32>,
      %get3A_136 = arith.constant 240 : index
      %get3A_137 = tpu.vector_load %arg6[%get3A_136] {strides = array<i32>} : memref<1024xf32, #tpu.memory_space<vmem>>, vector<16xf32>,
      %add3A_138 = arith.addf %get3A_135, %get3A_137 : vector<16xf32>
      %swap3A_139 = arith.constant 240 : index
      %swap3A_140 = tpu.vector_load %arg5[%swap3A_139] {strides = array<i32>} : memref<16384xf32, #tpu.memory_space<vmem>>, vector<16xf32>,
      tpu.vector_store %arg5[%swap3A_139], %add3A_138 {strides = array<i32>} : memref<16384xf32, #tpu.memory_space<vmem>>, vector<16xf32>,
      %get3A_141 = arith.constant 256 : index
      %get3A_142 = tpu.vector_load %arg5[%get3A_141] {strides = array<i32>} : memref<16384xf32, #tpu.memory_space<vmem>>, vector<16xf32>,
      %get3A_143 = arith.constant 256 : index
      %get3A_144 = tpu.vector_load %arg6[%get3A_143] {strides = array<i32>} : memref<1024xf32, #tpu.memory_space<vmem>>, vector<16xf32>,
      %add3A_145 = arith.addf %get3A_142, %get3A_144 : vector<16xf32>
      %swap3A_146 = arith.constant 256 : index
      %swap3A_147 = tpu.vector_load %arg5[%swap3A_146] {strides = array<i32>} : memref<16384xf32, #tpu.memory_space<vmem>>, vector<16xf32>,
      tpu.vector_store %arg5[%swap3A_146], %add3A_145 {strides = array<i32>} : memref<16384xf32, #tpu.memory_space<vmem>>, vector<16xf32>,
      %get3A_148 = arith.constant 272 : index
      %get3A_149 = tpu.vector_load %arg5[%get3A_148] {strides = array<i32>} : memref<16384xf32, #tpu.memory_space<vmem>>, vector<16xf32>,
      %get3A_150 = arith.constant 272 : index
      %get3A_151 = tpu.vector_load %arg6[%get3A_150] {strides = array<i32>} : memref<1024xf32, #tpu.memory_space<vmem>>, vector<16xf32>,
      %add3A_152 = arith.addf %get3A_149, %get3A_151 : vector<16xf32>
      %swap3A_153 = arith.constant 272 : index
      %swap3A_154 = tpu.vector_load %arg5[%swap3A_153] {strides = array<i32>} : memref<16384xf32, #tpu.memory_space<vmem>>, vector<16xf32>,
      tpu.vector_store %arg5[%swap3A_153], %add3A_152 {strides = array<i32>} : memref<16384xf32, #tpu.memory_space<vmem>>, vector<16xf32>,
      %get3A_155 = arith.constant 288 : index
      %get3A_156 = tpu.vector_load %arg5[%get3A_155] {strides = array<i32>} : memref<16384xf32, #tpu.memory_space<vmem>>, vector<16xf32>,
      %get3A_157 = arith.constant 288 : index
      %get3A_158 = tpu.vector_load %arg6[%get3A_157] {strides = array<i32>} : memref<1024xf32, #tpu.memory_space<vmem>>, vector<16xf32>,
      %add3A_159 = arith.addf %get3A_156, %get3A_158 : vector<16xf32>
      %swap3A_160 = arith.constant 288 : index
      %swap3A_161 = tpu.vector_load %arg5[%swap3A_160] {strides = array<i32>} : memref<16384xf32, #tpu.memory_space<vmem>>, vector<16xf32>,
      tpu.vector_store %arg5[%swap3A_160], %add3A_159 {strides = array<i32>} : memref<16384xf32, #tpu.memory_space<vmem>>, vector<16xf32>,
      %get3A_162 = arith.constant 304 : index
      %get3A_163 = tpu.vector_load %arg5[%get3A_162] {strides = array<i32>} : memref<16384xf32, #tpu.memory_space<vmem>>, vector<16xf32>,
      %get3A_164 = arith.constant 304 : index
      %get3A_165 = tpu.vector_load %arg6[%get3A_164] {strides = array<i32>} : memref<1024xf32, #tpu.memory_space<vmem>>, vector<16xf32>,
      %add3A_166 = arith.addf %get3A_163, %get3A_165 : vector<16xf32>
      %swap3A_167 = arith.constant 304 : index
      %swap3A_168 = tpu.vector_load %arg5[%swap3A_167] {strides = array<i32>} : memref<16384xf32, #tpu.memory_space<vmem>>, vector<16xf32>,
      tpu.vector_store %arg5[%swap3A_167], %add3A_166 {strides = array<i32>} : memref<16384xf32, #tpu.memory_space<vmem>>, vector<16xf32>,
      %get3A_169 = arith.constant 320 : index
      %get3A_170 = tpu.vector_load %arg5[%get3A_169] {strides = array<i32>} : memref<16384xf32, #tpu.memory_space<vmem>>, vector<16xf32>,
      %get3A_171 = arith.constant 320 : index
      %get3A_172 = tpu.vector_load %arg6[%get3A_171] {strides = array<i32>} : memref<1024xf32, #tpu.memory_space<vmem>>, vector<16xf32>,
      %add3A_173 = arith.addf %get3A_170, %get3A_172 : vector<16xf32>
      %swap3A_174 = arith.constant 320 : index
      %swap3A_175 = tpu.vector_load %arg5[%swap3A_174] {strides = array<i32>} : memref<16384xf32, #tpu.memory_space<vmem>>, vector<16xf32>,
      tpu.vector_store %arg5[%swap3A_174], %add3A_173 {strides = array<i32>} : memref<16384xf32, #tpu.memory_space<vmem>>, vector<16xf32>,
      %get3A_176 = arith.constant 336 : index
      %get3A_177 = tpu.vector_load %arg5[%get3A_176] {strides = array<i32>} : memref<16384xf32, #tpu.memory_space<vmem>>, vector<16xf32>,
      %get3A_178 = arith.constant 336 : index
      %get3A_179 = tpu.vector_load %arg6[%get3A_178] {strides = array<i32>} : memref<1024xf32, #tpu.memory_space<vmem>>, vector<16xf32>,
      %add3A_180 = arith.addf %get3A_177, %get3A_179 : vector<16xf32>
      %swap3A_181 = arith.constant 336 : index
      %swap3A_182 = tpu.vector_load %arg5[%swap3A_181] {strides = array<i32>} : memref<16384xf32, #tpu.memory_space<vmem>>, vector<16xf32>,
      tpu.vector_store %arg5[%swap3A_181], %add3A_180 {strides = array<i32>} : memref<16384xf32, #tpu.memory_space<vmem>>, vector<16xf32>,
      %get3A_183 = arith.constant 352 : index
      %get3A_184 = tpu.vector_load %arg5[%get3A_183] {strides = array<i32>} : memref<16384xf32, #tpu.memory_space<vmem>>, vector<16xf32>,
      %get3A_185 = arith.constant 352 : index
      %get3A_186 = tpu.vector_load %arg6[%get3A_185] {strides = array<i32>} : memref<1024xf32, #tpu.memory_space<vmem>>, vector<16xf32>,
      %add3A_187 = arith.addf %get3A_184, %get3A_186 : vector<16xf32>
      %swap3A_188 = arith.constant 352 : index
      %swap3A_189 = tpu.vector_load %arg5[%swap3A_188] {strides = array<i32>} : memref<16384xf32, #tpu.memory_space<vmem>>, vector<16xf32>,
      tpu.vector_store %arg5[%swap3A_188], %add3A_187 {strides = array<i32>} : memref<16384xf32, #tpu.memory_space<vmem>>, vector<16xf32>,
      %get3A_190 = arith.constant 368 : index
      %get3A_191 = tpu.vector_load %arg5[%get3A_190] {strides = array<i32>} : memref<16384xf32, #tpu.memory_space<vmem>>, vector<16xf32>,
      %get3A_192 = arith.constant 368 : index
      %get3A_193 = tpu.vector_load %arg6[%get3A_192] {strides = array<i32>} : memref<1024xf32, #tpu.memory_space<vmem>>, vector<16xf32>,
      %add3A_194 = arith.addf %get3A_191, %get3A_193 : vector<16xf32>
      %swap3A_195 = arith.constant 368 : index
      %swap3A_196 = tpu.vector_load %arg5[%swap3A_195] {strides = array<i32>} : memref<16384xf32, #tpu.memory_space<vmem>>, vector<16xf32>,
      tpu.vector_store %arg5[%swap3A_195], %add3A_194 {strides = array<i32>} : memref<16384xf32, #tpu.memory_space<vmem>>, vector<16xf32>,
      %get3A_197 = arith.constant 384 : index
      %get3A_198 = tpu.vector_load %arg5[%get3A_197] {strides = array<i32>} : memref<16384xf32, #tpu.memory_space<vmem>>, vector<16xf32>,
      %get3A_199 = arith.constant 384 : index
      %get3A_200 = tpu.vector_load %arg6[%get3A_199] {strides = array<i32>} : memref<1024xf32, #tpu.memory_space<vmem>>, vector<16xf32>,
      %add3A_201 = arith.addf %get3A_198, %get3A_200 : vector<16xf32>
      %swap3A_202 = arith.constant 384 : index
      %swap3A_203 = tpu.vector_load %arg5[%swap3A_202] {strides = array<i32>} : memref<16384xf32, #tpu.memory_space<vmem>>, vector<16xf32>,
      tpu.vector_store %arg5[%swap3A_202], %add3A_201 {strides = array<i32>} : memref<16384xf32, #tpu.memory_space<vmem>>, vector<16xf32>,
      %get3A_204 = arith.constant 400 : index
      %get3A_205 = tpu.vector_load %arg5[%get3A_204] {strides = array<i32>} : memref<16384xf32, #tpu.memory_space<vmem>>, vector<16xf32>,
      %get3A_206 = arith.constant 400 : index
      %get3A_207 = tpu.vector_load %arg6[%get3A_206] {strides = array<i32>} : memref<1024xf32, #tpu.memory_space<vmem>>, vector<16xf32>,
      %add3A_208 = arith.addf %get3A_205, %get3A_207 : vector<16xf32>
      %swap3A_209 = arith.constant 400 : index
      %swap3A_210 = tpu.vector_load %arg5[%swap3A_209] {strides = array<i32>} : memref<16384xf32, #tpu.memory_space<vmem>>, vector<16xf32>,
      tpu.vector_store %arg5[%swap3A_209], %add3A_208 {strides = array<i32>} : memref<16384xf32, #tpu.memory_space<vmem>>, vector<16xf32>,
      %get3A_211 = arith.constant 416 : index
      %get3A_212 = tpu.vector_load %arg5[%get3A_211] {strides = array<i32>} : memref<16384xf32, #tpu.memory_space<vmem>>, vector<16xf32>,
      %get3A_213 = arith.constant 416 : index
      %get3A_214 = tpu.vector_load %arg6[%get3A_213] {strides = array<i32>} : memref<1024xf32, #tpu.memory_space<vmem>>, vector<16xf32>,
      %add3A_215 = arith.addf %get3A_212, %get3A_214 : vector<16xf32>
      %swap3A_216 = arith.constant 416 : index
      %swap3A_217 = tpu.vector_load %arg5[%swap3A_216] {strides = array<i32>} : memref<16384xf32, #tpu.memory_space<vmem>>, vector<16xf32>,
      tpu.vector_store %arg5[%swap3A_216], %add3A_215 {strides = array<i32>} : memref<16384xf32, #tpu.memory_space<vmem>>, vector<16xf32>,
      %get3A_218 = arith.constant 432 : index
      %get3A_219 = tpu.vector_load %arg5[%get3A_218] {strides = array<i32>} : memref<16384xf32, #tpu.memory_space<vmem>>, vector<16xf32>,
      %get3A_220 = arith.constant 432 : index
      %get3A_221 = tpu.vector_load %arg6[%get3A_220] {strides = array<i32>} : memref<1024xf32, #tpu.memory_space<vmem>>, vector<16xf32>,
      %add3A_222 = arith.addf %get3A_219, %get3A_221 : vector<16xf32>
      %swap3A_223 = arith.constant 432 : index
      %swap3A_224 = tpu.vector_load %arg5[%swap3A_223] {strides = array<i32>} : memref<16384xf32, #tpu.memory_space<vmem>>, vector<16xf32>,
      tpu.vector_store %arg5[%swap3A_223], %add3A_222 {strides = array<i32>} : memref<16384xf32, #tpu.memory_space<vmem>>, vector<16xf32>,
      %get3A_225 = arith.constant 448 : index
      %get3A_226 = tpu.vector_load %arg5[%get3A_225] {strides = array<i32>} : memref<16384xf32, #tpu.memory_space<vmem>>, vector<16xf32>,
      %get3A_227 = arith.constant 448 : index
      %get3A_228 = tpu.vector_load %arg6[%get3A_227] {strides = array<i32>} : memref<1024xf32, #tpu.memory_space<vmem>>, vector<16xf32>,
      %add3A_229 = arith.addf %get3A_226, %get3A_228 : vector<16xf32>
      %swap3A_230 = arith.constant 448 : index
      %swap3A_231 = tpu.vector_load %arg5[%swap3A_230] {strides = array<i32>} : memref<16384xf32, #tpu.memory_space<vmem>>, vector<16xf32>,
      tpu.vector_store %arg5[%swap3A_230], %add3A_229 {strides = array<i32>} : memref<16384xf32, #tpu.memory_space<vmem>>, vector<16xf32>,
      %get3A_232 = arith.constant 464 : index
      %get3A_233 = tpu.vector_load %arg5[%get3A_232] {strides = array<i32>} : memref<16384xf32, #tpu.memory_space<vmem>>, vector<16xf32>,
      %get3A_234 = arith.constant 464 : index
      %get3A_235 = tpu.vector_load %arg6[%get3A_234] {strides = array<i32>} : memref<1024xf32, #tpu.memory_space<vmem>>, vector<16xf32>,
      %add3A_236 = arith.addf %get3A_233, %get3A_235 : vector<16xf32>
      %swap3A_237 = arith.constant 464 : index
      %swap3A_238 = tpu.vector_load %arg5[%swap3A_237] {strides = array<i32>} : memref<16384xf32, #tpu.memory_space<vmem>>, vector<16xf32>,
      tpu.vector_store %arg5[%swap3A_237], %add3A_236 {strides = array<i32>} : memref<16384xf32, #tpu.memory_space<vmem>>, vector<16xf32>,
      %get3A_239 = arith.constant 480 : index
      %get3A_240 = tpu.vector_load %arg5[%get3A_239] {strides = array<i32>} : memref<16384xf32, #tpu.memory_space<vmem>>, vector<16xf32>,
      %get3A_241 = arith.constant 480 : index
      %get3A_242 = tpu.vector_load %arg6[%get3A_241] {strides = array<i32>} : memref<1024xf32, #tpu.memory_space<vmem>>, vector<16xf32>,
      %add3A_243 = arith.addf %get3A_240, %get3A_242 : vector<16xf32>
      %swap3A_244 = arith.constant 480 : index
      %swap3A_245 = tpu.vector_load %arg5[%swap3A_244] {strides = array<i32>} : memref<16384xf32, #tpu.memory_space<vmem>>, vector<16xf32>,
      tpu.vector_store %arg5[%swap3A_244], %add3A_243 {strides = array<i32>} : memref<16384xf32, #tpu.memory_space<vmem>>, vector<16xf32>,
      %get3A_246 = arith.constant 496 : index
      %get3A_247 = tpu.vector_load %arg5[%get3A_246] {strides = array<i32>} : memref<16384xf32, #tpu.memory_space<vmem>>, vector<16xf32>,
      %get3A_248 = arith.constant 496 : index
      %get3A_249 = tpu.vector_load %arg6[%get3A_248] {strides = array<i32>} : memref<1024xf32, #tpu.memory_space<vmem>>, vector<16xf32>,
      %add3A_250 = arith.addf %get3A_247, %get3A_249 : vector<16xf32>
      %swap3A_251 = arith.constant 496 : index
      %swap3A_252 = tpu.vector_load %arg5[%swap3A_251] {strides = array<i32>} : memref<16384xf32, #tpu.memory_space<vmem>>, vector<16xf32>,
      tpu.vector_store %arg5[%swap3A_251], %add3A_250 {strides = array<i32>} : memref<16384xf32, #tpu.memory_space<vmem>>, vector<16xf32>,
      %get3A_253 = arith.constant 512 : index
      %get3A_254 = tpu.vector_load %arg5[%get3A_253] {strides = array<i32>} : memref<16384xf32, #tpu.memory_space<vmem>>, vector<16xf32>,
      %get3A_255 = arith.constant 512 : index
      %get3A_256 = tpu.vector_load %arg6[%get3A_255] {strides = array<i32>} : memref<1024xf32, #tpu.memory_space<vmem>>, vector<16xf32>,
      %add3A_257 = arith.addf %get3A_254, %get3A_256 : vector<16xf32>
      %swap3A_258 = arith.constant 512 : index
      %swap3A_259 = tpu.vector_load %arg5[%swap3A_258] {strides = array<i32>} : memref<16384xf32, #tpu.memory_space<vmem>>, vector<16xf32>,
      tpu.vector_store %arg5[%swap3A_258], %add3A_257 {strides = array<i32>} : memref<16384xf32, #tpu.memory_space<vmem>>, vector<16xf32>,
      %get3A_260 = arith.constant 528 : index
      %get3A_261 = tpu.vector_load %arg5[%get3A_260] {strides = array<i32>} : memref<16384xf32, #tpu.memory_space<vmem>>, vector<16xf32>,
      %get3A_262 = arith.constant 528 : index
      %get3A_263 = tpu.vector_load %arg6[%get3A_262] {strides = array<i32>} : memref<1024xf32, #tpu.memory_space<vmem>>, vector<16xf32>,
      %add3A_264 = arith.addf %get3A_261, %get3A_263 : vector<16xf32>
      %swap3A_265 = arith.constant 528 : index
      %swap3A_266 = tpu.vector_load %arg5[%swap3A_265] {strides = array<i32>} : memref<16384xf32, #tpu.memory_space<vmem>>, vector<16xf32>,
      tpu.vector_store %arg5[%swap3A_265], %add3A_264 {strides = array<i32>} : memref<16384xf32, #tpu.memory_space<vmem>>, vector<16xf32>,
      %get3A_267 = arith.constant 544 : index
      %get3A_268 = tpu.vector_load %arg5[%get3A_267] {strides = array<i32>} : memref<16384xf32, #tpu.memory_space<vmem>>, vector<16xf32>,
      %get3A_269 = arith.constant 544 : index
      %get3A_270 = tpu.vector_load %arg6[%get3A_269] {strides = array<i32>} : memref<1024xf32, #tpu.memory_space<vmem>>, vector<16xf32>,
      %add3A_271 = arith.addf %get3A_268, %get3A_270 : vector<16xf32>
      %swap3A_272 = arith.constant 544 : index
      %swap3A_273 = tpu.vector_load %arg5[%swap3A_272] {strides = array<i32>} : memref<16384xf32, #tpu.memory_space<vmem>>, vector<16xf32>,
      tpu.vector_store %arg5[%swap3A_272], %add3A_271 {strides = array<i32>} : memref<16384xf32, #tpu.memory_space<vmem>>, vector<16xf32>,
      %get3A_274 = arith.constant 560 : index
      %get3A_275 = tpu.vector_load %arg5[%get3A_274] {strides = array<i32>} : memref<16384xf32, #tpu.memory_space<vmem>>, vector<16xf32>,
      %get3A_276 = arith.constant 560 : index
      %get3A_277 = tpu.vector_load %arg6[%get3A_276] {strides = array<i32>} : memref<1024xf32, #tpu.memory_space<vmem>>, vector<16xf32>,
      %add3A_278 = arith.addf %get3A_275, %get3A_277 : vector<16xf32>
      %swap3A_279 = arith.constant 560 : index
      %swap3A_280 = tpu.vector_load %arg5[%swap3A_279] {strides = array<i32>} : memref<16384xf32, #tpu.memory_space<vmem>>, vector<16xf32>,
      tpu.vector_store %arg5[%swap3A_279], %add3A_278 {strides = array<i32>} : memref<16384xf32, #tpu.memory_space<vmem>>, vector<16xf32>,
      %get3A_281 = arith.constant 576 : index
      %get3A_282 = tpu.vector_load %arg5[%get3A_281] {strides = array<i32>} : memref<16384xf32, #tpu.memory_space<vmem>>, vector<16xf32>,
      %get3A_283 = arith.constant 576 : index
      %get3A_284 = tpu.vector_load %arg6[%get3A_283] {strides = array<i32>} : memref<1024xf32, #tpu.memory_space<vmem>>, vector<16xf32>,
      %add3A_285 = arith.addf %get3A_282, %get3A_284 : vector<16xf32>
      %swap3A_286 = arith.constant 576 : index
      %swap3A_287 = tpu.vector_load %arg5[%swap3A_286] {strides = array<i32>} : memref<16384xf32, #tpu.memory_space<vmem>>, vector<16xf32>,
      tpu.vector_store %arg5[%swap3A_286], %add3A_285 {strides = array<i32>} : memref<16384xf32, #tpu.memory_space<vmem>>, vector<16xf32>,
      %get3A_288 = arith.constant 592 : index
      %get3A_289 = tpu.vector_load %arg5[%get3A_288] {strides = array<i32>} : memref<16384xf32, #tpu.memory_space<vmem>>, vector<16xf32>,
      %get3A_290 = arith.constant 592 : index
      %get3A_291 = tpu.vector_load %arg6[%get3A_290] {strides = array<i32>} : memref<1024xf32, #tpu.memory_space<vmem>>, vector<16xf32>,
      %add3A_292 = arith.addf %get3A_289, %get3A_291 : vector<16xf32>
      %swap3A_293 = arith.constant 592 : index
      %swap3A_294 = tpu.vector_load %arg5[%swap3A_293] {strides = array<i32>} : memref<16384xf32, #tpu.memory_space<vmem>>, vector<16xf32>,
      tpu.vector_store %arg5[%swap3A_293], %add3A_292 {strides = array<i32>} : memref<16384xf32, #tpu.memory_space<vmem>>, vector<16xf32>,
      %get3A_295 = arith.constant 608 : index
      %get3A_296 = tpu.vector_load %arg5[%get3A_295] {strides = array<i32>} : memref<16384xf32, #tpu.memory_space<vmem>>, vector<16xf32>,
      %get3A_297 = arith.constant 608 : index
      %get3A_298 = tpu.vector_load %arg6[%get3A_297] {strides = array<i32>} : memref<1024xf32, #tpu.memory_space<vmem>>, vector<16xf32>,
      %add3A_299 = arith.addf %get3A_296, %get3A_298 : vector<16xf32>
      %swap3A_300 = arith.constant 608 : index
      %swap3A_301 = tpu.vector_load %arg5[%swap3A_300] {strides = array<i32>} : memref<16384xf32, #tpu.memory_space<vmem>>, vector<16xf32>,
      tpu.vector_store %arg5[%swap3A_300], %add3A_299 {strides = array<i32>} : memref<16384xf32, #tpu.memory_space<vmem>>, vector<16xf32>,
      %get3A_302 = arith.constant 624 : index
      %get3A_303 = tpu.vector_load %arg5[%get3A_302] {strides = array<i32>} : memref<16384xf32, #tpu.memory_space<vmem>>, vector<16xf32>,
      %get3A_304 = arith.constant 624 : index
      %get3A_305 = tpu.vector_load %arg6[%get3A_304] {strides = array<i32>} : memref<1024xf32, #tpu.memory_space<vmem>>, vector<16xf32>,
      %add3A_306 = arith.addf %get3A_303, %get3A_305 : vector<16xf32>
      %swap3A_307 = arith.constant 624 : index
      %swap3A_308 = tpu.vector_load %arg5[%swap3A_307] {strides = array<i32>} : memref<16384xf32, #tpu.memory_space<vmem>>, vector<16xf32>,
      tpu.vector_store %arg5[%swap3A_307], %add3A_306 {strides = array<i32>} : memref<16384xf32, #tpu.memory_space<vmem>>, vector<16xf32>,
      %get3A_309 = arith.constant 640 : index
      %get3A_310 = tpu.vector_load %arg5[%get3A_309] {strides = array<i32>} : memref<16384xf32, #tpu.memory_space<vmem>>, vector<16xf32>,
      %get3A_311 = arith.constant 640 : index
      %get3A_312 = tpu.vector_load %arg6[%get3A_311] {strides = array<i32>} : memref<1024xf32, #tpu.memory_space<vmem>>, vector<16xf32>,
      %add3A_313 = arith.addf %get3A_310, %get3A_312 : vector<16xf32>
      %swap3A_314 = arith.constant 640 : index
      %swap3A_315 = tpu.vector_load %arg5[%swap3A_314] {strides = array<i32>} : memref<16384xf32, #tpu.memory_space<vmem>>, vector<16xf32>,
      tpu.vector_store %arg5[%swap3A_314], %add3A_313 {strides = array<i32>} : memref<16384xf32, #tpu.memory_space<vmem>>, vector<16xf32>,
      %get3A_316 = arith.constant 656 : index
      %get3A_317 = tpu.vector_load %arg5[%get3A_316] {strides = array<i32>} : memref<16384xf32, #tpu.memory_space<vmem>>, vector<16xf32>,
      %get3A_318 = arith.constant 656 : index
      %get3A_319 = tpu.vector_load %arg6[%get3A_318] {strides = array<i32>} : memref<1024xf32, #tpu.memory_space<vmem>>, vector<16xf32>,
      %add3A_320 = arith.addf %get3A_317, %get3A_319 : vector<16xf32>
      %swap3A_321 = arith.constant 656 : index
      %swap3A_322 = tpu.vector_load %arg5[%swap3A_321] {strides = array<i32>} : memref<16384xf32, #tpu.memory_space<vmem>>, vector<16xf32>,
      tpu.vector_store %arg5[%swap3A_321], %add3A_320 {strides = array<i32>} : memref<16384xf32, #tpu.memory_space<vmem>>, vector<16xf32>,
      %get3A_323 = arith.constant 672 : index
      %get3A_324 = tpu.vector_load %arg5[%get3A_323] {strides = array<i32>} : memref<16384xf32, #tpu.memory_space<vmem>>, vector<16xf32>,
      %get3A_325 = arith.constant 672 : index
      %get3A_326 = tpu.vector_load %arg6[%get3A_325] {strides = array<i32>} : memref<1024xf32, #tpu.memory_space<vmem>>, vector<16xf32>,
      %add3A_327 = arith.addf %get3A_324, %get3A_326 : vector<16xf32>
      %swap3A_328 = arith.constant 672 : index
      %swap3A_329 = tpu.vector_load %arg5[%swap3A_328] {strides = array<i32>} : memref<16384xf32, #tpu.memory_space<vmem>>, vector<16xf32>,
      tpu.vector_store %arg5[%swap3A_328], %add3A_327 {strides = array<i32>} : memref<16384xf32, #tpu.memory_space<vmem>>, vector<16xf32>,
      %get3A_330 = arith.constant 688 : index
      %get3A_331 = tpu.vector_load %arg5[%get3A_330] {strides = array<i32>} : memref<16384xf32, #tpu.memory_space<vmem>>, vector<16xf32>,
      %get3A_332 = arith.constant 688 : index
      %get3A_333 = tpu.vector_load %arg6[%get3A_332] {strides = array<i32>} : memref<1024xf32, #tpu.memory_space<vmem>>, vector<16xf32>,
      %add3A_334 = arith.addf %get3A_331, %get3A_333 : vector<16xf32>
      %swap3A_335 = arith.constant 688 : index
      %swap3A_336 = tpu.vector_load %arg5[%swap3A_335] {strides = array<i32>} : memref<16384xf32, #tpu.memory_space<vmem>>, vector<16xf32>,
      tpu.vector_store %arg5[%swap3A_335], %add3A_334 {strides = array<i32>} : memref<16384xf32, #tpu.memory_space<vmem>>, vector<16xf32>,
      %get3A_337 = arith.constant 704 : index
      %get3A_338 = tpu.vector_load %arg5[%get3A_337] {strides = array<i32>} : memref<16384xf32, #tpu.memory_space<vmem>>, vector<16xf32>,
      %get3A_339 = arith.constant 704 : index
      %get3A_340 = tpu.vector_load %arg6[%get3A_339] {strides = array<i32>} : memref<1024xf32, #tpu.memory_space<vmem>>, vector<16xf32>,
      %add3A_341 = arith.addf %get3A_338, %get3A_340 : vector<16xf32>
      %swap3A_342 = arith.constant 704 : index
      %swap3A_343 = tpu.vector_load %arg5[%swap3A_342] {strides = array<i32>} : memref<16384xf32, #tpu.memory_space<vmem>>, vector<16xf32>,
      tpu.vector_store %arg5[%swap3A_342], %add3A_341 {strides = array<i32>} : memref<16384xf32, #tpu.memory_space<vmem>>, vector<16xf32>,
      %get3A_344 = arith.constant 720 : index
      %get3A_345 = tpu.vector_load %arg5[%get3A_344] {strides = array<i32>} : memref<16384xf32, #tpu.memory_space<vmem>>, vector<16xf32>,
      %get3A_346 = arith.constant 720 : index
      %get3A_347 = tpu.vector_load %arg6[%get3A_346] {strides = array<i32>} : memref<1024xf32, #tpu.memory_space<vmem>>, vector<16xf32>,
      %add3A_348 = arith.addf %get3A_345, %get3A_347 : vector<16xf32>
      %swap3A_349 = arith.constant 720 : index
      %swap3A_350 = tpu.vector_load %arg5[%swap3A_349] {strides = array<i32>} : memref<16384xf32, #tpu.memory_space<vmem>>, vector<16xf32>,
      tpu.vector_store %arg5[%swap3A_349], %add3A_348 {strides = array<i32>} : memref<16384xf32, #tpu.memory_space<vmem>>, vector<16xf32>,
      %get3A_351 = arith.constant 736 : index
      %get3A_352 = tpu.vector_load %arg5[%get3A_351] {strides = array<i32>} : memref<16384xf32, #tpu.memory_space<vmem>>, vector<16xf32>,
      %get3A_353 = arith.constant 736 : index
      %get3A_354 = tpu.vector_load %arg6[%get3A_353] {strides = array<i32>} : memref<1024xf32, #tpu.memory_space<vmem>>, vector<16xf32>,
      %add3A_355 = arith.addf %get3A_352, %get3A_354 : vector<16xf32>
      %swap3A_356 = arith.constant 736 : index
      %swap3A_357 = tpu.vector_load %arg5[%swap3A_356] {strides = array<i32>} : memref<16384xf32, #tpu.memory_space<vmem>>, vector<16xf32>,
      tpu.vector_store %arg5[%swap3A_356], %add3A_355 {strides = array<i32>} : memref<16384xf32, #tpu.memory_space<vmem>>, vector<16xf32>,
      %get3A_358 = arith.constant 752 : index
      %get3A_359 = tpu.vector_load %arg5[%get3A_358] {strides = array<i32>} : memref<16384xf32, #tpu.memory_space<vmem>>, vector<16xf32>,
      %get3A_360 = arith.constant 752 : index
      %get3A_361 = tpu.vector_load %arg6[%get3A_360] {strides = array<i32>} : memref<1024xf32, #tpu.memory_space<vmem>>, vector<16xf32>,
      %add3A_362 = arith.addf %get3A_359, %get3A_361 : vector<16xf32>
      %swap3A_363 = arith.constant 752 : index
      %swap3A_364 = tpu.vector_load %arg5[%swap3A_363] {strides = array<i32>} : memref<16384xf32, #tpu.memory_space<vmem>>, vector<16xf32>,
      tpu.vector_store %arg5[%swap3A_363], %add3A_362 {strides = array<i32>} : memref<16384xf32, #tpu.memory_space<vmem>>, vector<16xf32>,
      %get3A_365 = arith.constant 768 : index
      %get3A_366 = tpu.vector_load %arg5[%get3A_365] {strides = array<i32>} : memref<16384xf32, #tpu.memory_space<vmem>>, vector<16xf32>,
      %get3A_367 = arith.constant 768 : index
      %get3A_368 = tpu.vector_load %arg6[%get3A_367] {strides = array<i32>} : memref<1024xf32, #tpu.memory_space<vmem>>, vector<16xf32>,
      %add3A_369 = arith.addf %get3A_366, %get3A_368 : vector<16xf32>
      %swap3A_370 = arith.constant 768 : index
      %swap3A_371 = tpu.vector_load %arg5[%swap3A_370] {strides = array<i32>} : memref<16384xf32, #tpu.memory_space<vmem>>, vector<16xf32>,
      tpu.vector_store %arg5[%swap3A_370], %add3A_369 {strides = array<i32>} : memref<16384xf32, #tpu.memory_space<vmem>>, vector<16xf32>,
      %get3A_372 = arith.constant 784 : index
      %get3A_373 = tpu.vector_load %arg5[%get3A_372] {strides = array<i32>} : memref<16384xf32, #tpu.memory_space<vmem>>, vector<16xf32>,
      %get3A_374 = arith.constant 784 : index
      %get3A_375 = tpu.vector_load %arg6[%get3A_374] {strides = array<i32>} : memref<1024xf32, #tpu.memory_space<vmem>>, vector<16xf32>,
      %add3A_376 = arith.addf %get3A_373, %get3A_375 : vector<16xf32>
      %swap3A_377 = arith.constant 784 : index
      %swap3A_378 = tpu.vector_load %arg5[%swap3A_377] {strides = array<i32>} : memref<16384xf32, #tpu.memory_space<vmem>>, vector<16xf32>,
      tpu.vector_store %arg5[%swap3A_377], %add3A_376 {strides = array<i32>} : memref<16384xf32, #tpu.memory_space<vmem>>, vector<16xf32>,
      %get3A_379 = arith.constant 800 : index
      %get3A_380 = tpu.vector_load %arg5[%get3A_379] {strides = array<i32>} : memref<16384xf32, #tpu.memory_space<vmem>>, vector<16xf32>,
      %get3A_381 = arith.constant 800 : index
      %get3A_382 = tpu.vector_load %arg6[%get3A_381] {strides = array<i32>} : memref<1024xf32, #tpu.memory_space<vmem>>, vector<16xf32>,
      %add3A_383 = arith.addf %get3A_380, %get3A_382 : vector<16xf32>
      %swap3A_384 = arith.constant 800 : index
      %swap3A_385 = tpu.vector_load %arg5[%swap3A_384] {strides = array<i32>} : memref<16384xf32, #tpu.memory_space<vmem>>, vector<16xf32>,
      tpu.vector_store %arg5[%swap3A_384], %add3A_383 {strides = array<i32>} : memref<16384xf32, #tpu.memory_space<vmem>>, vector<16xf32>,
      %get3A_386 = arith.constant 816 : index
      %get3A_387 = tpu.vector_load %arg5[%get3A_386] {strides = array<i32>} : memref<16384xf32, #tpu.memory_space<vmem>>, vector<16xf32>,
      %get3A_388 = arith.constant 816 : index
      %get3A_389 = tpu.vector_load %arg6[%get3A_388] {strides = array<i32>} : memref<1024xf32, #tpu.memory_space<vmem>>, vector<16xf32>,
      %add3A_390 = arith.addf %get3A_387, %get3A_389 : vector<16xf32>
      %swap3A_391 = arith.constant 816 : index
      %swap3A_392 = tpu.vector_load %arg5[%swap3A_391] {strides = array<i32>} : memref<16384xf32, #tpu.memory_space<vmem>>, vector<16xf32>,
      tpu.vector_store %arg5[%swap3A_391], %add3A_390 {strides = array<i32>} : memref<16384xf32, #tpu.memory_space<vmem>>, vector<16xf32>,
      %get3A_393 = arith.constant 832 : index
      %get3A_394 = tpu.vector_load %arg5[%get3A_393] {strides = array<i32>} : memref<16384xf32, #tpu.memory_space<vmem>>, vector<16xf32>,
      %get3A_395 = arith.constant 832 : index
      %get3A_396 = tpu.vector_load %arg6[%get3A_395] {strides = array<i32>} : memref<1024xf32, #tpu.memory_space<vmem>>, vector<16xf32>,
      %add3A_397 = arith.addf %get3A_394, %get3A_396 : vector<16xf32>
      %swap3A_398 = arith.constant 832 : index
      %swap3A_399 = tpu.vector_load %arg5[%swap3A_398] {strides = array<i32>} : memref<16384xf32, #tpu.memory_space<vmem>>, vector<16xf32>,
      tpu.vector_store %arg5[%swap3A_398], %add3A_397 {strides = array<i32>} : memref<16384xf32, #tpu.memory_space<vmem>>, vector<16xf32>,
      %get3A_400 = arith.constant 848 : index
      %get3A_401 = tpu.vector_load %arg5[%get3A_400] {strides = array<i32>} : memref<16384xf32, #tpu.memory_space<vmem>>, vector<16xf32>,
      %get3A_402 = arith.constant 848 : index
      %get3A_403 = tpu.vector_load %arg6[%get3A_402] {strides = array<i32>} : memref<1024xf32, #tpu.memory_space<vmem>>, vector<16xf32>,
      %add3A_404 = arith.addf %get3A_401, %get3A_403 : vector<16xf32>
      %swap3A_405 = arith.constant 848 : index
      %swap3A_406 = tpu.vector_load %arg5[%swap3A_405] {strides = array<i32>} : memref<16384xf32, #tpu.memory_space<vmem>>, vector<16xf32>,
      tpu.vector_store %arg5[%swap3A_405], %add3A_404 {strides = array<i32>} : memref<16384xf32, #tpu.memory_space<vmem>>, vector<16xf32>,
      %get3A_407 = arith.constant 864 : index
      %get3A_408 = tpu.vector_load %arg5[%get3A_407] {strides = array<i32>} : memref<16384xf32, #tpu.memory_space<vmem>>, vector<16xf32>,
      %get3A_409 = arith.constant 864 : index
      %get3A_410 = tpu.vector_load %arg6[%get3A_409] {strides = array<i32>} : memref<1024xf32, #tpu.memory_space<vmem>>, vector<16xf32>,
      %add3A_411 = arith.addf %get3A_408, %get3A_410 : vector<16xf32>
      %swap3A_412 = arith.constant 864 : index
      %swap3A_413 = tpu.vector_load %arg5[%swap3A_412] {strides = array<i32>} : memref<16384xf32, #tpu.memory_space<vmem>>, vector<16xf32>,
      tpu.vector_store %arg5[%swap3A_412], %add3A_411 {strides = array<i32>} : memref<16384xf32, #tpu.memory_space<vmem>>, vector<16xf32>,
      %get3A_414 = arith.constant 880 : index
      %get3A_415 = tpu.vector_load %arg5[%get3A_414] {strides = array<i32>} : memref<16384xf32, #tpu.memory_space<vmem>>, vector<16xf32>,
      %get3A_416 = arith.constant 880 : index
      %get3A_417 = tpu.vector_load %arg6[%get3A_416] {strides = array<i32>} : memref<1024xf32, #tpu.memory_space<vmem>>, vector<16xf32>,
      %add3A_418 = arith.addf %get3A_415, %get3A_417 : vector<16xf32>
      %swap3A_419 = arith.constant 880 : index
      %swap3A_420 = tpu.vector_load %arg5[%swap3A_419] {strides = array<i32>} : memref<16384xf32, #tpu.memory_space<vmem>>, vector<16xf32>,
      tpu.vector_store %arg5[%swap3A_419], %add3A_418 {strides = array<i32>} : memref<16384xf32, #tpu.memory_space<vmem>>, vector<16xf32>,
      %get3A_421 = arith.constant 896 : index
      %get3A_422 = tpu.vector_load %arg5[%get3A_421] {strides = array<i32>} : memref<16384xf32, #tpu.memory_space<vmem>>, vector<16xf32>,
      %get3A_423 = arith.constant 896 : index
      %get3A_424 = tpu.vector_load %arg6[%get3A_423] {strides = array<i32>} : memref<1024xf32, #tpu.memory_space<vmem>>, vector<16xf32>,
      %add3A_425 = arith.addf %get3A_422, %get3A_424 : vector<16xf32>
      %swap3A_426 = arith.constant 896 : index
      %swap3A_427 = tpu.vector_load %arg5[%swap3A_426] {strides = array<i32>} : memref<16384xf32, #tpu.memory_space<vmem>>, vector<16xf32>,
      tpu.vector_store %arg5[%swap3A_426], %add3A_425 {strides = array<i32>} : memref<16384xf32, #tpu.memory_space<vmem>>, vector<16xf32>,
      %get3A_428 = arith.constant 912 : index
      %get3A_429 = tpu.vector_load %arg5[%get3A_428] {strides = array<i32>} : memref<16384xf32, #tpu.memory_space<vmem>>, vector<16xf32>,
      %get3A_430 = arith.constant 912 : index
      %get3A_431 = tpu.vector_load %arg6[%get3A_430] {strides = array<i32>} : memref<1024xf32, #tpu.memory_space<vmem>>, vector<16xf32>,
      %add3A_432 = arith.addf %get3A_429, %get3A_431 : vector<16xf32>
      %swap3A_433 = arith.constant 912 : index
      %swap3A_434 = tpu.vector_load %arg5[%swap3A_433] {strides = array<i32>} : memref<16384xf32, #tpu.memory_space<vmem>>, vector<16xf32>,
      tpu.vector_store %arg5[%swap3A_433], %add3A_432 {strides = array<i32>} : memref<16384xf32, #tpu.memory_space<vmem>>, vector<16xf32>,
      %get3A_435 = arith.constant 928 : index
      %get3A_436 = tpu.vector_load %arg5[%get3A_435] {strides = array<i32>} : memref<16384xf32, #tpu.memory_space<vmem>>, vector<16xf32>,
      %get3A_437 = arith.constant 928 : index
      %get3A_438 = tpu.vector_load %arg6[%get3A_437] {strides = array<i32>} : memref<1024xf32, #tpu.memory_space<vmem>>, vector<16xf32>,
      %add3A_439 = arith.addf %get3A_436, %get3A_438 : vector<16xf32>
      %swap3A_440 = arith.constant 928 : index
      %swap3A_441 = tpu.vector_load %arg5[%swap3A_440] {strides = array<i32>} : memref<16384xf32, #tpu.memory_space<vmem>>, vector<16xf32>,
      tpu.vector_store %arg5[%swap3A_440], %add3A_439 {strides = array<i32>} : memref<16384xf32, #tpu.memory_space<vmem>>, vector<16xf32>,
      %get3A_442 = arith.constant 944 : index
      %get3A_443 = tpu.vector_load %arg5[%get3A_442] {strides = array<i32>} : memref<16384xf32, #tpu.memory_space<vmem>>, vector<16xf32>,
      %get3A_444 = arith.constant 944 : index
      %get3A_445 = tpu.vector_load %arg6[%get3A_444] {strides = array<i32>} : memref<1024xf32, #tpu.memory_space<vmem>>, vector<16xf32>,
      %add3A_446 = arith.addf %get3A_443, %get3A_445 : vector<16xf32>
      %swap3A_447 = arith.constant 944 : index
      %swap3A_448 = tpu.vector_load %arg5[%swap3A_447] {strides = array<i32>} : memref<16384xf32, #tpu.memory_space<vmem>>, vector<16xf32>,
      tpu.vector_store %arg5[%swap3A_447], %add3A_446 {strides = array<i32>} : memref<16384xf32, #tpu.memory_space<vmem>>, vector<16xf32>,
      %get3A_449 = arith.constant 960 : index
      %get3A_450 = tpu.vector_load %arg5[%get3A_449] {strides = array<i32>} : memref<16384xf32, #tpu.memory_space<vmem>>, vector<16xf32>,
      %get3A_451 = arith.constant 960 : index
      %get3A_452 = tpu.vector_load %arg6[%get3A_451] {strides = array<i32>} : memref<1024xf32, #tpu.memory_space<vmem>>, vector<16xf32>,
      %add3A_453 = arith.addf %get3A_450, %get3A_452 : vector<16xf32>
      %swap3A_454 = arith.constant 960 : index
      %swap3A_455 = tpu.vector_load %arg5[%swap3A_454] {strides = array<i32>} : memref<16384xf32, #tpu.memory_space<vmem>>, vector<16xf32>,
      tpu.vector_store %arg5[%swap3A_454], %add3A_453 {strides = array<i32>} : memref<16384xf32, #tpu.memory_space<vmem>>, vector<16xf32>,
      %get3A_456 = arith.constant 976 : index
      %get3A_457 = tpu.vector_load %arg5[%get3A_456] {strides = array<i32>} : memref<16384xf32, #tpu.memory_space<vmem>>, vector<16xf32>,
      %get3A_458 = arith.constant 976 : index
      %get3A_459 = tpu.vector_load %arg6[%get3A_458] {strides = array<i32>} : memref<1024xf32, #tpu.memory_space<vmem>>, vector<16xf32>,
      %add3A_460 = arith.addf %get3A_457, %get3A_459 : vector<16xf32>
      %swap3A_461 = arith.constant 976 : index
      %swap3A_462 = tpu.vector_load %arg5[%swap3A_461] {strides = array<i32>} : memref<16384xf32, #tpu.memory_space<vmem>>, vector<16xf32>,
      tpu.vector_store %arg5[%swap3A_461], %add3A_460 {strides = array<i32>} : memref<16384xf32, #tpu.memory_space<vmem>>, vector<16xf32>,
      %get3A_463 = arith.constant 992 : index
      %get3A_464 = tpu.vector_load %arg5[%get3A_463] {strides = array<i32>} : memref<16384xf32, #tpu.memory_space<vmem>>, vector<16xf32>,
      %get3A_465 = arith.constant 992 : index
      %get3A_466 = tpu.vector_load %arg6[%get3A_465] {strides = array<i32>} : memref<1024xf32, #tpu.memory_space<vmem>>, vector<16xf32>,
      %add3A_467 = arith.addf %get3A_464, %get3A_466 : vector<16xf32>
      %swap3A_468 = arith.constant 992 : index
      %swap3A_469 = tpu.vector_load %arg5[%swap3A_468] {strides = array<i32>} : memref<16384xf32, #tpu.memory_space<vmem>>, vector<16xf32>,
      tpu.vector_store %arg5[%swap3A_468], %add3A_467 {strides = array<i32>} : memref<16384xf32, #tpu.memory_space<vmem>>, vector<16xf32>,
      %get3A_470 = arith.constant 1008 : index
      %get3A_471 = tpu.vector_load %arg5[%get3A_470] {strides = array<i32>} : memref<16384xf32, #tpu.memory_space<vmem>>, vector<16xf32>,
      %get3A_472 = arith.constant 1008 : index
      %get3A_473 = tpu.vector_load %arg6[%get3A_472] {strides = array<i32>} : memref<1024xf32, #tpu.memory_space<vmem>>, vector<16xf32>,
      %add3A_474 = arith.addf %get3A_471, %get3A_473 : vector<16xf32>
      %swap3A_475 = arith.constant 1008 : index
      %swap3A_476 = tpu.vector_load %arg5[%swap3A_475] {strides = array<i32>} : memref<16384xf32, #tpu.memory_space<vmem>>, vector<16xf32>,
      tpu.vector_store %arg5[%swap3A_475], %add3A_474 {strides = array<i32>} : memref<16384xf32, #tpu.memory_space<vmem>>, vector<16xf32>,
    }
    %scan3A_23 = arith.constant 15 : i32
    %mul3A_24 = arith.constant 16384 : i32
    %mul3A_25 = arith.muli %arg0, %mul3A_24 : i32
    %add3A_26 = arith.addi %mul3A_25, %mul3A_18 : i32
    %multiple_of3A = tpu.assume_multiple %add3A_26, 8 : i32
    "tpu.region"() ({
      %run_scoped3A = tpu.sem_alloc : memref<!tpu.dma_semaphore, #tpu.memory_space<semaphore_mem>>
      %dma_start3A = arith.constant 0 : i32
      %dma_start3A_27 = tpu.memref_slice %arg5[%dma_start3A] : memref<16384xf32, #tpu.memory_space<vmem>> -> memref<1024xf32, #tpu.memory_space<vmem>>
      %dma_start3A_28 = tpu.memref_slice %arg3[%multiple_of3A] : memref<32768xf32, #tpu.memory_space<hbm>> -> memref<1024xf32, #tpu.memory_space<hbm>>
      %dma_start3A_29 = tpu.memref_slice %arg3[%multiple_of3A] : memref<32768xf32, #tpu.memory_space<hbm>> -> memref<1024xf32, #tpu.memory_space<hbm>>
      %dma_start3A_30 = arith.constant 0 : i32
      %dma_start3A_31 = tpu.memref_slice %arg5[%dma_start3A_30] : memref<16384xf32, #tpu.memory_space<vmem>> -> memref<1024xf32, #tpu.memory_space<vmem>>
      tpu.enqueue_dma source(%dma_start3A_31 : memref<1024xf32, #tpu.memory_space<vmem>>) target(%dma_start3A_29 : memref<1024xf32, #tpu.memory_space<hbm>>) target_semaphore(%run_scoped3A : memref<!tpu.dma_semaphore, #tpu.memory_space<semaphore_mem>>)
      %dma_wait3A = arith.constant 0 : i32
      %dma_wait3A_32 = tpu.memref_slice %arg5[%dma_wait3A] : memref<16384xf32, #tpu.memory_space<vmem>> -> memref<1024xf32, #tpu.memory_space<vmem>>
      %dma_wait3A_33 = tpu.memref_slice %arg3[%multiple_of3A] : memref<32768xf32, #tpu.memory_space<hbm>> -> memref<1024xf32, #tpu.memory_space<hbm>>
      %dma_wait3A_34 = tpu.memref_slice %arg3[%multiple_of3A] : memref<32768xf32, #tpu.memory_space<hbm>> -> memref<1024xf32, #tpu.memory_space<hbm>>
      %dma_wait3A_35 = arith.constant 0 : i32
      %dma_wait3A_36 = tpu.memref_slice %arg5[%dma_wait3A_35] : memref<16384xf32, #tpu.memory_space<vmem>> -> memref<1024xf32, #tpu.memory_space<vmem>>
      tpu.wait_dma2 semaphore(%run_scoped3A : memref<!tpu.dma_semaphore, #tpu.memory_space<semaphore_mem>>) src(%dma_wait3A_36 : memref<1024xf32, #tpu.memory_space<vmem>>) dst(%dma_wait3A_34 : memref<1024xf32, #tpu.memory_space<hbm>>)
      tpu.yield
    }) : () -> ()
    return
  }
}

#map = affine_map<(d0, d1) -> (0, 0)>
#map1 = affine_map<(d0, d1) -> (0, 0, 0)>
module attributes {stable_mosaic.version = 14 : i64} {
  func.func @_agg_body(%arg0: i32, %arg1: i32, %arg2: memref<2560x128xi32, #tpu.memory_space<hbm>>, %arg3: memref<10240x128xf32, #tpu.memory_space<hbm>>, %arg4: memref<2x10240x128xf32, #tpu.memory_space<hbm>>, %arg5: memref<80x128xi32, #tpu.memory_space<vmem>>, %arg6: memref<128xi32, #tpu.memory_space<vmem>>, %arg7: memref<128xi32, #tpu.memory_space<vmem>>, %arg8: memref<128xi32, #tpu.memory_space<vmem>>, %arg9: memref<128xi32, #tpu.memory_space<vmem>>, %arg10: memref<128x128xf32, #tpu.memory_space<vmem>>, %arg11: memref<128x128xf32, #tpu.memory_space<vmem>>, %arg12: memref<!tpu.dma_semaphore, #tpu.memory_space<semaphore_mem>>, %arg13: memref<!tpu.dma_semaphore, #tpu.memory_space<semaphore_mem>>, %arg14: memref<10240x128xf32, #tpu.memory_space<vmem_shared>>) attributes {dimension_semantics = [#tpu.dimension_semantics<core_parallel>, #tpu.dimension_semantics<subcore_parallel>], iteration_bounds = array<i64: 2, 16>, scalar_prefetch = 0 : i64, scratch_operands = 10 : i64, tpu.core_type = #tpu.core_type<sc_vector_subcore>, window_params = [{transform_indices = #map}, {transform_indices = #map}, {transform_indices = #map1}]} {
    %mul3A = arith.constant 16 : i32
    %mul3A_0 = arith.muli %arg0, %mul3A : i32
    %add3A = arith.addi %mul3A_0, %arg1 : i32
    %mul3A_1 = arith.constant 640 : i32
    %mul3A_2 = arith.muli %arg1, %mul3A_1 : i32
    %broadcast_in_dim3A = arith.constant 0.000000e+00 : f32
    %broadcast_in_dim3A_3 = vector.broadcast %broadcast_in_dim3A : f32 to vector<16xf32>
    %scan3A = arith.constant 0 : i32
    %scan3A_4 = arith.constant 1024 : i32
    %scan3A_5 = arith.addi %scan3A, %scan3A_4 : i32
    %scan3A_6 = arith.constant 1 : i32
    scf.for %scan3A_191 = %scan3A to %scan3A_5 step %scan3A_6  : i32 {
      %jit3A = arith.constant 8 : i32
      %div3A = arith.divsi %scan3A_191, %jit3A : i32
      %sign3A = arith.constant 0 : i32
      %sign3A_192 = arith.cmpi sgt, %scan3A_191, %sign3A : i32
      %sign3A_193 = arith.extui %sign3A_192 : i1 to i32
      %sign3A_194 = arith.constant 0 : i32
      %sign3A_195 = arith.cmpi slt, %scan3A_191, %sign3A_194 : i32
      %sign3A_196 = arith.extui %sign3A_195 : i1 to i32
      %sign3A_197 = arith.subi %sign3A_193, %sign3A_196 : i32
      %sign3A_198 = arith.constant 0 : i32
      %sign3A_199 = arith.cmpi sgt, %jit3A, %sign3A_198 : i32
      %sign3A_200 = arith.extui %sign3A_199 : i1 to i32
      %sign3A_201 = arith.constant 0 : i32
      %sign3A_202 = arith.cmpi slt, %jit3A, %sign3A_201 : i32
      %sign3A_203 = arith.extui %sign3A_202 : i1 to i32
      %sign3A_204 = arith.subi %sign3A_200, %sign3A_203 : i32
      %ne3A = arith.cmpi ne, %sign3A_197, %sign3A_204 : i32
      %rem3A = arith.remsi %scan3A_191, %jit3A : i32
      %ne3A_205 = arith.constant 0 : i32
      %ne3A_206 = arith.cmpi ne, %rem3A, %ne3A_205 : i32
      %and3A_207 = arith.andi %ne3A, %ne3A_206 : i1
      %sub3A = arith.constant 1 : i32
      %sub3A_208 = arith.subi %div3A, %sub3A : i32
      %select_n3A = arith.select %and3A_207, %sub3A_208, %div3A : i32
      %jit3A_209 = arith.constant 8 : i32
      %eq3A_210 = arith.constant 0 : i32
      %eq3A_211 = arith.cmpi eq, %jit3A_209, %eq3A_210 : i32
      %jit3A_212 = arith.constant 1 : i32
      %select_n3A_213 = arith.select %eq3A_211, %jit3A_212, %jit3A_209 : i32
      %rem3A_214 = arith.remsi %scan3A_191, %select_n3A_213 : i32
      %ne3A_215 = arith.constant 0 : i32
      %ne3A_216 = arith.cmpi ne, %rem3A_214, %ne3A_215 : i32
      %lt3A = arith.constant 0 : i32
      %lt3A_217 = arith.cmpi slt, %rem3A_214, %lt3A : i32
      %lt3A_218 = arith.constant 0 : i32
      %lt3A_219 = arith.cmpi slt, %select_n3A_213, %lt3A_218 : i32
      %ne3A_220 = arith.xori %lt3A_217, %lt3A_219 : i1
      %and3A_221 = arith.andi %ne3A_220, %ne3A_216 : i1
      %add3A_222 = arith.addi %rem3A_214, %select_n3A_213 : i32
      %select_n3A_223 = arith.select %and3A_221, %add3A_222, %rem3A_214 : i32
      %mul3A_224 = arith.constant 16 : i32
      %mul3A_225 = arith.muli %select_n3A_223, %mul3A_224 : i32
      %swap3A_226 = arith.index_cast %select_n3A : i32 to index
      %swap3A_227 = arith.index_cast %mul3A_225 : i32 to index
      %swap3A_228 = tpu.vector_load %arg10[%swap3A_226, %swap3A_227] {strides = array<i32>} : memref<128x128xf32, #tpu.memory_space<vmem>>, vector<1x16xf32>,
      %swap3A_229 = vector.shape_cast %swap3A_228 : vector<1x16xf32> to vector<16xf32>
      %swap3A_230 = vector.shape_cast %broadcast_in_dim3A_3 : vector<16xf32> to vector<1x16xf32>
      tpu.vector_store %arg10[%swap3A_226, %swap3A_227], %swap3A_230 {strides = array<i32>} : memref<128x128xf32, #tpu.memory_space<vmem>>, vector<1x16xf32>,
    }
    %scan3A_7 = arith.constant 1024 : i32
    %add3A_8 = arith.constant 0 : i32
    %add3A_9 = arith.addi %mul3A_2, %add3A_8 : i32
    "tpu.region"() ({
      %run_scoped3A = tpu.sem_alloc : memref<!tpu.dma_semaphore, #tpu.memory_space<semaphore_mem>>
      %dma_start3A_191 = arith.constant 0 : i32
      %dma_start3A_192 = tpu.memref_slice %arg14[%add3A_9, %dma_start3A_191] : memref<10240x128xf32, #tpu.memory_space<vmem_shared>> -> memref<128x128xf32, #tpu.memory_space<vmem_shared>>
      %dma_start3A_193 = arith.constant 0 : i32
      %dma_start3A_194 = tpu.memref_slice %arg14[%add3A_9, %dma_start3A_193] : memref<10240x128xf32, #tpu.memory_space<vmem_shared>> -> memref<128x128xf32, #tpu.memory_space<vmem_shared>>
      tpu.enqueue_dma source(%arg10 : memref<128x128xf32, #tpu.memory_space<vmem>>) target(%dma_start3A_194 : memref<128x128xf32, #tpu.memory_space<vmem_shared>>) target_semaphore(%run_scoped3A : memref<!tpu.dma_semaphore, #tpu.memory_space<semaphore_mem>>)
      %dma_wait3A = arith.constant 0 : i32
      %dma_wait3A_195 = tpu.memref_slice %arg14[%add3A_9, %dma_wait3A] : memref<10240x128xf32, #tpu.memory_space<vmem_shared>> -> memref<128x128xf32, #tpu.memory_space<vmem_shared>>
      %dma_wait3A_196 = arith.constant 0 : i32
      %dma_wait3A_197 = tpu.memref_slice %arg14[%add3A_9, %dma_wait3A_196] : memref<10240x128xf32, #tpu.memory_space<vmem_shared>> -> memref<128x128xf32, #tpu.memory_space<vmem_shared>>
      tpu.wait_dma2 semaphore(%run_scoped3A : memref<!tpu.dma_semaphore, #tpu.memory_space<semaphore_mem>>) src(%arg10 : memref<128x128xf32, #tpu.memory_space<vmem>>) dst(%dma_wait3A_197 : memref<128x128xf32, #tpu.memory_space<vmem_shared>>)
      tpu.yield
    }) : () -> ()
    %add3A_10 = arith.constant 128 : i32
    %add3A_11 = arith.addi %mul3A_2, %add3A_10 : i32
    "tpu.region"() ({
      %run_scoped3A = tpu.sem_alloc : memref<!tpu.dma_semaphore, #tpu.memory_space<semaphore_mem>>
      %dma_start3A_191 = arith.constant 0 : i32
      %dma_start3A_192 = tpu.memref_slice %arg14[%add3A_11, %dma_start3A_191] : memref<10240x128xf32, #tpu.memory_space<vmem_shared>> -> memref<128x128xf32, #tpu.memory_space<vmem_shared>>
      %dma_start3A_193 = arith.constant 0 : i32
      %dma_start3A_194 = tpu.memref_slice %arg14[%add3A_11, %dma_start3A_193] : memref<10240x128xf32, #tpu.memory_space<vmem_shared>> -> memref<128x128xf32, #tpu.memory_space<vmem_shared>>
      tpu.enqueue_dma source(%arg10 : memref<128x128xf32, #tpu.memory_space<vmem>>) target(%dma_start3A_194 : memref<128x128xf32, #tpu.memory_space<vmem_shared>>) target_semaphore(%run_scoped3A : memref<!tpu.dma_semaphore, #tpu.memory_space<semaphore_mem>>)
      %dma_wait3A = arith.constant 0 : i32
      %dma_wait3A_195 = tpu.memref_slice %arg14[%add3A_11, %dma_wait3A] : memref<10240x128xf32, #tpu.memory_space<vmem_shared>> -> memref<128x128xf32, #tpu.memory_space<vmem_shared>>
      %dma_wait3A_196 = arith.constant 0 : i32
      %dma_wait3A_197 = tpu.memref_slice %arg14[%add3A_11, %dma_wait3A_196] : memref<10240x128xf32, #tpu.memory_space<vmem_shared>> -> memref<128x128xf32, #tpu.memory_space<vmem_shared>>
      tpu.wait_dma2 semaphore(%run_scoped3A : memref<!tpu.dma_semaphore, #tpu.memory_space<semaphore_mem>>) src(%arg10 : memref<128x128xf32, #tpu.memory_space<vmem>>) dst(%dma_wait3A_197 : memref<128x128xf32, #tpu.memory_space<vmem_shared>>)
      tpu.yield
    }) : () -> ()
    %add3A_12 = arith.constant 256 : i32
    %add3A_13 = arith.addi %mul3A_2, %add3A_12 : i32
    "tpu.region"() ({
      %run_scoped3A = tpu.sem_alloc : memref<!tpu.dma_semaphore, #tpu.memory_space<semaphore_mem>>
      %dma_start3A_191 = arith.constant 0 : i32
      %dma_start3A_192 = tpu.memref_slice %arg14[%add3A_13, %dma_start3A_191] : memref<10240x128xf32, #tpu.memory_space<vmem_shared>> -> memref<128x128xf32, #tpu.memory_space<vmem_shared>>
      %dma_start3A_193 = arith.constant 0 : i32
      %dma_start3A_194 = tpu.memref_slice %arg14[%add3A_13, %dma_start3A_193] : memref<10240x128xf32, #tpu.memory_space<vmem_shared>> -> memref<128x128xf32, #tpu.memory_space<vmem_shared>>
      tpu.enqueue_dma source(%arg10 : memref<128x128xf32, #tpu.memory_space<vmem>>) target(%dma_start3A_194 : memref<128x128xf32, #tpu.memory_space<vmem_shared>>) target_semaphore(%run_scoped3A : memref<!tpu.dma_semaphore, #tpu.memory_space<semaphore_mem>>)
      %dma_wait3A = arith.constant 0 : i32
      %dma_wait3A_195 = tpu.memref_slice %arg14[%add3A_13, %dma_wait3A] : memref<10240x128xf32, #tpu.memory_space<vmem_shared>> -> memref<128x128xf32, #tpu.memory_space<vmem_shared>>
      %dma_wait3A_196 = arith.constant 0 : i32
      %dma_wait3A_197 = tpu.memref_slice %arg14[%add3A_13, %dma_wait3A_196] : memref<10240x128xf32, #tpu.memory_space<vmem_shared>> -> memref<128x128xf32, #tpu.memory_space<vmem_shared>>
      tpu.wait_dma2 semaphore(%run_scoped3A : memref<!tpu.dma_semaphore, #tpu.memory_space<semaphore_mem>>) src(%arg10 : memref<128x128xf32, #tpu.memory_space<vmem>>) dst(%dma_wait3A_197 : memref<128x128xf32, #tpu.memory_space<vmem_shared>>)
      tpu.yield
    }) : () -> ()
    %add3A_14 = arith.constant 384 : i32
    %add3A_15 = arith.addi %mul3A_2, %add3A_14 : i32
    "tpu.region"() ({
      %run_scoped3A = tpu.sem_alloc : memref<!tpu.dma_semaphore, #tpu.memory_space<semaphore_mem>>
      %dma_start3A_191 = arith.constant 0 : i32
      %dma_start3A_192 = tpu.memref_slice %arg14[%add3A_15, %dma_start3A_191] : memref<10240x128xf32, #tpu.memory_space<vmem_shared>> -> memref<128x128xf32, #tpu.memory_space<vmem_shared>>
      %dma_start3A_193 = arith.constant 0 : i32
      %dma_start3A_194 = tpu.memref_slice %arg14[%add3A_15, %dma_start3A_193] : memref<10240x128xf32, #tpu.memory_space<vmem_shared>> -> memref<128x128xf32, #tpu.memory_space<vmem_shared>>
      tpu.enqueue_dma source(%arg10 : memref<128x128xf32, #tpu.memory_space<vmem>>) target(%dma_start3A_194 : memref<128x128xf32, #tpu.memory_space<vmem_shared>>) target_semaphore(%run_scoped3A : memref<!tpu.dma_semaphore, #tpu.memory_space<semaphore_mem>>)
      %dma_wait3A = arith.constant 0 : i32
      %dma_wait3A_195 = tpu.memref_slice %arg14[%add3A_15, %dma_wait3A] : memref<10240x128xf32, #tpu.memory_space<vmem_shared>> -> memref<128x128xf32, #tpu.memory_space<vmem_shared>>
      %dma_wait3A_196 = arith.constant 0 : i32
      %dma_wait3A_197 = tpu.memref_slice %arg14[%add3A_15, %dma_wait3A_196] : memref<10240x128xf32, #tpu.memory_space<vmem_shared>> -> memref<128x128xf32, #tpu.memory_space<vmem_shared>>
      tpu.wait_dma2 semaphore(%run_scoped3A : memref<!tpu.dma_semaphore, #tpu.memory_space<semaphore_mem>>) src(%arg10 : memref<128x128xf32, #tpu.memory_space<vmem>>) dst(%dma_wait3A_197 : memref<128x128xf32, #tpu.memory_space<vmem_shared>>)
      tpu.yield
    }) : () -> ()
    %add3A_16 = arith.constant 512 : i32
    %add3A_17 = arith.addi %mul3A_2, %add3A_16 : i32
    "tpu.region"() ({
      %run_scoped3A = tpu.sem_alloc : memref<!tpu.dma_semaphore, #tpu.memory_space<semaphore_mem>>
      %dma_start3A_191 = arith.constant 0 : i32
      %dma_start3A_192 = tpu.memref_slice %arg14[%add3A_17, %dma_start3A_191] : memref<10240x128xf32, #tpu.memory_space<vmem_shared>> -> memref<128x128xf32, #tpu.memory_space<vmem_shared>>
      %dma_start3A_193 = arith.constant 0 : i32
      %dma_start3A_194 = tpu.memref_slice %arg14[%add3A_17, %dma_start3A_193] : memref<10240x128xf32, #tpu.memory_space<vmem_shared>> -> memref<128x128xf32, #tpu.memory_space<vmem_shared>>
      tpu.enqueue_dma source(%arg10 : memref<128x128xf32, #tpu.memory_space<vmem>>) target(%dma_start3A_194 : memref<128x128xf32, #tpu.memory_space<vmem_shared>>) target_semaphore(%run_scoped3A : memref<!tpu.dma_semaphore, #tpu.memory_space<semaphore_mem>>)
      %dma_wait3A = arith.constant 0 : i32
      %dma_wait3A_195 = tpu.memref_slice %arg14[%add3A_17, %dma_wait3A] : memref<10240x128xf32, #tpu.memory_space<vmem_shared>> -> memref<128x128xf32, #tpu.memory_space<vmem_shared>>
      %dma_wait3A_196 = arith.constant 0 : i32
      %dma_wait3A_197 = tpu.memref_slice %arg14[%add3A_17, %dma_wait3A_196] : memref<10240x128xf32, #tpu.memory_space<vmem_shared>> -> memref<128x128xf32, #tpu.memory_space<vmem_shared>>
      tpu.wait_dma2 semaphore(%run_scoped3A : memref<!tpu.dma_semaphore, #tpu.memory_space<semaphore_mem>>) src(%arg10 : memref<128x128xf32, #tpu.memory_space<vmem>>) dst(%dma_wait3A_197 : memref<128x128xf32, #tpu.memory_space<vmem_shared>>)
      tpu.yield
    }) : () -> ()
    %barrier3A = arith.constant 0 : index
    tpu.barrier barrier_id(%barrier3A)
    %mul3A_18 = arith.constant 80 : i32
    %mul3A_19 = arith.muli %add3A, %mul3A_18 : i32
    "tpu.region"() ({
      %run_scoped3A = tpu.sem_alloc : memref<!tpu.dma_semaphore, #tpu.memory_space<semaphore_mem>>
      %dma_start3A_191 = arith.constant 0 : i32
      %dma_start3A_192 = tpu.memref_slice %arg2[%mul3A_19, %dma_start3A_191] : memref<2560x128xi32, #tpu.memory_space<hbm>> -> memref<80x128xi32, #tpu.memory_space<hbm>>
      %dma_start3A_193 = arith.constant 0 : i32
      %dma_start3A_194 = tpu.memref_slice %arg2[%mul3A_19, %dma_start3A_193] : memref<2560x128xi32, #tpu.memory_space<hbm>> -> memref<80x128xi32, #tpu.memory_space<hbm>>
      tpu.enqueue_dma source(%dma_start3A_194 : memref<80x128xi32, #tpu.memory_space<hbm>>) target(%arg5 : memref<80x128xi32, #tpu.memory_space<vmem>>) target_semaphore(%run_scoped3A : memref<!tpu.dma_semaphore, #tpu.memory_space<semaphore_mem>>)
      %dma_wait3A = arith.constant 0 : i32
      %dma_wait3A_195 = tpu.memref_slice %arg2[%mul3A_19, %dma_wait3A] : memref<2560x128xi32, #tpu.memory_space<hbm>> -> memref<80x128xi32, #tpu.memory_space<hbm>>
      %dma_wait3A_196 = arith.constant 0 : i32
      %dma_wait3A_197 = tpu.memref_slice %arg2[%mul3A_19, %dma_wait3A_196] : memref<2560x128xi32, #tpu.memory_space<hbm>> -> memref<80x128xi32, #tpu.memory_space<hbm>>
      tpu.wait_dma2 semaphore(%run_scoped3A : memref<!tpu.dma_semaphore, #tpu.memory_space<semaphore_mem>>) src(%dma_wait3A_197 : memref<80x128xi32, #tpu.memory_space<hbm>>) dst(%arg5 : memref<80x128xi32, #tpu.memory_space<vmem>>)
      tpu.yield
    }) : () -> ()
    %get3A = arith.constant 0 : i32
    %get3A_20 = arith.constant 0 : i32
    %get3A_21 = tpu.memref_slice %arg5[%get3A, %get3A_20] : memref<80x128xi32, #tpu.memory_space<vmem>> -> memref<1x128xi32, #tpu.memory_space<vmem>>
    %get3A_22 = tpu.memref_squeeze %get3A_21 : memref<1x128xi32, #tpu.memory_space<vmem>> -> memref<128xi32, #tpu.memory_space<vmem>>
    %get3A_23 = arith.constant 0 : index
    %get3A_24 = tpu.vector_load %get3A_22[%get3A_23] {strides = array<i32>} : memref<128xi32, #tpu.memory_space<vmem>>, vector<16xi32>,
    %and3A = arith.constant 16383 : i32
    %and3A_25 = vector.broadcast %and3A : i32 to vector<16xi32>
    %and3A_26 = arith.andi %get3A_24, %and3A_25 : vector<16xi32>
    %swap3A = arith.constant 0 : index
    %swap3A_27 = tpu.vector_load %arg6[%swap3A] {strides = array<i32>} : memref<128xi32, #tpu.memory_space<vmem>>, vector<16xi32>,
    %swap3A_28 = vector.shape_cast %swap3A_27 : vector<16xi32> to vector<16xi32>
    %swap3A_29 = vector.shape_cast %and3A_26 : vector<16xi32> to vector<16xi32>
    tpu.vector_store %arg6[%swap3A], %swap3A_29 {strides = array<i32>} : memref<128xi32, #tpu.memory_space<vmem>>, vector<16xi32>,
    %shift_right_logical3A = arith.constant 14 : i32
    %shift_right_logical3A_30 = vector.broadcast %shift_right_logical3A : i32 to vector<16xi32>
    %shift_right_logical3A_31 = arith.shrui %get3A_24, %shift_right_logical3A_30 : vector<16xi32>
    %swap3A_32 = arith.constant 0 : index
    %swap3A_33 = tpu.vector_load %arg7[%swap3A_32] {strides = array<i32>} : memref<128xi32, #tpu.memory_space<vmem>>, vector<16xi32>,
    %swap3A_34 = vector.shape_cast %swap3A_33 : vector<16xi32> to vector<16xi32>
    %swap3A_35 = vector.shape_cast %shift_right_logical3A_31 : vector<16xi32> to vector<16xi32>
    tpu.vector_store %arg7[%swap3A_32], %swap3A_35 {strides = array<i32>} : memref<128xi32, #tpu.memory_space<vmem>>, vector<16xi32>,
    %get3A_36 = arith.constant 0 : i32
    %get3A_37 = arith.constant 0 : i32
    %get3A_38 = tpu.memref_slice %arg5[%get3A_36, %get3A_37] : memref<80x128xi32, #tpu.memory_space<vmem>> -> memref<1x128xi32, #tpu.memory_space<vmem>>
    %get3A_39 = tpu.memref_squeeze %get3A_38 : memref<1x128xi32, #tpu.memory_space<vmem>> -> memref<128xi32, #tpu.memory_space<vmem>>
    %get3A_40 = arith.constant 16 : index
    %get3A_41 = tpu.vector_load %get3A_39[%get3A_40] {strides = array<i32>} : memref<128xi32, #tpu.memory_space<vmem>>, vector<16xi32>,
    %and3A_42 = arith.constant 16383 : i32
    %and3A_43 = vector.broadcast %and3A_42 : i32 to vector<16xi32>
    %and3A_44 = arith.andi %get3A_41, %and3A_43 : vector<16xi32>
    %swap3A_45 = arith.constant 16 : index
    %swap3A_46 = tpu.vector_load %arg6[%swap3A_45] {strides = array<i32>} : memref<128xi32, #tpu.memory_space<vmem>>, vector<16xi32>,
    %swap3A_47 = vector.shape_cast %swap3A_46 : vector<16xi32> to vector<16xi32>
    %swap3A_48 = vector.shape_cast %and3A_44 : vector<16xi32> to vector<16xi32>
    tpu.vector_store %arg6[%swap3A_45], %swap3A_48 {strides = array<i32>} : memref<128xi32, #tpu.memory_space<vmem>>, vector<16xi32>,
    %shift_right_logical3A_49 = arith.constant 14 : i32
    %shift_right_logical3A_50 = vector.broadcast %shift_right_logical3A_49 : i32 to vector<16xi32>
    %shift_right_logical3A_51 = arith.shrui %get3A_41, %shift_right_logical3A_50 : vector<16xi32>
    %swap3A_52 = arith.constant 16 : index
    %swap3A_53 = tpu.vector_load %arg7[%swap3A_52] {strides = array<i32>} : memref<128xi32, #tpu.memory_space<vmem>>, vector<16xi32>,
    %swap3A_54 = vector.shape_cast %swap3A_53 : vector<16xi32> to vector<16xi32>
    %swap3A_55 = vector.shape_cast %shift_right_logical3A_51 : vector<16xi32> to vector<16xi32>
    tpu.vector_store %arg7[%swap3A_52], %swap3A_55 {strides = array<i32>} : memref<128xi32, #tpu.memory_space<vmem>>, vector<16xi32>,
    %get3A_56 = arith.constant 0 : i32
    %get3A_57 = arith.constant 0 : i32
    %get3A_58 = tpu.memref_slice %arg5[%get3A_56, %get3A_57] : memref<80x128xi32, #tpu.memory_space<vmem>> -> memref<1x128xi32, #tpu.memory_space<vmem>>
    %get3A_59 = tpu.memref_squeeze %get3A_58 : memref<1x128xi32, #tpu.memory_space<vmem>> -> memref<128xi32, #tpu.memory_space<vmem>>
    %get3A_60 = arith.constant 32 : index
    %get3A_61 = tpu.vector_load %get3A_59[%get3A_60] {strides = array<i32>} : memref<128xi32, #tpu.memory_space<vmem>>, vector<16xi32>,
    %and3A_62 = arith.constant 16383 : i32
    %and3A_63 = vector.broadcast %and3A_62 : i32 to vector<16xi32>
    %and3A_64 = arith.andi %get3A_61, %and3A_63 : vector<16xi32>
    %swap3A_65 = arith.constant 32 : index
    %swap3A_66 = tpu.vector_load %arg6[%swap3A_65] {strides = array<i32>} : memref<128xi32, #tpu.memory_space<vmem>>, vector<16xi32>,
    %swap3A_67 = vector.shape_cast %swap3A_66 : vector<16xi32> to vector<16xi32>
    %swap3A_68 = vector.shape_cast %and3A_64 : vector<16xi32> to vector<16xi32>
    tpu.vector_store %arg6[%swap3A_65], %swap3A_68 {strides = array<i32>} : memref<128xi32, #tpu.memory_space<vmem>>, vector<16xi32>,
    %shift_right_logical3A_69 = arith.constant 14 : i32
    %shift_right_logical3A_70 = vector.broadcast %shift_right_logical3A_69 : i32 to vector<16xi32>
    %shift_right_logical3A_71 = arith.shrui %get3A_61, %shift_right_logical3A_70 : vector<16xi32>
    %swap3A_72 = arith.constant 32 : index
    %swap3A_73 = tpu.vector_load %arg7[%swap3A_72] {strides = array<i32>} : memref<128xi32, #tpu.memory_space<vmem>>, vector<16xi32>,
    %swap3A_74 = vector.shape_cast %swap3A_73 : vector<16xi32> to vector<16xi32>
    %swap3A_75 = vector.shape_cast %shift_right_logical3A_71 : vector<16xi32> to vector<16xi32>
    tpu.vector_store %arg7[%swap3A_72], %swap3A_75 {strides = array<i32>} : memref<128xi32, #tpu.memory_space<vmem>>, vector<16xi32>,
    %get3A_76 = arith.constant 0 : i32
    %get3A_77 = arith.constant 0 : i32
    %get3A_78 = tpu.memref_slice %arg5[%get3A_76, %get3A_77] : memref<80x128xi32, #tpu.memory_space<vmem>> -> memref<1x128xi32, #tpu.memory_space<vmem>>
    %get3A_79 = tpu.memref_squeeze %get3A_78 : memref<1x128xi32, #tpu.memory_space<vmem>> -> memref<128xi32, #tpu.memory_space<vmem>>
    %get3A_80 = arith.constant 48 : index
    %get3A_81 = tpu.vector_load %get3A_79[%get3A_80] {strides = array<i32>} : memref<128xi32, #tpu.memory_space<vmem>>, vector<16xi32>,
    %and3A_82 = arith.constant 16383 : i32
    %and3A_83 = vector.broadcast %and3A_82 : i32 to vector<16xi32>
    %and3A_84 = arith.andi %get3A_81, %and3A_83 : vector<16xi32>
    %swap3A_85 = arith.constant 48 : index
    %swap3A_86 = tpu.vector_load %arg6[%swap3A_85] {strides = array<i32>} : memref<128xi32, #tpu.memory_space<vmem>>, vector<16xi32>,
    %swap3A_87 = vector.shape_cast %swap3A_86 : vector<16xi32> to vector<16xi32>
    %swap3A_88 = vector.shape_cast %and3A_84 : vector<16xi32> to vector<16xi32>
    tpu.vector_store %arg6[%swap3A_85], %swap3A_88 {strides = array<i32>} : memref<128xi32, #tpu.memory_space<vmem>>, vector<16xi32>,
    %shift_right_logical3A_89 = arith.constant 14 : i32
    %shift_right_logical3A_90 = vector.broadcast %shift_right_logical3A_89 : i32 to vector<16xi32>
    %shift_right_logical3A_91 = arith.shrui %get3A_81, %shift_right_logical3A_90 : vector<16xi32>
    %swap3A_92 = arith.constant 48 : index
    %swap3A_93 = tpu.vector_load %arg7[%swap3A_92] {strides = array<i32>} : memref<128xi32, #tpu.memory_space<vmem>>, vector<16xi32>,
    %swap3A_94 = vector.shape_cast %swap3A_93 : vector<16xi32> to vector<16xi32>
    %swap3A_95 = vector.shape_cast %shift_right_logical3A_91 : vector<16xi32> to vector<16xi32>
    tpu.vector_store %arg7[%swap3A_92], %swap3A_95 {strides = array<i32>} : memref<128xi32, #tpu.memory_space<vmem>>, vector<16xi32>,
    %get3A_96 = arith.constant 0 : i32
    %get3A_97 = arith.constant 0 : i32
    %get3A_98 = tpu.memref_slice %arg5[%get3A_96, %get3A_97] : memref<80x128xi32, #tpu.memory_space<vmem>> -> memref<1x128xi32, #tpu.memory_space<vmem>>
    %get3A_99 = tpu.memref_squeeze %get3A_98 : memref<1x128xi32, #tpu.memory_space<vmem>> -> memref<128xi32, #tpu.memory_space<vmem>>
    %get3A_100 = arith.constant 64 : index
    %get3A_101 = tpu.vector_load %get3A_99[%get3A_100] {strides = array<i32>} : memref<128xi32, #tpu.memory_space<vmem>>, vector<16xi32>,
    %and3A_102 = arith.constant 16383 : i32
    %and3A_103 = vector.broadcast %and3A_102 : i32 to vector<16xi32>
    %and3A_104 = arith.andi %get3A_101, %and3A_103 : vector<16xi32>
    %swap3A_105 = arith.constant 64 : index
    %swap3A_106 = tpu.vector_load %arg6[%swap3A_105] {strides = array<i32>} : memref<128xi32, #tpu.memory_space<vmem>>, vector<16xi32>,
    %swap3A_107 = vector.shape_cast %swap3A_106 : vector<16xi32> to vector<16xi32>
    %swap3A_108 = vector.shape_cast %and3A_104 : vector<16xi32> to vector<16xi32>
    tpu.vector_store %arg6[%swap3A_105], %swap3A_108 {strides = array<i32>} : memref<128xi32, #tpu.memory_space<vmem>>, vector<16xi32>,
    %shift_right_logical3A_109 = arith.constant 14 : i32
    %shift_right_logical3A_110 = vector.broadcast %shift_right_logical3A_109 : i32 to vector<16xi32>
    %shift_right_logical3A_111 = arith.shrui %get3A_101, %shift_right_logical3A_110 : vector<16xi32>
    %swap3A_112 = arith.constant 64 : index
    %swap3A_113 = tpu.vector_load %arg7[%swap3A_112] {strides = array<i32>} : memref<128xi32, #tpu.memory_space<vmem>>, vector<16xi32>,
    %swap3A_114 = vector.shape_cast %swap3A_113 : vector<16xi32> to vector<16xi32>
    %swap3A_115 = vector.shape_cast %shift_right_logical3A_111 : vector<16xi32> to vector<16xi32>
    tpu.vector_store %arg7[%swap3A_112], %swap3A_115 {strides = array<i32>} : memref<128xi32, #tpu.memory_space<vmem>>, vector<16xi32>,
    %get3A_116 = arith.constant 0 : i32
    %get3A_117 = arith.constant 0 : i32
    %get3A_118 = tpu.memref_slice %arg5[%get3A_116, %get3A_117] : memref<80x128xi32, #tpu.memory_space<vmem>> -> memref<1x128xi32, #tpu.memory_space<vmem>>
    %get3A_119 = tpu.memref_squeeze %get3A_118 : memref<1x128xi32, #tpu.memory_space<vmem>> -> memref<128xi32, #tpu.memory_space<vmem>>
    %get3A_120 = arith.constant 80 : index
    %get3A_121 = tpu.vector_load %get3A_119[%get3A_120] {strides = array<i32>} : memref<128xi32, #tpu.memory_space<vmem>>, vector<16xi32>,
    %and3A_122 = arith.constant 16383 : i32
    %and3A_123 = vector.broadcast %and3A_122 : i32 to vector<16xi32>
    %and3A_124 = arith.andi %get3A_121, %and3A_123 : vector<16xi32>
    %swap3A_125 = arith.constant 80 : index
    %swap3A_126 = tpu.vector_load %arg6[%swap3A_125] {strides = array<i32>} : memref<128xi32, #tpu.memory_space<vmem>>, vector<16xi32>,
    %swap3A_127 = vector.shape_cast %swap3A_126 : vector<16xi32> to vector<16xi32>
    %swap3A_128 = vector.shape_cast %and3A_124 : vector<16xi32> to vector<16xi32>
    tpu.vector_store %arg6[%swap3A_125], %swap3A_128 {strides = array<i32>} : memref<128xi32, #tpu.memory_space<vmem>>, vector<16xi32>,
    %shift_right_logical3A_129 = arith.constant 14 : i32
    %shift_right_logical3A_130 = vector.broadcast %shift_right_logical3A_129 : i32 to vector<16xi32>
    %shift_right_logical3A_131 = arith.shrui %get3A_121, %shift_right_logical3A_130 : vector<16xi32>
    %swap3A_132 = arith.constant 80 : index
    %swap3A_133 = tpu.vector_load %arg7[%swap3A_132] {strides = array<i32>} : memref<128xi32, #tpu.memory_space<vmem>>, vector<16xi32>,
    %swap3A_134 = vector.shape_cast %swap3A_133 : vector<16xi32> to vector<16xi32>
    %swap3A_135 = vector.shape_cast %shift_right_logical3A_131 : vector<16xi32> to vector<16xi32>
    tpu.vector_store %arg7[%swap3A_132], %swap3A_135 {strides = array<i32>} : memref<128xi32, #tpu.memory_space<vmem>>, vector<16xi32>,
    %get3A_136 = arith.constant 0 : i32
    %get3A_137 = arith.constant 0 : i32
    %get3A_138 = tpu.memref_slice %arg5[%get3A_136, %get3A_137] : memref<80x128xi32, #tpu.memory_space<vmem>> -> memref<1x128xi32, #tpu.memory_space<vmem>>
    %get3A_139 = tpu.memref_squeeze %get3A_138 : memref<1x128xi32, #tpu.memory_space<vmem>> -> memref<128xi32, #tpu.memory_space<vmem>>
    %get3A_140 = arith.constant 96 : index
    %get3A_141 = tpu.vector_load %get3A_139[%get3A_140] {strides = array<i32>} : memref<128xi32, #tpu.memory_space<vmem>>, vector<16xi32>,
    %and3A_142 = arith.constant 16383 : i32
    %and3A_143 = vector.broadcast %and3A_142 : i32 to vector<16xi32>
    %and3A_144 = arith.andi %get3A_141, %and3A_143 : vector<16xi32>
    %swap3A_145 = arith.constant 96 : index
    %swap3A_146 = tpu.vector_load %arg6[%swap3A_145] {strides = array<i32>} : memref<128xi32, #tpu.memory_space<vmem>>, vector<16xi32>,
    %swap3A_147 = vector.shape_cast %swap3A_146 : vector<16xi32> to vector<16xi32>
    %swap3A_148 = vector.shape_cast %and3A_144 : vector<16xi32> to vector<16xi32>
    tpu.vector_store %arg6[%swap3A_145], %swap3A_148 {strides = array<i32>} : memref<128xi32, #tpu.memory_space<vmem>>, vector<16xi32>,
    %shift_right_logical3A_149 = arith.constant 14 : i32
    %shift_right_logical3A_150 = vector.broadcast %shift_right_logical3A_149 : i32 to vector<16xi32>
    %shift_right_logical3A_151 = arith.shrui %get3A_141, %shift_right_logical3A_150 : vector<16xi32>
    %swap3A_152 = arith.constant 96 : index
    %swap3A_153 = tpu.vector_load %arg7[%swap3A_152] {strides = array<i32>} : memref<128xi32, #tpu.memory_space<vmem>>, vector<16xi32>,
    %swap3A_154 = vector.shape_cast %swap3A_153 : vector<16xi32> to vector<16xi32>
    %swap3A_155 = vector.shape_cast %shift_right_logical3A_151 : vector<16xi32> to vector<16xi32>
    tpu.vector_store %arg7[%swap3A_152], %swap3A_155 {strides = array<i32>} : memref<128xi32, #tpu.memory_space<vmem>>, vector<16xi32>,
    %get3A_156 = arith.constant 0 : i32
    %get3A_157 = arith.constant 0 : i32
    %get3A_158 = tpu.memref_slice %arg5[%get3A_156, %get3A_157] : memref<80x128xi32, #tpu.memory_space<vmem>> -> memref<1x128xi32, #tpu.memory_space<vmem>>
    %get3A_159 = tpu.memref_squeeze %get3A_158 : memref<1x128xi32, #tpu.memory_space<vmem>> -> memref<128xi32, #tpu.memory_space<vmem>>
    %get3A_160 = arith.constant 112 : index
    %get3A_161 = tpu.vector_load %get3A_159[%get3A_160] {strides = array<i32>} : memref<128xi32, #tpu.memory_space<vmem>>, vector<16xi32>,
    %and3A_162 = arith.constant 16383 : i32
    %and3A_163 = vector.broadcast %and3A_162 : i32 to vector<16xi32>
    %and3A_164 = arith.andi %get3A_161, %and3A_163 : vector<16xi32>
    %swap3A_165 = arith.constant 112 : index
    %swap3A_166 = tpu.vector_load %arg6[%swap3A_165] {strides = array<i32>} : memref<128xi32, #tpu.memory_space<vmem>>, vector<16xi32>,
    %swap3A_167 = vector.shape_cast %swap3A_166 : vector<16xi32> to vector<16xi32>
    %swap3A_168 = vector.shape_cast %and3A_164 : vector<16xi32> to vector<16xi32>
    tpu.vector_store %arg6[%swap3A_165], %swap3A_168 {strides = array<i32>} : memref<128xi32, #tpu.memory_space<vmem>>, vector<16xi32>,
    %shift_right_logical3A_169 = arith.constant 14 : i32
    %shift_right_logical3A_170 = vector.broadcast %shift_right_logical3A_169 : i32 to vector<16xi32>
    %shift_right_logical3A_171 = arith.shrui %get3A_161, %shift_right_logical3A_170 : vector<16xi32>
    %swap3A_172 = arith.constant 112 : index
    %swap3A_173 = tpu.vector_load %arg7[%swap3A_172] {strides = array<i32>} : memref<128xi32, #tpu.memory_space<vmem>>, vector<16xi32>,
    %swap3A_174 = vector.shape_cast %swap3A_173 : vector<16xi32> to vector<16xi32>
    %swap3A_175 = vector.shape_cast %shift_right_logical3A_171 : vector<16xi32> to vector<16xi32>
    tpu.vector_store %arg7[%swap3A_172], %swap3A_175 {strides = array<i32>} : memref<128xi32, #tpu.memory_space<vmem>>, vector<16xi32>,
    %dma_start3A = arith.constant 0 : i32
    %dma_start3A_176 = arith.constant 0 : i32
    %dma_start3A_177 = tpu.memref_slice %arg3[%dma_start3A, %dma_start3A_176] : memref<10240x128xf32, #tpu.memory_space<hbm>> -> memref<10240x128xf32, #tpu.memory_space<hbm>>
    tpu.enqueue_indirect_dma source(%dma_start3A_177 : memref<10240x128xf32, #tpu.memory_space<hbm>>) target(%arg10 : memref<128x128xf32, #tpu.memory_space<vmem>>) offsets(%arg6 : memref<128xi32, #tpu.memory_space<vmem>>) semaphore(%arg12 : memref<!tpu.dma_semaphore, #tpu.memory_space<semaphore_mem>>)
    %scan3A_178 = arith.constant 0 : i32
    %scan3A_179 = arith.constant 40 : i32
    %scan3A_180 = arith.addi %scan3A_178, %scan3A_179 : i32
    %scan3A_181 = arith.constant 1 : i32
    scf.for %scan3A_191 = %scan3A_178 to %scan3A_180 step %scan3A_181  : i32 {
      %mul3A_192 = arith.constant 2 : i32
      %mul3A_193 = arith.muli %scan3A_191, %mul3A_192 : i32
      %add3A_194 = arith.constant 1 : i32
      %add3A_195 = arith.addi %mul3A_193, %add3A_194 : i32
      %get3A_196 = arith.constant 0 : i32
      %get3A_197 = tpu.memref_slice %arg5[%add3A_195, %get3A_196] : memref<80x128xi32, #tpu.memory_space<vmem>> -> memref<1x128xi32, #tpu.memory_space<vmem>>
      %get3A_198 = tpu.memref_squeeze %get3A_197 : memref<1x128xi32, #tpu.memory_space<vmem>> -> memref<128xi32, #tpu.memory_space<vmem>>
      %get3A_199 = arith.constant 0 : index
      %get3A_200 = tpu.vector_load %get3A_198[%get3A_199] {strides = array<i32>} : memref<128xi32, #tpu.memory_space<vmem>>, vector<16xi32>,
      %and3A_201 = arith.constant 16383 : i32
      %and3A_202 = vector.broadcast %and3A_201 : i32 to vector<16xi32>
      %and3A_203 = arith.andi %get3A_200, %and3A_202 : vector<16xi32>
      %swap3A_204 = arith.constant 0 : index
      %swap3A_205 = tpu.vector_load %arg8[%swap3A_204] {strides = array<i32>} : memref<128xi32, #tpu.memory_space<vmem>>, vector<16xi32>,
      %swap3A_206 = vector.shape_cast %swap3A_205 : vector<16xi32> to vector<16xi32>
      %swap3A_207 = vector.shape_cast %and3A_203 : vector<16xi32> to vector<16xi32>
      tpu.vector_store %arg8[%swap3A_204], %swap3A_207 {strides = array<i32>} : memref<128xi32, #tpu.memory_space<vmem>>, vector<16xi32>,
      %shift_right_logical3A_208 = arith.constant 14 : i32
      %shift_right_logical3A_209 = vector.broadcast %shift_right_logical3A_208 : i32 to vector<16xi32>
      %shift_right_logical3A_210 = arith.shrui %get3A_200, %shift_right_logical3A_209 : vector<16xi32>
      %swap3A_211 = arith.constant 0 : index
      %swap3A_212 = tpu.vector_load %arg9[%swap3A_211] {strides = array<i32>} : memref<128xi32, #tpu.memory_space<vmem>>, vector<16xi32>,
      %swap3A_213 = vector.shape_cast %swap3A_212 : vector<16xi32> to vector<16xi32>
      %swap3A_214 = vector.shape_cast %shift_right_logical3A_210 : vector<16xi32> to vector<16xi32>
      tpu.vector_store %arg9[%swap3A_211], %swap3A_214 {strides = array<i32>} : memref<128xi32, #tpu.memory_space<vmem>>, vector<16xi32>,
      %get3A_215 = arith.constant 0 : i32
      %get3A_216 = tpu.memref_slice %arg5[%add3A_195, %get3A_215] : memref<80x128xi32, #tpu.memory_space<vmem>> -> memref<1x128xi32, #tpu.memory_space<vmem>>
      %get3A_217 = tpu.memref_squeeze %get3A_216 : memref<1x128xi32, #tpu.memory_space<vmem>> -> memref<128xi32, #tpu.memory_space<vmem>>
      %get3A_218 = arith.constant 16 : index
      %get3A_219 = tpu.vector_load %get3A_217[%get3A_218] {strides = array<i32>} : memref<128xi32, #tpu.memory_space<vmem>>, vector<16xi32>,
      %and3A_220 = arith.constant 16383 : i32
      %and3A_221 = vector.broadcast %and3A_220 : i32 to vector<16xi32>
      %and3A_222 = arith.andi %get3A_219, %and3A_221 : vector<16xi32>
      %swap3A_223 = arith.constant 16 : index
      %swap3A_224 = tpu.vector_load %arg8[%swap3A_223] {strides = array<i32>} : memref<128xi32, #tpu.memory_space<vmem>>, vector<16xi32>,
      %swap3A_225 = vector.shape_cast %swap3A_224 : vector<16xi32> to vector<16xi32>
      %swap3A_226 = vector.shape_cast %and3A_222 : vector<16xi32> to vector<16xi32>
      tpu.vector_store %arg8[%swap3A_223], %swap3A_226 {strides = array<i32>} : memref<128xi32, #tpu.memory_space<vmem>>, vector<16xi32>,
      %shift_right_logical3A_227 = arith.constant 14 : i32
      %shift_right_logical3A_228 = vector.broadcast %shift_right_logical3A_227 : i32 to vector<16xi32>
      %shift_right_logical3A_229 = arith.shrui %get3A_219, %shift_right_logical3A_228 : vector<16xi32>
      %swap3A_230 = arith.constant 16 : index
      %swap3A_231 = tpu.vector_load %arg9[%swap3A_230] {strides = array<i32>} : memref<128xi32, #tpu.memory_space<vmem>>, vector<16xi32>,
      %swap3A_232 = vector.shape_cast %swap3A_231 : vector<16xi32> to vector<16xi32>
      %swap3A_233 = vector.shape_cast %shift_right_logical3A_229 : vector<16xi32> to vector<16xi32>
      tpu.vector_store %arg9[%swap3A_230], %swap3A_233 {strides = array<i32>} : memref<128xi32, #tpu.memory_space<vmem>>, vector<16xi32>,
      %get3A_234 = arith.constant 0 : i32
      %get3A_235 = tpu.memref_slice %arg5[%add3A_195, %get3A_234] : memref<80x128xi32, #tpu.memory_space<vmem>> -> memref<1x128xi32, #tpu.memory_space<vmem>>
      %get3A_236 = tpu.memref_squeeze %get3A_235 : memref<1x128xi32, #tpu.memory_space<vmem>> -> memref<128xi32, #tpu.memory_space<vmem>>
      %get3A_237 = arith.constant 32 : index
      %get3A_238 = tpu.vector_load %get3A_236[%get3A_237] {strides = array<i32>} : memref<128xi32, #tpu.memory_space<vmem>>, vector<16xi32>,
      %and3A_239 = arith.constant 16383 : i32
      %and3A_240 = vector.broadcast %and3A_239 : i32 to vector<16xi32>
      %and3A_241 = arith.andi %get3A_238, %and3A_240 : vector<16xi32>
      %swap3A_242 = arith.constant 32 : index
      %swap3A_243 = tpu.vector_load %arg8[%swap3A_242] {strides = array<i32>} : memref<128xi32, #tpu.memory_space<vmem>>, vector<16xi32>,
      %swap3A_244 = vector.shape_cast %swap3A_243 : vector<16xi32> to vector<16xi32>
      %swap3A_245 = vector.shape_cast %and3A_241 : vector<16xi32> to vector<16xi32>
      tpu.vector_store %arg8[%swap3A_242], %swap3A_245 {strides = array<i32>} : memref<128xi32, #tpu.memory_space<vmem>>, vector<16xi32>,
      %shift_right_logical3A_246 = arith.constant 14 : i32
      %shift_right_logical3A_247 = vector.broadcast %shift_right_logical3A_246 : i32 to vector<16xi32>
      %shift_right_logical3A_248 = arith.shrui %get3A_238, %shift_right_logical3A_247 : vector<16xi32>
      %swap3A_249 = arith.constant 32 : index
      %swap3A_250 = tpu.vector_load %arg9[%swap3A_249] {strides = array<i32>} : memref<128xi32, #tpu.memory_space<vmem>>, vector<16xi32>,
      %swap3A_251 = vector.shape_cast %swap3A_250 : vector<16xi32> to vector<16xi32>
      %swap3A_252 = vector.shape_cast %shift_right_logical3A_248 : vector<16xi32> to vector<16xi32>
      tpu.vector_store %arg9[%swap3A_249], %swap3A_252 {strides = array<i32>} : memref<128xi32, #tpu.memory_space<vmem>>, vector<16xi32>,
      %get3A_253 = arith.constant 0 : i32
      %get3A_254 = tpu.memref_slice %arg5[%add3A_195, %get3A_253] : memref<80x128xi32, #tpu.memory_space<vmem>> -> memref<1x128xi32, #tpu.memory_space<vmem>>
      %get3A_255 = tpu.memref_squeeze %get3A_254 : memref<1x128xi32, #tpu.memory_space<vmem>> -> memref<128xi32, #tpu.memory_space<vmem>>
      %get3A_256 = arith.constant 48 : index
      %get3A_257 = tpu.vector_load %get3A_255[%get3A_256] {strides = array<i32>} : memref<128xi32, #tpu.memory_space<vmem>>, vector<16xi32>,
      %and3A_258 = arith.constant 16383 : i32
      %and3A_259 = vector.broadcast %and3A_258 : i32 to vector<16xi32>
      %and3A_260 = arith.andi %get3A_257, %and3A_259 : vector<16xi32>
      %swap3A_261 = arith.constant 48 : index
      %swap3A_262 = tpu.vector_load %arg8[%swap3A_261] {strides = array<i32>} : memref<128xi32, #tpu.memory_space<vmem>>, vector<16xi32>,
      %swap3A_263 = vector.shape_cast %swap3A_262 : vector<16xi32> to vector<16xi32>
      %swap3A_264 = vector.shape_cast %and3A_260 : vector<16xi32> to vector<16xi32>
      tpu.vector_store %arg8[%swap3A_261], %swap3A_264 {strides = array<i32>} : memref<128xi32, #tpu.memory_space<vmem>>, vector<16xi32>,
      %shift_right_logical3A_265 = arith.constant 14 : i32
      %shift_right_logical3A_266 = vector.broadcast %shift_right_logical3A_265 : i32 to vector<16xi32>
      %shift_right_logical3A_267 = arith.shrui %get3A_257, %shift_right_logical3A_266 : vector<16xi32>
      %swap3A_268 = arith.constant 48 : index
      %swap3A_269 = tpu.vector_load %arg9[%swap3A_268] {strides = array<i32>} : memref<128xi32, #tpu.memory_space<vmem>>, vector<16xi32>,
      %swap3A_270 = vector.shape_cast %swap3A_269 : vector<16xi32> to vector<16xi32>
      %swap3A_271 = vector.shape_cast %shift_right_logical3A_267 : vector<16xi32> to vector<16xi32>
      tpu.vector_store %arg9[%swap3A_268], %swap3A_271 {strides = array<i32>} : memref<128xi32, #tpu.memory_space<vmem>>, vector<16xi32>,
      %get3A_272 = arith.constant 0 : i32
      %get3A_273 = tpu.memref_slice %arg5[%add3A_195, %get3A_272] : memref<80x128xi32, #tpu.memory_space<vmem>> -> memref<1x128xi32, #tpu.memory_space<vmem>>
      %get3A_274 = tpu.memref_squeeze %get3A_273 : memref<1x128xi32, #tpu.memory_space<vmem>> -> memref<128xi32, #tpu.memory_space<vmem>>
      %get3A_275 = arith.constant 64 : index
      %get3A_276 = tpu.vector_load %get3A_274[%get3A_275] {strides = array<i32>} : memref<128xi32, #tpu.memory_space<vmem>>, vector<16xi32>,
      %and3A_277 = arith.constant 16383 : i32
      %and3A_278 = vector.broadcast %and3A_277 : i32 to vector<16xi32>
      %and3A_279 = arith.andi %get3A_276, %and3A_278 : vector<16xi32>
      %swap3A_280 = arith.constant 64 : index
      %swap3A_281 = tpu.vector_load %arg8[%swap3A_280] {strides = array<i32>} : memref<128xi32, #tpu.memory_space<vmem>>, vector<16xi32>,
      %swap3A_282 = vector.shape_cast %swap3A_281 : vector<16xi32> to vector<16xi32>
      %swap3A_283 = vector.shape_cast %and3A_279 : vector<16xi32> to vector<16xi32>
      tpu.vector_store %arg8[%swap3A_280], %swap3A_283 {strides = array<i32>} : memref<128xi32, #tpu.memory_space<vmem>>, vector<16xi32>,
      %shift_right_logical3A_284 = arith.constant 14 : i32
      %shift_right_logical3A_285 = vector.broadcast %shift_right_logical3A_284 : i32 to vector<16xi32>
      %shift_right_logical3A_286 = arith.shrui %get3A_276, %shift_right_logical3A_285 : vector<16xi32>
      %swap3A_287 = arith.constant 64 : index
      %swap3A_288 = tpu.vector_load %arg9[%swap3A_287] {strides = array<i32>} : memref<128xi32, #tpu.memory_space<vmem>>, vector<16xi32>,
      %swap3A_289 = vector.shape_cast %swap3A_288 : vector<16xi32> to vector<16xi32>
      %swap3A_290 = vector.shape_cast %shift_right_logical3A_286 : vector<16xi32> to vector<16xi32>
      tpu.vector_store %arg9[%swap3A_287], %swap3A_290 {strides = array<i32>} : memref<128xi32, #tpu.memory_space<vmem>>, vector<16xi32>,
      %get3A_291 = arith.constant 0 : i32
      %get3A_292 = tpu.memref_slice %arg5[%add3A_195, %get3A_291] : memref<80x128xi32, #tpu.memory_space<vmem>> -> memref<1x128xi32, #tpu.memory_space<vmem>>
      %get3A_293 = tpu.memref_squeeze %get3A_292 : memref<1x128xi32, #tpu.memory_space<vmem>> -> memref<128xi32, #tpu.memory_space<vmem>>
      %get3A_294 = arith.constant 80 : index
      %get3A_295 = tpu.vector_load %get3A_293[%get3A_294] {strides = array<i32>} : memref<128xi32, #tpu.memory_space<vmem>>, vector<16xi32>,
      %and3A_296 = arith.constant 16383 : i32
      %and3A_297 = vector.broadcast %and3A_296 : i32 to vector<16xi32>
      %and3A_298 = arith.andi %get3A_295, %and3A_297 : vector<16xi32>
      %swap3A_299 = arith.constant 80 : index
      %swap3A_300 = tpu.vector_load %arg8[%swap3A_299] {strides = array<i32>} : memref<128xi32, #tpu.memory_space<vmem>>, vector<16xi32>,
      %swap3A_301 = vector.shape_cast %swap3A_300 : vector<16xi32> to vector<16xi32>
      %swap3A_302 = vector.shape_cast %and3A_298 : vector<16xi32> to vector<16xi32>
      tpu.vector_store %arg8[%swap3A_299], %swap3A_302 {strides = array<i32>} : memref<128xi32, #tpu.memory_space<vmem>>, vector<16xi32>,
      %shift_right_logical3A_303 = arith.constant 14 : i32
      %shift_right_logical3A_304 = vector.broadcast %shift_right_logical3A_303 : i32 to vector<16xi32>
      %shift_right_logical3A_305 = arith.shrui %get3A_295, %shift_right_logical3A_304 : vector<16xi32>
      %swap3A_306 = arith.constant 80 : index
      %swap3A_307 = tpu.vector_load %arg9[%swap3A_306] {strides = array<i32>} : memref<128xi32, #tpu.memory_space<vmem>>, vector<16xi32>,
      %swap3A_308 = vector.shape_cast %swap3A_307 : vector<16xi32> to vector<16xi32>
      %swap3A_309 = vector.shape_cast %shift_right_logical3A_305 : vector<16xi32> to vector<16xi32>
      tpu.vector_store %arg9[%swap3A_306], %swap3A_309 {strides = array<i32>} : memref<128xi32, #tpu.memory_space<vmem>>, vector<16xi32>,
      %get3A_310 = arith.constant 0 : i32
      %get3A_311 = tpu.memref_slice %arg5[%add3A_195, %get3A_310] : memref<80x128xi32, #tpu.memory_space<vmem>> -> memref<1x128xi32, #tpu.memory_space<vmem>>
      %get3A_312 = tpu.memref_squeeze %get3A_311 : memref<1x128xi32, #tpu.memory_space<vmem>> -> memref<128xi32, #tpu.memory_space<vmem>>
      %get3A_313 = arith.constant 96 : index
      %get3A_314 = tpu.vector_load %get3A_312[%get3A_313] {strides = array<i32>} : memref<128xi32, #tpu.memory_space<vmem>>, vector<16xi32>,
      %and3A_315 = arith.constant 16383 : i32
      %and3A_316 = vector.broadcast %and3A_315 : i32 to vector<16xi32>
      %and3A_317 = arith.andi %get3A_314, %and3A_316 : vector<16xi32>
      %swap3A_318 = arith.constant 96 : index
      %swap3A_319 = tpu.vector_load %arg8[%swap3A_318] {strides = array<i32>} : memref<128xi32, #tpu.memory_space<vmem>>, vector<16xi32>,
      %swap3A_320 = vector.shape_cast %swap3A_319 : vector<16xi32> to vector<16xi32>
      %swap3A_321 = vector.shape_cast %and3A_317 : vector<16xi32> to vector<16xi32>
      tpu.vector_store %arg8[%swap3A_318], %swap3A_321 {strides = array<i32>} : memref<128xi32, #tpu.memory_space<vmem>>, vector<16xi32>,
      %shift_right_logical3A_322 = arith.constant 14 : i32
      %shift_right_logical3A_323 = vector.broadcast %shift_right_logical3A_322 : i32 to vector<16xi32>
      %shift_right_logical3A_324 = arith.shrui %get3A_314, %shift_right_logical3A_323 : vector<16xi32>
      %swap3A_325 = arith.constant 96 : index
      %swap3A_326 = tpu.vector_load %arg9[%swap3A_325] {strides = array<i32>} : memref<128xi32, #tpu.memory_space<vmem>>, vector<16xi32>,
      %swap3A_327 = vector.shape_cast %swap3A_326 : vector<16xi32> to vector<16xi32>
      %swap3A_328 = vector.shape_cast %shift_right_logical3A_324 : vector<16xi32> to vector<16xi32>
      tpu.vector_store %arg9[%swap3A_325], %swap3A_328 {strides = array<i32>} : memref<128xi32, #tpu.memory_space<vmem>>, vector<16xi32>,
      %get3A_329 = arith.constant 0 : i32
      %get3A_330 = tpu.memref_slice %arg5[%add3A_195, %get3A_329] : memref<80x128xi32, #tpu.memory_space<vmem>> -> memref<1x128xi32, #tpu.memory_space<vmem>>
      %get3A_331 = tpu.memref_squeeze %get3A_330 : memref<1x128xi32, #tpu.memory_space<vmem>> -> memref<128xi32, #tpu.memory_space<vmem>>
      %get3A_332 = arith.constant 112 : index
      %get3A_333 = tpu.vector_load %get3A_331[%get3A_332] {strides = array<i32>} : memref<128xi32, #tpu.memory_space<vmem>>, vector<16xi32>,
      %and3A_334 = arith.constant 16383 : i32
      %and3A_335 = vector.broadcast %and3A_334 : i32 to vector<16xi32>
      %and3A_336 = arith.andi %get3A_333, %and3A_335 : vector<16xi32>
      %swap3A_337 = arith.constant 112 : index
      %swap3A_338 = tpu.vector_load %arg8[%swap3A_337] {strides = array<i32>} : memref<128xi32, #tpu.memory_space<vmem>>, vector<16xi32>,
      %swap3A_339 = vector.shape_cast %swap3A_338 : vector<16xi32> to vector<16xi32>
      %swap3A_340 = vector.shape_cast %and3A_336 : vector<16xi32> to vector<16xi32>
      tpu.vector_store %arg8[%swap3A_337], %swap3A_340 {strides = array<i32>} : memref<128xi32, #tpu.memory_space<vmem>>, vector<16xi32>,
      %shift_right_logical3A_341 = arith.constant 14 : i32
      %shift_right_logical3A_342 = vector.broadcast %shift_right_logical3A_341 : i32 to vector<16xi32>
      %shift_right_logical3A_343 = arith.shrui %get3A_333, %shift_right_logical3A_342 : vector<16xi32>
      %swap3A_344 = arith.constant 112 : index
      %swap3A_345 = tpu.vector_load %arg9[%swap3A_344] {strides = array<i32>} : memref<128xi32, #tpu.memory_space<vmem>>, vector<16xi32>,
      %swap3A_346 = vector.shape_cast %swap3A_345 : vector<16xi32> to vector<16xi32>
      %swap3A_347 = vector.shape_cast %shift_right_logical3A_343 : vector<16xi32> to vector<16xi32>
      tpu.vector_store %arg9[%swap3A_344], %swap3A_347 {strides = array<i32>} : memref<128xi32, #tpu.memory_space<vmem>>, vector<16xi32>,
      %dma_start3A_348 = arith.constant 0 : i32
      %dma_start3A_349 = arith.constant 0 : i32
      %dma_start3A_350 = tpu.memref_slice %arg3[%dma_start3A_348, %dma_start3A_349] : memref<10240x128xf32, #tpu.memory_space<hbm>> -> memref<10240x128xf32, #tpu.memory_space<hbm>>
      tpu.enqueue_indirect_dma source(%dma_start3A_350 : memref<10240x128xf32, #tpu.memory_space<hbm>>) target(%arg11 : memref<128x128xf32, #tpu.memory_space<vmem>>) offsets(%arg8 : memref<128xi32, #tpu.memory_space<vmem>>) semaphore(%arg13 : memref<!tpu.dma_semaphore, #tpu.memory_space<semaphore_mem>>)
      %dma_wait3A = arith.constant 0 : i32
      %dma_wait3A_351 = arith.constant 0 : i32
      %dma_wait3A_352 = tpu.memref_slice %arg3[%dma_wait3A, %dma_wait3A_351] : memref<10240x128xf32, #tpu.memory_space<hbm>> -> memref<10240x128xf32, #tpu.memory_space<hbm>>
      tpu.wait_indirect_dma semaphore(%arg12 : memref<!tpu.dma_semaphore, #tpu.memory_space<semaphore_mem>>) src(%dma_wait3A_352 : memref<10240x128xf32, #tpu.memory_space<hbm>>) dst(%arg10 : memref<128x128xf32, #tpu.memory_space<vmem>>)
      "tpu.region"() ({
        %run_scoped3A = tpu.sem_alloc : memref<!tpu.dma_semaphore, #tpu.memory_space<semaphore_mem>>
        %dma_start3A_362 = arith.constant 0 : i32
        %dma_start3A_363 = arith.constant 0 : i32
        %dma_start3A_364 = tpu.memref_slice %arg14[%dma_start3A_362, %dma_start3A_363] : memref<10240x128xf32, #tpu.memory_space<vmem_shared>> -> memref<10240x128xf32, #tpu.memory_space<vmem_shared>>
        tpu.enqueue_indirect_dma source(%arg10 : memref<128x128xf32, #tpu.memory_space<vmem>>) target(%dma_start3A_364 : memref<10240x128xf32, #tpu.memory_space<vmem_shared>>) offsets(%arg7 : memref<128xi32, #tpu.memory_space<vmem>>) semaphore(%run_scoped3A : memref<!tpu.dma_semaphore, #tpu.memory_space<semaphore_mem>>) {add = true}
        %dma_wait3A_365 = arith.constant 0 : i32
        %dma_wait3A_366 = arith.constant 0 : i32
        %dma_wait3A_367 = tpu.memref_slice %arg14[%dma_wait3A_365, %dma_wait3A_366] : memref<10240x128xf32, #tpu.memory_space<vmem_shared>> -> memref<10240x128xf32, #tpu.memory_space<vmem_shared>>
        tpu.wait_indirect_dma semaphore(%run_scoped3A : memref<!tpu.dma_semaphore, #tpu.memory_space<semaphore_mem>>) src(%arg10 : memref<128x128xf32, #tpu.memory_space<vmem>>) dst(%dma_wait3A_367 : memref<10240x128xf32, #tpu.memory_space<vmem_shared>>)
        tpu.yield
      }) : () -> ()
      %add3A_353 = arith.constant 2 : i32
      %add3A_354 = arith.addi %mul3A_193, %add3A_353 : i32
      %lt3A = arith.constant 80 : i32
      %lt3A_355 = arith.cmpi slt, %add3A_354, %lt3A : i32
      %convert_element_type3A_356 = arith.extui %lt3A_355 : i1 to i32
      %cond3A_357 = arith.constant 0 : i32
      %cond3A_358 = arith.cmpi ne, %convert_element_type3A_356, %cond3A_357 : i32
      scf.if %cond3A_358 {
        %add3A_362 = arith.constant 2 : i32
        %add3A_363 = arith.addi %mul3A_193, %add3A_362 : i32
        %get3A_364 = arith.constant 0 : i32
        %get3A_365 = tpu.memref_slice %arg5[%add3A_363, %get3A_364] : memref<80x128xi32, #tpu.memory_space<vmem>> -> memref<1x128xi32, #tpu.memory_space<vmem>>
        %get3A_366 = tpu.memref_squeeze %get3A_365 : memref<1x128xi32, #tpu.memory_space<vmem>> -> memref<128xi32, #tpu.memory_space<vmem>>
        %get3A_367 = arith.constant 0 : index
        %get3A_368 = tpu.vector_load %get3A_366[%get3A_367] {strides = array<i32>} : memref<128xi32, #tpu.memory_space<vmem>>, vector<16xi32>,
        %and3A_369 = arith.constant 16383 : i32
        %and3A_370 = vector.broadcast %and3A_369 : i32 to vector<16xi32>
        %and3A_371 = arith.andi %get3A_368, %and3A_370 : vector<16xi32>
        %swap3A_372 = arith.constant 0 : index
        %swap3A_373 = tpu.vector_load %arg6[%swap3A_372] {strides = array<i32>} : memref<128xi32, #tpu.memory_space<vmem>>, vector<16xi32>,
        %swap3A_374 = vector.shape_cast %swap3A_373 : vector<16xi32> to vector<16xi32>
        %swap3A_375 = vector.shape_cast %and3A_371 : vector<16xi32> to vector<16xi32>
        tpu.vector_store %arg6[%swap3A_372], %swap3A_375 {strides = array<i32>} : memref<128xi32, #tpu.memory_space<vmem>>, vector<16xi32>,
        %shift_right_logical3A_376 = arith.constant 14 : i32
        %shift_right_logical3A_377 = vector.broadcast %shift_right_logical3A_376 : i32 to vector<16xi32>
        %shift_right_logical3A_378 = arith.shrui %get3A_368, %shift_right_logical3A_377 : vector<16xi32>
        %swap3A_379 = arith.constant 0 : index
        %swap3A_380 = tpu.vector_load %arg7[%swap3A_379] {strides = array<i32>} : memref<128xi32, #tpu.memory_space<vmem>>, vector<16xi32>,
        %swap3A_381 = vector.shape_cast %swap3A_380 : vector<16xi32> to vector<16xi32>
        %swap3A_382 = vector.shape_cast %shift_right_logical3A_378 : vector<16xi32> to vector<16xi32>
        tpu.vector_store %arg7[%swap3A_379], %swap3A_382 {strides = array<i32>} : memref<128xi32, #tpu.memory_space<vmem>>, vector<16xi32>,
        %get3A_383 = arith.constant 0 : i32
        %get3A_384 = tpu.memref_slice %arg5[%add3A_363, %get3A_383] : memref<80x128xi32, #tpu.memory_space<vmem>> -> memref<1x128xi32, #tpu.memory_space<vmem>>
        %get3A_385 = tpu.memref_squeeze %get3A_384 : memref<1x128xi32, #tpu.memory_space<vmem>> -> memref<128xi32, #tpu.memory_space<vmem>>
        %get3A_386 = arith.constant 16 : index
        %get3A_387 = tpu.vector_load %get3A_385[%get3A_386] {strides = array<i32>} : memref<128xi32, #tpu.memory_space<vmem>>, vector<16xi32>,
        %and3A_388 = arith.constant 16383 : i32
        %and3A_389 = vector.broadcast %and3A_388 : i32 to vector<16xi32>
        %and3A_390 = arith.andi %get3A_387, %and3A_389 : vector<16xi32>
        %swap3A_391 = arith.constant 16 : index
        %swap3A_392 = tpu.vector_load %arg6[%swap3A_391] {strides = array<i32>} : memref<128xi32, #tpu.memory_space<vmem>>, vector<16xi32>,
        %swap3A_393 = vector.shape_cast %swap3A_392 : vector<16xi32> to vector<16xi32>
        %swap3A_394 = vector.shape_cast %and3A_390 : vector<16xi32> to vector<16xi32>
        tpu.vector_store %arg6[%swap3A_391], %swap3A_394 {strides = array<i32>} : memref<128xi32, #tpu.memory_space<vmem>>, vector<16xi32>,
        %shift_right_logical3A_395 = arith.constant 14 : i32
        %shift_right_logical3A_396 = vector.broadcast %shift_right_logical3A_395 : i32 to vector<16xi32>
        %shift_right_logical3A_397 = arith.shrui %get3A_387, %shift_right_logical3A_396 : vector<16xi32>
        %swap3A_398 = arith.constant 16 : index
        %swap3A_399 = tpu.vector_load %arg7[%swap3A_398] {strides = array<i32>} : memref<128xi32, #tpu.memory_space<vmem>>, vector<16xi32>,
        %swap3A_400 = vector.shape_cast %swap3A_399 : vector<16xi32> to vector<16xi32>
        %swap3A_401 = vector.shape_cast %shift_right_logical3A_397 : vector<16xi32> to vector<16xi32>
        tpu.vector_store %arg7[%swap3A_398], %swap3A_401 {strides = array<i32>} : memref<128xi32, #tpu.memory_space<vmem>>, vector<16xi32>,
        %get3A_402 = arith.constant 0 : i32
        %get3A_403 = tpu.memref_slice %arg5[%add3A_363, %get3A_402] : memref<80x128xi32, #tpu.memory_space<vmem>> -> memref<1x128xi32, #tpu.memory_space<vmem>>
        %get3A_404 = tpu.memref_squeeze %get3A_403 : memref<1x128xi32, #tpu.memory_space<vmem>> -> memref<128xi32, #tpu.memory_space<vmem>>
        %get3A_405 = arith.constant 32 : index
        %get3A_406 = tpu.vector_load %get3A_404[%get3A_405] {strides = array<i32>} : memref<128xi32, #tpu.memory_space<vmem>>, vector<16xi32>,
        %and3A_407 = arith.constant 16383 : i32
        %and3A_408 = vector.broadcast %and3A_407 : i32 to vector<16xi32>
        %and3A_409 = arith.andi %get3A_406, %and3A_408 : vector<16xi32>
        %swap3A_410 = arith.constant 32 : index
        %swap3A_411 = tpu.vector_load %arg6[%swap3A_410] {strides = array<i32>} : memref<128xi32, #tpu.memory_space<vmem>>, vector<16xi32>,
        %swap3A_412 = vector.shape_cast %swap3A_411 : vector<16xi32> to vector<16xi32>
        %swap3A_413 = vector.shape_cast %and3A_409 : vector<16xi32> to vector<16xi32>
        tpu.vector_store %arg6[%swap3A_410], %swap3A_413 {strides = array<i32>} : memref<128xi32, #tpu.memory_space<vmem>>, vector<16xi32>,
        %shift_right_logical3A_414 = arith.constant 14 : i32
        %shift_right_logical3A_415 = vector.broadcast %shift_right_logical3A_414 : i32 to vector<16xi32>
        %shift_right_logical3A_416 = arith.shrui %get3A_406, %shift_right_logical3A_415 : vector<16xi32>
        %swap3A_417 = arith.constant 32 : index
        %swap3A_418 = tpu.vector_load %arg7[%swap3A_417] {strides = array<i32>} : memref<128xi32, #tpu.memory_space<vmem>>, vector<16xi32>,
        %swap3A_419 = vector.shape_cast %swap3A_418 : vector<16xi32> to vector<16xi32>
        %swap3A_420 = vector.shape_cast %shift_right_logical3A_416 : vector<16xi32> to vector<16xi32>
        tpu.vector_store %arg7[%swap3A_417], %swap3A_420 {strides = array<i32>} : memref<128xi32, #tpu.memory_space<vmem>>, vector<16xi32>,
        %get3A_421 = arith.constant 0 : i32
        %get3A_422 = tpu.memref_slice %arg5[%add3A_363, %get3A_421] : memref<80x128xi32, #tpu.memory_space<vmem>> -> memref<1x128xi32, #tpu.memory_space<vmem>>
        %get3A_423 = tpu.memref_squeeze %get3A_422 : memref<1x128xi32, #tpu.memory_space<vmem>> -> memref<128xi32, #tpu.memory_space<vmem>>
        %get3A_424 = arith.constant 48 : index
        %get3A_425 = tpu.vector_load %get3A_423[%get3A_424] {strides = array<i32>} : memref<128xi32, #tpu.memory_space<vmem>>, vector<16xi32>,
        %and3A_426 = arith.constant 16383 : i32
        %and3A_427 = vector.broadcast %and3A_426 : i32 to vector<16xi32>
        %and3A_428 = arith.andi %get3A_425, %and3A_427 : vector<16xi32>
        %swap3A_429 = arith.constant 48 : index
        %swap3A_430 = tpu.vector_load %arg6[%swap3A_429] {strides = array<i32>} : memref<128xi32, #tpu.memory_space<vmem>>, vector<16xi32>,
        %swap3A_431 = vector.shape_cast %swap3A_430 : vector<16xi32> to vector<16xi32>
        %swap3A_432 = vector.shape_cast %and3A_428 : vector<16xi32> to vector<16xi32>
        tpu.vector_store %arg6[%swap3A_429], %swap3A_432 {strides = array<i32>} : memref<128xi32, #tpu.memory_space<vmem>>, vector<16xi32>,
        %shift_right_logical3A_433 = arith.constant 14 : i32
        %shift_right_logical3A_434 = vector.broadcast %shift_right_logical3A_433 : i32 to vector<16xi32>
        %shift_right_logical3A_435 = arith.shrui %get3A_425, %shift_right_logical3A_434 : vector<16xi32>
        %swap3A_436 = arith.constant 48 : index
        %swap3A_437 = tpu.vector_load %arg7[%swap3A_436] {strides = array<i32>} : memref<128xi32, #tpu.memory_space<vmem>>, vector<16xi32>,
        %swap3A_438 = vector.shape_cast %swap3A_437 : vector<16xi32> to vector<16xi32>
        %swap3A_439 = vector.shape_cast %shift_right_logical3A_435 : vector<16xi32> to vector<16xi32>
        tpu.vector_store %arg7[%swap3A_436], %swap3A_439 {strides = array<i32>} : memref<128xi32, #tpu.memory_space<vmem>>, vector<16xi32>,
        %get3A_440 = arith.constant 0 : i32
        %get3A_441 = tpu.memref_slice %arg5[%add3A_363, %get3A_440] : memref<80x128xi32, #tpu.memory_space<vmem>> -> memref<1x128xi32, #tpu.memory_space<vmem>>
        %get3A_442 = tpu.memref_squeeze %get3A_441 : memref<1x128xi32, #tpu.memory_space<vmem>> -> memref<128xi32, #tpu.memory_space<vmem>>
        %get3A_443 = arith.constant 64 : index
        %get3A_444 = tpu.vector_load %get3A_442[%get3A_443] {strides = array<i32>} : memref<128xi32, #tpu.memory_space<vmem>>, vector<16xi32>,
        %and3A_445 = arith.constant 16383 : i32
        %and3A_446 = vector.broadcast %and3A_445 : i32 to vector<16xi32>
        %and3A_447 = arith.andi %get3A_444, %and3A_446 : vector<16xi32>
        %swap3A_448 = arith.constant 64 : index
        %swap3A_449 = tpu.vector_load %arg6[%swap3A_448] {strides = array<i32>} : memref<128xi32, #tpu.memory_space<vmem>>, vector<16xi32>,
        %swap3A_450 = vector.shape_cast %swap3A_449 : vector<16xi32> to vector<16xi32>
        %swap3A_451 = vector.shape_cast %and3A_447 : vector<16xi32> to vector<16xi32>
        tpu.vector_store %arg6[%swap3A_448], %swap3A_451 {strides = array<i32>} : memref<128xi32, #tpu.memory_space<vmem>>, vector<16xi32>,
        %shift_right_logical3A_452 = arith.constant 14 : i32
        %shift_right_logical3A_453 = vector.broadcast %shift_right_logical3A_452 : i32 to vector<16xi32>
        %shift_right_logical3A_454 = arith.shrui %get3A_444, %shift_right_logical3A_453 : vector<16xi32>
        %swap3A_455 = arith.constant 64 : index
        %swap3A_456 = tpu.vector_load %arg7[%swap3A_455] {strides = array<i32>} : memref<128xi32, #tpu.memory_space<vmem>>, vector<16xi32>,
        %swap3A_457 = vector.shape_cast %swap3A_456 : vector<16xi32> to vector<16xi32>
        %swap3A_458 = vector.shape_cast %shift_right_logical3A_454 : vector<16xi32> to vector<16xi32>
        tpu.vector_store %arg7[%swap3A_455], %swap3A_458 {strides = array<i32>} : memref<128xi32, #tpu.memory_space<vmem>>, vector<16xi32>,
        %get3A_459 = arith.constant 0 : i32
        %get3A_460 = tpu.memref_slice %arg5[%add3A_363, %get3A_459] : memref<80x128xi32, #tpu.memory_space<vmem>> -> memref<1x128xi32, #tpu.memory_space<vmem>>
        %get3A_461 = tpu.memref_squeeze %get3A_460 : memref<1x128xi32, #tpu.memory_space<vmem>> -> memref<128xi32, #tpu.memory_space<vmem>>
        %get3A_462 = arith.constant 80 : index
        %get3A_463 = tpu.vector_load %get3A_461[%get3A_462] {strides = array<i32>} : memref<128xi32, #tpu.memory_space<vmem>>, vector<16xi32>,
        %and3A_464 = arith.constant 16383 : i32
        %and3A_465 = vector.broadcast %and3A_464 : i32 to vector<16xi32>
        %and3A_466 = arith.andi %get3A_463, %and3A_465 : vector<16xi32>
        %swap3A_467 = arith.constant 80 : index
        %swap3A_468 = tpu.vector_load %arg6[%swap3A_467] {strides = array<i32>} : memref<128xi32, #tpu.memory_space<vmem>>, vector<16xi32>,
        %swap3A_469 = vector.shape_cast %swap3A_468 : vector<16xi32> to vector<16xi32>
        %swap3A_470 = vector.shape_cast %and3A_466 : vector<16xi32> to vector<16xi32>
        tpu.vector_store %arg6[%swap3A_467], %swap3A_470 {strides = array<i32>} : memref<128xi32, #tpu.memory_space<vmem>>, vector<16xi32>,
        %shift_right_logical3A_471 = arith.constant 14 : i32
        %shift_right_logical3A_472 = vector.broadcast %shift_right_logical3A_471 : i32 to vector<16xi32>
        %shift_right_logical3A_473 = arith.shrui %get3A_463, %shift_right_logical3A_472 : vector<16xi32>
        %swap3A_474 = arith.constant 80 : index
        %swap3A_475 = tpu.vector_load %arg7[%swap3A_474] {strides = array<i32>} : memref<128xi32, #tpu.memory_space<vmem>>, vector<16xi32>,
        %swap3A_476 = vector.shape_cast %swap3A_475 : vector<16xi32> to vector<16xi32>
        %swap3A_477 = vector.shape_cast %shift_right_logical3A_473 : vector<16xi32> to vector<16xi32>
        tpu.vector_store %arg7[%swap3A_474], %swap3A_477 {strides = array<i32>} : memref<128xi32, #tpu.memory_space<vmem>>, vector<16xi32>,
        %get3A_478 = arith.constant 0 : i32
        %get3A_479 = tpu.memref_slice %arg5[%add3A_363, %get3A_478] : memref<80x128xi32, #tpu.memory_space<vmem>> -> memref<1x128xi32, #tpu.memory_space<vmem>>
        %get3A_480 = tpu.memref_squeeze %get3A_479 : memref<1x128xi32, #tpu.memory_space<vmem>> -> memref<128xi32, #tpu.memory_space<vmem>>
        %get3A_481 = arith.constant 96 : index
        %get3A_482 = tpu.vector_load %get3A_480[%get3A_481] {strides = array<i32>} : memref<128xi32, #tpu.memory_space<vmem>>, vector<16xi32>,
        %and3A_483 = arith.constant 16383 : i32
        %and3A_484 = vector.broadcast %and3A_483 : i32 to vector<16xi32>
        %and3A_485 = arith.andi %get3A_482, %and3A_484 : vector<16xi32>
        %swap3A_486 = arith.constant 96 : index
        %swap3A_487 = tpu.vector_load %arg6[%swap3A_486] {strides = array<i32>} : memref<128xi32, #tpu.memory_space<vmem>>, vector<16xi32>,
        %swap3A_488 = vector.shape_cast %swap3A_487 : vector<16xi32> to vector<16xi32>
        %swap3A_489 = vector.shape_cast %and3A_485 : vector<16xi32> to vector<16xi32>
        tpu.vector_store %arg6[%swap3A_486], %swap3A_489 {strides = array<i32>} : memref<128xi32, #tpu.memory_space<vmem>>, vector<16xi32>,
        %shift_right_logical3A_490 = arith.constant 14 : i32
        %shift_right_logical3A_491 = vector.broadcast %shift_right_logical3A_490 : i32 to vector<16xi32>
        %shift_right_logical3A_492 = arith.shrui %get3A_482, %shift_right_logical3A_491 : vector<16xi32>
        %swap3A_493 = arith.constant 96 : index
        %swap3A_494 = tpu.vector_load %arg7[%swap3A_493] {strides = array<i32>} : memref<128xi32, #tpu.memory_space<vmem>>, vector<16xi32>,
        %swap3A_495 = vector.shape_cast %swap3A_494 : vector<16xi32> to vector<16xi32>
        %swap3A_496 = vector.shape_cast %shift_right_logical3A_492 : vector<16xi32> to vector<16xi32>
        tpu.vector_store %arg7[%swap3A_493], %swap3A_496 {strides = array<i32>} : memref<128xi32, #tpu.memory_space<vmem>>, vector<16xi32>,
        %get3A_497 = arith.constant 0 : i32
        %get3A_498 = tpu.memref_slice %arg5[%add3A_363, %get3A_497] : memref<80x128xi32, #tpu.memory_space<vmem>> -> memref<1x128xi32, #tpu.memory_space<vmem>>
        %get3A_499 = tpu.memref_squeeze %get3A_498 : memref<1x128xi32, #tpu.memory_space<vmem>> -> memref<128xi32, #tpu.memory_space<vmem>>
        %get3A_500 = arith.constant 112 : index
        %get3A_501 = tpu.vector_load %get3A_499[%get3A_500] {strides = array<i32>} : memref<128xi32, #tpu.memory_space<vmem>>, vector<16xi32>,
        %and3A_502 = arith.constant 16383 : i32
        %and3A_503 = vector.broadcast %and3A_502 : i32 to vector<16xi32>
        %and3A_504 = arith.andi %get3A_501, %and3A_503 : vector<16xi32>
        %swap3A_505 = arith.constant 112 : index
        %swap3A_506 = tpu.vector_load %arg6[%swap3A_505] {strides = array<i32>} : memref<128xi32, #tpu.memory_space<vmem>>, vector<16xi32>,
        %swap3A_507 = vector.shape_cast %swap3A_506 : vector<16xi32> to vector<16xi32>
        %swap3A_508 = vector.shape_cast %and3A_504 : vector<16xi32> to vector<16xi32>
        tpu.vector_store %arg6[%swap3A_505], %swap3A_508 {strides = array<i32>} : memref<128xi32, #tpu.memory_space<vmem>>, vector<16xi32>,
        %shift_right_logical3A_509 = arith.constant 14 : i32
        %shift_right_logical3A_510 = vector.broadcast %shift_right_logical3A_509 : i32 to vector<16xi32>
        %shift_right_logical3A_511 = arith.shrui %get3A_501, %shift_right_logical3A_510 : vector<16xi32>
        %swap3A_512 = arith.constant 112 : index
        %swap3A_513 = tpu.vector_load %arg7[%swap3A_512] {strides = array<i32>} : memref<128xi32, #tpu.memory_space<vmem>>, vector<16xi32>,
        %swap3A_514 = vector.shape_cast %swap3A_513 : vector<16xi32> to vector<16xi32>
        %swap3A_515 = vector.shape_cast %shift_right_logical3A_511 : vector<16xi32> to vector<16xi32>
        tpu.vector_store %arg7[%swap3A_512], %swap3A_515 {strides = array<i32>} : memref<128xi32, #tpu.memory_space<vmem>>, vector<16xi32>,
        %dma_start3A_516 = arith.constant 0 : i32
        %dma_start3A_517 = arith.constant 0 : i32
        %dma_start3A_518 = tpu.memref_slice %arg3[%dma_start3A_516, %dma_start3A_517] : memref<10240x128xf32, #tpu.memory_space<hbm>> -> memref<10240x128xf32, #tpu.memory_space<hbm>>
        tpu.enqueue_indirect_dma source(%dma_start3A_518 : memref<10240x128xf32, #tpu.memory_space<hbm>>) target(%arg10 : memref<128x128xf32, #tpu.memory_space<vmem>>) offsets(%arg6 : memref<128xi32, #tpu.memory_space<vmem>>) semaphore(%arg12 : memref<!tpu.dma_semaphore, #tpu.memory_space<semaphore_mem>>)
      } else {
      }
      %dma_wait3A_359 = arith.constant 0 : i32
      %dma_wait3A_360 = arith.constant 0 : i32
      %dma_wait3A_361 = tpu.memref_slice %arg3[%dma_wait3A_359, %dma_wait3A_360] : memref<10240x128xf32, #tpu.memory_space<hbm>> -> memref<10240x128xf32, #tpu.memory_space<hbm>>
      tpu.wait_indirect_dma semaphore(%arg13 : memref<!tpu.dma_semaphore, #tpu.memory_space<semaphore_mem>>) src(%dma_wait3A_361 : memref<10240x128xf32, #tpu.memory_space<hbm>>) dst(%arg11 : memref<128x128xf32, #tpu.memory_space<vmem>>)
      "tpu.region"() ({
        %run_scoped3A = tpu.sem_alloc : memref<!tpu.dma_semaphore, #tpu.memory_space<semaphore_mem>>
        %dma_start3A_362 = arith.constant 0 : i32
        %dma_start3A_363 = arith.constant 0 : i32
        %dma_start3A_364 = tpu.memref_slice %arg14[%dma_start3A_362, %dma_start3A_363] : memref<10240x128xf32, #tpu.memory_space<vmem_shared>> -> memref<10240x128xf32, #tpu.memory_space<vmem_shared>>
        tpu.enqueue_indirect_dma source(%arg11 : memref<128x128xf32, #tpu.memory_space<vmem>>) target(%dma_start3A_364 : memref<10240x128xf32, #tpu.memory_space<vmem_shared>>) offsets(%arg9 : memref<128xi32, #tpu.memory_space<vmem>>) semaphore(%run_scoped3A : memref<!tpu.dma_semaphore, #tpu.memory_space<semaphore_mem>>) {add = true}
        %dma_wait3A_365 = arith.constant 0 : i32
        %dma_wait3A_366 = arith.constant 0 : i32
        %dma_wait3A_367 = tpu.memref_slice %arg14[%dma_wait3A_365, %dma_wait3A_366] : memref<10240x128xf32, #tpu.memory_space<vmem_shared>> -> memref<10240x128xf32, #tpu.memory_space<vmem_shared>>
        tpu.wait_indirect_dma semaphore(%run_scoped3A : memref<!tpu.dma_semaphore, #tpu.memory_space<semaphore_mem>>) src(%arg11 : memref<128x128xf32, #tpu.memory_space<vmem>>) dst(%dma_wait3A_367 : memref<10240x128xf32, #tpu.memory_space<vmem_shared>>)
        tpu.yield
      }) : () -> ()
    }
    %scan3A_182 = arith.constant 40 : i32
    %barrier3A_183 = arith.constant 0 : index
    tpu.barrier barrier_id(%barrier3A_183)
    %eq3A = arith.constant 0 : i32
    %eq3A_184 = arith.cmpi eq, %arg0, %eq3A : i32
    %convert_element_type3A = arith.extui %eq3A_184 : i1 to i32
    %cond3A = arith.constant 0 : i32
    %cond3A_185 = arith.cmpi ne, %convert_element_type3A, %cond3A : i32
    scf.if %cond3A_185 {
      %add3A_191 = arith.constant 0 : i32
      %add3A_192 = arith.addi %mul3A_2, %add3A_191 : i32
      "tpu.region"() ({
        %run_scoped3A_215 = tpu.sem_alloc : memref<!tpu.dma_semaphore, #tpu.memory_space<semaphore_mem>>
        %dma_start3A_216 = arith.constant 0 : i32
        %dma_start3A_217 = tpu.memref_slice %arg14[%add3A_192, %dma_start3A_216] : memref<10240x128xf32, #tpu.memory_space<vmem_shared>> -> memref<128x128xf32, #tpu.memory_space<vmem_shared>>
        %dma_start3A_218 = arith.constant 0 : i32
        %dma_start3A_219 = tpu.memref_slice %arg14[%add3A_192, %dma_start3A_218] : memref<10240x128xf32, #tpu.memory_space<vmem_shared>> -> memref<128x128xf32, #tpu.memory_space<vmem_shared>>
        tpu.enqueue_dma source(%dma_start3A_219 : memref<128x128xf32, #tpu.memory_space<vmem_shared>>) target(%arg10 : memref<128x128xf32, #tpu.memory_space<vmem>>) target_semaphore(%run_scoped3A_215 : memref<!tpu.dma_semaphore, #tpu.memory_space<semaphore_mem>>)
        %dma_wait3A = arith.constant 0 : i32
        %dma_wait3A_220 = tpu.memref_slice %arg14[%add3A_192, %dma_wait3A] : memref<10240x128xf32, #tpu.memory_space<vmem_shared>> -> memref<128x128xf32, #tpu.memory_space<vmem_shared>>
        %dma_wait3A_221 = arith.constant 0 : i32
        %dma_wait3A_222 = tpu.memref_slice %arg14[%add3A_192, %dma_wait3A_221] : memref<10240x128xf32, #tpu.memory_space<vmem_shared>> -> memref<128x128xf32, #tpu.memory_space<vmem_shared>>
        tpu.wait_dma2 semaphore(%run_scoped3A_215 : memref<!tpu.dma_semaphore, #tpu.memory_space<semaphore_mem>>) src(%dma_wait3A_222 : memref<128x128xf32, #tpu.memory_space<vmem_shared>>) dst(%arg10 : memref<128x128xf32, #tpu.memory_space<vmem>>)
        tpu.yield
      }) : () -> ()
      %add3A_193 = arith.constant 0 : i32
      %add3A_194 = arith.addi %mul3A_2, %add3A_193 : i32
      %run_scoped3A = arith.constant 0 : i32
      "tpu.region"() ({
        %run_scoped3A_215 = tpu.sem_alloc : memref<!tpu.dma_semaphore, #tpu.memory_space<semaphore_mem>>
        %dma_start3A_216 = arith.constant 0 : i32
        %dma_start3A_217 = tpu.memref_slice %arg4[%run_scoped3A, %add3A_194, %dma_start3A_216] : memref<2x10240x128xf32, #tpu.memory_space<hbm>> -> memref<1x128x128xf32, #tpu.memory_space<hbm>>
        %dma_start3A_218 = tpu.memref_squeeze %dma_start3A_217 : memref<1x128x128xf32, #tpu.memory_space<hbm>> -> memref<128x128xf32, #tpu.memory_space<hbm>>
        %dma_start3A_219 = arith.constant 0 : i32
        %dma_start3A_220 = tpu.memref_slice %arg4[%run_scoped3A, %add3A_194, %dma_start3A_219] : memref<2x10240x128xf32, #tpu.memory_space<hbm>> -> memref<1x128x128xf32, #tpu.memory_space<hbm>>
        %dma_start3A_221 = tpu.memref_squeeze %dma_start3A_220 : memref<1x128x128xf32, #tpu.memory_space<hbm>> -> memref<128x128xf32, #tpu.memory_space<hbm>>
        tpu.enqueue_dma source(%arg10 : memref<128x128xf32, #tpu.memory_space<vmem>>) target(%dma_start3A_221 : memref<128x128xf32, #tpu.memory_space<hbm>>) target_semaphore(%run_scoped3A_215 : memref<!tpu.dma_semaphore, #tpu.memory_space<semaphore_mem>>)
        %dma_wait3A = arith.constant 0 : i32
        %dma_wait3A_222 = tpu.memref_slice %arg4[%run_scoped3A, %add3A_194, %dma_wait3A] : memref<2x10240x128xf32, #tpu.memory_space<hbm>> -> memref<1x128x128xf32, #tpu.memory_space<hbm>>
        %dma_wait3A_223 = tpu.memref_squeeze %dma_wait3A_222 : memref<1x128x128xf32, #tpu.memory_space<hbm>> -> memref<128x128xf32, #tpu.memory_space<hbm>>
        %dma_wait3A_224 = arith.constant 0 : i32
        %dma_wait3A_225 = tpu.memref_slice %arg4[%run_scoped3A, %add3A_194, %dma_wait3A_224] : memref<2x10240x128xf32, #tpu.memory_space<hbm>> -> memref<1x128x128xf32, #tpu.memory_space<hbm>>
        %dma_wait3A_226 = tpu.memref_squeeze %dma_wait3A_225 : memref<1x128x128xf32, #tpu.memory_space<hbm>> -> memref<128x128xf32, #tpu.memory_space<hbm>>
        tpu.wait_dma2 semaphore(%run_scoped3A_215 : memref<!tpu.dma_semaphore, #tpu.memory_space<semaphore_mem>>) src(%arg10 : memref<128x128xf32, #tpu.memory_space<vmem>>) dst(%dma_wait3A_226 : memref<128x128xf32, #tpu.memory_space<hbm>>)
        tpu.yield
      }) : () -> ()
      %add3A_195 = arith.constant 128 : i32
      %add3A_196 = arith.addi %mul3A_2, %add3A_195 : i32
      "tpu.region"() ({
        %run_scoped3A_215 = tpu.sem_alloc : memref<!tpu.dma_semaphore, #tpu.memory_space<semaphore_mem>>
        %dma_start3A_216 = arith.constant 0 : i32
        %dma_start3A_217 = tpu.memref_slice %arg14[%add3A_196, %dma_start3A_216] : memref<10240x128xf32, #tpu.memory_space<vmem_shared>> -> memref<128x128xf32, #tpu.memory_space<vmem_shared>>
        %dma_start3A_218 = arith.constant 0 : i32
        %dma_start3A_219 = tpu.memref_slice %arg14[%add3A_196, %dma_start3A_218] : memref<10240x128xf32, #tpu.memory_space<vmem_shared>> -> memref<128x128xf32, #tpu.memory_space<vmem_shared>>
        tpu.enqueue_dma source(%dma_start3A_219 : memref<128x128xf32, #tpu.memory_space<vmem_shared>>) target(%arg10 : memref<128x128xf32, #tpu.memory_space<vmem>>) target_semaphore(%run_scoped3A_215 : memref<!tpu.dma_semaphore, #tpu.memory_space<semaphore_mem>>)
        %dma_wait3A = arith.constant 0 : i32
        %dma_wait3A_220 = tpu.memref_slice %arg14[%add3A_196, %dma_wait3A] : memref<10240x128xf32, #tpu.memory_space<vmem_shared>> -> memref<128x128xf32, #tpu.memory_space<vmem_shared>>
        %dma_wait3A_221 = arith.constant 0 : i32
        %dma_wait3A_222 = tpu.memref_slice %arg14[%add3A_196, %dma_wait3A_221] : memref<10240x128xf32, #tpu.memory_space<vmem_shared>> -> memref<128x128xf32, #tpu.memory_space<vmem_shared>>
        tpu.wait_dma2 semaphore(%run_scoped3A_215 : memref<!tpu.dma_semaphore, #tpu.memory_space<semaphore_mem>>) src(%dma_wait3A_222 : memref<128x128xf32, #tpu.memory_space<vmem_shared>>) dst(%arg10 : memref<128x128xf32, #tpu.memory_space<vmem>>)
        tpu.yield
      }) : () -> ()
      %add3A_197 = arith.constant 128 : i32
      %add3A_198 = arith.addi %mul3A_2, %add3A_197 : i32
      %run_scoped3A_199 = arith.constant 0 : i32
      "tpu.region"() ({
        %run_scoped3A_215 = tpu.sem_alloc : memref<!tpu.dma_semaphore, #tpu.memory_space<semaphore_mem>>
        %dma_start3A_216 = arith.constant 0 : i32
        %dma_start3A_217 = tpu.memref_slice %arg4[%run_scoped3A_199, %add3A_198, %dma_start3A_216] : memref<2x10240x128xf32, #tpu.memory_space<hbm>> -> memref<1x128x128xf32, #tpu.memory_space<hbm>>
        %dma_start3A_218 = tpu.memref_squeeze %dma_start3A_217 : memref<1x128x128xf32, #tpu.memory_space<hbm>> -> memref<128x128xf32, #tpu.memory_space<hbm>>
        %dma_start3A_219 = arith.constant 0 : i32
        %dma_start3A_220 = tpu.memref_slice %arg4[%run_scoped3A_199, %add3A_198, %dma_start3A_219] : memref<2x10240x128xf32, #tpu.memory_space<hbm>> -> memref<1x128x128xf32, #tpu.memory_space<hbm>>
        %dma_start3A_221 = tpu.memref_squeeze %dma_start3A_220 : memref<1x128x128xf32, #tpu.memory_space<hbm>> -> memref<128x128xf32, #tpu.memory_space<hbm>>
        tpu.enqueue_dma source(%arg10 : memref<128x128xf32, #tpu.memory_space<vmem>>) target(%dma_start3A_221 : memref<128x128xf32, #tpu.memory_space<hbm>>) target_semaphore(%run_scoped3A_215 : memref<!tpu.dma_semaphore, #tpu.memory_space<semaphore_mem>>)
        %dma_wait3A = arith.constant 0 : i32
        %dma_wait3A_222 = tpu.memref_slice %arg4[%run_scoped3A_199, %add3A_198, %dma_wait3A] : memref<2x10240x128xf32, #tpu.memory_space<hbm>> -> memref<1x128x128xf32, #tpu.memory_space<hbm>>
        %dma_wait3A_223 = tpu.memref_squeeze %dma_wait3A_222 : memref<1x128x128xf32, #tpu.memory_space<hbm>> -> memref<128x128xf32, #tpu.memory_space<hbm>>
        %dma_wait3A_224 = arith.constant 0 : i32
        %dma_wait3A_225 = tpu.memref_slice %arg4[%run_scoped3A_199, %add3A_198, %dma_wait3A_224] : memref<2x10240x128xf32, #tpu.memory_space<hbm>> -> memref<1x128x128xf32, #tpu.memory_space<hbm>>
        %dma_wait3A_226 = tpu.memref_squeeze %dma_wait3A_225 : memref<1x128x128xf32, #tpu.memory_space<hbm>> -> memref<128x128xf32, #tpu.memory_space<hbm>>
        tpu.wait_dma2 semaphore(%run_scoped3A_215 : memref<!tpu.dma_semaphore, #tpu.memory_space<semaphore_mem>>) src(%arg10 : memref<128x128xf32, #tpu.memory_space<vmem>>) dst(%dma_wait3A_226 : memref<128x128xf32, #tpu.memory_space<hbm>>)
        tpu.yield
      }) : () -> ()
      %add3A_200 = arith.constant 256 : i32
      %add3A_201 = arith.addi %mul3A_2, %add3A_200 : i32
      "tpu.region"() ({
        %run_scoped3A_215 = tpu.sem_alloc : memref<!tpu.dma_semaphore, #tpu.memory_space<semaphore_mem>>
        %dma_start3A_216 = arith.constant 0 : i32
        %dma_start3A_217 = tpu.memref_slice %arg14[%add3A_201, %dma_start3A_216] : memref<10240x128xf32, #tpu.memory_space<vmem_shared>> -> memref<128x128xf32, #tpu.memory_space<vmem_shared>>
        %dma_start3A_218 = arith.constant 0 : i32
        %dma_start3A_219 = tpu.memref_slice %arg14[%add3A_201, %dma_start3A_218] : memref<10240x128xf32, #tpu.memory_space<vmem_shared>> -> memref<128x128xf32, #tpu.memory_space<vmem_shared>>
        tpu.enqueue_dma source(%dma_start3A_219 : memref<128x128xf32, #tpu.memory_space<vmem_shared>>) target(%arg10 : memref<128x128xf32, #tpu.memory_space<vmem>>) target_semaphore(%run_scoped3A_215 : memref<!tpu.dma_semaphore, #tpu.memory_space<semaphore_mem>>)
        %dma_wait3A = arith.constant 0 : i32
        %dma_wait3A_220 = tpu.memref_slice %arg14[%add3A_201, %dma_wait3A] : memref<10240x128xf32, #tpu.memory_space<vmem_shared>> -> memref<128x128xf32, #tpu.memory_space<vmem_shared>>
        %dma_wait3A_221 = arith.constant 0 : i32
        %dma_wait3A_222 = tpu.memref_slice %arg14[%add3A_201, %dma_wait3A_221] : memref<10240x128xf32, #tpu.memory_space<vmem_shared>> -> memref<128x128xf32, #tpu.memory_space<vmem_shared>>
        tpu.wait_dma2 semaphore(%run_scoped3A_215 : memref<!tpu.dma_semaphore, #tpu.memory_space<semaphore_mem>>) src(%dma_wait3A_222 : memref<128x128xf32, #tpu.memory_space<vmem_shared>>) dst(%arg10 : memref<128x128xf32, #tpu.memory_space<vmem>>)
        tpu.yield
      }) : () -> ()
      %add3A_202 = arith.constant 256 : i32
      %add3A_203 = arith.addi %mul3A_2, %add3A_202 : i32
      %run_scoped3A_204 = arith.constant 0 : i32
      "tpu.region"() ({
        %run_scoped3A_215 = tpu.sem_alloc : memref<!tpu.dma_semaphore, #tpu.memory_space<semaphore_mem>>
        %dma_start3A_216 = arith.constant 0 : i32
        %dma_start3A_217 = tpu.memref_slice %arg4[%run_scoped3A_204, %add3A_203, %dma_start3A_216] : memref<2x10240x128xf32, #tpu.memory_space<hbm>> -> memref<1x128x128xf32, #tpu.memory_space<hbm>>
        %dma_start3A_218 = tpu.memref_squeeze %dma_start3A_217 : memref<1x128x128xf32, #tpu.memory_space<hbm>> -> memref<128x128xf32, #tpu.memory_space<hbm>>
        %dma_start3A_219 = arith.constant 0 : i32
        %dma_start3A_220 = tpu.memref_slice %arg4[%run_scoped3A_204, %add3A_203, %dma_start3A_219] : memref<2x10240x128xf32, #tpu.memory_space<hbm>> -> memref<1x128x128xf32, #tpu.memory_space<hbm>>
        %dma_start3A_221 = tpu.memref_squeeze %dma_start3A_220 : memref<1x128x128xf32, #tpu.memory_space<hbm>> -> memref<128x128xf32, #tpu.memory_space<hbm>>
        tpu.enqueue_dma source(%arg10 : memref<128x128xf32, #tpu.memory_space<vmem>>) target(%dma_start3A_221 : memref<128x128xf32, #tpu.memory_space<hbm>>) target_semaphore(%run_scoped3A_215 : memref<!tpu.dma_semaphore, #tpu.memory_space<semaphore_mem>>)
        %dma_wait3A = arith.constant 0 : i32
        %dma_wait3A_222 = tpu.memref_slice %arg4[%run_scoped3A_204, %add3A_203, %dma_wait3A] : memref<2x10240x128xf32, #tpu.memory_space<hbm>> -> memref<1x128x128xf32, #tpu.memory_space<hbm>>
        %dma_wait3A_223 = tpu.memref_squeeze %dma_wait3A_222 : memref<1x128x128xf32, #tpu.memory_space<hbm>> -> memref<128x128xf32, #tpu.memory_space<hbm>>
        %dma_wait3A_224 = arith.constant 0 : i32
        %dma_wait3A_225 = tpu.memref_slice %arg4[%run_scoped3A_204, %add3A_203, %dma_wait3A_224] : memref<2x10240x128xf32, #tpu.memory_space<hbm>> -> memref<1x128x128xf32, #tpu.memory_space<hbm>>
        %dma_wait3A_226 = tpu.memref_squeeze %dma_wait3A_225 : memref<1x128x128xf32, #tpu.memory_space<hbm>> -> memref<128x128xf32, #tpu.memory_space<hbm>>
        tpu.wait_dma2 semaphore(%run_scoped3A_215 : memref<!tpu.dma_semaphore, #tpu.memory_space<semaphore_mem>>) src(%arg10 : memref<128x128xf32, #tpu.memory_space<vmem>>) dst(%dma_wait3A_226 : memref<128x128xf32, #tpu.memory_space<hbm>>)
        tpu.yield
      }) : () -> ()
      %add3A_205 = arith.constant 384 : i32
      %add3A_206 = arith.addi %mul3A_2, %add3A_205 : i32
      "tpu.region"() ({
        %run_scoped3A_215 = tpu.sem_alloc : memref<!tpu.dma_semaphore, #tpu.memory_space<semaphore_mem>>
        %dma_start3A_216 = arith.constant 0 : i32
        %dma_start3A_217 = tpu.memref_slice %arg14[%add3A_206, %dma_start3A_216] : memref<10240x128xf32, #tpu.memory_space<vmem_shared>> -> memref<128x128xf32, #tpu.memory_space<vmem_shared>>
        %dma_start3A_218 = arith.constant 0 : i32
        %dma_start3A_219 = tpu.memref_slice %arg14[%add3A_206, %dma_start3A_218] : memref<10240x128xf32, #tpu.memory_space<vmem_shared>> -> memref<128x128xf32, #tpu.memory_space<vmem_shared>>
        tpu.enqueue_dma source(%dma_start3A_219 : memref<128x128xf32, #tpu.memory_space<vmem_shared>>) target(%arg10 : memref<128x128xf32, #tpu.memory_space<vmem>>) target_semaphore(%run_scoped3A_215 : memref<!tpu.dma_semaphore, #tpu.memory_space<semaphore_mem>>)
        %dma_wait3A = arith.constant 0 : i32
        %dma_wait3A_220 = tpu.memref_slice %arg14[%add3A_206, %dma_wait3A] : memref<10240x128xf32, #tpu.memory_space<vmem_shared>> -> memref<128x128xf32, #tpu.memory_space<vmem_shared>>
        %dma_wait3A_221 = arith.constant 0 : i32
        %dma_wait3A_222 = tpu.memref_slice %arg14[%add3A_206, %dma_wait3A_221] : memref<10240x128xf32, #tpu.memory_space<vmem_shared>> -> memref<128x128xf32, #tpu.memory_space<vmem_shared>>
        tpu.wait_dma2 semaphore(%run_scoped3A_215 : memref<!tpu.dma_semaphore, #tpu.memory_space<semaphore_mem>>) src(%dma_wait3A_222 : memref<128x128xf32, #tpu.memory_space<vmem_shared>>) dst(%arg10 : memref<128x128xf32, #tpu.memory_space<vmem>>)
        tpu.yield
      }) : () -> ()
      %add3A_207 = arith.constant 384 : i32
      %add3A_208 = arith.addi %mul3A_2, %add3A_207 : i32
      %run_scoped3A_209 = arith.constant 0 : i32
      "tpu.region"() ({
        %run_scoped3A_215 = tpu.sem_alloc : memref<!tpu.dma_semaphore, #tpu.memory_space<semaphore_mem>>
        %dma_start3A_216 = arith.constant 0 : i32
        %dma_start3A_217 = tpu.memref_slice %arg4[%run_scoped3A_209, %add3A_208, %dma_start3A_216] : memref<2x10240x128xf32, #tpu.memory_space<hbm>> -> memref<1x128x128xf32, #tpu.memory_space<hbm>>
        %dma_start3A_218 = tpu.memref_squeeze %dma_start3A_217 : memref<1x128x128xf32, #tpu.memory_space<hbm>> -> memref<128x128xf32, #tpu.memory_space<hbm>>
        %dma_start3A_219 = arith.constant 0 : i32
        %dma_start3A_220 = tpu.memref_slice %arg4[%run_scoped3A_209, %add3A_208, %dma_start3A_219] : memref<2x10240x128xf32, #tpu.memory_space<hbm>> -> memref<1x128x128xf32, #tpu.memory_space<hbm>>
        %dma_start3A_221 = tpu.memref_squeeze %dma_start3A_220 : memref<1x128x128xf32, #tpu.memory_space<hbm>> -> memref<128x128xf32, #tpu.memory_space<hbm>>
        tpu.enqueue_dma source(%arg10 : memref<128x128xf32, #tpu.memory_space<vmem>>) target(%dma_start3A_221 : memref<128x128xf32, #tpu.memory_space<hbm>>) target_semaphore(%run_scoped3A_215 : memref<!tpu.dma_semaphore, #tpu.memory_space<semaphore_mem>>)
        %dma_wait3A = arith.constant 0 : i32
        %dma_wait3A_222 = tpu.memref_slice %arg4[%run_scoped3A_209, %add3A_208, %dma_wait3A] : memref<2x10240x128xf32, #tpu.memory_space<hbm>> -> memref<1x128x128xf32, #tpu.memory_space<hbm>>
        %dma_wait3A_223 = tpu.memref_squeeze %dma_wait3A_222 : memref<1x128x128xf32, #tpu.memory_space<hbm>> -> memref<128x128xf32, #tpu.memory_space<hbm>>
        %dma_wait3A_224 = arith.constant 0 : i32
        %dma_wait3A_225 = tpu.memref_slice %arg4[%run_scoped3A_209, %add3A_208, %dma_wait3A_224] : memref<2x10240x128xf32, #tpu.memory_space<hbm>> -> memref<1x128x128xf32, #tpu.memory_space<hbm>>
        %dma_wait3A_226 = tpu.memref_squeeze %dma_wait3A_225 : memref<1x128x128xf32, #tpu.memory_space<hbm>> -> memref<128x128xf32, #tpu.memory_space<hbm>>
        tpu.wait_dma2 semaphore(%run_scoped3A_215 : memref<!tpu.dma_semaphore, #tpu.memory_space<semaphore_mem>>) src(%arg10 : memref<128x128xf32, #tpu.memory_space<vmem>>) dst(%dma_wait3A_226 : memref<128x128xf32, #tpu.memory_space<hbm>>)
        tpu.yield
      }) : () -> ()
      %add3A_210 = arith.constant 512 : i32
      %add3A_211 = arith.addi %mul3A_2, %add3A_210 : i32
      "tpu.region"() ({
        %run_scoped3A_215 = tpu.sem_alloc : memref<!tpu.dma_semaphore, #tpu.memory_space<semaphore_mem>>
        %dma_start3A_216 = arith.constant 0 : i32
        %dma_start3A_217 = tpu.memref_slice %arg14[%add3A_211, %dma_start3A_216] : memref<10240x128xf32, #tpu.memory_space<vmem_shared>> -> memref<128x128xf32, #tpu.memory_space<vmem_shared>>
        %dma_start3A_218 = arith.constant 0 : i32
        %dma_start3A_219 = tpu.memref_slice %arg14[%add3A_211, %dma_start3A_218] : memref<10240x128xf32, #tpu.memory_space<vmem_shared>> -> memref<128x128xf32, #tpu.memory_space<vmem_shared>>
        tpu.enqueue_dma source(%dma_start3A_219 : memref<128x128xf32, #tpu.memory_space<vmem_shared>>) target(%arg10 : memref<128x128xf32, #tpu.memory_space<vmem>>) target_semaphore(%run_scoped3A_215 : memref<!tpu.dma_semaphore, #tpu.memory_space<semaphore_mem>>)
        %dma_wait3A = arith.constant 0 : i32
        %dma_wait3A_220 = tpu.memref_slice %arg14[%add3A_211, %dma_wait3A] : memref<10240x128xf32, #tpu.memory_space<vmem_shared>> -> memref<128x128xf32, #tpu.memory_space<vmem_shared>>
        %dma_wait3A_221 = arith.constant 0 : i32
        %dma_wait3A_222 = tpu.memref_slice %arg14[%add3A_211, %dma_wait3A_221] : memref<10240x128xf32, #tpu.memory_space<vmem_shared>> -> memref<128x128xf32, #tpu.memory_space<vmem_shared>>
        tpu.wait_dma2 semaphore(%run_scoped3A_215 : memref<!tpu.dma_semaphore, #tpu.memory_space<semaphore_mem>>) src(%dma_wait3A_222 : memref<128x128xf32, #tpu.memory_space<vmem_shared>>) dst(%arg10 : memref<128x128xf32, #tpu.memory_space<vmem>>)
        tpu.yield
      }) : () -> ()
      %add3A_212 = arith.constant 512 : i32
      %add3A_213 = arith.addi %mul3A_2, %add3A_212 : i32
      %run_scoped3A_214 = arith.constant 0 : i32
      "tpu.region"() ({
        %run_scoped3A_215 = tpu.sem_alloc : memref<!tpu.dma_semaphore, #tpu.memory_space<semaphore_mem>>
        %dma_start3A_216 = arith.constant 0 : i32
        %dma_start3A_217 = tpu.memref_slice %arg4[%run_scoped3A_214, %add3A_213, %dma_start3A_216] : memref<2x10240x128xf32, #tpu.memory_space<hbm>> -> memref<1x128x128xf32, #tpu.memory_space<hbm>>
        %dma_start3A_218 = tpu.memref_squeeze %dma_start3A_217 : memref<1x128x128xf32, #tpu.memory_space<hbm>> -> memref<128x128xf32, #tpu.memory_space<hbm>>
        %dma_start3A_219 = arith.constant 0 : i32
        %dma_start3A_220 = tpu.memref_slice %arg4[%run_scoped3A_214, %add3A_213, %dma_start3A_219] : memref<2x10240x128xf32, #tpu.memory_space<hbm>> -> memref<1x128x128xf32, #tpu.memory_space<hbm>>
        %dma_start3A_221 = tpu.memref_squeeze %dma_start3A_220 : memref<1x128x128xf32, #tpu.memory_space<hbm>> -> memref<128x128xf32, #tpu.memory_space<hbm>>
        tpu.enqueue_dma source(%arg10 : memref<128x128xf32, #tpu.memory_space<vmem>>) target(%dma_start3A_221 : memref<128x128xf32, #tpu.memory_space<hbm>>) target_semaphore(%run_scoped3A_215 : memref<!tpu.dma_semaphore, #tpu.memory_space<semaphore_mem>>)
        %dma_wait3A = arith.constant 0 : i32
        %dma_wait3A_222 = tpu.memref_slice %arg4[%run_scoped3A_214, %add3A_213, %dma_wait3A] : memref<2x10240x128xf32, #tpu.memory_space<hbm>> -> memref<1x128x128xf32, #tpu.memory_space<hbm>>
        %dma_wait3A_223 = tpu.memref_squeeze %dma_wait3A_222 : memref<1x128x128xf32, #tpu.memory_space<hbm>> -> memref<128x128xf32, #tpu.memory_space<hbm>>
        %dma_wait3A_224 = arith.constant 0 : i32
        %dma_wait3A_225 = tpu.memref_slice %arg4[%run_scoped3A_214, %add3A_213, %dma_wait3A_224] : memref<2x10240x128xf32, #tpu.memory_space<hbm>> -> memref<1x128x128xf32, #tpu.memory_space<hbm>>
        %dma_wait3A_226 = tpu.memref_squeeze %dma_wait3A_225 : memref<1x128x128xf32, #tpu.memory_space<hbm>> -> memref<128x128xf32, #tpu.memory_space<hbm>>
        tpu.wait_dma2 semaphore(%run_scoped3A_215 : memref<!tpu.dma_semaphore, #tpu.memory_space<semaphore_mem>>) src(%arg10 : memref<128x128xf32, #tpu.memory_space<vmem>>) dst(%dma_wait3A_226 : memref<128x128xf32, #tpu.memory_space<hbm>>)
        tpu.yield
      }) : () -> ()
    } else {
    }
    %eq3A_186 = arith.constant 1 : i32
    %eq3A_187 = arith.cmpi eq, %arg0, %eq3A_186 : i32
    %convert_element_type3A_188 = arith.extui %eq3A_187 : i1 to i32
    %cond3A_189 = arith.constant 0 : i32
    %cond3A_190 = arith.cmpi ne, %convert_element_type3A_188, %cond3A_189 : i32
    scf.if %cond3A_190 {
      %add3A_191 = arith.constant 0 : i32
      %add3A_192 = arith.addi %mul3A_2, %add3A_191 : i32
      "tpu.region"() ({
        %run_scoped3A_215 = tpu.sem_alloc : memref<!tpu.dma_semaphore, #tpu.memory_space<semaphore_mem>>
        %dma_start3A_216 = arith.constant 0 : i32
        %dma_start3A_217 = tpu.memref_slice %arg14[%add3A_192, %dma_start3A_216] : memref<10240x128xf32, #tpu.memory_space<vmem_shared>> -> memref<128x128xf32, #tpu.memory_space<vmem_shared>>
        %dma_start3A_218 = arith.constant 0 : i32
        %dma_start3A_219 = tpu.memref_slice %arg14[%add3A_192, %dma_start3A_218] : memref<10240x128xf32, #tpu.memory_space<vmem_shared>> -> memref<128x128xf32, #tpu.memory_space<vmem_shared>>
        tpu.enqueue_dma source(%dma_start3A_219 : memref<128x128xf32, #tpu.memory_space<vmem_shared>>) target(%arg10 : memref<128x128xf32, #tpu.memory_space<vmem>>) target_semaphore(%run_scoped3A_215 : memref<!tpu.dma_semaphore, #tpu.memory_space<semaphore_mem>>)
        %dma_wait3A = arith.constant 0 : i32
        %dma_wait3A_220 = tpu.memref_slice %arg14[%add3A_192, %dma_wait3A] : memref<10240x128xf32, #tpu.memory_space<vmem_shared>> -> memref<128x128xf32, #tpu.memory_space<vmem_shared>>
        %dma_wait3A_221 = arith.constant 0 : i32
        %dma_wait3A_222 = tpu.memref_slice %arg14[%add3A_192, %dma_wait3A_221] : memref<10240x128xf32, #tpu.memory_space<vmem_shared>> -> memref<128x128xf32, #tpu.memory_space<vmem_shared>>
        tpu.wait_dma2 semaphore(%run_scoped3A_215 : memref<!tpu.dma_semaphore, #tpu.memory_space<semaphore_mem>>) src(%dma_wait3A_222 : memref<128x128xf32, #tpu.memory_space<vmem_shared>>) dst(%arg10 : memref<128x128xf32, #tpu.memory_space<vmem>>)
        tpu.yield
      }) : () -> ()
      %add3A_193 = arith.constant 0 : i32
      %add3A_194 = arith.addi %mul3A_2, %add3A_193 : i32
      %run_scoped3A = arith.constant 1 : i32
      "tpu.region"() ({
        %run_scoped3A_215 = tpu.sem_alloc : memref<!tpu.dma_semaphore, #tpu.memory_space<semaphore_mem>>
        %dma_start3A_216 = arith.constant 0 : i32
        %dma_start3A_217 = tpu.memref_slice %arg4[%run_scoped3A, %add3A_194, %dma_start3A_216] : memref<2x10240x128xf32, #tpu.memory_space<hbm>> -> memref<1x128x128xf32, #tpu.memory_space<hbm>>
        %dma_start3A_218 = tpu.memref_squeeze %dma_start3A_217 : memref<1x128x128xf32, #tpu.memory_space<hbm>> -> memref<128x128xf32, #tpu.memory_space<hbm>>
        %dma_start3A_219 = arith.constant 0 : i32
        %dma_start3A_220 = tpu.memref_slice %arg4[%run_scoped3A, %add3A_194, %dma_start3A_219] : memref<2x10240x128xf32, #tpu.memory_space<hbm>> -> memref<1x128x128xf32, #tpu.memory_space<hbm>>
        %dma_start3A_221 = tpu.memref_squeeze %dma_start3A_220 : memref<1x128x128xf32, #tpu.memory_space<hbm>> -> memref<128x128xf32, #tpu.memory_space<hbm>>
        tpu.enqueue_dma source(%arg10 : memref<128x128xf32, #tpu.memory_space<vmem>>) target(%dma_start3A_221 : memref<128x128xf32, #tpu.memory_space<hbm>>) target_semaphore(%run_scoped3A_215 : memref<!tpu.dma_semaphore, #tpu.memory_space<semaphore_mem>>)
        %dma_wait3A = arith.constant 0 : i32
        %dma_wait3A_222 = tpu.memref_slice %arg4[%run_scoped3A, %add3A_194, %dma_wait3A] : memref<2x10240x128xf32, #tpu.memory_space<hbm>> -> memref<1x128x128xf32, #tpu.memory_space<hbm>>
        %dma_wait3A_223 = tpu.memref_squeeze %dma_wait3A_222 : memref<1x128x128xf32, #tpu.memory_space<hbm>> -> memref<128x128xf32, #tpu.memory_space<hbm>>
        %dma_wait3A_224 = arith.constant 0 : i32
        %dma_wait3A_225 = tpu.memref_slice %arg4[%run_scoped3A, %add3A_194, %dma_wait3A_224] : memref<2x10240x128xf32, #tpu.memory_space<hbm>> -> memref<1x128x128xf32, #tpu.memory_space<hbm>>
        %dma_wait3A_226 = tpu.memref_squeeze %dma_wait3A_225 : memref<1x128x128xf32, #tpu.memory_space<hbm>> -> memref<128x128xf32, #tpu.memory_space<hbm>>
        tpu.wait_dma2 semaphore(%run_scoped3A_215 : memref<!tpu.dma_semaphore, #tpu.memory_space<semaphore_mem>>) src(%arg10 : memref<128x128xf32, #tpu.memory_space<vmem>>) dst(%dma_wait3A_226 : memref<128x128xf32, #tpu.memory_space<hbm>>)
        tpu.yield
      }) : () -> ()
      %add3A_195 = arith.constant 128 : i32
      %add3A_196 = arith.addi %mul3A_2, %add3A_195 : i32
      "tpu.region"() ({
        %run_scoped3A_215 = tpu.sem_alloc : memref<!tpu.dma_semaphore, #tpu.memory_space<semaphore_mem>>
        %dma_start3A_216 = arith.constant 0 : i32
        %dma_start3A_217 = tpu.memref_slice %arg14[%add3A_196, %dma_start3A_216] : memref<10240x128xf32, #tpu.memory_space<vmem_shared>> -> memref<128x128xf32, #tpu.memory_space<vmem_shared>>
        %dma_start3A_218 = arith.constant 0 : i32
        %dma_start3A_219 = tpu.memref_slice %arg14[%add3A_196, %dma_start3A_218] : memref<10240x128xf32, #tpu.memory_space<vmem_shared>> -> memref<128x128xf32, #tpu.memory_space<vmem_shared>>
        tpu.enqueue_dma source(%dma_start3A_219 : memref<128x128xf32, #tpu.memory_space<vmem_shared>>) target(%arg10 : memref<128x128xf32, #tpu.memory_space<vmem>>) target_semaphore(%run_scoped3A_215 : memref<!tpu.dma_semaphore, #tpu.memory_space<semaphore_mem>>)
        %dma_wait3A = arith.constant 0 : i32
        %dma_wait3A_220 = tpu.memref_slice %arg14[%add3A_196, %dma_wait3A] : memref<10240x128xf32, #tpu.memory_space<vmem_shared>> -> memref<128x128xf32, #tpu.memory_space<vmem_shared>>
        %dma_wait3A_221 = arith.constant 0 : i32
        %dma_wait3A_222 = tpu.memref_slice %arg14[%add3A_196, %dma_wait3A_221] : memref<10240x128xf32, #tpu.memory_space<vmem_shared>> -> memref<128x128xf32, #tpu.memory_space<vmem_shared>>
        tpu.wait_dma2 semaphore(%run_scoped3A_215 : memref<!tpu.dma_semaphore, #tpu.memory_space<semaphore_mem>>) src(%dma_wait3A_222 : memref<128x128xf32, #tpu.memory_space<vmem_shared>>) dst(%arg10 : memref<128x128xf32, #tpu.memory_space<vmem>>)
        tpu.yield
      }) : () -> ()
      %add3A_197 = arith.constant 128 : i32
      %add3A_198 = arith.addi %mul3A_2, %add3A_197 : i32
      %run_scoped3A_199 = arith.constant 1 : i32
      "tpu.region"() ({
        %run_scoped3A_215 = tpu.sem_alloc : memref<!tpu.dma_semaphore, #tpu.memory_space<semaphore_mem>>
        %dma_start3A_216 = arith.constant 0 : i32
        %dma_start3A_217 = tpu.memref_slice %arg4[%run_scoped3A_199, %add3A_198, %dma_start3A_216] : memref<2x10240x128xf32, #tpu.memory_space<hbm>> -> memref<1x128x128xf32, #tpu.memory_space<hbm>>
        %dma_start3A_218 = tpu.memref_squeeze %dma_start3A_217 : memref<1x128x128xf32, #tpu.memory_space<hbm>> -> memref<128x128xf32, #tpu.memory_space<hbm>>
        %dma_start3A_219 = arith.constant 0 : i32
        %dma_start3A_220 = tpu.memref_slice %arg4[%run_scoped3A_199, %add3A_198, %dma_start3A_219] : memref<2x10240x128xf32, #tpu.memory_space<hbm>> -> memref<1x128x128xf32, #tpu.memory_space<hbm>>
        %dma_start3A_221 = tpu.memref_squeeze %dma_start3A_220 : memref<1x128x128xf32, #tpu.memory_space<hbm>> -> memref<128x128xf32, #tpu.memory_space<hbm>>
        tpu.enqueue_dma source(%arg10 : memref<128x128xf32, #tpu.memory_space<vmem>>) target(%dma_start3A_221 : memref<128x128xf32, #tpu.memory_space<hbm>>) target_semaphore(%run_scoped3A_215 : memref<!tpu.dma_semaphore, #tpu.memory_space<semaphore_mem>>)
        %dma_wait3A = arith.constant 0 : i32
        %dma_wait3A_222 = tpu.memref_slice %arg4[%run_scoped3A_199, %add3A_198, %dma_wait3A] : memref<2x10240x128xf32, #tpu.memory_space<hbm>> -> memref<1x128x128xf32, #tpu.memory_space<hbm>>
        %dma_wait3A_223 = tpu.memref_squeeze %dma_wait3A_222 : memref<1x128x128xf32, #tpu.memory_space<hbm>> -> memref<128x128xf32, #tpu.memory_space<hbm>>
        %dma_wait3A_224 = arith.constant 0 : i32
        %dma_wait3A_225 = tpu.memref_slice %arg4[%run_scoped3A_199, %add3A_198, %dma_wait3A_224] : memref<2x10240x128xf32, #tpu.memory_space<hbm>> -> memref<1x128x128xf32, #tpu.memory_space<hbm>>
        %dma_wait3A_226 = tpu.memref_squeeze %dma_wait3A_225 : memref<1x128x128xf32, #tpu.memory_space<hbm>> -> memref<128x128xf32, #tpu.memory_space<hbm>>
        tpu.wait_dma2 semaphore(%run_scoped3A_215 : memref<!tpu.dma_semaphore, #tpu.memory_space<semaphore_mem>>) src(%arg10 : memref<128x128xf32, #tpu.memory_space<vmem>>) dst(%dma_wait3A_226 : memref<128x128xf32, #tpu.memory_space<hbm>>)
        tpu.yield
      }) : () -> ()
      %add3A_200 = arith.constant 256 : i32
      %add3A_201 = arith.addi %mul3A_2, %add3A_200 : i32
      "tpu.region"() ({
        %run_scoped3A_215 = tpu.sem_alloc : memref<!tpu.dma_semaphore, #tpu.memory_space<semaphore_mem>>
        %dma_start3A_216 = arith.constant 0 : i32
        %dma_start3A_217 = tpu.memref_slice %arg14[%add3A_201, %dma_start3A_216] : memref<10240x128xf32, #tpu.memory_space<vmem_shared>> -> memref<128x128xf32, #tpu.memory_space<vmem_shared>>
        %dma_start3A_218 = arith.constant 0 : i32
        %dma_start3A_219 = tpu.memref_slice %arg14[%add3A_201, %dma_start3A_218] : memref<10240x128xf32, #tpu.memory_space<vmem_shared>> -> memref<128x128xf32, #tpu.memory_space<vmem_shared>>
        tpu.enqueue_dma source(%dma_start3A_219 : memref<128x128xf32, #tpu.memory_space<vmem_shared>>) target(%arg10 : memref<128x128xf32, #tpu.memory_space<vmem>>) target_semaphore(%run_scoped3A_215 : memref<!tpu.dma_semaphore, #tpu.memory_space<semaphore_mem>>)
        %dma_wait3A = arith.constant 0 : i32
        %dma_wait3A_220 = tpu.memref_slice %arg14[%add3A_201, %dma_wait3A] : memref<10240x128xf32, #tpu.memory_space<vmem_shared>> -> memref<128x128xf32, #tpu.memory_space<vmem_shared>>
        %dma_wait3A_221 = arith.constant 0 : i32
        %dma_wait3A_222 = tpu.memref_slice %arg14[%add3A_201, %dma_wait3A_221] : memref<10240x128xf32, #tpu.memory_space<vmem_shared>> -> memref<128x128xf32, #tpu.memory_space<vmem_shared>>
        tpu.wait_dma2 semaphore(%run_scoped3A_215 : memref<!tpu.dma_semaphore, #tpu.memory_space<semaphore_mem>>) src(%dma_wait3A_222 : memref<128x128xf32, #tpu.memory_space<vmem_shared>>) dst(%arg10 : memref<128x128xf32, #tpu.memory_space<vmem>>)
        tpu.yield
      }) : () -> ()
      %add3A_202 = arith.constant 256 : i32
      %add3A_203 = arith.addi %mul3A_2, %add3A_202 : i32
      %run_scoped3A_204 = arith.constant 1 : i32
      "tpu.region"() ({
        %run_scoped3A_215 = tpu.sem_alloc : memref<!tpu.dma_semaphore, #tpu.memory_space<semaphore_mem>>
        %dma_start3A_216 = arith.constant 0 : i32
        %dma_start3A_217 = tpu.memref_slice %arg4[%run_scoped3A_204, %add3A_203, %dma_start3A_216] : memref<2x10240x128xf32, #tpu.memory_space<hbm>> -> memref<1x128x128xf32, #tpu.memory_space<hbm>>
        %dma_start3A_218 = tpu.memref_squeeze %dma_start3A_217 : memref<1x128x128xf32, #tpu.memory_space<hbm>> -> memref<128x128xf32, #tpu.memory_space<hbm>>
        %dma_start3A_219 = arith.constant 0 : i32
        %dma_start3A_220 = tpu.memref_slice %arg4[%run_scoped3A_204, %add3A_203, %dma_start3A_219] : memref<2x10240x128xf32, #tpu.memory_space<hbm>> -> memref<1x128x128xf32, #tpu.memory_space<hbm>>
        %dma_start3A_221 = tpu.memref_squeeze %dma_start3A_220 : memref<1x128x128xf32, #tpu.memory_space<hbm>> -> memref<128x128xf32, #tpu.memory_space<hbm>>
        tpu.enqueue_dma source(%arg10 : memref<128x128xf32, #tpu.memory_space<vmem>>) target(%dma_start3A_221 : memref<128x128xf32, #tpu.memory_space<hbm>>) target_semaphore(%run_scoped3A_215 : memref<!tpu.dma_semaphore, #tpu.memory_space<semaphore_mem>>)
        %dma_wait3A = arith.constant 0 : i32
        %dma_wait3A_222 = tpu.memref_slice %arg4[%run_scoped3A_204, %add3A_203, %dma_wait3A] : memref<2x10240x128xf32, #tpu.memory_space<hbm>> -> memref<1x128x128xf32, #tpu.memory_space<hbm>>
        %dma_wait3A_223 = tpu.memref_squeeze %dma_wait3A_222 : memref<1x128x128xf32, #tpu.memory_space<hbm>> -> memref<128x128xf32, #tpu.memory_space<hbm>>
        %dma_wait3A_224 = arith.constant 0 : i32
        %dma_wait3A_225 = tpu.memref_slice %arg4[%run_scoped3A_204, %add3A_203, %dma_wait3A_224] : memref<2x10240x128xf32, #tpu.memory_space<hbm>> -> memref<1x128x128xf32, #tpu.memory_space<hbm>>
        %dma_wait3A_226 = tpu.memref_squeeze %dma_wait3A_225 : memref<1x128x128xf32, #tpu.memory_space<hbm>> -> memref<128x128xf32, #tpu.memory_space<hbm>>
        tpu.wait_dma2 semaphore(%run_scoped3A_215 : memref<!tpu.dma_semaphore, #tpu.memory_space<semaphore_mem>>) src(%arg10 : memref<128x128xf32, #tpu.memory_space<vmem>>) dst(%dma_wait3A_226 : memref<128x128xf32, #tpu.memory_space<hbm>>)
        tpu.yield
      }) : () -> ()
      %add3A_205 = arith.constant 384 : i32
      %add3A_206 = arith.addi %mul3A_2, %add3A_205 : i32
      "tpu.region"() ({
        %run_scoped3A_215 = tpu.sem_alloc : memref<!tpu.dma_semaphore, #tpu.memory_space<semaphore_mem>>
        %dma_start3A_216 = arith.constant 0 : i32
        %dma_start3A_217 = tpu.memref_slice %arg14[%add3A_206, %dma_start3A_216] : memref<10240x128xf32, #tpu.memory_space<vmem_shared>> -> memref<128x128xf32, #tpu.memory_space<vmem_shared>>
        %dma_start3A_218 = arith.constant 0 : i32
        %dma_start3A_219 = tpu.memref_slice %arg14[%add3A_206, %dma_start3A_218] : memref<10240x128xf32, #tpu.memory_space<vmem_shared>> -> memref<128x128xf32, #tpu.memory_space<vmem_shared>>
        tpu.enqueue_dma source(%dma_start3A_219 : memref<128x128xf32, #tpu.memory_space<vmem_shared>>) target(%arg10 : memref<128x128xf32, #tpu.memory_space<vmem>>) target_semaphore(%run_scoped3A_215 : memref<!tpu.dma_semaphore, #tpu.memory_space<semaphore_mem>>)
        %dma_wait3A = arith.constant 0 : i32
        %dma_wait3A_220 = tpu.memref_slice %arg14[%add3A_206, %dma_wait3A] : memref<10240x128xf32, #tpu.memory_space<vmem_shared>> -> memref<128x128xf32, #tpu.memory_space<vmem_shared>>
        %dma_wait3A_221 = arith.constant 0 : i32
        %dma_wait3A_222 = tpu.memref_slice %arg14[%add3A_206, %dma_wait3A_221] : memref<10240x128xf32, #tpu.memory_space<vmem_shared>> -> memref<128x128xf32, #tpu.memory_space<vmem_shared>>
        tpu.wait_dma2 semaphore(%run_scoped3A_215 : memref<!tpu.dma_semaphore, #tpu.memory_space<semaphore_mem>>) src(%dma_wait3A_222 : memref<128x128xf32, #tpu.memory_space<vmem_shared>>) dst(%arg10 : memref<128x128xf32, #tpu.memory_space<vmem>>)
        tpu.yield
      }) : () -> ()
      %add3A_207 = arith.constant 384 : i32
      %add3A_208 = arith.addi %mul3A_2, %add3A_207 : i32
      %run_scoped3A_209 = arith.constant 1 : i32
      "tpu.region"() ({
        %run_scoped3A_215 = tpu.sem_alloc : memref<!tpu.dma_semaphore, #tpu.memory_space<semaphore_mem>>
        %dma_start3A_216 = arith.constant 0 : i32
        %dma_start3A_217 = tpu.memref_slice %arg4[%run_scoped3A_209, %add3A_208, %dma_start3A_216] : memref<2x10240x128xf32, #tpu.memory_space<hbm>> -> memref<1x128x128xf32, #tpu.memory_space<hbm>>
        %dma_start3A_218 = tpu.memref_squeeze %dma_start3A_217 : memref<1x128x128xf32, #tpu.memory_space<hbm>> -> memref<128x128xf32, #tpu.memory_space<hbm>>
        %dma_start3A_219 = arith.constant 0 : i32
        %dma_start3A_220 = tpu.memref_slice %arg4[%run_scoped3A_209, %add3A_208, %dma_start3A_219] : memref<2x10240x128xf32, #tpu.memory_space<hbm>> -> memref<1x128x128xf32, #tpu.memory_space<hbm>>
        %dma_start3A_221 = tpu.memref_squeeze %dma_start3A_220 : memref<1x128x128xf32, #tpu.memory_space<hbm>> -> memref<128x128xf32, #tpu.memory_space<hbm>>
        tpu.enqueue_dma source(%arg10 : memref<128x128xf32, #tpu.memory_space<vmem>>) target(%dma_start3A_221 : memref<128x128xf32, #tpu.memory_space<hbm>>) target_semaphore(%run_scoped3A_215 : memref<!tpu.dma_semaphore, #tpu.memory_space<semaphore_mem>>)
        %dma_wait3A = arith.constant 0 : i32
        %dma_wait3A_222 = tpu.memref_slice %arg4[%run_scoped3A_209, %add3A_208, %dma_wait3A] : memref<2x10240x128xf32, #tpu.memory_space<hbm>> -> memref<1x128x128xf32, #tpu.memory_space<hbm>>
        %dma_wait3A_223 = tpu.memref_squeeze %dma_wait3A_222 : memref<1x128x128xf32, #tpu.memory_space<hbm>> -> memref<128x128xf32, #tpu.memory_space<hbm>>
        %dma_wait3A_224 = arith.constant 0 : i32
        %dma_wait3A_225 = tpu.memref_slice %arg4[%run_scoped3A_209, %add3A_208, %dma_wait3A_224] : memref<2x10240x128xf32, #tpu.memory_space<hbm>> -> memref<1x128x128xf32, #tpu.memory_space<hbm>>
        %dma_wait3A_226 = tpu.memref_squeeze %dma_wait3A_225 : memref<1x128x128xf32, #tpu.memory_space<hbm>> -> memref<128x128xf32, #tpu.memory_space<hbm>>
        tpu.wait_dma2 semaphore(%run_scoped3A_215 : memref<!tpu.dma_semaphore, #tpu.memory_space<semaphore_mem>>) src(%arg10 : memref<128x128xf32, #tpu.memory_space<vmem>>) dst(%dma_wait3A_226 : memref<128x128xf32, #tpu.memory_space<hbm>>)
        tpu.yield
      }) : () -> ()
      %add3A_210 = arith.constant 512 : i32
      %add3A_211 = arith.addi %mul3A_2, %add3A_210 : i32
      "tpu.region"() ({
        %run_scoped3A_215 = tpu.sem_alloc : memref<!tpu.dma_semaphore, #tpu.memory_space<semaphore_mem>>
        %dma_start3A_216 = arith.constant 0 : i32
        %dma_start3A_217 = tpu.memref_slice %arg14[%add3A_211, %dma_start3A_216] : memref<10240x128xf32, #tpu.memory_space<vmem_shared>> -> memref<128x128xf32, #tpu.memory_space<vmem_shared>>
        %dma_start3A_218 = arith.constant 0 : i32
        %dma_start3A_219 = tpu.memref_slice %arg14[%add3A_211, %dma_start3A_218] : memref<10240x128xf32, #tpu.memory_space<vmem_shared>> -> memref<128x128xf32, #tpu.memory_space<vmem_shared>>
        tpu.enqueue_dma source(%dma_start3A_219 : memref<128x128xf32, #tpu.memory_space<vmem_shared>>) target(%arg10 : memref<128x128xf32, #tpu.memory_space<vmem>>) target_semaphore(%run_scoped3A_215 : memref<!tpu.dma_semaphore, #tpu.memory_space<semaphore_mem>>)
        %dma_wait3A = arith.constant 0 : i32
        %dma_wait3A_220 = tpu.memref_slice %arg14[%add3A_211, %dma_wait3A] : memref<10240x128xf32, #tpu.memory_space<vmem_shared>> -> memref<128x128xf32, #tpu.memory_space<vmem_shared>>
        %dma_wait3A_221 = arith.constant 0 : i32
        %dma_wait3A_222 = tpu.memref_slice %arg14[%add3A_211, %dma_wait3A_221] : memref<10240x128xf32, #tpu.memory_space<vmem_shared>> -> memref<128x128xf32, #tpu.memory_space<vmem_shared>>
        tpu.wait_dma2 semaphore(%run_scoped3A_215 : memref<!tpu.dma_semaphore, #tpu.memory_space<semaphore_mem>>) src(%dma_wait3A_222 : memref<128x128xf32, #tpu.memory_space<vmem_shared>>) dst(%arg10 : memref<128x128xf32, #tpu.memory_space<vmem>>)
        tpu.yield
      }) : () -> ()
      %add3A_212 = arith.constant 512 : i32
      %add3A_213 = arith.addi %mul3A_2, %add3A_212 : i32
      %run_scoped3A_214 = arith.constant 1 : i32
      "tpu.region"() ({
        %run_scoped3A_215 = tpu.sem_alloc : memref<!tpu.dma_semaphore, #tpu.memory_space<semaphore_mem>>
        %dma_start3A_216 = arith.constant 0 : i32
        %dma_start3A_217 = tpu.memref_slice %arg4[%run_scoped3A_214, %add3A_213, %dma_start3A_216] : memref<2x10240x128xf32, #tpu.memory_space<hbm>> -> memref<1x128x128xf32, #tpu.memory_space<hbm>>
        %dma_start3A_218 = tpu.memref_squeeze %dma_start3A_217 : memref<1x128x128xf32, #tpu.memory_space<hbm>> -> memref<128x128xf32, #tpu.memory_space<hbm>>
        %dma_start3A_219 = arith.constant 0 : i32
        %dma_start3A_220 = tpu.memref_slice %arg4[%run_scoped3A_214, %add3A_213, %dma_start3A_219] : memref<2x10240x128xf32, #tpu.memory_space<hbm>> -> memref<1x128x128xf32, #tpu.memory_space<hbm>>
        %dma_start3A_221 = tpu.memref_squeeze %dma_start3A_220 : memref<1x128x128xf32, #tpu.memory_space<hbm>> -> memref<128x128xf32, #tpu.memory_space<hbm>>
        tpu.enqueue_dma source(%arg10 : memref<128x128xf32, #tpu.memory_space<vmem>>) target(%dma_start3A_221 : memref<128x128xf32, #tpu.memory_space<hbm>>) target_semaphore(%run_scoped3A_215 : memref<!tpu.dma_semaphore, #tpu.memory_space<semaphore_mem>>)
        %dma_wait3A = arith.constant 0 : i32
        %dma_wait3A_222 = tpu.memref_slice %arg4[%run_scoped3A_214, %add3A_213, %dma_wait3A] : memref<2x10240x128xf32, #tpu.memory_space<hbm>> -> memref<1x128x128xf32, #tpu.memory_space<hbm>>
        %dma_wait3A_223 = tpu.memref_squeeze %dma_wait3A_222 : memref<1x128x128xf32, #tpu.memory_space<hbm>> -> memref<128x128xf32, #tpu.memory_space<hbm>>
        %dma_wait3A_224 = arith.constant 0 : i32
        %dma_wait3A_225 = tpu.memref_slice %arg4[%run_scoped3A_214, %add3A_213, %dma_wait3A_224] : memref<2x10240x128xf32, #tpu.memory_space<hbm>> -> memref<1x128x128xf32, #tpu.memory_space<hbm>>
        %dma_wait3A_226 = tpu.memref_squeeze %dma_wait3A_225 : memref<1x128x128xf32, #tpu.memory_space<hbm>> -> memref<128x128xf32, #tpu.memory_space<hbm>>
        tpu.wait_dma2 semaphore(%run_scoped3A_215 : memref<!tpu.dma_semaphore, #tpu.memory_space<semaphore_mem>>) src(%arg10 : memref<128x128xf32, #tpu.memory_space<vmem>>) dst(%dma_wait3A_226 : memref<128x128xf32, #tpu.memory_space<hbm>>)
        tpu.yield
      }) : () -> ()
    } else {
    }
    return
  }
}

#map = affine_map<(d0, d1) -> (0, 0)>
#map1 = affine_map<(d0, d1) -> (0, 0, 0)>
module attributes {stable_mosaic.version = 14 : i64} {
  func.func @_agg_body(%arg0: i32, %arg1: i32, %arg2: memref<2560x128xi32, #tpu.memory_space<hbm>>, %arg3: memref<10240x128xf32, #tpu.memory_space<hbm>>, %arg4: memref<2x10240x128xf32, #tpu.memory_space<hbm>>, %arg5: memref<80x128xi32, #tpu.memory_space<vmem>>, %arg6: memref<128xi32, #tpu.memory_space<vmem>>, %arg7: memref<128xi32, #tpu.memory_space<vmem>>, %arg8: memref<128xi32, #tpu.memory_space<vmem>>, %arg9: memref<128xi32, #tpu.memory_space<vmem>>, %arg10: memref<128x128xf32, #tpu.memory_space<vmem>>, %arg11: memref<128x128xf32, #tpu.memory_space<vmem>>, %arg12: memref<!tpu.dma_semaphore, #tpu.memory_space<semaphore_mem>>, %arg13: memref<!tpu.dma_semaphore, #tpu.memory_space<semaphore_mem>>, %arg14: memref<10240x128xf32, #tpu.memory_space<vmem_shared>>) attributes {dimension_semantics = [#tpu.dimension_semantics<core_parallel>, #tpu.dimension_semantics<subcore_parallel>], iteration_bounds = array<i64: 2, 16>, scalar_prefetch = 0 : i64, scratch_operands = 10 : i64, tpu.core_type = #tpu.core_type<sc_vector_subcore>, window_params = [{transform_indices = #map}, {transform_indices = #map}, {transform_indices = #map1}]} {
    %mul3A = arith.constant 16 : i32
    %mul3A_0 = arith.muli %arg0, %mul3A : i32
    %add3A = arith.addi %mul3A_0, %arg1 : i32
    %mul3A_1 = arith.constant 640 : i32
    %mul3A_2 = arith.muli %arg1, %mul3A_1 : i32
    %broadcast_in_dim3A = arith.constant 0.000000e+00 : f32
    %broadcast_in_dim3A_3 = vector.broadcast %broadcast_in_dim3A : f32 to vector<16xf32>
    %scan3A = arith.constant 0 : i32
    %scan3A_4 = arith.constant 1024 : i32
    %scan3A_5 = arith.addi %scan3A, %scan3A_4 : i32
    %scan3A_6 = arith.constant 1 : i32
    scf.for %scan3A_191 = %scan3A to %scan3A_5 step %scan3A_6  : i32 {
      %jit3A = arith.constant 8 : i32
      %div3A = arith.divsi %scan3A_191, %jit3A : i32
      %sign3A = arith.constant 0 : i32
      %sign3A_192 = arith.cmpi sgt, %scan3A_191, %sign3A : i32
      %sign3A_193 = arith.extui %sign3A_192 : i1 to i32
      %sign3A_194 = arith.constant 0 : i32
      %sign3A_195 = arith.cmpi slt, %scan3A_191, %sign3A_194 : i32
      %sign3A_196 = arith.extui %sign3A_195 : i1 to i32
      %sign3A_197 = arith.subi %sign3A_193, %sign3A_196 : i32
      %sign3A_198 = arith.constant 0 : i32
      %sign3A_199 = arith.cmpi sgt, %jit3A, %sign3A_198 : i32
      %sign3A_200 = arith.extui %sign3A_199 : i1 to i32
      %sign3A_201 = arith.constant 0 : i32
      %sign3A_202 = arith.cmpi slt, %jit3A, %sign3A_201 : i32
      %sign3A_203 = arith.extui %sign3A_202 : i1 to i32
      %sign3A_204 = arith.subi %sign3A_200, %sign3A_203 : i32
      %ne3A = arith.cmpi ne, %sign3A_197, %sign3A_204 : i32
      %rem3A = arith.remsi %scan3A_191, %jit3A : i32
      %ne3A_205 = arith.constant 0 : i32
      %ne3A_206 = arith.cmpi ne, %rem3A, %ne3A_205 : i32
      %and3A_207 = arith.andi %ne3A, %ne3A_206 : i1
      %sub3A = arith.constant 1 : i32
      %sub3A_208 = arith.subi %div3A, %sub3A : i32
      %select_n3A = arith.select %and3A_207, %sub3A_208, %div3A : i32
      %jit3A_209 = arith.constant 8 : i32
      %eq3A_210 = arith.constant 0 : i32
      %eq3A_211 = arith.cmpi eq, %jit3A_209, %eq3A_210 : i32
      %jit3A_212 = arith.constant 1 : i32
      %select_n3A_213 = arith.select %eq3A_211, %jit3A_212, %jit3A_209 : i32
      %rem3A_214 = arith.remsi %scan3A_191, %select_n3A_213 : i32
      %ne3A_215 = arith.constant 0 : i32
      %ne3A_216 = arith.cmpi ne, %rem3A_214, %ne3A_215 : i32
      %lt3A = arith.constant 0 : i32
      %lt3A_217 = arith.cmpi slt, %rem3A_214, %lt3A : i32
      %lt3A_218 = arith.constant 0 : i32
      %lt3A_219 = arith.cmpi slt, %select_n3A_213, %lt3A_218 : i32
      %ne3A_220 = arith.xori %lt3A_217, %lt3A_219 : i1
      %and3A_221 = arith.andi %ne3A_220, %ne3A_216 : i1
      %add3A_222 = arith.addi %rem3A_214, %select_n3A_213 : i32
      %select_n3A_223 = arith.select %and3A_221, %add3A_222, %rem3A_214 : i32
      %mul3A_224 = arith.constant 16 : i32
      %mul3A_225 = arith.muli %select_n3A_223, %mul3A_224 : i32
      %swap3A_226 = arith.index_cast %select_n3A : i32 to index
      %swap3A_227 = arith.index_cast %mul3A_225 : i32 to index
      %swap3A_228 = tpu.vector_load %arg10[%swap3A_226, %swap3A_227] {strides = array<i32>} : memref<128x128xf32, #tpu.memory_space<vmem>>, vector<1x16xf32>,
      %swap3A_229 = vector.shape_cast %swap3A_228 : vector<1x16xf32> to vector<16xf32>
      %swap3A_230 = vector.shape_cast %broadcast_in_dim3A_3 : vector<16xf32> to vector<1x16xf32>
      tpu.vector_store %arg10[%swap3A_226, %swap3A_227], %swap3A_230 {strides = array<i32>} : memref<128x128xf32, #tpu.memory_space<vmem>>, vector<1x16xf32>,
    }
    %scan3A_7 = arith.constant 1024 : i32
    %add3A_8 = arith.constant 0 : i32
    %add3A_9 = arith.addi %mul3A_2, %add3A_8 : i32
    "tpu.region"() ({
      %run_scoped3A = tpu.sem_alloc : memref<!tpu.dma_semaphore, #tpu.memory_space<semaphore_mem>>
      %dma_start3A_191 = arith.constant 0 : i32
      %dma_start3A_192 = tpu.memref_slice %arg14[%add3A_9, %dma_start3A_191] : memref<10240x128xf32, #tpu.memory_space<vmem_shared>> -> memref<128x128xf32, #tpu.memory_space<vmem_shared>>
      %dma_start3A_193 = arith.constant 0 : i32
      %dma_start3A_194 = tpu.memref_slice %arg14[%add3A_9, %dma_start3A_193] : memref<10240x128xf32, #tpu.memory_space<vmem_shared>> -> memref<128x128xf32, #tpu.memory_space<vmem_shared>>
      tpu.enqueue_dma source(%arg10 : memref<128x128xf32, #tpu.memory_space<vmem>>) target(%dma_start3A_194 : memref<128x128xf32, #tpu.memory_space<vmem_shared>>) target_semaphore(%run_scoped3A : memref<!tpu.dma_semaphore, #tpu.memory_space<semaphore_mem>>)
      %dma_wait3A = arith.constant 0 : i32
      %dma_wait3A_195 = tpu.memref_slice %arg14[%add3A_9, %dma_wait3A] : memref<10240x128xf32, #tpu.memory_space<vmem_shared>> -> memref<128x128xf32, #tpu.memory_space<vmem_shared>>
      %dma_wait3A_196 = arith.constant 0 : i32
      %dma_wait3A_197 = tpu.memref_slice %arg14[%add3A_9, %dma_wait3A_196] : memref<10240x128xf32, #tpu.memory_space<vmem_shared>> -> memref<128x128xf32, #tpu.memory_space<vmem_shared>>
      tpu.wait_dma2 semaphore(%run_scoped3A : memref<!tpu.dma_semaphore, #tpu.memory_space<semaphore_mem>>) src(%arg10 : memref<128x128xf32, #tpu.memory_space<vmem>>) dst(%dma_wait3A_197 : memref<128x128xf32, #tpu.memory_space<vmem_shared>>)
      tpu.yield
    }) : () -> ()
    %add3A_10 = arith.constant 128 : i32
    %add3A_11 = arith.addi %mul3A_2, %add3A_10 : i32
    "tpu.region"() ({
      %run_scoped3A = tpu.sem_alloc : memref<!tpu.dma_semaphore, #tpu.memory_space<semaphore_mem>>
      %dma_start3A_191 = arith.constant 0 : i32
      %dma_start3A_192 = tpu.memref_slice %arg14[%add3A_11, %dma_start3A_191] : memref<10240x128xf32, #tpu.memory_space<vmem_shared>> -> memref<128x128xf32, #tpu.memory_space<vmem_shared>>
      %dma_start3A_193 = arith.constant 0 : i32
      %dma_start3A_194 = tpu.memref_slice %arg14[%add3A_11, %dma_start3A_193] : memref<10240x128xf32, #tpu.memory_space<vmem_shared>> -> memref<128x128xf32, #tpu.memory_space<vmem_shared>>
      tpu.enqueue_dma source(%arg10 : memref<128x128xf32, #tpu.memory_space<vmem>>) target(%dma_start3A_194 : memref<128x128xf32, #tpu.memory_space<vmem_shared>>) target_semaphore(%run_scoped3A : memref<!tpu.dma_semaphore, #tpu.memory_space<semaphore_mem>>)
      %dma_wait3A = arith.constant 0 : i32
      %dma_wait3A_195 = tpu.memref_slice %arg14[%add3A_11, %dma_wait3A] : memref<10240x128xf32, #tpu.memory_space<vmem_shared>> -> memref<128x128xf32, #tpu.memory_space<vmem_shared>>
      %dma_wait3A_196 = arith.constant 0 : i32
      %dma_wait3A_197 = tpu.memref_slice %arg14[%add3A_11, %dma_wait3A_196] : memref<10240x128xf32, #tpu.memory_space<vmem_shared>> -> memref<128x128xf32, #tpu.memory_space<vmem_shared>>
      tpu.wait_dma2 semaphore(%run_scoped3A : memref<!tpu.dma_semaphore, #tpu.memory_space<semaphore_mem>>) src(%arg10 : memref<128x128xf32, #tpu.memory_space<vmem>>) dst(%dma_wait3A_197 : memref<128x128xf32, #tpu.memory_space<vmem_shared>>)
      tpu.yield
    }) : () -> ()
    %add3A_12 = arith.constant 256 : i32
    %add3A_13 = arith.addi %mul3A_2, %add3A_12 : i32
    "tpu.region"() ({
      %run_scoped3A = tpu.sem_alloc : memref<!tpu.dma_semaphore, #tpu.memory_space<semaphore_mem>>
      %dma_start3A_191 = arith.constant 0 : i32
      %dma_start3A_192 = tpu.memref_slice %arg14[%add3A_13, %dma_start3A_191] : memref<10240x128xf32, #tpu.memory_space<vmem_shared>> -> memref<128x128xf32, #tpu.memory_space<vmem_shared>>
      %dma_start3A_193 = arith.constant 0 : i32
      %dma_start3A_194 = tpu.memref_slice %arg14[%add3A_13, %dma_start3A_193] : memref<10240x128xf32, #tpu.memory_space<vmem_shared>> -> memref<128x128xf32, #tpu.memory_space<vmem_shared>>
      tpu.enqueue_dma source(%arg10 : memref<128x128xf32, #tpu.memory_space<vmem>>) target(%dma_start3A_194 : memref<128x128xf32, #tpu.memory_space<vmem_shared>>) target_semaphore(%run_scoped3A : memref<!tpu.dma_semaphore, #tpu.memory_space<semaphore_mem>>)
      %dma_wait3A = arith.constant 0 : i32
      %dma_wait3A_195 = tpu.memref_slice %arg14[%add3A_13, %dma_wait3A] : memref<10240x128xf32, #tpu.memory_space<vmem_shared>> -> memref<128x128xf32, #tpu.memory_space<vmem_shared>>
      %dma_wait3A_196 = arith.constant 0 : i32
      %dma_wait3A_197 = tpu.memref_slice %arg14[%add3A_13, %dma_wait3A_196] : memref<10240x128xf32, #tpu.memory_space<vmem_shared>> -> memref<128x128xf32, #tpu.memory_space<vmem_shared>>
      tpu.wait_dma2 semaphore(%run_scoped3A : memref<!tpu.dma_semaphore, #tpu.memory_space<semaphore_mem>>) src(%arg10 : memref<128x128xf32, #tpu.memory_space<vmem>>) dst(%dma_wait3A_197 : memref<128x128xf32, #tpu.memory_space<vmem_shared>>)
      tpu.yield
    }) : () -> ()
    %add3A_14 = arith.constant 384 : i32
    %add3A_15 = arith.addi %mul3A_2, %add3A_14 : i32
    "tpu.region"() ({
      %run_scoped3A = tpu.sem_alloc : memref<!tpu.dma_semaphore, #tpu.memory_space<semaphore_mem>>
      %dma_start3A_191 = arith.constant 0 : i32
      %dma_start3A_192 = tpu.memref_slice %arg14[%add3A_15, %dma_start3A_191] : memref<10240x128xf32, #tpu.memory_space<vmem_shared>> -> memref<128x128xf32, #tpu.memory_space<vmem_shared>>
      %dma_start3A_193 = arith.constant 0 : i32
      %dma_start3A_194 = tpu.memref_slice %arg14[%add3A_15, %dma_start3A_193] : memref<10240x128xf32, #tpu.memory_space<vmem_shared>> -> memref<128x128xf32, #tpu.memory_space<vmem_shared>>
      tpu.enqueue_dma source(%arg10 : memref<128x128xf32, #tpu.memory_space<vmem>>) target(%dma_start3A_194 : memref<128x128xf32, #tpu.memory_space<vmem_shared>>) target_semaphore(%run_scoped3A : memref<!tpu.dma_semaphore, #tpu.memory_space<semaphore_mem>>)
      %dma_wait3A = arith.constant 0 : i32
      %dma_wait3A_195 = tpu.memref_slice %arg14[%add3A_15, %dma_wait3A] : memref<10240x128xf32, #tpu.memory_space<vmem_shared>> -> memref<128x128xf32, #tpu.memory_space<vmem_shared>>
      %dma_wait3A_196 = arith.constant 0 : i32
      %dma_wait3A_197 = tpu.memref_slice %arg14[%add3A_15, %dma_wait3A_196] : memref<10240x128xf32, #tpu.memory_space<vmem_shared>> -> memref<128x128xf32, #tpu.memory_space<vmem_shared>>
      tpu.wait_dma2 semaphore(%run_scoped3A : memref<!tpu.dma_semaphore, #tpu.memory_space<semaphore_mem>>) src(%arg10 : memref<128x128xf32, #tpu.memory_space<vmem>>) dst(%dma_wait3A_197 : memref<128x128xf32, #tpu.memory_space<vmem_shared>>)
      tpu.yield
    }) : () -> ()
    %add3A_16 = arith.constant 512 : i32
    %add3A_17 = arith.addi %mul3A_2, %add3A_16 : i32
    "tpu.region"() ({
      %run_scoped3A = tpu.sem_alloc : memref<!tpu.dma_semaphore, #tpu.memory_space<semaphore_mem>>
      %dma_start3A_191 = arith.constant 0 : i32
      %dma_start3A_192 = tpu.memref_slice %arg14[%add3A_17, %dma_start3A_191] : memref<10240x128xf32, #tpu.memory_space<vmem_shared>> -> memref<128x128xf32, #tpu.memory_space<vmem_shared>>
      %dma_start3A_193 = arith.constant 0 : i32
      %dma_start3A_194 = tpu.memref_slice %arg14[%add3A_17, %dma_start3A_193] : memref<10240x128xf32, #tpu.memory_space<vmem_shared>> -> memref<128x128xf32, #tpu.memory_space<vmem_shared>>
      tpu.enqueue_dma source(%arg10 : memref<128x128xf32, #tpu.memory_space<vmem>>) target(%dma_start3A_194 : memref<128x128xf32, #tpu.memory_space<vmem_shared>>) target_semaphore(%run_scoped3A : memref<!tpu.dma_semaphore, #tpu.memory_space<semaphore_mem>>)
      %dma_wait3A = arith.constant 0 : i32
      %dma_wait3A_195 = tpu.memref_slice %arg14[%add3A_17, %dma_wait3A] : memref<10240x128xf32, #tpu.memory_space<vmem_shared>> -> memref<128x128xf32, #tpu.memory_space<vmem_shared>>
      %dma_wait3A_196 = arith.constant 0 : i32
      %dma_wait3A_197 = tpu.memref_slice %arg14[%add3A_17, %dma_wait3A_196] : memref<10240x128xf32, #tpu.memory_space<vmem_shared>> -> memref<128x128xf32, #tpu.memory_space<vmem_shared>>
      tpu.wait_dma2 semaphore(%run_scoped3A : memref<!tpu.dma_semaphore, #tpu.memory_space<semaphore_mem>>) src(%arg10 : memref<128x128xf32, #tpu.memory_space<vmem>>) dst(%dma_wait3A_197 : memref<128x128xf32, #tpu.memory_space<vmem_shared>>)
      tpu.yield
    }) : () -> ()
    %barrier3A = arith.constant 0 : index
    tpu.barrier barrier_id(%barrier3A)
    %mul3A_18 = arith.constant 80 : i32
    %mul3A_19 = arith.muli %add3A, %mul3A_18 : i32
    "tpu.region"() ({
      %run_scoped3A = tpu.sem_alloc : memref<!tpu.dma_semaphore, #tpu.memory_space<semaphore_mem>>
      %dma_start3A_191 = arith.constant 0 : i32
      %dma_start3A_192 = tpu.memref_slice %arg2[%mul3A_19, %dma_start3A_191] : memref<2560x128xi32, #tpu.memory_space<hbm>> -> memref<80x128xi32, #tpu.memory_space<hbm>>
      %dma_start3A_193 = arith.constant 0 : i32
      %dma_start3A_194 = tpu.memref_slice %arg2[%mul3A_19, %dma_start3A_193] : memref<2560x128xi32, #tpu.memory_space<hbm>> -> memref<80x128xi32, #tpu.memory_space<hbm>>
      tpu.enqueue_dma source(%dma_start3A_194 : memref<80x128xi32, #tpu.memory_space<hbm>>) target(%arg5 : memref<80x128xi32, #tpu.memory_space<vmem>>) target_semaphore(%run_scoped3A : memref<!tpu.dma_semaphore, #tpu.memory_space<semaphore_mem>>)
      %dma_wait3A = arith.constant 0 : i32
      %dma_wait3A_195 = tpu.memref_slice %arg2[%mul3A_19, %dma_wait3A] : memref<2560x128xi32, #tpu.memory_space<hbm>> -> memref<80x128xi32, #tpu.memory_space<hbm>>
      %dma_wait3A_196 = arith.constant 0 : i32
      %dma_wait3A_197 = tpu.memref_slice %arg2[%mul3A_19, %dma_wait3A_196] : memref<2560x128xi32, #tpu.memory_space<hbm>> -> memref<80x128xi32, #tpu.memory_space<hbm>>
      tpu.wait_dma2 semaphore(%run_scoped3A : memref<!tpu.dma_semaphore, #tpu.memory_space<semaphore_mem>>) src(%dma_wait3A_197 : memref<80x128xi32, #tpu.memory_space<hbm>>) dst(%arg5 : memref<80x128xi32, #tpu.memory_space<vmem>>)
      tpu.yield
    }) : () -> ()
    %get3A = arith.constant 0 : i32
    %get3A_20 = arith.constant 0 : i32
    %get3A_21 = tpu.memref_slice %arg5[%get3A, %get3A_20] : memref<80x128xi32, #tpu.memory_space<vmem>> -> memref<1x128xi32, #tpu.memory_space<vmem>>
    %get3A_22 = tpu.memref_squeeze %get3A_21 : memref<1x128xi32, #tpu.memory_space<vmem>> -> memref<128xi32, #tpu.memory_space<vmem>>
    %get3A_23 = arith.constant 0 : index
    %get3A_24 = tpu.vector_load %get3A_22[%get3A_23] {strides = array<i32>} : memref<128xi32, #tpu.memory_space<vmem>>, vector<16xi32>,
    %and3A = arith.constant 16383 : i32
    %and3A_25 = vector.broadcast %and3A : i32 to vector<16xi32>
    %and3A_26 = arith.andi %get3A_24, %and3A_25 : vector<16xi32>
    %swap3A = arith.constant 0 : index
    %swap3A_27 = tpu.vector_load %arg6[%swap3A] {strides = array<i32>} : memref<128xi32, #tpu.memory_space<vmem>>, vector<16xi32>,
    %swap3A_28 = vector.shape_cast %swap3A_27 : vector<16xi32> to vector<16xi32>
    %swap3A_29 = vector.shape_cast %and3A_26 : vector<16xi32> to vector<16xi32>
    tpu.vector_store %arg6[%swap3A], %swap3A_29 {strides = array<i32>} : memref<128xi32, #tpu.memory_space<vmem>>, vector<16xi32>,
    %shift_right_logical3A = arith.constant 14 : i32
    %shift_right_logical3A_30 = vector.broadcast %shift_right_logical3A : i32 to vector<16xi32>
    %shift_right_logical3A_31 = arith.shrui %get3A_24, %shift_right_logical3A_30 : vector<16xi32>
    %swap3A_32 = arith.constant 0 : index
    %swap3A_33 = tpu.vector_load %arg7[%swap3A_32] {strides = array<i32>} : memref<128xi32, #tpu.memory_space<vmem>>, vector<16xi32>,
    %swap3A_34 = vector.shape_cast %swap3A_33 : vector<16xi32> to vector<16xi32>
    %swap3A_35 = vector.shape_cast %shift_right_logical3A_31 : vector<16xi32> to vector<16xi32>
    tpu.vector_store %arg7[%swap3A_32], %swap3A_35 {strides = array<i32>} : memref<128xi32, #tpu.memory_space<vmem>>, vector<16xi32>,
    %get3A_36 = arith.constant 0 : i32
    %get3A_37 = arith.constant 0 : i32
    %get3A_38 = tpu.memref_slice %arg5[%get3A_36, %get3A_37] : memref<80x128xi32, #tpu.memory_space<vmem>> -> memref<1x128xi32, #tpu.memory_space<vmem>>
    %get3A_39 = tpu.memref_squeeze %get3A_38 : memref<1x128xi32, #tpu.memory_space<vmem>> -> memref<128xi32, #tpu.memory_space<vmem>>
    %get3A_40 = arith.constant 16 : index
    %get3A_41 = tpu.vector_load %get3A_39[%get3A_40] {strides = array<i32>} : memref<128xi32, #tpu.memory_space<vmem>>, vector<16xi32>,
    %and3A_42 = arith.constant 16383 : i32
    %and3A_43 = vector.broadcast %and3A_42 : i32 to vector<16xi32>
    %and3A_44 = arith.andi %get3A_41, %and3A_43 : vector<16xi32>
    %swap3A_45 = arith.constant 16 : index
    %swap3A_46 = tpu.vector_load %arg6[%swap3A_45] {strides = array<i32>} : memref<128xi32, #tpu.memory_space<vmem>>, vector<16xi32>,
    %swap3A_47 = vector.shape_cast %swap3A_46 : vector<16xi32> to vector<16xi32>
    %swap3A_48 = vector.shape_cast %and3A_44 : vector<16xi32> to vector<16xi32>
    tpu.vector_store %arg6[%swap3A_45], %swap3A_48 {strides = array<i32>} : memref<128xi32, #tpu.memory_space<vmem>>, vector<16xi32>,
    %shift_right_logical3A_49 = arith.constant 14 : i32
    %shift_right_logical3A_50 = vector.broadcast %shift_right_logical3A_49 : i32 to vector<16xi32>
    %shift_right_logical3A_51 = arith.shrui %get3A_41, %shift_right_logical3A_50 : vector<16xi32>
    %swap3A_52 = arith.constant 16 : index
    %swap3A_53 = tpu.vector_load %arg7[%swap3A_52] {strides = array<i32>} : memref<128xi32, #tpu.memory_space<vmem>>, vector<16xi32>,
    %swap3A_54 = vector.shape_cast %swap3A_53 : vector<16xi32> to vector<16xi32>
    %swap3A_55 = vector.shape_cast %shift_right_logical3A_51 : vector<16xi32> to vector<16xi32>
    tpu.vector_store %arg7[%swap3A_52], %swap3A_55 {strides = array<i32>} : memref<128xi32, #tpu.memory_space<vmem>>, vector<16xi32>,
    %get3A_56 = arith.constant 0 : i32
    %get3A_57 = arith.constant 0 : i32
    %get3A_58 = tpu.memref_slice %arg5[%get3A_56, %get3A_57] : memref<80x128xi32, #tpu.memory_space<vmem>> -> memref<1x128xi32, #tpu.memory_space<vmem>>
    %get3A_59 = tpu.memref_squeeze %get3A_58 : memref<1x128xi32, #tpu.memory_space<vmem>> -> memref<128xi32, #tpu.memory_space<vmem>>
    %get3A_60 = arith.constant 32 : index
    %get3A_61 = tpu.vector_load %get3A_59[%get3A_60] {strides = array<i32>} : memref<128xi32, #tpu.memory_space<vmem>>, vector<16xi32>,
    %and3A_62 = arith.constant 16383 : i32
    %and3A_63 = vector.broadcast %and3A_62 : i32 to vector<16xi32>
    %and3A_64 = arith.andi %get3A_61, %and3A_63 : vector<16xi32>
    %swap3A_65 = arith.constant 32 : index
    %swap3A_66 = tpu.vector_load %arg6[%swap3A_65] {strides = array<i32>} : memref<128xi32, #tpu.memory_space<vmem>>, vector<16xi32>,
    %swap3A_67 = vector.shape_cast %swap3A_66 : vector<16xi32> to vector<16xi32>
    %swap3A_68 = vector.shape_cast %and3A_64 : vector<16xi32> to vector<16xi32>
    tpu.vector_store %arg6[%swap3A_65], %swap3A_68 {strides = array<i32>} : memref<128xi32, #tpu.memory_space<vmem>>, vector<16xi32>,
    %shift_right_logical3A_69 = arith.constant 14 : i32
    %shift_right_logical3A_70 = vector.broadcast %shift_right_logical3A_69 : i32 to vector<16xi32>
    %shift_right_logical3A_71 = arith.shrui %get3A_61, %shift_right_logical3A_70 : vector<16xi32>
    %swap3A_72 = arith.constant 32 : index
    %swap3A_73 = tpu.vector_load %arg7[%swap3A_72] {strides = array<i32>} : memref<128xi32, #tpu.memory_space<vmem>>, vector<16xi32>,
    %swap3A_74 = vector.shape_cast %swap3A_73 : vector<16xi32> to vector<16xi32>
    %swap3A_75 = vector.shape_cast %shift_right_logical3A_71 : vector<16xi32> to vector<16xi32>
    tpu.vector_store %arg7[%swap3A_72], %swap3A_75 {strides = array<i32>} : memref<128xi32, #tpu.memory_space<vmem>>, vector<16xi32>,
    %get3A_76 = arith.constant 0 : i32
    %get3A_77 = arith.constant 0 : i32
    %get3A_78 = tpu.memref_slice %arg5[%get3A_76, %get3A_77] : memref<80x128xi32, #tpu.memory_space<vmem>> -> memref<1x128xi32, #tpu.memory_space<vmem>>
    %get3A_79 = tpu.memref_squeeze %get3A_78 : memref<1x128xi32, #tpu.memory_space<vmem>> -> memref<128xi32, #tpu.memory_space<vmem>>
    %get3A_80 = arith.constant 48 : index
    %get3A_81 = tpu.vector_load %get3A_79[%get3A_80] {strides = array<i32>} : memref<128xi32, #tpu.memory_space<vmem>>, vector<16xi32>,
    %and3A_82 = arith.constant 16383 : i32
    %and3A_83 = vector.broadcast %and3A_82 : i32 to vector<16xi32>
    %and3A_84 = arith.andi %get3A_81, %and3A_83 : vector<16xi32>
    %swap3A_85 = arith.constant 48 : index
    %swap3A_86 = tpu.vector_load %arg6[%swap3A_85] {strides = array<i32>} : memref<128xi32, #tpu.memory_space<vmem>>, vector<16xi32>,
    %swap3A_87 = vector.shape_cast %swap3A_86 : vector<16xi32> to vector<16xi32>
    %swap3A_88 = vector.shape_cast %and3A_84 : vector<16xi32> to vector<16xi32>
    tpu.vector_store %arg6[%swap3A_85], %swap3A_88 {strides = array<i32>} : memref<128xi32, #tpu.memory_space<vmem>>, vector<16xi32>,
    %shift_right_logical3A_89 = arith.constant 14 : i32
    %shift_right_logical3A_90 = vector.broadcast %shift_right_logical3A_89 : i32 to vector<16xi32>
    %shift_right_logical3A_91 = arith.shrui %get3A_81, %shift_right_logical3A_90 : vector<16xi32>
    %swap3A_92 = arith.constant 48 : index
    %swap3A_93 = tpu.vector_load %arg7[%swap3A_92] {strides = array<i32>} : memref<128xi32, #tpu.memory_space<vmem>>, vector<16xi32>,
    %swap3A_94 = vector.shape_cast %swap3A_93 : vector<16xi32> to vector<16xi32>
    %swap3A_95 = vector.shape_cast %shift_right_logical3A_91 : vector<16xi32> to vector<16xi32>
    tpu.vector_store %arg7[%swap3A_92], %swap3A_95 {strides = array<i32>} : memref<128xi32, #tpu.memory_space<vmem>>, vector<16xi32>,
    %get3A_96 = arith.constant 0 : i32
    %get3A_97 = arith.constant 0 : i32
    %get3A_98 = tpu.memref_slice %arg5[%get3A_96, %get3A_97] : memref<80x128xi32, #tpu.memory_space<vmem>> -> memref<1x128xi32, #tpu.memory_space<vmem>>
    %get3A_99 = tpu.memref_squeeze %get3A_98 : memref<1x128xi32, #tpu.memory_space<vmem>> -> memref<128xi32, #tpu.memory_space<vmem>>
    %get3A_100 = arith.constant 64 : index
    %get3A_101 = tpu.vector_load %get3A_99[%get3A_100] {strides = array<i32>} : memref<128xi32, #tpu.memory_space<vmem>>, vector<16xi32>,
    %and3A_102 = arith.constant 16383 : i32
    %and3A_103 = vector.broadcast %and3A_102 : i32 to vector<16xi32>
    %and3A_104 = arith.andi %get3A_101, %and3A_103 : vector<16xi32>
    %swap3A_105 = arith.constant 64 : index
    %swap3A_106 = tpu.vector_load %arg6[%swap3A_105] {strides = array<i32>} : memref<128xi32, #tpu.memory_space<vmem>>, vector<16xi32>,
    %swap3A_107 = vector.shape_cast %swap3A_106 : vector<16xi32> to vector<16xi32>
    %swap3A_108 = vector.shape_cast %and3A_104 : vector<16xi32> to vector<16xi32>
    tpu.vector_store %arg6[%swap3A_105], %swap3A_108 {strides = array<i32>} : memref<128xi32, #tpu.memory_space<vmem>>, vector<16xi32>,
    %shift_right_logical3A_109 = arith.constant 14 : i32
    %shift_right_logical3A_110 = vector.broadcast %shift_right_logical3A_109 : i32 to vector<16xi32>
    %shift_right_logical3A_111 = arith.shrui %get3A_101, %shift_right_logical3A_110 : vector<16xi32>
    %swap3A_112 = arith.constant 64 : index
    %swap3A_113 = tpu.vector_load %arg7[%swap3A_112] {strides = array<i32>} : memref<128xi32, #tpu.memory_space<vmem>>, vector<16xi32>,
    %swap3A_114 = vector.shape_cast %swap3A_113 : vector<16xi32> to vector<16xi32>
    %swap3A_115 = vector.shape_cast %shift_right_logical3A_111 : vector<16xi32> to vector<16xi32>
    tpu.vector_store %arg7[%swap3A_112], %swap3A_115 {strides = array<i32>} : memref<128xi32, #tpu.memory_space<vmem>>, vector<16xi32>,
    %get3A_116 = arith.constant 0 : i32
    %get3A_117 = arith.constant 0 : i32
    %get3A_118 = tpu.memref_slice %arg5[%get3A_116, %get3A_117] : memref<80x128xi32, #tpu.memory_space<vmem>> -> memref<1x128xi32, #tpu.memory_space<vmem>>
    %get3A_119 = tpu.memref_squeeze %get3A_118 : memref<1x128xi32, #tpu.memory_space<vmem>> -> memref<128xi32, #tpu.memory_space<vmem>>
    %get3A_120 = arith.constant 80 : index
    %get3A_121 = tpu.vector_load %get3A_119[%get3A_120] {strides = array<i32>} : memref<128xi32, #tpu.memory_space<vmem>>, vector<16xi32>,
    %and3A_122 = arith.constant 16383 : i32
    %and3A_123 = vector.broadcast %and3A_122 : i32 to vector<16xi32>
    %and3A_124 = arith.andi %get3A_121, %and3A_123 : vector<16xi32>
    %swap3A_125 = arith.constant 80 : index
    %swap3A_126 = tpu.vector_load %arg6[%swap3A_125] {strides = array<i32>} : memref<128xi32, #tpu.memory_space<vmem>>, vector<16xi32>,
    %swap3A_127 = vector.shape_cast %swap3A_126 : vector<16xi32> to vector<16xi32>
    %swap3A_128 = vector.shape_cast %and3A_124 : vector<16xi32> to vector<16xi32>
    tpu.vector_store %arg6[%swap3A_125], %swap3A_128 {strides = array<i32>} : memref<128xi32, #tpu.memory_space<vmem>>, vector<16xi32>,
    %shift_right_logical3A_129 = arith.constant 14 : i32
    %shift_right_logical3A_130 = vector.broadcast %shift_right_logical3A_129 : i32 to vector<16xi32>
    %shift_right_logical3A_131 = arith.shrui %get3A_121, %shift_right_logical3A_130 : vector<16xi32>
    %swap3A_132 = arith.constant 80 : index
    %swap3A_133 = tpu.vector_load %arg7[%swap3A_132] {strides = array<i32>} : memref<128xi32, #tpu.memory_space<vmem>>, vector<16xi32>,
    %swap3A_134 = vector.shape_cast %swap3A_133 : vector<16xi32> to vector<16xi32>
    %swap3A_135 = vector.shape_cast %shift_right_logical3A_131 : vector<16xi32> to vector<16xi32>
    tpu.vector_store %arg7[%swap3A_132], %swap3A_135 {strides = array<i32>} : memref<128xi32, #tpu.memory_space<vmem>>, vector<16xi32>,
    %get3A_136 = arith.constant 0 : i32
    %get3A_137 = arith.constant 0 : i32
    %get3A_138 = tpu.memref_slice %arg5[%get3A_136, %get3A_137] : memref<80x128xi32, #tpu.memory_space<vmem>> -> memref<1x128xi32, #tpu.memory_space<vmem>>
    %get3A_139 = tpu.memref_squeeze %get3A_138 : memref<1x128xi32, #tpu.memory_space<vmem>> -> memref<128xi32, #tpu.memory_space<vmem>>
    %get3A_140 = arith.constant 96 : index
    %get3A_141 = tpu.vector_load %get3A_139[%get3A_140] {strides = array<i32>} : memref<128xi32, #tpu.memory_space<vmem>>, vector<16xi32>,
    %and3A_142 = arith.constant 16383 : i32
    %and3A_143 = vector.broadcast %and3A_142 : i32 to vector<16xi32>
    %and3A_144 = arith.andi %get3A_141, %and3A_143 : vector<16xi32>
    %swap3A_145 = arith.constant 96 : index
    %swap3A_146 = tpu.vector_load %arg6[%swap3A_145] {strides = array<i32>} : memref<128xi32, #tpu.memory_space<vmem>>, vector<16xi32>,
    %swap3A_147 = vector.shape_cast %swap3A_146 : vector<16xi32> to vector<16xi32>
    %swap3A_148 = vector.shape_cast %and3A_144 : vector<16xi32> to vector<16xi32>
    tpu.vector_store %arg6[%swap3A_145], %swap3A_148 {strides = array<i32>} : memref<128xi32, #tpu.memory_space<vmem>>, vector<16xi32>,
    %shift_right_logical3A_149 = arith.constant 14 : i32
    %shift_right_logical3A_150 = vector.broadcast %shift_right_logical3A_149 : i32 to vector<16xi32>
    %shift_right_logical3A_151 = arith.shrui %get3A_141, %shift_right_logical3A_150 : vector<16xi32>
    %swap3A_152 = arith.constant 96 : index
    %swap3A_153 = tpu.vector_load %arg7[%swap3A_152] {strides = array<i32>} : memref<128xi32, #tpu.memory_space<vmem>>, vector<16xi32>,
    %swap3A_154 = vector.shape_cast %swap3A_153 : vector<16xi32> to vector<16xi32>
    %swap3A_155 = vector.shape_cast %shift_right_logical3A_151 : vector<16xi32> to vector<16xi32>
    tpu.vector_store %arg7[%swap3A_152], %swap3A_155 {strides = array<i32>} : memref<128xi32, #tpu.memory_space<vmem>>, vector<16xi32>,
    %get3A_156 = arith.constant 0 : i32
    %get3A_157 = arith.constant 0 : i32
    %get3A_158 = tpu.memref_slice %arg5[%get3A_156, %get3A_157] : memref<80x128xi32, #tpu.memory_space<vmem>> -> memref<1x128xi32, #tpu.memory_space<vmem>>
    %get3A_159 = tpu.memref_squeeze %get3A_158 : memref<1x128xi32, #tpu.memory_space<vmem>> -> memref<128xi32, #tpu.memory_space<vmem>>
    %get3A_160 = arith.constant 112 : index
    %get3A_161 = tpu.vector_load %get3A_159[%get3A_160] {strides = array<i32>} : memref<128xi32, #tpu.memory_space<vmem>>, vector<16xi32>,
    %and3A_162 = arith.constant 16383 : i32
    %and3A_163 = vector.broadcast %and3A_162 : i32 to vector<16xi32>
    %and3A_164 = arith.andi %get3A_161, %and3A_163 : vector<16xi32>
    %swap3A_165 = arith.constant 112 : index
    %swap3A_166 = tpu.vector_load %arg6[%swap3A_165] {strides = array<i32>} : memref<128xi32, #tpu.memory_space<vmem>>, vector<16xi32>,
    %swap3A_167 = vector.shape_cast %swap3A_166 : vector<16xi32> to vector<16xi32>
    %swap3A_168 = vector.shape_cast %and3A_164 : vector<16xi32> to vector<16xi32>
    tpu.vector_store %arg6[%swap3A_165], %swap3A_168 {strides = array<i32>} : memref<128xi32, #tpu.memory_space<vmem>>, vector<16xi32>,
    %shift_right_logical3A_169 = arith.constant 14 : i32
    %shift_right_logical3A_170 = vector.broadcast %shift_right_logical3A_169 : i32 to vector<16xi32>
    %shift_right_logical3A_171 = arith.shrui %get3A_161, %shift_right_logical3A_170 : vector<16xi32>
    %swap3A_172 = arith.constant 112 : index
    %swap3A_173 = tpu.vector_load %arg7[%swap3A_172] {strides = array<i32>} : memref<128xi32, #tpu.memory_space<vmem>>, vector<16xi32>,
    %swap3A_174 = vector.shape_cast %swap3A_173 : vector<16xi32> to vector<16xi32>
    %swap3A_175 = vector.shape_cast %shift_right_logical3A_171 : vector<16xi32> to vector<16xi32>
    tpu.vector_store %arg7[%swap3A_172], %swap3A_175 {strides = array<i32>} : memref<128xi32, #tpu.memory_space<vmem>>, vector<16xi32>,
    %dma_start3A = arith.constant 0 : i32
    %dma_start3A_176 = arith.constant 0 : i32
    %dma_start3A_177 = tpu.memref_slice %arg3[%dma_start3A, %dma_start3A_176] : memref<10240x128xf32, #tpu.memory_space<hbm>> -> memref<10240x128xf32, #tpu.memory_space<hbm>>
    tpu.enqueue_indirect_dma source(%dma_start3A_177 : memref<10240x128xf32, #tpu.memory_space<hbm>>) target(%arg10 : memref<128x128xf32, #tpu.memory_space<vmem>>) offsets(%arg6 : memref<128xi32, #tpu.memory_space<vmem>>) semaphore(%arg12 : memref<!tpu.dma_semaphore, #tpu.memory_space<semaphore_mem>>)
    %scan3A_178 = arith.constant 0 : i32
    %scan3A_179 = arith.constant 40 : i32
    %scan3A_180 = arith.addi %scan3A_178, %scan3A_179 : i32
    %scan3A_181 = arith.constant 1 : i32
    scf.for %scan3A_191 = %scan3A_178 to %scan3A_180 step %scan3A_181  : i32 {
      %mul3A_192 = arith.constant 2 : i32
      %mul3A_193 = arith.muli %scan3A_191, %mul3A_192 : i32
      %add3A_194 = arith.constant 1 : i32
      %add3A_195 = arith.addi %mul3A_193, %add3A_194 : i32
      %get3A_196 = arith.constant 0 : i32
      %get3A_197 = tpu.memref_slice %arg5[%add3A_195, %get3A_196] : memref<80x128xi32, #tpu.memory_space<vmem>> -> memref<1x128xi32, #tpu.memory_space<vmem>>
      %get3A_198 = tpu.memref_squeeze %get3A_197 : memref<1x128xi32, #tpu.memory_space<vmem>> -> memref<128xi32, #tpu.memory_space<vmem>>
      %get3A_199 = arith.constant 0 : index
      %get3A_200 = tpu.vector_load %get3A_198[%get3A_199] {strides = array<i32>} : memref<128xi32, #tpu.memory_space<vmem>>, vector<16xi32>,
      %and3A_201 = arith.constant 16383 : i32
      %and3A_202 = vector.broadcast %and3A_201 : i32 to vector<16xi32>
      %and3A_203 = arith.andi %get3A_200, %and3A_202 : vector<16xi32>
      %swap3A_204 = arith.constant 0 : index
      %swap3A_205 = tpu.vector_load %arg8[%swap3A_204] {strides = array<i32>} : memref<128xi32, #tpu.memory_space<vmem>>, vector<16xi32>,
      %swap3A_206 = vector.shape_cast %swap3A_205 : vector<16xi32> to vector<16xi32>
      %swap3A_207 = vector.shape_cast %and3A_203 : vector<16xi32> to vector<16xi32>
      tpu.vector_store %arg8[%swap3A_204], %swap3A_207 {strides = array<i32>} : memref<128xi32, #tpu.memory_space<vmem>>, vector<16xi32>,
      %shift_right_logical3A_208 = arith.constant 14 : i32
      %shift_right_logical3A_209 = vector.broadcast %shift_right_logical3A_208 : i32 to vector<16xi32>
      %shift_right_logical3A_210 = arith.shrui %get3A_200, %shift_right_logical3A_209 : vector<16xi32>
      %swap3A_211 = arith.constant 0 : index
      %swap3A_212 = tpu.vector_load %arg9[%swap3A_211] {strides = array<i32>} : memref<128xi32, #tpu.memory_space<vmem>>, vector<16xi32>,
      %swap3A_213 = vector.shape_cast %swap3A_212 : vector<16xi32> to vector<16xi32>
      %swap3A_214 = vector.shape_cast %shift_right_logical3A_210 : vector<16xi32> to vector<16xi32>
      tpu.vector_store %arg9[%swap3A_211], %swap3A_214 {strides = array<i32>} : memref<128xi32, #tpu.memory_space<vmem>>, vector<16xi32>,
      %get3A_215 = arith.constant 0 : i32
      %get3A_216 = tpu.memref_slice %arg5[%add3A_195, %get3A_215] : memref<80x128xi32, #tpu.memory_space<vmem>> -> memref<1x128xi32, #tpu.memory_space<vmem>>
      %get3A_217 = tpu.memref_squeeze %get3A_216 : memref<1x128xi32, #tpu.memory_space<vmem>> -> memref<128xi32, #tpu.memory_space<vmem>>
      %get3A_218 = arith.constant 16 : index
      %get3A_219 = tpu.vector_load %get3A_217[%get3A_218] {strides = array<i32>} : memref<128xi32, #tpu.memory_space<vmem>>, vector<16xi32>,
      %and3A_220 = arith.constant 16383 : i32
      %and3A_221 = vector.broadcast %and3A_220 : i32 to vector<16xi32>
      %and3A_222 = arith.andi %get3A_219, %and3A_221 : vector<16xi32>
      %swap3A_223 = arith.constant 16 : index
      %swap3A_224 = tpu.vector_load %arg8[%swap3A_223] {strides = array<i32>} : memref<128xi32, #tpu.memory_space<vmem>>, vector<16xi32>,
      %swap3A_225 = vector.shape_cast %swap3A_224 : vector<16xi32> to vector<16xi32>
      %swap3A_226 = vector.shape_cast %and3A_222 : vector<16xi32> to vector<16xi32>
      tpu.vector_store %arg8[%swap3A_223], %swap3A_226 {strides = array<i32>} : memref<128xi32, #tpu.memory_space<vmem>>, vector<16xi32>,
      %shift_right_logical3A_227 = arith.constant 14 : i32
      %shift_right_logical3A_228 = vector.broadcast %shift_right_logical3A_227 : i32 to vector<16xi32>
      %shift_right_logical3A_229 = arith.shrui %get3A_219, %shift_right_logical3A_228 : vector<16xi32>
      %swap3A_230 = arith.constant 16 : index
      %swap3A_231 = tpu.vector_load %arg9[%swap3A_230] {strides = array<i32>} : memref<128xi32, #tpu.memory_space<vmem>>, vector<16xi32>,
      %swap3A_232 = vector.shape_cast %swap3A_231 : vector<16xi32> to vector<16xi32>
      %swap3A_233 = vector.shape_cast %shift_right_logical3A_229 : vector<16xi32> to vector<16xi32>
      tpu.vector_store %arg9[%swap3A_230], %swap3A_233 {strides = array<i32>} : memref<128xi32, #tpu.memory_space<vmem>>, vector<16xi32>,
      %get3A_234 = arith.constant 0 : i32
      %get3A_235 = tpu.memref_slice %arg5[%add3A_195, %get3A_234] : memref<80x128xi32, #tpu.memory_space<vmem>> -> memref<1x128xi32, #tpu.memory_space<vmem>>
      %get3A_236 = tpu.memref_squeeze %get3A_235 : memref<1x128xi32, #tpu.memory_space<vmem>> -> memref<128xi32, #tpu.memory_space<vmem>>
      %get3A_237 = arith.constant 32 : index
      %get3A_238 = tpu.vector_load %get3A_236[%get3A_237] {strides = array<i32>} : memref<128xi32, #tpu.memory_space<vmem>>, vector<16xi32>,
      %and3A_239 = arith.constant 16383 : i32
      %and3A_240 = vector.broadcast %and3A_239 : i32 to vector<16xi32>
      %and3A_241 = arith.andi %get3A_238, %and3A_240 : vector<16xi32>
      %swap3A_242 = arith.constant 32 : index
      %swap3A_243 = tpu.vector_load %arg8[%swap3A_242] {strides = array<i32>} : memref<128xi32, #tpu.memory_space<vmem>>, vector<16xi32>,
      %swap3A_244 = vector.shape_cast %swap3A_243 : vector<16xi32> to vector<16xi32>
      %swap3A_245 = vector.shape_cast %and3A_241 : vector<16xi32> to vector<16xi32>
      tpu.vector_store %arg8[%swap3A_242], %swap3A_245 {strides = array<i32>} : memref<128xi32, #tpu.memory_space<vmem>>, vector<16xi32>,
      %shift_right_logical3A_246 = arith.constant 14 : i32
      %shift_right_logical3A_247 = vector.broadcast %shift_right_logical3A_246 : i32 to vector<16xi32>
      %shift_right_logical3A_248 = arith.shrui %get3A_238, %shift_right_logical3A_247 : vector<16xi32>
      %swap3A_249 = arith.constant 32 : index
      %swap3A_250 = tpu.vector_load %arg9[%swap3A_249] {strides = array<i32>} : memref<128xi32, #tpu.memory_space<vmem>>, vector<16xi32>,
      %swap3A_251 = vector.shape_cast %swap3A_250 : vector<16xi32> to vector<16xi32>
      %swap3A_252 = vector.shape_cast %shift_right_logical3A_248 : vector<16xi32> to vector<16xi32>
      tpu.vector_store %arg9[%swap3A_249], %swap3A_252 {strides = array<i32>} : memref<128xi32, #tpu.memory_space<vmem>>, vector<16xi32>,
      %get3A_253 = arith.constant 0 : i32
      %get3A_254 = tpu.memref_slice %arg5[%add3A_195, %get3A_253] : memref<80x128xi32, #tpu.memory_space<vmem>> -> memref<1x128xi32, #tpu.memory_space<vmem>>
      %get3A_255 = tpu.memref_squeeze %get3A_254 : memref<1x128xi32, #tpu.memory_space<vmem>> -> memref<128xi32, #tpu.memory_space<vmem>>
      %get3A_256 = arith.constant 48 : index
      %get3A_257 = tpu.vector_load %get3A_255[%get3A_256] {strides = array<i32>} : memref<128xi32, #tpu.memory_space<vmem>>, vector<16xi32>,
      %and3A_258 = arith.constant 16383 : i32
      %and3A_259 = vector.broadcast %and3A_258 : i32 to vector<16xi32>
      %and3A_260 = arith.andi %get3A_257, %and3A_259 : vector<16xi32>
      %swap3A_261 = arith.constant 48 : index
      %swap3A_262 = tpu.vector_load %arg8[%swap3A_261] {strides = array<i32>} : memref<128xi32, #tpu.memory_space<vmem>>, vector<16xi32>,
      %swap3A_263 = vector.shape_cast %swap3A_262 : vector<16xi32> to vector<16xi32>
      %swap3A_264 = vector.shape_cast %and3A_260 : vector<16xi32> to vector<16xi32>
      tpu.vector_store %arg8[%swap3A_261], %swap3A_264 {strides = array<i32>} : memref<128xi32, #tpu.memory_space<vmem>>, vector<16xi32>,
      %shift_right_logical3A_265 = arith.constant 14 : i32
      %shift_right_logical3A_266 = vector.broadcast %shift_right_logical3A_265 : i32 to vector<16xi32>
      %shift_right_logical3A_267 = arith.shrui %get3A_257, %shift_right_logical3A_266 : vector<16xi32>
      %swap3A_268 = arith.constant 48 : index
      %swap3A_269 = tpu.vector_load %arg9[%swap3A_268] {strides = array<i32>} : memref<128xi32, #tpu.memory_space<vmem>>, vector<16xi32>,
      %swap3A_270 = vector.shape_cast %swap3A_269 : vector<16xi32> to vector<16xi32>
      %swap3A_271 = vector.shape_cast %shift_right_logical3A_267 : vector<16xi32> to vector<16xi32>
      tpu.vector_store %arg9[%swap3A_268], %swap3A_271 {strides = array<i32>} : memref<128xi32, #tpu.memory_space<vmem>>, vector<16xi32>,
      %get3A_272 = arith.constant 0 : i32
      %get3A_273 = tpu.memref_slice %arg5[%add3A_195, %get3A_272] : memref<80x128xi32, #tpu.memory_space<vmem>> -> memref<1x128xi32, #tpu.memory_space<vmem>>
      %get3A_274 = tpu.memref_squeeze %get3A_273 : memref<1x128xi32, #tpu.memory_space<vmem>> -> memref<128xi32, #tpu.memory_space<vmem>>
      %get3A_275 = arith.constant 64 : index
      %get3A_276 = tpu.vector_load %get3A_274[%get3A_275] {strides = array<i32>} : memref<128xi32, #tpu.memory_space<vmem>>, vector<16xi32>,
      %and3A_277 = arith.constant 16383 : i32
      %and3A_278 = vector.broadcast %and3A_277 : i32 to vector<16xi32>
      %and3A_279 = arith.andi %get3A_276, %and3A_278 : vector<16xi32>
      %swap3A_280 = arith.constant 64 : index
      %swap3A_281 = tpu.vector_load %arg8[%swap3A_280] {strides = array<i32>} : memref<128xi32, #tpu.memory_space<vmem>>, vector<16xi32>,
      %swap3A_282 = vector.shape_cast %swap3A_281 : vector<16xi32> to vector<16xi32>
      %swap3A_283 = vector.shape_cast %and3A_279 : vector<16xi32> to vector<16xi32>
      tpu.vector_store %arg8[%swap3A_280], %swap3A_283 {strides = array<i32>} : memref<128xi32, #tpu.memory_space<vmem>>, vector<16xi32>,
      %shift_right_logical3A_284 = arith.constant 14 : i32
      %shift_right_logical3A_285 = vector.broadcast %shift_right_logical3A_284 : i32 to vector<16xi32>
      %shift_right_logical3A_286 = arith.shrui %get3A_276, %shift_right_logical3A_285 : vector<16xi32>
      %swap3A_287 = arith.constant 64 : index
      %swap3A_288 = tpu.vector_load %arg9[%swap3A_287] {strides = array<i32>} : memref<128xi32, #tpu.memory_space<vmem>>, vector<16xi32>,
      %swap3A_289 = vector.shape_cast %swap3A_288 : vector<16xi32> to vector<16xi32>
      %swap3A_290 = vector.shape_cast %shift_right_logical3A_286 : vector<16xi32> to vector<16xi32>
      tpu.vector_store %arg9[%swap3A_287], %swap3A_290 {strides = array<i32>} : memref<128xi32, #tpu.memory_space<vmem>>, vector<16xi32>,
      %get3A_291 = arith.constant 0 : i32
      %get3A_292 = tpu.memref_slice %arg5[%add3A_195, %get3A_291] : memref<80x128xi32, #tpu.memory_space<vmem>> -> memref<1x128xi32, #tpu.memory_space<vmem>>
      %get3A_293 = tpu.memref_squeeze %get3A_292 : memref<1x128xi32, #tpu.memory_space<vmem>> -> memref<128xi32, #tpu.memory_space<vmem>>
      %get3A_294 = arith.constant 80 : index
      %get3A_295 = tpu.vector_load %get3A_293[%get3A_294] {strides = array<i32>} : memref<128xi32, #tpu.memory_space<vmem>>, vector<16xi32>,
      %and3A_296 = arith.constant 16383 : i32
      %and3A_297 = vector.broadcast %and3A_296 : i32 to vector<16xi32>
      %and3A_298 = arith.andi %get3A_295, %and3A_297 : vector<16xi32>
      %swap3A_299 = arith.constant 80 : index
      %swap3A_300 = tpu.vector_load %arg8[%swap3A_299] {strides = array<i32>} : memref<128xi32, #tpu.memory_space<vmem>>, vector<16xi32>,
      %swap3A_301 = vector.shape_cast %swap3A_300 : vector<16xi32> to vector<16xi32>
      %swap3A_302 = vector.shape_cast %and3A_298 : vector<16xi32> to vector<16xi32>
      tpu.vector_store %arg8[%swap3A_299], %swap3A_302 {strides = array<i32>} : memref<128xi32, #tpu.memory_space<vmem>>, vector<16xi32>,
      %shift_right_logical3A_303 = arith.constant 14 : i32
      %shift_right_logical3A_304 = vector.broadcast %shift_right_logical3A_303 : i32 to vector<16xi32>
      %shift_right_logical3A_305 = arith.shrui %get3A_295, %shift_right_logical3A_304 : vector<16xi32>
      %swap3A_306 = arith.constant 80 : index
      %swap3A_307 = tpu.vector_load %arg9[%swap3A_306] {strides = array<i32>} : memref<128xi32, #tpu.memory_space<vmem>>, vector<16xi32>,
      %swap3A_308 = vector.shape_cast %swap3A_307 : vector<16xi32> to vector<16xi32>
      %swap3A_309 = vector.shape_cast %shift_right_logical3A_305 : vector<16xi32> to vector<16xi32>
      tpu.vector_store %arg9[%swap3A_306], %swap3A_309 {strides = array<i32>} : memref<128xi32, #tpu.memory_space<vmem>>, vector<16xi32>,
      %get3A_310 = arith.constant 0 : i32
      %get3A_311 = tpu.memref_slice %arg5[%add3A_195, %get3A_310] : memref<80x128xi32, #tpu.memory_space<vmem>> -> memref<1x128xi32, #tpu.memory_space<vmem>>
      %get3A_312 = tpu.memref_squeeze %get3A_311 : memref<1x128xi32, #tpu.memory_space<vmem>> -> memref<128xi32, #tpu.memory_space<vmem>>
      %get3A_313 = arith.constant 96 : index
      %get3A_314 = tpu.vector_load %get3A_312[%get3A_313] {strides = array<i32>} : memref<128xi32, #tpu.memory_space<vmem>>, vector<16xi32>,
      %and3A_315 = arith.constant 16383 : i32
      %and3A_316 = vector.broadcast %and3A_315 : i32 to vector<16xi32>
      %and3A_317 = arith.andi %get3A_314, %and3A_316 : vector<16xi32>
      %swap3A_318 = arith.constant 96 : index
      %swap3A_319 = tpu.vector_load %arg8[%swap3A_318] {strides = array<i32>} : memref<128xi32, #tpu.memory_space<vmem>>, vector<16xi32>,
      %swap3A_320 = vector.shape_cast %swap3A_319 : vector<16xi32> to vector<16xi32>
      %swap3A_321 = vector.shape_cast %and3A_317 : vector<16xi32> to vector<16xi32>
      tpu.vector_store %arg8[%swap3A_318], %swap3A_321 {strides = array<i32>} : memref<128xi32, #tpu.memory_space<vmem>>, vector<16xi32>,
      %shift_right_logical3A_322 = arith.constant 14 : i32
      %shift_right_logical3A_323 = vector.broadcast %shift_right_logical3A_322 : i32 to vector<16xi32>
      %shift_right_logical3A_324 = arith.shrui %get3A_314, %shift_right_logical3A_323 : vector<16xi32>
      %swap3A_325 = arith.constant 96 : index
      %swap3A_326 = tpu.vector_load %arg9[%swap3A_325] {strides = array<i32>} : memref<128xi32, #tpu.memory_space<vmem>>, vector<16xi32>,
      %swap3A_327 = vector.shape_cast %swap3A_326 : vector<16xi32> to vector<16xi32>
      %swap3A_328 = vector.shape_cast %shift_right_logical3A_324 : vector<16xi32> to vector<16xi32>
      tpu.vector_store %arg9[%swap3A_325], %swap3A_328 {strides = array<i32>} : memref<128xi32, #tpu.memory_space<vmem>>, vector<16xi32>,
      %get3A_329 = arith.constant 0 : i32
      %get3A_330 = tpu.memref_slice %arg5[%add3A_195, %get3A_329] : memref<80x128xi32, #tpu.memory_space<vmem>> -> memref<1x128xi32, #tpu.memory_space<vmem>>
      %get3A_331 = tpu.memref_squeeze %get3A_330 : memref<1x128xi32, #tpu.memory_space<vmem>> -> memref<128xi32, #tpu.memory_space<vmem>>
      %get3A_332 = arith.constant 112 : index
      %get3A_333 = tpu.vector_load %get3A_331[%get3A_332] {strides = array<i32>} : memref<128xi32, #tpu.memory_space<vmem>>, vector<16xi32>,
      %and3A_334 = arith.constant 16383 : i32
      %and3A_335 = vector.broadcast %and3A_334 : i32 to vector<16xi32>
      %and3A_336 = arith.andi %get3A_333, %and3A_335 : vector<16xi32>
      %swap3A_337 = arith.constant 112 : index
      %swap3A_338 = tpu.vector_load %arg8[%swap3A_337] {strides = array<i32>} : memref<128xi32, #tpu.memory_space<vmem>>, vector<16xi32>,
      %swap3A_339 = vector.shape_cast %swap3A_338 : vector<16xi32> to vector<16xi32>
      %swap3A_340 = vector.shape_cast %and3A_336 : vector<16xi32> to vector<16xi32>
      tpu.vector_store %arg8[%swap3A_337], %swap3A_340 {strides = array<i32>} : memref<128xi32, #tpu.memory_space<vmem>>, vector<16xi32>,
      %shift_right_logical3A_341 = arith.constant 14 : i32
      %shift_right_logical3A_342 = vector.broadcast %shift_right_logical3A_341 : i32 to vector<16xi32>
      %shift_right_logical3A_343 = arith.shrui %get3A_333, %shift_right_logical3A_342 : vector<16xi32>
      %swap3A_344 = arith.constant 112 : index
      %swap3A_345 = tpu.vector_load %arg9[%swap3A_344] {strides = array<i32>} : memref<128xi32, #tpu.memory_space<vmem>>, vector<16xi32>,
      %swap3A_346 = vector.shape_cast %swap3A_345 : vector<16xi32> to vector<16xi32>
      %swap3A_347 = vector.shape_cast %shift_right_logical3A_343 : vector<16xi32> to vector<16xi32>
      tpu.vector_store %arg9[%swap3A_344], %swap3A_347 {strides = array<i32>} : memref<128xi32, #tpu.memory_space<vmem>>, vector<16xi32>,
      %dma_start3A_348 = arith.constant 0 : i32
      %dma_start3A_349 = arith.constant 0 : i32
      %dma_start3A_350 = tpu.memref_slice %arg3[%dma_start3A_348, %dma_start3A_349] : memref<10240x128xf32, #tpu.memory_space<hbm>> -> memref<10240x128xf32, #tpu.memory_space<hbm>>
      tpu.enqueue_indirect_dma source(%dma_start3A_350 : memref<10240x128xf32, #tpu.memory_space<hbm>>) target(%arg11 : memref<128x128xf32, #tpu.memory_space<vmem>>) offsets(%arg8 : memref<128xi32, #tpu.memory_space<vmem>>) semaphore(%arg13 : memref<!tpu.dma_semaphore, #tpu.memory_space<semaphore_mem>>)
      %dma_wait3A = arith.constant 0 : i32
      %dma_wait3A_351 = arith.constant 0 : i32
      %dma_wait3A_352 = tpu.memref_slice %arg3[%dma_wait3A, %dma_wait3A_351] : memref<10240x128xf32, #tpu.memory_space<hbm>> -> memref<10240x128xf32, #tpu.memory_space<hbm>>
      tpu.wait_indirect_dma semaphore(%arg12 : memref<!tpu.dma_semaphore, #tpu.memory_space<semaphore_mem>>) src(%dma_wait3A_352 : memref<10240x128xf32, #tpu.memory_space<hbm>>) dst(%arg10 : memref<128x128xf32, #tpu.memory_space<vmem>>)
      "tpu.region"() ({
        %run_scoped3A = tpu.sem_alloc : memref<!tpu.dma_semaphore, #tpu.memory_space<semaphore_mem>>
        %dma_start3A_362 = arith.constant 0 : i32
        %dma_start3A_363 = arith.constant 0 : i32
        %dma_start3A_364 = tpu.memref_slice %arg14[%dma_start3A_362, %dma_start3A_363] : memref<10240x128xf32, #tpu.memory_space<vmem_shared>> -> memref<10240x128xf32, #tpu.memory_space<vmem_shared>>
        tpu.enqueue_indirect_dma source(%arg10 : memref<128x128xf32, #tpu.memory_space<vmem>>) target(%dma_start3A_364 : memref<10240x128xf32, #tpu.memory_space<vmem_shared>>) offsets(%arg7 : memref<128xi32, #tpu.memory_space<vmem>>) semaphore(%run_scoped3A : memref<!tpu.dma_semaphore, #tpu.memory_space<semaphore_mem>>) {add = true}
        %dma_wait3A_365 = arith.constant 0 : i32
        %dma_wait3A_366 = arith.constant 0 : i32
        %dma_wait3A_367 = tpu.memref_slice %arg14[%dma_wait3A_365, %dma_wait3A_366] : memref<10240x128xf32, #tpu.memory_space<vmem_shared>> -> memref<10240x128xf32, #tpu.memory_space<vmem_shared>>
        tpu.wait_indirect_dma semaphore(%run_scoped3A : memref<!tpu.dma_semaphore, #tpu.memory_space<semaphore_mem>>) src(%arg10 : memref<128x128xf32, #tpu.memory_space<vmem>>) dst(%dma_wait3A_367 : memref<10240x128xf32, #tpu.memory_space<vmem_shared>>)
        tpu.yield
      }) : () -> ()
      %add3A_353 = arith.constant 2 : i32
      %add3A_354 = arith.addi %mul3A_193, %add3A_353 : i32
      %lt3A = arith.constant 80 : i32
      %lt3A_355 = arith.cmpi slt, %add3A_354, %lt3A : i32
      %convert_element_type3A_356 = arith.extui %lt3A_355 : i1 to i32
      %cond3A_357 = arith.constant 0 : i32
      %cond3A_358 = arith.cmpi ne, %convert_element_type3A_356, %cond3A_357 : i32
      scf.if %cond3A_358 {
        %add3A_362 = arith.constant 2 : i32
        %add3A_363 = arith.addi %mul3A_193, %add3A_362 : i32
        %get3A_364 = arith.constant 0 : i32
        %get3A_365 = tpu.memref_slice %arg5[%add3A_363, %get3A_364] : memref<80x128xi32, #tpu.memory_space<vmem>> -> memref<1x128xi32, #tpu.memory_space<vmem>>
        %get3A_366 = tpu.memref_squeeze %get3A_365 : memref<1x128xi32, #tpu.memory_space<vmem>> -> memref<128xi32, #tpu.memory_space<vmem>>
        %get3A_367 = arith.constant 0 : index
        %get3A_368 = tpu.vector_load %get3A_366[%get3A_367] {strides = array<i32>} : memref<128xi32, #tpu.memory_space<vmem>>, vector<16xi32>,
        %and3A_369 = arith.constant 16383 : i32
        %and3A_370 = vector.broadcast %and3A_369 : i32 to vector<16xi32>
        %and3A_371 = arith.andi %get3A_368, %and3A_370 : vector<16xi32>
        %swap3A_372 = arith.constant 0 : index
        %swap3A_373 = tpu.vector_load %arg6[%swap3A_372] {strides = array<i32>} : memref<128xi32, #tpu.memory_space<vmem>>, vector<16xi32>,
        %swap3A_374 = vector.shape_cast %swap3A_373 : vector<16xi32> to vector<16xi32>
        %swap3A_375 = vector.shape_cast %and3A_371 : vector<16xi32> to vector<16xi32>
        tpu.vector_store %arg6[%swap3A_372], %swap3A_375 {strides = array<i32>} : memref<128xi32, #tpu.memory_space<vmem>>, vector<16xi32>,
        %shift_right_logical3A_376 = arith.constant 14 : i32
        %shift_right_logical3A_377 = vector.broadcast %shift_right_logical3A_376 : i32 to vector<16xi32>
        %shift_right_logical3A_378 = arith.shrui %get3A_368, %shift_right_logical3A_377 : vector<16xi32>
        %swap3A_379 = arith.constant 0 : index
        %swap3A_380 = tpu.vector_load %arg7[%swap3A_379] {strides = array<i32>} : memref<128xi32, #tpu.memory_space<vmem>>, vector<16xi32>,
        %swap3A_381 = vector.shape_cast %swap3A_380 : vector<16xi32> to vector<16xi32>
        %swap3A_382 = vector.shape_cast %shift_right_logical3A_378 : vector<16xi32> to vector<16xi32>
        tpu.vector_store %arg7[%swap3A_379], %swap3A_382 {strides = array<i32>} : memref<128xi32, #tpu.memory_space<vmem>>, vector<16xi32>,
        %get3A_383 = arith.constant 0 : i32
        %get3A_384 = tpu.memref_slice %arg5[%add3A_363, %get3A_383] : memref<80x128xi32, #tpu.memory_space<vmem>> -> memref<1x128xi32, #tpu.memory_space<vmem>>
        %get3A_385 = tpu.memref_squeeze %get3A_384 : memref<1x128xi32, #tpu.memory_space<vmem>> -> memref<128xi32, #tpu.memory_space<vmem>>
        %get3A_386 = arith.constant 16 : index
        %get3A_387 = tpu.vector_load %get3A_385[%get3A_386] {strides = array<i32>} : memref<128xi32, #tpu.memory_space<vmem>>, vector<16xi32>,
        %and3A_388 = arith.constant 16383 : i32
        %and3A_389 = vector.broadcast %and3A_388 : i32 to vector<16xi32>
        %and3A_390 = arith.andi %get3A_387, %and3A_389 : vector<16xi32>
        %swap3A_391 = arith.constant 16 : index
        %swap3A_392 = tpu.vector_load %arg6[%swap3A_391] {strides = array<i32>} : memref<128xi32, #tpu.memory_space<vmem>>, vector<16xi32>,
        %swap3A_393 = vector.shape_cast %swap3A_392 : vector<16xi32> to vector<16xi32>
        %swap3A_394 = vector.shape_cast %and3A_390 : vector<16xi32> to vector<16xi32>
        tpu.vector_store %arg6[%swap3A_391], %swap3A_394 {strides = array<i32>} : memref<128xi32, #tpu.memory_space<vmem>>, vector<16xi32>,
        %shift_right_logical3A_395 = arith.constant 14 : i32
        %shift_right_logical3A_396 = vector.broadcast %shift_right_logical3A_395 : i32 to vector<16xi32>
        %shift_right_logical3A_397 = arith.shrui %get3A_387, %shift_right_logical3A_396 : vector<16xi32>
        %swap3A_398 = arith.constant 16 : index
        %swap3A_399 = tpu.vector_load %arg7[%swap3A_398] {strides = array<i32>} : memref<128xi32, #tpu.memory_space<vmem>>, vector<16xi32>,
        %swap3A_400 = vector.shape_cast %swap3A_399 : vector<16xi32> to vector<16xi32>
        %swap3A_401 = vector.shape_cast %shift_right_logical3A_397 : vector<16xi32> to vector<16xi32>
        tpu.vector_store %arg7[%swap3A_398], %swap3A_401 {strides = array<i32>} : memref<128xi32, #tpu.memory_space<vmem>>, vector<16xi32>,
        %get3A_402 = arith.constant 0 : i32
        %get3A_403 = tpu.memref_slice %arg5[%add3A_363, %get3A_402] : memref<80x128xi32, #tpu.memory_space<vmem>> -> memref<1x128xi32, #tpu.memory_space<vmem>>
        %get3A_404 = tpu.memref_squeeze %get3A_403 : memref<1x128xi32, #tpu.memory_space<vmem>> -> memref<128xi32, #tpu.memory_space<vmem>>
        %get3A_405 = arith.constant 32 : index
        %get3A_406 = tpu.vector_load %get3A_404[%get3A_405] {strides = array<i32>} : memref<128xi32, #tpu.memory_space<vmem>>, vector<16xi32>,
        %and3A_407 = arith.constant 16383 : i32
        %and3A_408 = vector.broadcast %and3A_407 : i32 to vector<16xi32>
        %and3A_409 = arith.andi %get3A_406, %and3A_408 : vector<16xi32>
        %swap3A_410 = arith.constant 32 : index
        %swap3A_411 = tpu.vector_load %arg6[%swap3A_410] {strides = array<i32>} : memref<128xi32, #tpu.memory_space<vmem>>, vector<16xi32>,
        %swap3A_412 = vector.shape_cast %swap3A_411 : vector<16xi32> to vector<16xi32>
        %swap3A_413 = vector.shape_cast %and3A_409 : vector<16xi32> to vector<16xi32>
        tpu.vector_store %arg6[%swap3A_410], %swap3A_413 {strides = array<i32>} : memref<128xi32, #tpu.memory_space<vmem>>, vector<16xi32>,
        %shift_right_logical3A_414 = arith.constant 14 : i32
        %shift_right_logical3A_415 = vector.broadcast %shift_right_logical3A_414 : i32 to vector<16xi32>
        %shift_right_logical3A_416 = arith.shrui %get3A_406, %shift_right_logical3A_415 : vector<16xi32>
        %swap3A_417 = arith.constant 32 : index
        %swap3A_418 = tpu.vector_load %arg7[%swap3A_417] {strides = array<i32>} : memref<128xi32, #tpu.memory_space<vmem>>, vector<16xi32>,
        %swap3A_419 = vector.shape_cast %swap3A_418 : vector<16xi32> to vector<16xi32>
        %swap3A_420 = vector.shape_cast %shift_right_logical3A_416 : vector<16xi32> to vector<16xi32>
        tpu.vector_store %arg7[%swap3A_417], %swap3A_420 {strides = array<i32>} : memref<128xi32, #tpu.memory_space<vmem>>, vector<16xi32>,
        %get3A_421 = arith.constant 0 : i32
        %get3A_422 = tpu.memref_slice %arg5[%add3A_363, %get3A_421] : memref<80x128xi32, #tpu.memory_space<vmem>> -> memref<1x128xi32, #tpu.memory_space<vmem>>
        %get3A_423 = tpu.memref_squeeze %get3A_422 : memref<1x128xi32, #tpu.memory_space<vmem>> -> memref<128xi32, #tpu.memory_space<vmem>>
        %get3A_424 = arith.constant 48 : index
        %get3A_425 = tpu.vector_load %get3A_423[%get3A_424] {strides = array<i32>} : memref<128xi32, #tpu.memory_space<vmem>>, vector<16xi32>,
        %and3A_426 = arith.constant 16383 : i32
        %and3A_427 = vector.broadcast %and3A_426 : i32 to vector<16xi32>
        %and3A_428 = arith.andi %get3A_425, %and3A_427 : vector<16xi32>
        %swap3A_429 = arith.constant 48 : index
        %swap3A_430 = tpu.vector_load %arg6[%swap3A_429] {strides = array<i32>} : memref<128xi32, #tpu.memory_space<vmem>>, vector<16xi32>,
        %swap3A_431 = vector.shape_cast %swap3A_430 : vector<16xi32> to vector<16xi32>
        %swap3A_432 = vector.shape_cast %and3A_428 : vector<16xi32> to vector<16xi32>
        tpu.vector_store %arg6[%swap3A_429], %swap3A_432 {strides = array<i32>} : memref<128xi32, #tpu.memory_space<vmem>>, vector<16xi32>,
        %shift_right_logical3A_433 = arith.constant 14 : i32
        %shift_right_logical3A_434 = vector.broadcast %shift_right_logical3A_433 : i32 to vector<16xi32>
        %shift_right_logical3A_435 = arith.shrui %get3A_425, %shift_right_logical3A_434 : vector<16xi32>
        %swap3A_436 = arith.constant 48 : index
        %swap3A_437 = tpu.vector_load %arg7[%swap3A_436] {strides = array<i32>} : memref<128xi32, #tpu.memory_space<vmem>>, vector<16xi32>,
        %swap3A_438 = vector.shape_cast %swap3A_437 : vector<16xi32> to vector<16xi32>
        %swap3A_439 = vector.shape_cast %shift_right_logical3A_435 : vector<16xi32> to vector<16xi32>
        tpu.vector_store %arg7[%swap3A_436], %swap3A_439 {strides = array<i32>} : memref<128xi32, #tpu.memory_space<vmem>>, vector<16xi32>,
        %get3A_440 = arith.constant 0 : i32
        %get3A_441 = tpu.memref_slice %arg5[%add3A_363, %get3A_440] : memref<80x128xi32, #tpu.memory_space<vmem>> -> memref<1x128xi32, #tpu.memory_space<vmem>>
        %get3A_442 = tpu.memref_squeeze %get3A_441 : memref<1x128xi32, #tpu.memory_space<vmem>> -> memref<128xi32, #tpu.memory_space<vmem>>
        %get3A_443 = arith.constant 64 : index
        %get3A_444 = tpu.vector_load %get3A_442[%get3A_443] {strides = array<i32>} : memref<128xi32, #tpu.memory_space<vmem>>, vector<16xi32>,
        %and3A_445 = arith.constant 16383 : i32
        %and3A_446 = vector.broadcast %and3A_445 : i32 to vector<16xi32>
        %and3A_447 = arith.andi %get3A_444, %and3A_446 : vector<16xi32>
        %swap3A_448 = arith.constant 64 : index
        %swap3A_449 = tpu.vector_load %arg6[%swap3A_448] {strides = array<i32>} : memref<128xi32, #tpu.memory_space<vmem>>, vector<16xi32>,
        %swap3A_450 = vector.shape_cast %swap3A_449 : vector<16xi32> to vector<16xi32>
        %swap3A_451 = vector.shape_cast %and3A_447 : vector<16xi32> to vector<16xi32>
        tpu.vector_store %arg6[%swap3A_448], %swap3A_451 {strides = array<i32>} : memref<128xi32, #tpu.memory_space<vmem>>, vector<16xi32>,
        %shift_right_logical3A_452 = arith.constant 14 : i32
        %shift_right_logical3A_453 = vector.broadcast %shift_right_logical3A_452 : i32 to vector<16xi32>
        %shift_right_logical3A_454 = arith.shrui %get3A_444, %shift_right_logical3A_453 : vector<16xi32>
        %swap3A_455 = arith.constant 64 : index
        %swap3A_456 = tpu.vector_load %arg7[%swap3A_455] {strides = array<i32>} : memref<128xi32, #tpu.memory_space<vmem>>, vector<16xi32>,
        %swap3A_457 = vector.shape_cast %swap3A_456 : vector<16xi32> to vector<16xi32>
        %swap3A_458 = vector.shape_cast %shift_right_logical3A_454 : vector<16xi32> to vector<16xi32>
        tpu.vector_store %arg7[%swap3A_455], %swap3A_458 {strides = array<i32>} : memref<128xi32, #tpu.memory_space<vmem>>, vector<16xi32>,
        %get3A_459 = arith.constant 0 : i32
        %get3A_460 = tpu.memref_slice %arg5[%add3A_363, %get3A_459] : memref<80x128xi32, #tpu.memory_space<vmem>> -> memref<1x128xi32, #tpu.memory_space<vmem>>
        %get3A_461 = tpu.memref_squeeze %get3A_460 : memref<1x128xi32, #tpu.memory_space<vmem>> -> memref<128xi32, #tpu.memory_space<vmem>>
        %get3A_462 = arith.constant 80 : index
        %get3A_463 = tpu.vector_load %get3A_461[%get3A_462] {strides = array<i32>} : memref<128xi32, #tpu.memory_space<vmem>>, vector<16xi32>,
        %and3A_464 = arith.constant 16383 : i32
        %and3A_465 = vector.broadcast %and3A_464 : i32 to vector<16xi32>
        %and3A_466 = arith.andi %get3A_463, %and3A_465 : vector<16xi32>
        %swap3A_467 = arith.constant 80 : index
        %swap3A_468 = tpu.vector_load %arg6[%swap3A_467] {strides = array<i32>} : memref<128xi32, #tpu.memory_space<vmem>>, vector<16xi32>,
        %swap3A_469 = vector.shape_cast %swap3A_468 : vector<16xi32> to vector<16xi32>
        %swap3A_470 = vector.shape_cast %and3A_466 : vector<16xi32> to vector<16xi32>
        tpu.vector_store %arg6[%swap3A_467], %swap3A_470 {strides = array<i32>} : memref<128xi32, #tpu.memory_space<vmem>>, vector<16xi32>,
        %shift_right_logical3A_471 = arith.constant 14 : i32
        %shift_right_logical3A_472 = vector.broadcast %shift_right_logical3A_471 : i32 to vector<16xi32>
        %shift_right_logical3A_473 = arith.shrui %get3A_463, %shift_right_logical3A_472 : vector<16xi32>
        %swap3A_474 = arith.constant 80 : index
        %swap3A_475 = tpu.vector_load %arg7[%swap3A_474] {strides = array<i32>} : memref<128xi32, #tpu.memory_space<vmem>>, vector<16xi32>,
        %swap3A_476 = vector.shape_cast %swap3A_475 : vector<16xi32> to vector<16xi32>
        %swap3A_477 = vector.shape_cast %shift_right_logical3A_473 : vector<16xi32> to vector<16xi32>
        tpu.vector_store %arg7[%swap3A_474], %swap3A_477 {strides = array<i32>} : memref<128xi32, #tpu.memory_space<vmem>>, vector<16xi32>,
        %get3A_478 = arith.constant 0 : i32
        %get3A_479 = tpu.memref_slice %arg5[%add3A_363, %get3A_478] : memref<80x128xi32, #tpu.memory_space<vmem>> -> memref<1x128xi32, #tpu.memory_space<vmem>>
        %get3A_480 = tpu.memref_squeeze %get3A_479 : memref<1x128xi32, #tpu.memory_space<vmem>> -> memref<128xi32, #tpu.memory_space<vmem>>
        %get3A_481 = arith.constant 96 : index
        %get3A_482 = tpu.vector_load %get3A_480[%get3A_481] {strides = array<i32>} : memref<128xi32, #tpu.memory_space<vmem>>, vector<16xi32>,
        %and3A_483 = arith.constant 16383 : i32
        %and3A_484 = vector.broadcast %and3A_483 : i32 to vector<16xi32>
        %and3A_485 = arith.andi %get3A_482, %and3A_484 : vector<16xi32>
        %swap3A_486 = arith.constant 96 : index
        %swap3A_487 = tpu.vector_load %arg6[%swap3A_486] {strides = array<i32>} : memref<128xi32, #tpu.memory_space<vmem>>, vector<16xi32>,
        %swap3A_488 = vector.shape_cast %swap3A_487 : vector<16xi32> to vector<16xi32>
        %swap3A_489 = vector.shape_cast %and3A_485 : vector<16xi32> to vector<16xi32>
        tpu.vector_store %arg6[%swap3A_486], %swap3A_489 {strides = array<i32>} : memref<128xi32, #tpu.memory_space<vmem>>, vector<16xi32>,
        %shift_right_logical3A_490 = arith.constant 14 : i32
        %shift_right_logical3A_491 = vector.broadcast %shift_right_logical3A_490 : i32 to vector<16xi32>
        %shift_right_logical3A_492 = arith.shrui %get3A_482, %shift_right_logical3A_491 : vector<16xi32>
        %swap3A_493 = arith.constant 96 : index
        %swap3A_494 = tpu.vector_load %arg7[%swap3A_493] {strides = array<i32>} : memref<128xi32, #tpu.memory_space<vmem>>, vector<16xi32>,
        %swap3A_495 = vector.shape_cast %swap3A_494 : vector<16xi32> to vector<16xi32>
        %swap3A_496 = vector.shape_cast %shift_right_logical3A_492 : vector<16xi32> to vector<16xi32>
        tpu.vector_store %arg7[%swap3A_493], %swap3A_496 {strides = array<i32>} : memref<128xi32, #tpu.memory_space<vmem>>, vector<16xi32>,
        %get3A_497 = arith.constant 0 : i32
        %get3A_498 = tpu.memref_slice %arg5[%add3A_363, %get3A_497] : memref<80x128xi32, #tpu.memory_space<vmem>> -> memref<1x128xi32, #tpu.memory_space<vmem>>
        %get3A_499 = tpu.memref_squeeze %get3A_498 : memref<1x128xi32, #tpu.memory_space<vmem>> -> memref<128xi32, #tpu.memory_space<vmem>>
        %get3A_500 = arith.constant 112 : index
        %get3A_501 = tpu.vector_load %get3A_499[%get3A_500] {strides = array<i32>} : memref<128xi32, #tpu.memory_space<vmem>>, vector<16xi32>,
        %and3A_502 = arith.constant 16383 : i32
        %and3A_503 = vector.broadcast %and3A_502 : i32 to vector<16xi32>
        %and3A_504 = arith.andi %get3A_501, %and3A_503 : vector<16xi32>
        %swap3A_505 = arith.constant 112 : index
        %swap3A_506 = tpu.vector_load %arg6[%swap3A_505] {strides = array<i32>} : memref<128xi32, #tpu.memory_space<vmem>>, vector<16xi32>,
        %swap3A_507 = vector.shape_cast %swap3A_506 : vector<16xi32> to vector<16xi32>
        %swap3A_508 = vector.shape_cast %and3A_504 : vector<16xi32> to vector<16xi32>
        tpu.vector_store %arg6[%swap3A_505], %swap3A_508 {strides = array<i32>} : memref<128xi32, #tpu.memory_space<vmem>>, vector<16xi32>,
        %shift_right_logical3A_509 = arith.constant 14 : i32
        %shift_right_logical3A_510 = vector.broadcast %shift_right_logical3A_509 : i32 to vector<16xi32>
        %shift_right_logical3A_511 = arith.shrui %get3A_501, %shift_right_logical3A_510 : vector<16xi32>
        %swap3A_512 = arith.constant 112 : index
        %swap3A_513 = tpu.vector_load %arg7[%swap3A_512] {strides = array<i32>} : memref<128xi32, #tpu.memory_space<vmem>>, vector<16xi32>,
        %swap3A_514 = vector.shape_cast %swap3A_513 : vector<16xi32> to vector<16xi32>
        %swap3A_515 = vector.shape_cast %shift_right_logical3A_511 : vector<16xi32> to vector<16xi32>
        tpu.vector_store %arg7[%swap3A_512], %swap3A_515 {strides = array<i32>} : memref<128xi32, #tpu.memory_space<vmem>>, vector<16xi32>,
        %dma_start3A_516 = arith.constant 0 : i32
        %dma_start3A_517 = arith.constant 0 : i32
        %dma_start3A_518 = tpu.memref_slice %arg3[%dma_start3A_516, %dma_start3A_517] : memref<10240x128xf32, #tpu.memory_space<hbm>> -> memref<10240x128xf32, #tpu.memory_space<hbm>>
        tpu.enqueue_indirect_dma source(%dma_start3A_518 : memref<10240x128xf32, #tpu.memory_space<hbm>>) target(%arg10 : memref<128x128xf32, #tpu.memory_space<vmem>>) offsets(%arg6 : memref<128xi32, #tpu.memory_space<vmem>>) semaphore(%arg12 : memref<!tpu.dma_semaphore, #tpu.memory_space<semaphore_mem>>)
      } else {
      }
      %dma_wait3A_359 = arith.constant 0 : i32
      %dma_wait3A_360 = arith.constant 0 : i32
      %dma_wait3A_361 = tpu.memref_slice %arg3[%dma_wait3A_359, %dma_wait3A_360] : memref<10240x128xf32, #tpu.memory_space<hbm>> -> memref<10240x128xf32, #tpu.memory_space<hbm>>
      tpu.wait_indirect_dma semaphore(%arg13 : memref<!tpu.dma_semaphore, #tpu.memory_space<semaphore_mem>>) src(%dma_wait3A_361 : memref<10240x128xf32, #tpu.memory_space<hbm>>) dst(%arg11 : memref<128x128xf32, #tpu.memory_space<vmem>>)
      "tpu.region"() ({
        %run_scoped3A = tpu.sem_alloc : memref<!tpu.dma_semaphore, #tpu.memory_space<semaphore_mem>>
        %dma_start3A_362 = arith.constant 0 : i32
        %dma_start3A_363 = arith.constant 0 : i32
        %dma_start3A_364 = tpu.memref_slice %arg14[%dma_start3A_362, %dma_start3A_363] : memref<10240x128xf32, #tpu.memory_space<vmem_shared>> -> memref<10240x128xf32, #tpu.memory_space<vmem_shared>>
        tpu.enqueue_indirect_dma source(%arg11 : memref<128x128xf32, #tpu.memory_space<vmem>>) target(%dma_start3A_364 : memref<10240x128xf32, #tpu.memory_space<vmem_shared>>) offsets(%arg9 : memref<128xi32, #tpu.memory_space<vmem>>) semaphore(%run_scoped3A : memref<!tpu.dma_semaphore, #tpu.memory_space<semaphore_mem>>) {add = true}
        %dma_wait3A_365 = arith.constant 0 : i32
        %dma_wait3A_366 = arith.constant 0 : i32
        %dma_wait3A_367 = tpu.memref_slice %arg14[%dma_wait3A_365, %dma_wait3A_366] : memref<10240x128xf32, #tpu.memory_space<vmem_shared>> -> memref<10240x128xf32, #tpu.memory_space<vmem_shared>>
        tpu.wait_indirect_dma semaphore(%run_scoped3A : memref<!tpu.dma_semaphore, #tpu.memory_space<semaphore_mem>>) src(%arg11 : memref<128x128xf32, #tpu.memory_space<vmem>>) dst(%dma_wait3A_367 : memref<10240x128xf32, #tpu.memory_space<vmem_shared>>)
        tpu.yield
      }) : () -> ()
    }
    %scan3A_182 = arith.constant 40 : i32
    %barrier3A_183 = arith.constant 0 : index
    tpu.barrier barrier_id(%barrier3A_183)
    %eq3A = arith.constant 0 : i32
    %eq3A_184 = arith.cmpi eq, %arg0, %eq3A : i32
    %convert_element_type3A = arith.extui %eq3A_184 : i1 to i32
    %cond3A = arith.constant 0 : i32
    %cond3A_185 = arith.cmpi ne, %convert_element_type3A, %cond3A : i32
    scf.if %cond3A_185 {
      %add3A_191 = arith.constant 0 : i32
      %add3A_192 = arith.addi %mul3A_2, %add3A_191 : i32
      "tpu.region"() ({
        %run_scoped3A_215 = tpu.sem_alloc : memref<!tpu.dma_semaphore, #tpu.memory_space<semaphore_mem>>
        %dma_start3A_216 = arith.constant 0 : i32
        %dma_start3A_217 = tpu.memref_slice %arg14[%add3A_192, %dma_start3A_216] : memref<10240x128xf32, #tpu.memory_space<vmem_shared>> -> memref<128x128xf32, #tpu.memory_space<vmem_shared>>
        %dma_start3A_218 = arith.constant 0 : i32
        %dma_start3A_219 = tpu.memref_slice %arg14[%add3A_192, %dma_start3A_218] : memref<10240x128xf32, #tpu.memory_space<vmem_shared>> -> memref<128x128xf32, #tpu.memory_space<vmem_shared>>
        tpu.enqueue_dma source(%dma_start3A_219 : memref<128x128xf32, #tpu.memory_space<vmem_shared>>) target(%arg10 : memref<128x128xf32, #tpu.memory_space<vmem>>) target_semaphore(%run_scoped3A_215 : memref<!tpu.dma_semaphore, #tpu.memory_space<semaphore_mem>>)
        %dma_wait3A = arith.constant 0 : i32
        %dma_wait3A_220 = tpu.memref_slice %arg14[%add3A_192, %dma_wait3A] : memref<10240x128xf32, #tpu.memory_space<vmem_shared>> -> memref<128x128xf32, #tpu.memory_space<vmem_shared>>
        %dma_wait3A_221 = arith.constant 0 : i32
        %dma_wait3A_222 = tpu.memref_slice %arg14[%add3A_192, %dma_wait3A_221] : memref<10240x128xf32, #tpu.memory_space<vmem_shared>> -> memref<128x128xf32, #tpu.memory_space<vmem_shared>>
        tpu.wait_dma2 semaphore(%run_scoped3A_215 : memref<!tpu.dma_semaphore, #tpu.memory_space<semaphore_mem>>) src(%dma_wait3A_222 : memref<128x128xf32, #tpu.memory_space<vmem_shared>>) dst(%arg10 : memref<128x128xf32, #tpu.memory_space<vmem>>)
        tpu.yield
      }) : () -> ()
      %add3A_193 = arith.constant 0 : i32
      %add3A_194 = arith.addi %mul3A_2, %add3A_193 : i32
      %run_scoped3A = arith.constant 0 : i32
      "tpu.region"() ({
        %run_scoped3A_215 = tpu.sem_alloc : memref<!tpu.dma_semaphore, #tpu.memory_space<semaphore_mem>>
        %dma_start3A_216 = arith.constant 0 : i32
        %dma_start3A_217 = tpu.memref_slice %arg4[%run_scoped3A, %add3A_194, %dma_start3A_216] : memref<2x10240x128xf32, #tpu.memory_space<hbm>> -> memref<1x128x128xf32, #tpu.memory_space<hbm>>
        %dma_start3A_218 = tpu.memref_squeeze %dma_start3A_217 : memref<1x128x128xf32, #tpu.memory_space<hbm>> -> memref<128x128xf32, #tpu.memory_space<hbm>>
        %dma_start3A_219 = arith.constant 0 : i32
        %dma_start3A_220 = tpu.memref_slice %arg4[%run_scoped3A, %add3A_194, %dma_start3A_219] : memref<2x10240x128xf32, #tpu.memory_space<hbm>> -> memref<1x128x128xf32, #tpu.memory_space<hbm>>
        %dma_start3A_221 = tpu.memref_squeeze %dma_start3A_220 : memref<1x128x128xf32, #tpu.memory_space<hbm>> -> memref<128x128xf32, #tpu.memory_space<hbm>>
        tpu.enqueue_dma source(%arg10 : memref<128x128xf32, #tpu.memory_space<vmem>>) target(%dma_start3A_221 : memref<128x128xf32, #tpu.memory_space<hbm>>) target_semaphore(%run_scoped3A_215 : memref<!tpu.dma_semaphore, #tpu.memory_space<semaphore_mem>>)
        %dma_wait3A = arith.constant 0 : i32
        %dma_wait3A_222 = tpu.memref_slice %arg4[%run_scoped3A, %add3A_194, %dma_wait3A] : memref<2x10240x128xf32, #tpu.memory_space<hbm>> -> memref<1x128x128xf32, #tpu.memory_space<hbm>>
        %dma_wait3A_223 = tpu.memref_squeeze %dma_wait3A_222 : memref<1x128x128xf32, #tpu.memory_space<hbm>> -> memref<128x128xf32, #tpu.memory_space<hbm>>
        %dma_wait3A_224 = arith.constant 0 : i32
        %dma_wait3A_225 = tpu.memref_slice %arg4[%run_scoped3A, %add3A_194, %dma_wait3A_224] : memref<2x10240x128xf32, #tpu.memory_space<hbm>> -> memref<1x128x128xf32, #tpu.memory_space<hbm>>
        %dma_wait3A_226 = tpu.memref_squeeze %dma_wait3A_225 : memref<1x128x128xf32, #tpu.memory_space<hbm>> -> memref<128x128xf32, #tpu.memory_space<hbm>>
        tpu.wait_dma2 semaphore(%run_scoped3A_215 : memref<!tpu.dma_semaphore, #tpu.memory_space<semaphore_mem>>) src(%arg10 : memref<128x128xf32, #tpu.memory_space<vmem>>) dst(%dma_wait3A_226 : memref<128x128xf32, #tpu.memory_space<hbm>>)
        tpu.yield
      }) : () -> ()
      %add3A_195 = arith.constant 128 : i32
      %add3A_196 = arith.addi %mul3A_2, %add3A_195 : i32
      "tpu.region"() ({
        %run_scoped3A_215 = tpu.sem_alloc : memref<!tpu.dma_semaphore, #tpu.memory_space<semaphore_mem>>
        %dma_start3A_216 = arith.constant 0 : i32
        %dma_start3A_217 = tpu.memref_slice %arg14[%add3A_196, %dma_start3A_216] : memref<10240x128xf32, #tpu.memory_space<vmem_shared>> -> memref<128x128xf32, #tpu.memory_space<vmem_shared>>
        %dma_start3A_218 = arith.constant 0 : i32
        %dma_start3A_219 = tpu.memref_slice %arg14[%add3A_196, %dma_start3A_218] : memref<10240x128xf32, #tpu.memory_space<vmem_shared>> -> memref<128x128xf32, #tpu.memory_space<vmem_shared>>
        tpu.enqueue_dma source(%dma_start3A_219 : memref<128x128xf32, #tpu.memory_space<vmem_shared>>) target(%arg10 : memref<128x128xf32, #tpu.memory_space<vmem>>) target_semaphore(%run_scoped3A_215 : memref<!tpu.dma_semaphore, #tpu.memory_space<semaphore_mem>>)
        %dma_wait3A = arith.constant 0 : i32
        %dma_wait3A_220 = tpu.memref_slice %arg14[%add3A_196, %dma_wait3A] : memref<10240x128xf32, #tpu.memory_space<vmem_shared>> -> memref<128x128xf32, #tpu.memory_space<vmem_shared>>
        %dma_wait3A_221 = arith.constant 0 : i32
        %dma_wait3A_222 = tpu.memref_slice %arg14[%add3A_196, %dma_wait3A_221] : memref<10240x128xf32, #tpu.memory_space<vmem_shared>> -> memref<128x128xf32, #tpu.memory_space<vmem_shared>>
        tpu.wait_dma2 semaphore(%run_scoped3A_215 : memref<!tpu.dma_semaphore, #tpu.memory_space<semaphore_mem>>) src(%dma_wait3A_222 : memref<128x128xf32, #tpu.memory_space<vmem_shared>>) dst(%arg10 : memref<128x128xf32, #tpu.memory_space<vmem>>)
        tpu.yield
      }) : () -> ()
      %add3A_197 = arith.constant 128 : i32
      %add3A_198 = arith.addi %mul3A_2, %add3A_197 : i32
      %run_scoped3A_199 = arith.constant 0 : i32
      "tpu.region"() ({
        %run_scoped3A_215 = tpu.sem_alloc : memref<!tpu.dma_semaphore, #tpu.memory_space<semaphore_mem>>
        %dma_start3A_216 = arith.constant 0 : i32
        %dma_start3A_217 = tpu.memref_slice %arg4[%run_scoped3A_199, %add3A_198, %dma_start3A_216] : memref<2x10240x128xf32, #tpu.memory_space<hbm>> -> memref<1x128x128xf32, #tpu.memory_space<hbm>>
        %dma_start3A_218 = tpu.memref_squeeze %dma_start3A_217 : memref<1x128x128xf32, #tpu.memory_space<hbm>> -> memref<128x128xf32, #tpu.memory_space<hbm>>
        %dma_start3A_219 = arith.constant 0 : i32
        %dma_start3A_220 = tpu.memref_slice %arg4[%run_scoped3A_199, %add3A_198, %dma_start3A_219] : memref<2x10240x128xf32, #tpu.memory_space<hbm>> -> memref<1x128x128xf32, #tpu.memory_space<hbm>>
        %dma_start3A_221 = tpu.memref_squeeze %dma_start3A_220 : memref<1x128x128xf32, #tpu.memory_space<hbm>> -> memref<128x128xf32, #tpu.memory_space<hbm>>
        tpu.enqueue_dma source(%arg10 : memref<128x128xf32, #tpu.memory_space<vmem>>) target(%dma_start3A_221 : memref<128x128xf32, #tpu.memory_space<hbm>>) target_semaphore(%run_scoped3A_215 : memref<!tpu.dma_semaphore, #tpu.memory_space<semaphore_mem>>)
        %dma_wait3A = arith.constant 0 : i32
        %dma_wait3A_222 = tpu.memref_slice %arg4[%run_scoped3A_199, %add3A_198, %dma_wait3A] : memref<2x10240x128xf32, #tpu.memory_space<hbm>> -> memref<1x128x128xf32, #tpu.memory_space<hbm>>
        %dma_wait3A_223 = tpu.memref_squeeze %dma_wait3A_222 : memref<1x128x128xf32, #tpu.memory_space<hbm>> -> memref<128x128xf32, #tpu.memory_space<hbm>>
        %dma_wait3A_224 = arith.constant 0 : i32
        %dma_wait3A_225 = tpu.memref_slice %arg4[%run_scoped3A_199, %add3A_198, %dma_wait3A_224] : memref<2x10240x128xf32, #tpu.memory_space<hbm>> -> memref<1x128x128xf32, #tpu.memory_space<hbm>>
        %dma_wait3A_226 = tpu.memref_squeeze %dma_wait3A_225 : memref<1x128x128xf32, #tpu.memory_space<hbm>> -> memref<128x128xf32, #tpu.memory_space<hbm>>
        tpu.wait_dma2 semaphore(%run_scoped3A_215 : memref<!tpu.dma_semaphore, #tpu.memory_space<semaphore_mem>>) src(%arg10 : memref<128x128xf32, #tpu.memory_space<vmem>>) dst(%dma_wait3A_226 : memref<128x128xf32, #tpu.memory_space<hbm>>)
        tpu.yield
      }) : () -> ()
      %add3A_200 = arith.constant 256 : i32
      %add3A_201 = arith.addi %mul3A_2, %add3A_200 : i32
      "tpu.region"() ({
        %run_scoped3A_215 = tpu.sem_alloc : memref<!tpu.dma_semaphore, #tpu.memory_space<semaphore_mem>>
        %dma_start3A_216 = arith.constant 0 : i32
        %dma_start3A_217 = tpu.memref_slice %arg14[%add3A_201, %dma_start3A_216] : memref<10240x128xf32, #tpu.memory_space<vmem_shared>> -> memref<128x128xf32, #tpu.memory_space<vmem_shared>>
        %dma_start3A_218 = arith.constant 0 : i32
        %dma_start3A_219 = tpu.memref_slice %arg14[%add3A_201, %dma_start3A_218] : memref<10240x128xf32, #tpu.memory_space<vmem_shared>> -> memref<128x128xf32, #tpu.memory_space<vmem_shared>>
        tpu.enqueue_dma source(%dma_start3A_219 : memref<128x128xf32, #tpu.memory_space<vmem_shared>>) target(%arg10 : memref<128x128xf32, #tpu.memory_space<vmem>>) target_semaphore(%run_scoped3A_215 : memref<!tpu.dma_semaphore, #tpu.memory_space<semaphore_mem>>)
        %dma_wait3A = arith.constant 0 : i32
        %dma_wait3A_220 = tpu.memref_slice %arg14[%add3A_201, %dma_wait3A] : memref<10240x128xf32, #tpu.memory_space<vmem_shared>> -> memref<128x128xf32, #tpu.memory_space<vmem_shared>>
        %dma_wait3A_221 = arith.constant 0 : i32
        %dma_wait3A_222 = tpu.memref_slice %arg14[%add3A_201, %dma_wait3A_221] : memref<10240x128xf32, #tpu.memory_space<vmem_shared>> -> memref<128x128xf32, #tpu.memory_space<vmem_shared>>
        tpu.wait_dma2 semaphore(%run_scoped3A_215 : memref<!tpu.dma_semaphore, #tpu.memory_space<semaphore_mem>>) src(%dma_wait3A_222 : memref<128x128xf32, #tpu.memory_space<vmem_shared>>) dst(%arg10 : memref<128x128xf32, #tpu.memory_space<vmem>>)
        tpu.yield
      }) : () -> ()
      %add3A_202 = arith.constant 256 : i32
      %add3A_203 = arith.addi %mul3A_2, %add3A_202 : i32
      %run_scoped3A_204 = arith.constant 0 : i32
      "tpu.region"() ({
        %run_scoped3A_215 = tpu.sem_alloc : memref<!tpu.dma_semaphore, #tpu.memory_space<semaphore_mem>>
        %dma_start3A_216 = arith.constant 0 : i32
        %dma_start3A_217 = tpu.memref_slice %arg4[%run_scoped3A_204, %add3A_203, %dma_start3A_216] : memref<2x10240x128xf32, #tpu.memory_space<hbm>> -> memref<1x128x128xf32, #tpu.memory_space<hbm>>
        %dma_start3A_218 = tpu.memref_squeeze %dma_start3A_217 : memref<1x128x128xf32, #tpu.memory_space<hbm>> -> memref<128x128xf32, #tpu.memory_space<hbm>>
        %dma_start3A_219 = arith.constant 0 : i32
        %dma_start3A_220 = tpu.memref_slice %arg4[%run_scoped3A_204, %add3A_203, %dma_start3A_219] : memref<2x10240x128xf32, #tpu.memory_space<hbm>> -> memref<1x128x128xf32, #tpu.memory_space<hbm>>
        %dma_start3A_221 = tpu.memref_squeeze %dma_start3A_220 : memref<1x128x128xf32, #tpu.memory_space<hbm>> -> memref<128x128xf32, #tpu.memory_space<hbm>>
        tpu.enqueue_dma source(%arg10 : memref<128x128xf32, #tpu.memory_space<vmem>>) target(%dma_start3A_221 : memref<128x128xf32, #tpu.memory_space<hbm>>) target_semaphore(%run_scoped3A_215 : memref<!tpu.dma_semaphore, #tpu.memory_space<semaphore_mem>>)
        %dma_wait3A = arith.constant 0 : i32
        %dma_wait3A_222 = tpu.memref_slice %arg4[%run_scoped3A_204, %add3A_203, %dma_wait3A] : memref<2x10240x128xf32, #tpu.memory_space<hbm>> -> memref<1x128x128xf32, #tpu.memory_space<hbm>>
        %dma_wait3A_223 = tpu.memref_squeeze %dma_wait3A_222 : memref<1x128x128xf32, #tpu.memory_space<hbm>> -> memref<128x128xf32, #tpu.memory_space<hbm>>
        %dma_wait3A_224 = arith.constant 0 : i32
        %dma_wait3A_225 = tpu.memref_slice %arg4[%run_scoped3A_204, %add3A_203, %dma_wait3A_224] : memref<2x10240x128xf32, #tpu.memory_space<hbm>> -> memref<1x128x128xf32, #tpu.memory_space<hbm>>
        %dma_wait3A_226 = tpu.memref_squeeze %dma_wait3A_225 : memref<1x128x128xf32, #tpu.memory_space<hbm>> -> memref<128x128xf32, #tpu.memory_space<hbm>>
        tpu.wait_dma2 semaphore(%run_scoped3A_215 : memref<!tpu.dma_semaphore, #tpu.memory_space<semaphore_mem>>) src(%arg10 : memref<128x128xf32, #tpu.memory_space<vmem>>) dst(%dma_wait3A_226 : memref<128x128xf32, #tpu.memory_space<hbm>>)
        tpu.yield
      }) : () -> ()
      %add3A_205 = arith.constant 384 : i32
      %add3A_206 = arith.addi %mul3A_2, %add3A_205 : i32
      "tpu.region"() ({
        %run_scoped3A_215 = tpu.sem_alloc : memref<!tpu.dma_semaphore, #tpu.memory_space<semaphore_mem>>
        %dma_start3A_216 = arith.constant 0 : i32
        %dma_start3A_217 = tpu.memref_slice %arg14[%add3A_206, %dma_start3A_216] : memref<10240x128xf32, #tpu.memory_space<vmem_shared>> -> memref<128x128xf32, #tpu.memory_space<vmem_shared>>
        %dma_start3A_218 = arith.constant 0 : i32
        %dma_start3A_219 = tpu.memref_slice %arg14[%add3A_206, %dma_start3A_218] : memref<10240x128xf32, #tpu.memory_space<vmem_shared>> -> memref<128x128xf32, #tpu.memory_space<vmem_shared>>
        tpu.enqueue_dma source(%dma_start3A_219 : memref<128x128xf32, #tpu.memory_space<vmem_shared>>) target(%arg10 : memref<128x128xf32, #tpu.memory_space<vmem>>) target_semaphore(%run_scoped3A_215 : memref<!tpu.dma_semaphore, #tpu.memory_space<semaphore_mem>>)
        %dma_wait3A = arith.constant 0 : i32
        %dma_wait3A_220 = tpu.memref_slice %arg14[%add3A_206, %dma_wait3A] : memref<10240x128xf32, #tpu.memory_space<vmem_shared>> -> memref<128x128xf32, #tpu.memory_space<vmem_shared>>
        %dma_wait3A_221 = arith.constant 0 : i32
        %dma_wait3A_222 = tpu.memref_slice %arg14[%add3A_206, %dma_wait3A_221] : memref<10240x128xf32, #tpu.memory_space<vmem_shared>> -> memref<128x128xf32, #tpu.memory_space<vmem_shared>>
        tpu.wait_dma2 semaphore(%run_scoped3A_215 : memref<!tpu.dma_semaphore, #tpu.memory_space<semaphore_mem>>) src(%dma_wait3A_222 : memref<128x128xf32, #tpu.memory_space<vmem_shared>>) dst(%arg10 : memref<128x128xf32, #tpu.memory_space<vmem>>)
        tpu.yield
      }) : () -> ()
      %add3A_207 = arith.constant 384 : i32
      %add3A_208 = arith.addi %mul3A_2, %add3A_207 : i32
      %run_scoped3A_209 = arith.constant 0 : i32
      "tpu.region"() ({
        %run_scoped3A_215 = tpu.sem_alloc : memref<!tpu.dma_semaphore, #tpu.memory_space<semaphore_mem>>
        %dma_start3A_216 = arith.constant 0 : i32
        %dma_start3A_217 = tpu.memref_slice %arg4[%run_scoped3A_209, %add3A_208, %dma_start3A_216] : memref<2x10240x128xf32, #tpu.memory_space<hbm>> -> memref<1x128x128xf32, #tpu.memory_space<hbm>>
        %dma_start3A_218 = tpu.memref_squeeze %dma_start3A_217 : memref<1x128x128xf32, #tpu.memory_space<hbm>> -> memref<128x128xf32, #tpu.memory_space<hbm>>
        %dma_start3A_219 = arith.constant 0 : i32
        %dma_start3A_220 = tpu.memref_slice %arg4[%run_scoped3A_209, %add3A_208, %dma_start3A_219] : memref<2x10240x128xf32, #tpu.memory_space<hbm>> -> memref<1x128x128xf32, #tpu.memory_space<hbm>>
        %dma_start3A_221 = tpu.memref_squeeze %dma_start3A_220 : memref<1x128x128xf32, #tpu.memory_space<hbm>> -> memref<128x128xf32, #tpu.memory_space<hbm>>
        tpu.enqueue_dma source(%arg10 : memref<128x128xf32, #tpu.memory_space<vmem>>) target(%dma_start3A_221 : memref<128x128xf32, #tpu.memory_space<hbm>>) target_semaphore(%run_scoped3A_215 : memref<!tpu.dma_semaphore, #tpu.memory_space<semaphore_mem>>)
        %dma_wait3A = arith.constant 0 : i32
        %dma_wait3A_222 = tpu.memref_slice %arg4[%run_scoped3A_209, %add3A_208, %dma_wait3A] : memref<2x10240x128xf32, #tpu.memory_space<hbm>> -> memref<1x128x128xf32, #tpu.memory_space<hbm>>
        %dma_wait3A_223 = tpu.memref_squeeze %dma_wait3A_222 : memref<1x128x128xf32, #tpu.memory_space<hbm>> -> memref<128x128xf32, #tpu.memory_space<hbm>>
        %dma_wait3A_224 = arith.constant 0 : i32
        %dma_wait3A_225 = tpu.memref_slice %arg4[%run_scoped3A_209, %add3A_208, %dma_wait3A_224] : memref<2x10240x128xf32, #tpu.memory_space<hbm>> -> memref<1x128x128xf32, #tpu.memory_space<hbm>>
        %dma_wait3A_226 = tpu.memref_squeeze %dma_wait3A_225 : memref<1x128x128xf32, #tpu.memory_space<hbm>> -> memref<128x128xf32, #tpu.memory_space<hbm>>
        tpu.wait_dma2 semaphore(%run_scoped3A_215 : memref<!tpu.dma_semaphore, #tpu.memory_space<semaphore_mem>>) src(%arg10 : memref<128x128xf32, #tpu.memory_space<vmem>>) dst(%dma_wait3A_226 : memref<128x128xf32, #tpu.memory_space<hbm>>)
        tpu.yield
      }) : () -> ()
      %add3A_210 = arith.constant 512 : i32
      %add3A_211 = arith.addi %mul3A_2, %add3A_210 : i32
      "tpu.region"() ({
        %run_scoped3A_215 = tpu.sem_alloc : memref<!tpu.dma_semaphore, #tpu.memory_space<semaphore_mem>>
        %dma_start3A_216 = arith.constant 0 : i32
        %dma_start3A_217 = tpu.memref_slice %arg14[%add3A_211, %dma_start3A_216] : memref<10240x128xf32, #tpu.memory_space<vmem_shared>> -> memref<128x128xf32, #tpu.memory_space<vmem_shared>>
        %dma_start3A_218 = arith.constant 0 : i32
        %dma_start3A_219 = tpu.memref_slice %arg14[%add3A_211, %dma_start3A_218] : memref<10240x128xf32, #tpu.memory_space<vmem_shared>> -> memref<128x128xf32, #tpu.memory_space<vmem_shared>>
        tpu.enqueue_dma source(%dma_start3A_219 : memref<128x128xf32, #tpu.memory_space<vmem_shared>>) target(%arg10 : memref<128x128xf32, #tpu.memory_space<vmem>>) target_semaphore(%run_scoped3A_215 : memref<!tpu.dma_semaphore, #tpu.memory_space<semaphore_mem>>)
        %dma_wait3A = arith.constant 0 : i32
        %dma_wait3A_220 = tpu.memref_slice %arg14[%add3A_211, %dma_wait3A] : memref<10240x128xf32, #tpu.memory_space<vmem_shared>> -> memref<128x128xf32, #tpu.memory_space<vmem_shared>>
        %dma_wait3A_221 = arith.constant 0 : i32
        %dma_wait3A_222 = tpu.memref_slice %arg14[%add3A_211, %dma_wait3A_221] : memref<10240x128xf32, #tpu.memory_space<vmem_shared>> -> memref<128x128xf32, #tpu.memory_space<vmem_shared>>
        tpu.wait_dma2 semaphore(%run_scoped3A_215 : memref<!tpu.dma_semaphore, #tpu.memory_space<semaphore_mem>>) src(%dma_wait3A_222 : memref<128x128xf32, #tpu.memory_space<vmem_shared>>) dst(%arg10 : memref<128x128xf32, #tpu.memory_space<vmem>>)
        tpu.yield
      }) : () -> ()
      %add3A_212 = arith.constant 512 : i32
      %add3A_213 = arith.addi %mul3A_2, %add3A_212 : i32
      %run_scoped3A_214 = arith.constant 0 : i32
      "tpu.region"() ({
        %run_scoped3A_215 = tpu.sem_alloc : memref<!tpu.dma_semaphore, #tpu.memory_space<semaphore_mem>>
        %dma_start3A_216 = arith.constant 0 : i32
        %dma_start3A_217 = tpu.memref_slice %arg4[%run_scoped3A_214, %add3A_213, %dma_start3A_216] : memref<2x10240x128xf32, #tpu.memory_space<hbm>> -> memref<1x128x128xf32, #tpu.memory_space<hbm>>
        %dma_start3A_218 = tpu.memref_squeeze %dma_start3A_217 : memref<1x128x128xf32, #tpu.memory_space<hbm>> -> memref<128x128xf32, #tpu.memory_space<hbm>>
        %dma_start3A_219 = arith.constant 0 : i32
        %dma_start3A_220 = tpu.memref_slice %arg4[%run_scoped3A_214, %add3A_213, %dma_start3A_219] : memref<2x10240x128xf32, #tpu.memory_space<hbm>> -> memref<1x128x128xf32, #tpu.memory_space<hbm>>
        %dma_start3A_221 = tpu.memref_squeeze %dma_start3A_220 : memref<1x128x128xf32, #tpu.memory_space<hbm>> -> memref<128x128xf32, #tpu.memory_space<hbm>>
        tpu.enqueue_dma source(%arg10 : memref<128x128xf32, #tpu.memory_space<vmem>>) target(%dma_start3A_221 : memref<128x128xf32, #tpu.memory_space<hbm>>) target_semaphore(%run_scoped3A_215 : memref<!tpu.dma_semaphore, #tpu.memory_space<semaphore_mem>>)
        %dma_wait3A = arith.constant 0 : i32
        %dma_wait3A_222 = tpu.memref_slice %arg4[%run_scoped3A_214, %add3A_213, %dma_wait3A] : memref<2x10240x128xf32, #tpu.memory_space<hbm>> -> memref<1x128x128xf32, #tpu.memory_space<hbm>>
        %dma_wait3A_223 = tpu.memref_squeeze %dma_wait3A_222 : memref<1x128x128xf32, #tpu.memory_space<hbm>> -> memref<128x128xf32, #tpu.memory_space<hbm>>
        %dma_wait3A_224 = arith.constant 0 : i32
        %dma_wait3A_225 = tpu.memref_slice %arg4[%run_scoped3A_214, %add3A_213, %dma_wait3A_224] : memref<2x10240x128xf32, #tpu.memory_space<hbm>> -> memref<1x128x128xf32, #tpu.memory_space<hbm>>
        %dma_wait3A_226 = tpu.memref_squeeze %dma_wait3A_225 : memref<1x128x128xf32, #tpu.memory_space<hbm>> -> memref<128x128xf32, #tpu.memory_space<hbm>>
        tpu.wait_dma2 semaphore(%run_scoped3A_215 : memref<!tpu.dma_semaphore, #tpu.memory_space<semaphore_mem>>) src(%arg10 : memref<128x128xf32, #tpu.memory_space<vmem>>) dst(%dma_wait3A_226 : memref<128x128xf32, #tpu.memory_space<hbm>>)
        tpu.yield
      }) : () -> ()
    } else {
    }
    %eq3A_186 = arith.constant 1 : i32
    %eq3A_187 = arith.cmpi eq, %arg0, %eq3A_186 : i32
    %convert_element_type3A_188 = arith.extui %eq3A_187 : i1 to i32
    %cond3A_189 = arith.constant 0 : i32
    %cond3A_190 = arith.cmpi ne, %convert_element_type3A_188, %cond3A_189 : i32
    scf.if %cond3A_190 {
      %add3A_191 = arith.constant 0 : i32
      %add3A_192 = arith.addi %mul3A_2, %add3A_191 : i32
      "tpu.region"() ({
        %run_scoped3A_215 = tpu.sem_alloc : memref<!tpu.dma_semaphore, #tpu.memory_space<semaphore_mem>>
        %dma_start3A_216 = arith.constant 0 : i32
        %dma_start3A_217 = tpu.memref_slice %arg14[%add3A_192, %dma_start3A_216] : memref<10240x128xf32, #tpu.memory_space<vmem_shared>> -> memref<128x128xf32, #tpu.memory_space<vmem_shared>>
        %dma_start3A_218 = arith.constant 0 : i32
        %dma_start3A_219 = tpu.memref_slice %arg14[%add3A_192, %dma_start3A_218] : memref<10240x128xf32, #tpu.memory_space<vmem_shared>> -> memref<128x128xf32, #tpu.memory_space<vmem_shared>>
        tpu.enqueue_dma source(%dma_start3A_219 : memref<128x128xf32, #tpu.memory_space<vmem_shared>>) target(%arg10 : memref<128x128xf32, #tpu.memory_space<vmem>>) target_semaphore(%run_scoped3A_215 : memref<!tpu.dma_semaphore, #tpu.memory_space<semaphore_mem>>)
        %dma_wait3A = arith.constant 0 : i32
        %dma_wait3A_220 = tpu.memref_slice %arg14[%add3A_192, %dma_wait3A] : memref<10240x128xf32, #tpu.memory_space<vmem_shared>> -> memref<128x128xf32, #tpu.memory_space<vmem_shared>>
        %dma_wait3A_221 = arith.constant 0 : i32
        %dma_wait3A_222 = tpu.memref_slice %arg14[%add3A_192, %dma_wait3A_221] : memref<10240x128xf32, #tpu.memory_space<vmem_shared>> -> memref<128x128xf32, #tpu.memory_space<vmem_shared>>
        tpu.wait_dma2 semaphore(%run_scoped3A_215 : memref<!tpu.dma_semaphore, #tpu.memory_space<semaphore_mem>>) src(%dma_wait3A_222 : memref<128x128xf32, #tpu.memory_space<vmem_shared>>) dst(%arg10 : memref<128x128xf32, #tpu.memory_space<vmem>>)
        tpu.yield
      }) : () -> ()
      %add3A_193 = arith.constant 0 : i32
      %add3A_194 = arith.addi %mul3A_2, %add3A_193 : i32
      %run_scoped3A = arith.constant 1 : i32
      "tpu.region"() ({
        %run_scoped3A_215 = tpu.sem_alloc : memref<!tpu.dma_semaphore, #tpu.memory_space<semaphore_mem>>
        %dma_start3A_216 = arith.constant 0 : i32
        %dma_start3A_217 = tpu.memref_slice %arg4[%run_scoped3A, %add3A_194, %dma_start3A_216] : memref<2x10240x128xf32, #tpu.memory_space<hbm>> -> memref<1x128x128xf32, #tpu.memory_space<hbm>>
        %dma_start3A_218 = tpu.memref_squeeze %dma_start3A_217 : memref<1x128x128xf32, #tpu.memory_space<hbm>> -> memref<128x128xf32, #tpu.memory_space<hbm>>
        %dma_start3A_219 = arith.constant 0 : i32
        %dma_start3A_220 = tpu.memref_slice %arg4[%run_scoped3A, %add3A_194, %dma_start3A_219] : memref<2x10240x128xf32, #tpu.memory_space<hbm>> -> memref<1x128x128xf32, #tpu.memory_space<hbm>>
        %dma_start3A_221 = tpu.memref_squeeze %dma_start3A_220 : memref<1x128x128xf32, #tpu.memory_space<hbm>> -> memref<128x128xf32, #tpu.memory_space<hbm>>
        tpu.enqueue_dma source(%arg10 : memref<128x128xf32, #tpu.memory_space<vmem>>) target(%dma_start3A_221 : memref<128x128xf32, #tpu.memory_space<hbm>>) target_semaphore(%run_scoped3A_215 : memref<!tpu.dma_semaphore, #tpu.memory_space<semaphore_mem>>)
        %dma_wait3A = arith.constant 0 : i32
        %dma_wait3A_222 = tpu.memref_slice %arg4[%run_scoped3A, %add3A_194, %dma_wait3A] : memref<2x10240x128xf32, #tpu.memory_space<hbm>> -> memref<1x128x128xf32, #tpu.memory_space<hbm>>
        %dma_wait3A_223 = tpu.memref_squeeze %dma_wait3A_222 : memref<1x128x128xf32, #tpu.memory_space<hbm>> -> memref<128x128xf32, #tpu.memory_space<hbm>>
        %dma_wait3A_224 = arith.constant 0 : i32
        %dma_wait3A_225 = tpu.memref_slice %arg4[%run_scoped3A, %add3A_194, %dma_wait3A_224] : memref<2x10240x128xf32, #tpu.memory_space<hbm>> -> memref<1x128x128xf32, #tpu.memory_space<hbm>>
        %dma_wait3A_226 = tpu.memref_squeeze %dma_wait3A_225 : memref<1x128x128xf32, #tpu.memory_space<hbm>> -> memref<128x128xf32, #tpu.memory_space<hbm>>
        tpu.wait_dma2 semaphore(%run_scoped3A_215 : memref<!tpu.dma_semaphore, #tpu.memory_space<semaphore_mem>>) src(%arg10 : memref<128x128xf32, #tpu.memory_space<vmem>>) dst(%dma_wait3A_226 : memref<128x128xf32, #tpu.memory_space<hbm>>)
        tpu.yield
      }) : () -> ()
      %add3A_195 = arith.constant 128 : i32
      %add3A_196 = arith.addi %mul3A_2, %add3A_195 : i32
      "tpu.region"() ({
        %run_scoped3A_215 = tpu.sem_alloc : memref<!tpu.dma_semaphore, #tpu.memory_space<semaphore_mem>>
        %dma_start3A_216 = arith.constant 0 : i32
        %dma_start3A_217 = tpu.memref_slice %arg14[%add3A_196, %dma_start3A_216] : memref<10240x128xf32, #tpu.memory_space<vmem_shared>> -> memref<128x128xf32, #tpu.memory_space<vmem_shared>>
        %dma_start3A_218 = arith.constant 0 : i32
        %dma_start3A_219 = tpu.memref_slice %arg14[%add3A_196, %dma_start3A_218] : memref<10240x128xf32, #tpu.memory_space<vmem_shared>> -> memref<128x128xf32, #tpu.memory_space<vmem_shared>>
        tpu.enqueue_dma source(%dma_start3A_219 : memref<128x128xf32, #tpu.memory_space<vmem_shared>>) target(%arg10 : memref<128x128xf32, #tpu.memory_space<vmem>>) target_semaphore(%run_scoped3A_215 : memref<!tpu.dma_semaphore, #tpu.memory_space<semaphore_mem>>)
        %dma_wait3A = arith.constant 0 : i32
        %dma_wait3A_220 = tpu.memref_slice %arg14[%add3A_196, %dma_wait3A] : memref<10240x128xf32, #tpu.memory_space<vmem_shared>> -> memref<128x128xf32, #tpu.memory_space<vmem_shared>>
        %dma_wait3A_221 = arith.constant 0 : i32
        %dma_wait3A_222 = tpu.memref_slice %arg14[%add3A_196, %dma_wait3A_221] : memref<10240x128xf32, #tpu.memory_space<vmem_shared>> -> memref<128x128xf32, #tpu.memory_space<vmem_shared>>
        tpu.wait_dma2 semaphore(%run_scoped3A_215 : memref<!tpu.dma_semaphore, #tpu.memory_space<semaphore_mem>>) src(%dma_wait3A_222 : memref<128x128xf32, #tpu.memory_space<vmem_shared>>) dst(%arg10 : memref<128x128xf32, #tpu.memory_space<vmem>>)
        tpu.yield
      }) : () -> ()
      %add3A_197 = arith.constant 128 : i32
      %add3A_198 = arith.addi %mul3A_2, %add3A_197 : i32
      %run_scoped3A_199 = arith.constant 1 : i32
      "tpu.region"() ({
        %run_scoped3A_215 = tpu.sem_alloc : memref<!tpu.dma_semaphore, #tpu.memory_space<semaphore_mem>>
        %dma_start3A_216 = arith.constant 0 : i32
        %dma_start3A_217 = tpu.memref_slice %arg4[%run_scoped3A_199, %add3A_198, %dma_start3A_216] : memref<2x10240x128xf32, #tpu.memory_space<hbm>> -> memref<1x128x128xf32, #tpu.memory_space<hbm>>
        %dma_start3A_218 = tpu.memref_squeeze %dma_start3A_217 : memref<1x128x128xf32, #tpu.memory_space<hbm>> -> memref<128x128xf32, #tpu.memory_space<hbm>>
        %dma_start3A_219 = arith.constant 0 : i32
        %dma_start3A_220 = tpu.memref_slice %arg4[%run_scoped3A_199, %add3A_198, %dma_start3A_219] : memref<2x10240x128xf32, #tpu.memory_space<hbm>> -> memref<1x128x128xf32, #tpu.memory_space<hbm>>
        %dma_start3A_221 = tpu.memref_squeeze %dma_start3A_220 : memref<1x128x128xf32, #tpu.memory_space<hbm>> -> memref<128x128xf32, #tpu.memory_space<hbm>>
        tpu.enqueue_dma source(%arg10 : memref<128x128xf32, #tpu.memory_space<vmem>>) target(%dma_start3A_221 : memref<128x128xf32, #tpu.memory_space<hbm>>) target_semaphore(%run_scoped3A_215 : memref<!tpu.dma_semaphore, #tpu.memory_space<semaphore_mem>>)
        %dma_wait3A = arith.constant 0 : i32
        %dma_wait3A_222 = tpu.memref_slice %arg4[%run_scoped3A_199, %add3A_198, %dma_wait3A] : memref<2x10240x128xf32, #tpu.memory_space<hbm>> -> memref<1x128x128xf32, #tpu.memory_space<hbm>>
        %dma_wait3A_223 = tpu.memref_squeeze %dma_wait3A_222 : memref<1x128x128xf32, #tpu.memory_space<hbm>> -> memref<128x128xf32, #tpu.memory_space<hbm>>
        %dma_wait3A_224 = arith.constant 0 : i32
        %dma_wait3A_225 = tpu.memref_slice %arg4[%run_scoped3A_199, %add3A_198, %dma_wait3A_224] : memref<2x10240x128xf32, #tpu.memory_space<hbm>> -> memref<1x128x128xf32, #tpu.memory_space<hbm>>
        %dma_wait3A_226 = tpu.memref_squeeze %dma_wait3A_225 : memref<1x128x128xf32, #tpu.memory_space<hbm>> -> memref<128x128xf32, #tpu.memory_space<hbm>>
        tpu.wait_dma2 semaphore(%run_scoped3A_215 : memref<!tpu.dma_semaphore, #tpu.memory_space<semaphore_mem>>) src(%arg10 : memref<128x128xf32, #tpu.memory_space<vmem>>) dst(%dma_wait3A_226 : memref<128x128xf32, #tpu.memory_space<hbm>>)
        tpu.yield
      }) : () -> ()
      %add3A_200 = arith.constant 256 : i32
      %add3A_201 = arith.addi %mul3A_2, %add3A_200 : i32
      "tpu.region"() ({
        %run_scoped3A_215 = tpu.sem_alloc : memref<!tpu.dma_semaphore, #tpu.memory_space<semaphore_mem>>
        %dma_start3A_216 = arith.constant 0 : i32
        %dma_start3A_217 = tpu.memref_slice %arg14[%add3A_201, %dma_start3A_216] : memref<10240x128xf32, #tpu.memory_space<vmem_shared>> -> memref<128x128xf32, #tpu.memory_space<vmem_shared>>
        %dma_start3A_218 = arith.constant 0 : i32
        %dma_start3A_219 = tpu.memref_slice %arg14[%add3A_201, %dma_start3A_218] : memref<10240x128xf32, #tpu.memory_space<vmem_shared>> -> memref<128x128xf32, #tpu.memory_space<vmem_shared>>
        tpu.enqueue_dma source(%dma_start3A_219 : memref<128x128xf32, #tpu.memory_space<vmem_shared>>) target(%arg10 : memref<128x128xf32, #tpu.memory_space<vmem>>) target_semaphore(%run_scoped3A_215 : memref<!tpu.dma_semaphore, #tpu.memory_space<semaphore_mem>>)
        %dma_wait3A = arith.constant 0 : i32
        %dma_wait3A_220 = tpu.memref_slice %arg14[%add3A_201, %dma_wait3A] : memref<10240x128xf32, #tpu.memory_space<vmem_shared>> -> memref<128x128xf32, #tpu.memory_space<vmem_shared>>
        %dma_wait3A_221 = arith.constant 0 : i32
        %dma_wait3A_222 = tpu.memref_slice %arg14[%add3A_201, %dma_wait3A_221] : memref<10240x128xf32, #tpu.memory_space<vmem_shared>> -> memref<128x128xf32, #tpu.memory_space<vmem_shared>>
        tpu.wait_dma2 semaphore(%run_scoped3A_215 : memref<!tpu.dma_semaphore, #tpu.memory_space<semaphore_mem>>) src(%dma_wait3A_222 : memref<128x128xf32, #tpu.memory_space<vmem_shared>>) dst(%arg10 : memref<128x128xf32, #tpu.memory_space<vmem>>)
        tpu.yield
      }) : () -> ()
      %add3A_202 = arith.constant 256 : i32
      %add3A_203 = arith.addi %mul3A_2, %add3A_202 : i32
      %run_scoped3A_204 = arith.constant 1 : i32
      "tpu.region"() ({
        %run_scoped3A_215 = tpu.sem_alloc : memref<!tpu.dma_semaphore, #tpu.memory_space<semaphore_mem>>
        %dma_start3A_216 = arith.constant 0 : i32
        %dma_start3A_217 = tpu.memref_slice %arg4[%run_scoped3A_204, %add3A_203, %dma_start3A_216] : memref<2x10240x128xf32, #tpu.memory_space<hbm>> -> memref<1x128x128xf32, #tpu.memory_space<hbm>>
        %dma_start3A_218 = tpu.memref_squeeze %dma_start3A_217 : memref<1x128x128xf32, #tpu.memory_space<hbm>> -> memref<128x128xf32, #tpu.memory_space<hbm>>
        %dma_start3A_219 = arith.constant 0 : i32
        %dma_start3A_220 = tpu.memref_slice %arg4[%run_scoped3A_204, %add3A_203, %dma_start3A_219] : memref<2x10240x128xf32, #tpu.memory_space<hbm>> -> memref<1x128x128xf32, #tpu.memory_space<hbm>>
        %dma_start3A_221 = tpu.memref_squeeze %dma_start3A_220 : memref<1x128x128xf32, #tpu.memory_space<hbm>> -> memref<128x128xf32, #tpu.memory_space<hbm>>
        tpu.enqueue_dma source(%arg10 : memref<128x128xf32, #tpu.memory_space<vmem>>) target(%dma_start3A_221 : memref<128x128xf32, #tpu.memory_space<hbm>>) target_semaphore(%run_scoped3A_215 : memref<!tpu.dma_semaphore, #tpu.memory_space<semaphore_mem>>)
        %dma_wait3A = arith.constant 0 : i32
        %dma_wait3A_222 = tpu.memref_slice %arg4[%run_scoped3A_204, %add3A_203, %dma_wait3A] : memref<2x10240x128xf32, #tpu.memory_space<hbm>> -> memref<1x128x128xf32, #tpu.memory_space<hbm>>
        %dma_wait3A_223 = tpu.memref_squeeze %dma_wait3A_222 : memref<1x128x128xf32, #tpu.memory_space<hbm>> -> memref<128x128xf32, #tpu.memory_space<hbm>>
        %dma_wait3A_224 = arith.constant 0 : i32
        %dma_wait3A_225 = tpu.memref_slice %arg4[%run_scoped3A_204, %add3A_203, %dma_wait3A_224] : memref<2x10240x128xf32, #tpu.memory_space<hbm>> -> memref<1x128x128xf32, #tpu.memory_space<hbm>>
        %dma_wait3A_226 = tpu.memref_squeeze %dma_wait3A_225 : memref<1x128x128xf32, #tpu.memory_space<hbm>> -> memref<128x128xf32, #tpu.memory_space<hbm>>
        tpu.wait_dma2 semaphore(%run_scoped3A_215 : memref<!tpu.dma_semaphore, #tpu.memory_space<semaphore_mem>>) src(%arg10 : memref<128x128xf32, #tpu.memory_space<vmem>>) dst(%dma_wait3A_226 : memref<128x128xf32, #tpu.memory_space<hbm>>)
        tpu.yield
      }) : () -> ()
      %add3A_205 = arith.constant 384 : i32
      %add3A_206 = arith.addi %mul3A_2, %add3A_205 : i32
      "tpu.region"() ({
        %run_scoped3A_215 = tpu.sem_alloc : memref<!tpu.dma_semaphore, #tpu.memory_space<semaphore_mem>>
        %dma_start3A_216 = arith.constant 0 : i32
        %dma_start3A_217 = tpu.memref_slice %arg14[%add3A_206, %dma_start3A_216] : memref<10240x128xf32, #tpu.memory_space<vmem_shared>> -> memref<128x128xf32, #tpu.memory_space<vmem_shared>>
        %dma_start3A_218 = arith.constant 0 : i32
        %dma_start3A_219 = tpu.memref_slice %arg14[%add3A_206, %dma_start3A_218] : memref<10240x128xf32, #tpu.memory_space<vmem_shared>> -> memref<128x128xf32, #tpu.memory_space<vmem_shared>>
        tpu.enqueue_dma source(%dma_start3A_219 : memref<128x128xf32, #tpu.memory_space<vmem_shared>>) target(%arg10 : memref<128x128xf32, #tpu.memory_space<vmem>>) target_semaphore(%run_scoped3A_215 : memref<!tpu.dma_semaphore, #tpu.memory_space<semaphore_mem>>)
        %dma_wait3A = arith.constant 0 : i32
        %dma_wait3A_220 = tpu.memref_slice %arg14[%add3A_206, %dma_wait3A] : memref<10240x128xf32, #tpu.memory_space<vmem_shared>> -> memref<128x128xf32, #tpu.memory_space<vmem_shared>>
        %dma_wait3A_221 = arith.constant 0 : i32
        %dma_wait3A_222 = tpu.memref_slice %arg14[%add3A_206, %dma_wait3A_221] : memref<10240x128xf32, #tpu.memory_space<vmem_shared>> -> memref<128x128xf32, #tpu.memory_space<vmem_shared>>
        tpu.wait_dma2 semaphore(%run_scoped3A_215 : memref<!tpu.dma_semaphore, #tpu.memory_space<semaphore_mem>>) src(%dma_wait3A_222 : memref<128x128xf32, #tpu.memory_space<vmem_shared>>) dst(%arg10 : memref<128x128xf32, #tpu.memory_space<vmem>>)
        tpu.yield
      }) : () -> ()
      %add3A_207 = arith.constant 384 : i32
      %add3A_208 = arith.addi %mul3A_2, %add3A_207 : i32
      %run_scoped3A_209 = arith.constant 1 : i32
      "tpu.region"() ({
        %run_scoped3A_215 = tpu.sem_alloc : memref<!tpu.dma_semaphore, #tpu.memory_space<semaphore_mem>>
        %dma_start3A_216 = arith.constant 0 : i32
        %dma_start3A_217 = tpu.memref_slice %arg4[%run_scoped3A_209, %add3A_208, %dma_start3A_216] : memref<2x10240x128xf32, #tpu.memory_space<hbm>> -> memref<1x128x128xf32, #tpu.memory_space<hbm>>
        %dma_start3A_218 = tpu.memref_squeeze %dma_start3A_217 : memref<1x128x128xf32, #tpu.memory_space<hbm>> -> memref<128x128xf32, #tpu.memory_space<hbm>>
        %dma_start3A_219 = arith.constant 0 : i32
        %dma_start3A_220 = tpu.memref_slice %arg4[%run_scoped3A_209, %add3A_208, %dma_start3A_219] : memref<2x10240x128xf32, #tpu.memory_space<hbm>> -> memref<1x128x128xf32, #tpu.memory_space<hbm>>
        %dma_start3A_221 = tpu.memref_squeeze %dma_start3A_220 : memref<1x128x128xf32, #tpu.memory_space<hbm>> -> memref<128x128xf32, #tpu.memory_space<hbm>>
        tpu.enqueue_dma source(%arg10 : memref<128x128xf32, #tpu.memory_space<vmem>>) target(%dma_start3A_221 : memref<128x128xf32, #tpu.memory_space<hbm>>) target_semaphore(%run_scoped3A_215 : memref<!tpu.dma_semaphore, #tpu.memory_space<semaphore_mem>>)
        %dma_wait3A = arith.constant 0 : i32
        %dma_wait3A_222 = tpu.memref_slice %arg4[%run_scoped3A_209, %add3A_208, %dma_wait3A] : memref<2x10240x128xf32, #tpu.memory_space<hbm>> -> memref<1x128x128xf32, #tpu.memory_space<hbm>>
        %dma_wait3A_223 = tpu.memref_squeeze %dma_wait3A_222 : memref<1x128x128xf32, #tpu.memory_space<hbm>> -> memref<128x128xf32, #tpu.memory_space<hbm>>
        %dma_wait3A_224 = arith.constant 0 : i32
        %dma_wait3A_225 = tpu.memref_slice %arg4[%run_scoped3A_209, %add3A_208, %dma_wait3A_224] : memref<2x10240x128xf32, #tpu.memory_space<hbm>> -> memref<1x128x128xf32, #tpu.memory_space<hbm>>
        %dma_wait3A_226 = tpu.memref_squeeze %dma_wait3A_225 : memref<1x128x128xf32, #tpu.memory_space<hbm>> -> memref<128x128xf32, #tpu.memory_space<hbm>>
        tpu.wait_dma2 semaphore(%run_scoped3A_215 : memref<!tpu.dma_semaphore, #tpu.memory_space<semaphore_mem>>) src(%arg10 : memref<128x128xf32, #tpu.memory_space<vmem>>) dst(%dma_wait3A_226 : memref<128x128xf32, #tpu.memory_space<hbm>>)
        tpu.yield
      }) : () -> ()
      %add3A_210 = arith.constant 512 : i32
      %add3A_211 = arith.addi %mul3A_2, %add3A_210 : i32
      "tpu.region"() ({
        %run_scoped3A_215 = tpu.sem_alloc : memref<!tpu.dma_semaphore, #tpu.memory_space<semaphore_mem>>
        %dma_start3A_216 = arith.constant 0 : i32
        %dma_start3A_217 = tpu.memref_slice %arg14[%add3A_211, %dma_start3A_216] : memref<10240x128xf32, #tpu.memory_space<vmem_shared>> -> memref<128x128xf32, #tpu.memory_space<vmem_shared>>
        %dma_start3A_218 = arith.constant 0 : i32
        %dma_start3A_219 = tpu.memref_slice %arg14[%add3A_211, %dma_start3A_218] : memref<10240x128xf32, #tpu.memory_space<vmem_shared>> -> memref<128x128xf32, #tpu.memory_space<vmem_shared>>
        tpu.enqueue_dma source(%dma_start3A_219 : memref<128x128xf32, #tpu.memory_space<vmem_shared>>) target(%arg10 : memref<128x128xf32, #tpu.memory_space<vmem>>) target_semaphore(%run_scoped3A_215 : memref<!tpu.dma_semaphore, #tpu.memory_space<semaphore_mem>>)
        %dma_wait3A = arith.constant 0 : i32
        %dma_wait3A_220 = tpu.memref_slice %arg14[%add3A_211, %dma_wait3A] : memref<10240x128xf32, #tpu.memory_space<vmem_shared>> -> memref<128x128xf32, #tpu.memory_space<vmem_shared>>
        %dma_wait3A_221 = arith.constant 0 : i32
        %dma_wait3A_222 = tpu.memref_slice %arg14[%add3A_211, %dma_wait3A_221] : memref<10240x128xf32, #tpu.memory_space<vmem_shared>> -> memref<128x128xf32, #tpu.memory_space<vmem_shared>>
        tpu.wait_dma2 semaphore(%run_scoped3A_215 : memref<!tpu.dma_semaphore, #tpu.memory_space<semaphore_mem>>) src(%dma_wait3A_222 : memref<128x128xf32, #tpu.memory_space<vmem_shared>>) dst(%arg10 : memref<128x128xf32, #tpu.memory_space<vmem>>)
        tpu.yield
      }) : () -> ()
      %add3A_212 = arith.constant 512 : i32
      %add3A_213 = arith.addi %mul3A_2, %add3A_212 : i32
      %run_scoped3A_214 = arith.constant 1 : i32
      "tpu.region"() ({
        %run_scoped3A_215 = tpu.sem_alloc : memref<!tpu.dma_semaphore, #tpu.memory_space<semaphore_mem>>
        %dma_start3A_216 = arith.constant 0 : i32
        %dma_start3A_217 = tpu.memref_slice %arg4[%run_scoped3A_214, %add3A_213, %dma_start3A_216] : memref<2x10240x128xf32, #tpu.memory_space<hbm>> -> memref<1x128x128xf32, #tpu.memory_space<hbm>>
        %dma_start3A_218 = tpu.memref_squeeze %dma_start3A_217 : memref<1x128x128xf32, #tpu.memory_space<hbm>> -> memref<128x128xf32, #tpu.memory_space<hbm>>
        %dma_start3A_219 = arith.constant 0 : i32
        %dma_start3A_220 = tpu.memref_slice %arg4[%run_scoped3A_214, %add3A_213, %dma_start3A_219] : memref<2x10240x128xf32, #tpu.memory_space<hbm>> -> memref<1x128x128xf32, #tpu.memory_space<hbm>>
        %dma_start3A_221 = tpu.memref_squeeze %dma_start3A_220 : memref<1x128x128xf32, #tpu.memory_space<hbm>> -> memref<128x128xf32, #tpu.memory_space<hbm>>
        tpu.enqueue_dma source(%arg10 : memref<128x128xf32, #tpu.memory_space<vmem>>) target(%dma_start3A_221 : memref<128x128xf32, #tpu.memory_space<hbm>>) target_semaphore(%run_scoped3A_215 : memref<!tpu.dma_semaphore, #tpu.memory_space<semaphore_mem>>)
        %dma_wait3A = arith.constant 0 : i32
        %dma_wait3A_222 = tpu.memref_slice %arg4[%run_scoped3A_214, %add3A_213, %dma_wait3A] : memref<2x10240x128xf32, #tpu.memory_space<hbm>> -> memref<1x128x128xf32, #tpu.memory_space<hbm>>
        %dma_wait3A_223 = tpu.memref_squeeze %dma_wait3A_222 : memref<1x128x128xf32, #tpu.memory_space<hbm>> -> memref<128x128xf32, #tpu.memory_space<hbm>>
        %dma_wait3A_224 = arith.constant 0 : i32
        %dma_wait3A_225 = tpu.memref_slice %arg4[%run_scoped3A_214, %add3A_213, %dma_wait3A_224] : memref<2x10240x128xf32, #tpu.memory_space<hbm>> -> memref<1x128x128xf32, #tpu.memory_space<hbm>>
        %dma_wait3A_226 = tpu.memref_squeeze %dma_wait3A_225 : memref<1x128x128xf32, #tpu.memory_space<hbm>> -> memref<128x128xf32, #tpu.memory_space<hbm>>
        tpu.wait_dma2 semaphore(%run_scoped3A_215 : memref<!tpu.dma_semaphore, #tpu.memory_space<semaphore_mem>>) src(%arg10 : memref<128x128xf32, #tpu.memory_space<vmem>>) dst(%dma_wait3A_226 : memref<128x128xf32, #tpu.memory_space<hbm>>)
        tpu.yield
      }) : () -> ()
    } else {
    }
    return
  }
}

module attributes {stable_mosaic.version = 14 : i64} {
  func.func @_mm_body(%arg0: memref<10000x128xf32, #tpu.memory_space<vmem>>, %arg1: memref<128x128xf32, #tpu.memory_space<vmem>>, %arg2: memref<10000x128xf32, #tpu.memory_space<vmem>>) attributes {dimension_semantics = [], scalar_prefetch = 0 : i64, scratch_operands = 0 : i64, tpu.core_type = #tpu.core_type<tc>} {
    %get3A = arith.constant 0 : index
    %get3A_0 = arith.constant 0 : index
    %get3A_1 = vector.load %arg0[%get3A, %get3A_0] : memref<10000x128xf32, #tpu.memory_space<vmem>>, vector<10000x128xf32>
    %get3A_2 = arith.constant 0 : index
    %get3A_3 = arith.constant 0 : index
    %get3A_4 = vector.load %arg1[%get3A_2, %get3A_3] : memref<128x128xf32, #tpu.memory_space<vmem>>, vector<128x128xf32>
    %dot_general3A = arith.constant dense<0.000000e+00> : vector<10000x128xf32>
    %dot_general3A_5 = tpu.matmul %get3A_1, %get3A_4, %dot_general3A {dimension_numbers = #tpu.dot_dimension_numbers<[1], [0], [0], [1], [0, 0, 1, 1], [], []>, transpose_lhs_hint = false} : vector<10000x128xf32>, vector<128x128xf32>, vector<10000x128xf32> -> vector<10000x128xf32>
    %swap3A = arith.constant 0 : index
    %swap3A_6 = arith.constant 0 : index
    %swap3A_7 = vector.load %arg2[%swap3A, %swap3A_6] : memref<10000x128xf32, #tpu.memory_space<vmem>>, vector<10000x128xf32>
    tpu.vector_store %arg2[%swap3A, %swap3A_6], %dot_general3A_5 {strides = array<i32>} : memref<10000x128xf32, #tpu.memory_space<vmem>>, vector<10000x128xf32>,
    return
  }
}

module attributes {stable_mosaic.version = 14 : i64} {
  func.func @_scale_body(%arg0: memref<10000x1xf32, #tpu.memory_space<vmem>>, %arg1: memref<10000x1xf32, #tpu.memory_space<vmem>>, %arg2: memref<10000x128xf32, #tpu.memory_space<vmem>>, %arg3: memref<10240x128xf32, #tpu.memory_space<vmem>>, %arg4: memref<10000x1xf32, #tpu.memory_space<vmem>>) attributes {dimension_semantics = [], scalar_prefetch = 0 : i64, scratch_operands = 0 : i64, tpu.core_type = #tpu.core_type<tc>} {
    %get3A = arith.constant 0 : index
    %get3A_0 = arith.constant 0 : index
    %get3A_1 = vector.load %arg0[%get3A, %get3A_0] : memref<10000x1xf32, #tpu.memory_space<vmem>>, vector<10000x1xf32>
    %get3A_2 = arith.constant 0 : index
    %get3A_3 = arith.constant 0 : index
    %get3A_4 = vector.load %arg1[%get3A_2, %get3A_3] : memref<10000x1xf32, #tpu.memory_space<vmem>>, vector<10000x1xf32>
    %add3A = arith.addf %get3A_1, %get3A_4 : vector<10000x1xf32>
    %add3A_5 = arith.constant 1.000000e+00 : f32
    %add3A_6 = vector.broadcast %add3A_5 : f32 to vector<10000x1xf32>
    %add3A_7 = arith.addf %add3A, %add3A_6 : vector<10000x1xf32>
    %rsqrt3A = math.rsqrt %add3A_7 : vector<10000x1xf32>
    %swap3A = arith.constant 0 : index
    %swap3A_8 = arith.constant 0 : index
    %swap3A_9 = vector.load %arg4[%swap3A, %swap3A_8] : memref<10000x1xf32, #tpu.memory_space<vmem>>, vector<10000x1xf32>
    tpu.vector_store %arg4[%swap3A, %swap3A_8], %rsqrt3A {strides = array<i32>} : memref<10000x1xf32, #tpu.memory_space<vmem>>, vector<10000x1xf32>,
    %get3A_10 = arith.constant 0 : index
    %get3A_11 = arith.constant 0 : index
    %get3A_12 = vector.load %arg2[%get3A_10, %get3A_11] : memref<10000x128xf32, #tpu.memory_space<vmem>>, vector<10000x128xf32>
    %mul3A = vector.broadcast %rsqrt3A : vector<10000x1xf32> to vector<10000x128xf32>
    %mul3A_13 = arith.mulf %get3A_12, %mul3A : vector<10000x128xf32>
    %swap3A_14 = arith.constant 0 : index
    %swap3A_15 = arith.constant 0 : index
    %swap3A_16 = vector.load %arg3[%swap3A_14, %swap3A_15] : memref<10240x128xf32, #tpu.memory_space<vmem>>, vector<10000x128xf32>
    tpu.vector_store %arg3[%swap3A_14, %swap3A_15], %mul3A_13 {strides = array<i32>} : memref<10240x128xf32, #tpu.memory_space<vmem>>, vector<10000x128xf32>,
    %broadcast_in_dim3A = arith.constant 0.000000e+00 : f32
    %broadcast_in_dim3A_17 = vector.broadcast %broadcast_in_dim3A : f32 to vector<240x128xf32>
    %swap3A_18 = arith.constant 10000 : index
    %swap3A_19 = arith.constant 0 : index
    %swap3A_20 = vector.load %arg3[%swap3A_18, %swap3A_19] : memref<10240x128xf32, #tpu.memory_space<vmem>>, vector<240x128xf32>
    tpu.vector_store %arg3[%swap3A_18, %swap3A_19], %broadcast_in_dim3A_17 {strides = array<i32>} : memref<10240x128xf32, #tpu.memory_space<vmem>>, vector<240x128xf32>,
    return
  }
}

module attributes {stable_mosaic.version = 14 : i64} {
  func.func @_mid_body(%arg0: memref<2x10240x128xf32, #tpu.memory_space<vmem>>, %arg1: memref<10240x128xf32, #tpu.memory_space<vmem>>, %arg2: memref<10000x1xf32, #tpu.memory_space<vmem>>, %arg3: memref<1x128xf32, #tpu.memory_space<vmem>>, %arg4: memref<1x128xf32, #tpu.memory_space<vmem>>, %arg5: memref<1x128xf32, #tpu.memory_space<vmem>>, %arg6: memref<1x1xf32, #tpu.memory_space<vmem>>, %arg7: memref<128x128xf32, #tpu.memory_space<vmem>>, %arg8: memref<10240x128xf32, #tpu.memory_space<vmem>>) attributes {dimension_semantics = [], scalar_prefetch = 0 : i64, scratch_operands = 0 : i64, tpu.core_type = #tpu.core_type<tc>} {
    %get3A = arith.constant 0 : index
    %get3A_0 = arith.constant 0 : index
    %get3A_1 = arith.constant 0 : index
    %get3A_2 = vector.load %arg0[%get3A, %get3A_0, %get3A_1] : memref<2x10240x128xf32, #tpu.memory_space<vmem>>, vector<1x10000x128xf32>
    %get3A_3 = vector.shape_cast %get3A_2 : vector<1x10000x128xf32> to vector<10000x128xf32>
    %get3A_4 = arith.constant 1 : index
    %get3A_5 = arith.constant 0 : index
    %get3A_6 = arith.constant 0 : index
    %get3A_7 = vector.load %arg0[%get3A_4, %get3A_5, %get3A_6] : memref<2x10240x128xf32, #tpu.memory_space<vmem>>, vector<1x10000x128xf32>
    %get3A_8 = vector.shape_cast %get3A_7 : vector<1x10000x128xf32> to vector<10000x128xf32>
    %add3A = arith.addf %get3A_3, %get3A_8 : vector<10000x128xf32>
    %get3A_9 = arith.constant 0 : index
    %get3A_10 = arith.constant 0 : index
    %get3A_11 = vector.load %arg1[%get3A_9, %get3A_10] : memref<10240x128xf32, #tpu.memory_space<vmem>>, vector<10000x128xf32>
    %add3A_12 = arith.addf %add3A, %get3A_11 : vector<10000x128xf32>
    %get3A_13 = arith.constant 0 : index
    %get3A_14 = arith.constant 0 : index
    %get3A_15 = vector.load %arg2[%get3A_13, %get3A_14] : memref<10000x1xf32, #tpu.memory_space<vmem>>, vector<10000x1xf32>
    %mul3A = vector.broadcast %get3A_15 : vector<10000x1xf32> to vector<10000x128xf32>
    %mul3A_16 = arith.mulf %add3A_12, %mul3A : vector<10000x128xf32>
    %get3A_17 = arith.constant 0 : index
    %get3A_18 = arith.constant 0 : index
    %get3A_19 = vector.load %arg3[%get3A_17, %get3A_18] : memref<1x128xf32, #tpu.memory_space<vmem>>, vector<1x128xf32>
    %add3A_20 = vector.broadcast %get3A_19 : vector<1x128xf32> to vector<10000x128xf32>
    %add3A_21 = arith.addf %mul3A_16, %add3A_20 : vector<10000x128xf32>
    %get3A_22 = arith.constant 0 : index
    %get3A_23 = arith.constant 0 : index
    %get3A_24 = vector.load %arg4[%get3A_22, %get3A_23] : memref<1x128xf32, #tpu.memory_space<vmem>>, vector<1x128xf32>
    %get3A_25 = arith.constant 0 : index
    %get3A_26 = arith.constant 0 : index
    %get3A_27 = vector.load %arg5[%get3A_25, %get3A_26] : memref<1x128xf32, #tpu.memory_space<vmem>>, vector<1x128xf32>
    %get3A_28 = arith.constant 0 : index
    %get3A_29 = arith.constant 0 : index
    %get3A_30 = vector.load %arg6[%get3A_28, %get3A_29] : memref<1x1xf32, #tpu.memory_space<vmem>>, vector<1x1xf32>
    %reduce_sum3A = arith.constant dense<0.000000e+00> : vector<128xf32>
    %reduce_sum3A_31 = vector.multi_reduction <add>, %add3A_21, %reduce_sum3A [0] : vector<10000x128xf32> to vector<128xf32>
    %broadcast_in_dim3A = vector.shape_cast %reduce_sum3A_31 : vector<128xf32> to vector<1x128xf32>
    %div3A = arith.constant 1.000000e+04 : f32
    %div3A_32 = vector.broadcast %div3A : f32 to vector<1x128xf32>
    %div3A_33 = arith.divf %broadcast_in_dim3A, %div3A_32 : vector<1x128xf32>
    %sub3A = vector.broadcast %div3A_33 : vector<1x128xf32> to vector<10000x128xf32>
    %sub3A_34 = arith.subf %add3A_21, %sub3A : vector<10000x128xf32>
    %integer_pow3A = arith.mulf %sub3A_34, %sub3A_34 : vector<10000x128xf32>
    %reduce_sum3A_35 = arith.constant dense<0.000000e+00> : vector<128xf32>
    %reduce_sum3A_36 = vector.multi_reduction <add>, %integer_pow3A, %reduce_sum3A_35 [0] : vector<10000x128xf32> to vector<128xf32>
    %broadcast_in_dim3A_37 = vector.shape_cast %reduce_sum3A_36 : vector<128xf32> to vector<1x128xf32>
    %div3A_38 = arith.constant 1.000000e+04 : f32
    %div3A_39 = vector.broadcast %div3A_38 : f32 to vector<1x128xf32>
    %div3A_40 = arith.divf %broadcast_in_dim3A_37, %div3A_39 : vector<1x128xf32>
    %sub3A_41 = vector.broadcast %div3A_33 : vector<1x128xf32> to vector<10000x128xf32>
    %sub3A_42 = arith.subf %add3A_21, %sub3A_41 : vector<10000x128xf32>
    %add3A_43 = arith.constant 9.99999974E-6 : f32
    %add3A_44 = vector.broadcast %add3A_43 : f32 to vector<1x128xf32>
    %add3A_45 = arith.addf %div3A_40, %add3A_44 : vector<1x128xf32>
    %rsqrt3A = math.rsqrt %add3A_45 : vector<1x128xf32>
    %mul3A_46 = vector.broadcast %rsqrt3A : vector<1x128xf32> to vector<10000x128xf32>
    %mul3A_47 = arith.mulf %sub3A_42, %mul3A_46 : vector<10000x128xf32>
    %mul3A_48 = vector.broadcast %get3A_24 : vector<1x128xf32> to vector<10000x128xf32>
    %mul3A_49 = arith.mulf %mul3A_47, %mul3A_48 : vector<10000x128xf32>
    %add3A_50 = vector.broadcast %get3A_27 : vector<1x128xf32> to vector<10000x128xf32>
    %add3A_51 = arith.addf %mul3A_49, %add3A_50 : vector<10000x128xf32>
    %ge3A = arith.constant 0.000000e+00 : f32
    %ge3A_52 = vector.broadcast %ge3A : f32 to vector<10000x128xf32>
    %ge3A_53 = arith.cmpf oge, %add3A_51, %ge3A_52 : vector<10000x128xf32>
    %mul3A_54 = vector.broadcast %get3A_30 : vector<1x1xf32> to vector<10000x128xf32>
    %mul3A_55 = arith.mulf %mul3A_54, %add3A_51 : vector<10000x128xf32>
    %select_n3A = arith.select %ge3A_53, %add3A_51, %mul3A_55 : vector<10000x128xi1>, vector<10000x128xf32>
    %get3A_56 = arith.constant 0 : index
    %get3A_57 = arith.constant 0 : index
    %get3A_58 = vector.load %arg7[%get3A_56, %get3A_57] : memref<128x128xf32, #tpu.memory_space<vmem>>, vector<128x128xf32>
    %dot_general3A = arith.constant dense<0.000000e+00> : vector<10000x128xf32>
    %dot_general3A_59 = tpu.matmul %select_n3A, %get3A_58, %dot_general3A {dimension_numbers = #tpu.dot_dimension_numbers<[1], [0], [0], [1], [0, 0, 1, 1], [], []>, transpose_lhs_hint = false} : vector<10000x128xf32>, vector<128x128xf32>, vector<10000x128xf32> -> vector<10000x128xf32>
    %get3A_60 = arith.constant 0 : index
    %get3A_61 = arith.constant 0 : index
    %get3A_62 = vector.load %arg2[%get3A_60, %get3A_61] : memref<10000x1xf32, #tpu.memory_space<vmem>>, vector<10000x1xf32>
    %mul3A_63 = vector.broadcast %get3A_62 : vector<10000x1xf32> to vector<10000x128xf32>
    %mul3A_64 = arith.mulf %dot_general3A_59, %mul3A_63 : vector<10000x128xf32>
    %swap3A = arith.constant 0 : index
    %swap3A_65 = arith.constant 0 : index
    %swap3A_66 = vector.load %arg8[%swap3A, %swap3A_65] : memref<10240x128xf32, #tpu.memory_space<vmem>>, vector<10000x128xf32>
    tpu.vector_store %arg8[%swap3A, %swap3A_65], %mul3A_64 {strides = array<i32>} : memref<10240x128xf32, #tpu.memory_space<vmem>>, vector<10000x128xf32>,
    %broadcast_in_dim3A_67 = arith.constant 0.000000e+00 : f32
    %broadcast_in_dim3A_68 = vector.broadcast %broadcast_in_dim3A_67 : f32 to vector<240x128xf32>
    %swap3A_69 = arith.constant 10000 : index
    %swap3A_70 = arith.constant 0 : index
    %swap3A_71 = vector.load %arg8[%swap3A_69, %swap3A_70] : memref<10240x128xf32, #tpu.memory_space<vmem>>, vector<240x128xf32>
    tpu.vector_store %arg8[%swap3A_69, %swap3A_70], %broadcast_in_dim3A_68 {strides = array<i32>} : memref<10240x128xf32, #tpu.memory_space<vmem>>, vector<240x128xf32>,
    return
  }
}

module attributes {stable_mosaic.version = 14 : i64} {
  func.func @_fin_body(%arg0: memref<2x10240x128xf32, #tpu.memory_space<vmem>>, %arg1: memref<10240x128xf32, #tpu.memory_space<vmem>>, %arg2: memref<10000x1xf32, #tpu.memory_space<vmem>>, %arg3: memref<1x128xf32, #tpu.memory_space<vmem>>, %arg4: memref<1x128xf32, #tpu.memory_space<vmem>>, %arg5: memref<1x128xf32, #tpu.memory_space<vmem>>, %arg6: memref<1x1xf32, #tpu.memory_space<vmem>>, %arg7: memref<10000x128xf32, #tpu.memory_space<vmem>>) attributes {dimension_semantics = [], scalar_prefetch = 0 : i64, scratch_operands = 0 : i64, tpu.core_type = #tpu.core_type<tc>} {
    %get3A = arith.constant 0 : index
    %get3A_0 = arith.constant 0 : index
    %get3A_1 = arith.constant 0 : index
    %get3A_2 = vector.load %arg0[%get3A, %get3A_0, %get3A_1] : memref<2x10240x128xf32, #tpu.memory_space<vmem>>, vector<1x10000x128xf32>
    %get3A_3 = vector.shape_cast %get3A_2 : vector<1x10000x128xf32> to vector<10000x128xf32>
    %get3A_4 = arith.constant 1 : index
    %get3A_5 = arith.constant 0 : index
    %get3A_6 = arith.constant 0 : index
    %get3A_7 = vector.load %arg0[%get3A_4, %get3A_5, %get3A_6] : memref<2x10240x128xf32, #tpu.memory_space<vmem>>, vector<1x10000x128xf32>
    %get3A_8 = vector.shape_cast %get3A_7 : vector<1x10000x128xf32> to vector<10000x128xf32>
    %add3A = arith.addf %get3A_3, %get3A_8 : vector<10000x128xf32>
    %get3A_9 = arith.constant 0 : index
    %get3A_10 = arith.constant 0 : index
    %get3A_11 = vector.load %arg1[%get3A_9, %get3A_10] : memref<10240x128xf32, #tpu.memory_space<vmem>>, vector<10000x128xf32>
    %add3A_12 = arith.addf %add3A, %get3A_11 : vector<10000x128xf32>
    %get3A_13 = arith.constant 0 : index
    %get3A_14 = arith.constant 0 : index
    %get3A_15 = vector.load %arg2[%get3A_13, %get3A_14] : memref<10000x1xf32, #tpu.memory_space<vmem>>, vector<10000x1xf32>
    %mul3A = vector.broadcast %get3A_15 : vector<10000x1xf32> to vector<10000x128xf32>
    %mul3A_16 = arith.mulf %add3A_12, %mul3A : vector<10000x128xf32>
    %get3A_17 = arith.constant 0 : index
    %get3A_18 = arith.constant 0 : index
    %get3A_19 = vector.load %arg3[%get3A_17, %get3A_18] : memref<1x128xf32, #tpu.memory_space<vmem>>, vector<1x128xf32>
    %add3A_20 = vector.broadcast %get3A_19 : vector<1x128xf32> to vector<10000x128xf32>
    %add3A_21 = arith.addf %mul3A_16, %add3A_20 : vector<10000x128xf32>
    %get3A_22 = arith.constant 0 : index
    %get3A_23 = arith.constant 0 : index
    %get3A_24 = vector.load %arg4[%get3A_22, %get3A_23] : memref<1x128xf32, #tpu.memory_space<vmem>>, vector<1x128xf32>
    %get3A_25 = arith.constant 0 : index
    %get3A_26 = arith.constant 0 : index
    %get3A_27 = vector.load %arg5[%get3A_25, %get3A_26] : memref<1x128xf32, #tpu.memory_space<vmem>>, vector<1x128xf32>
    %get3A_28 = arith.constant 0 : index
    %get3A_29 = arith.constant 0 : index
    %get3A_30 = vector.load %arg6[%get3A_28, %get3A_29] : memref<1x1xf32, #tpu.memory_space<vmem>>, vector<1x1xf32>
    %reduce_sum3A = arith.constant dense<0.000000e+00> : vector<128xf32>
    %reduce_sum3A_31 = vector.multi_reduction <add>, %add3A_21, %reduce_sum3A [0] : vector<10000x128xf32> to vector<128xf32>
    %broadcast_in_dim3A = vector.shape_cast %reduce_sum3A_31 : vector<128xf32> to vector<1x128xf32>
    %div3A = arith.constant 1.000000e+04 : f32
    %div3A_32 = vector.broadcast %div3A : f32 to vector<1x128xf32>
    %div3A_33 = arith.divf %broadcast_in_dim3A, %div3A_32 : vector<1x128xf32>
    %sub3A = vector.broadcast %div3A_33 : vector<1x128xf32> to vector<10000x128xf32>
    %sub3A_34 = arith.subf %add3A_21, %sub3A : vector<10000x128xf32>
    %integer_pow3A = arith.mulf %sub3A_34, %sub3A_34 : vector<10000x128xf32>
    %reduce_sum3A_35 = arith.constant dense<0.000000e+00> : vector<128xf32>
    %reduce_sum3A_36 = vector.multi_reduction <add>, %integer_pow3A, %reduce_sum3A_35 [0] : vector<10000x128xf32> to vector<128xf32>
    %broadcast_in_dim3A_37 = vector.shape_cast %reduce_sum3A_36 : vector<128xf32> to vector<1x128xf32>
    %div3A_38 = arith.constant 1.000000e+04 : f32
    %div3A_39 = vector.broadcast %div3A_38 : f32 to vector<1x128xf32>
    %div3A_40 = arith.divf %broadcast_in_dim3A_37, %div3A_39 : vector<1x128xf32>
    %sub3A_41 = vector.broadcast %div3A_33 : vector<1x128xf32> to vector<10000x128xf32>
    %sub3A_42 = arith.subf %add3A_21, %sub3A_41 : vector<10000x128xf32>
    %add3A_43 = arith.constant 9.99999974E-6 : f32
    %add3A_44 = vector.broadcast %add3A_43 : f32 to vector<1x128xf32>
    %add3A_45 = arith.addf %div3A_40, %add3A_44 : vector<1x128xf32>
    %rsqrt3A = math.rsqrt %add3A_45 : vector<1x128xf32>
    %mul3A_46 = vector.broadcast %rsqrt3A : vector<1x128xf32> to vector<10000x128xf32>
    %mul3A_47 = arith.mulf %sub3A_42, %mul3A_46 : vector<10000x128xf32>
    %mul3A_48 = vector.broadcast %get3A_24 : vector<1x128xf32> to vector<10000x128xf32>
    %mul3A_49 = arith.mulf %mul3A_47, %mul3A_48 : vector<10000x128xf32>
    %add3A_50 = vector.broadcast %get3A_27 : vector<1x128xf32> to vector<10000x128xf32>
    %add3A_51 = arith.addf %mul3A_49, %add3A_50 : vector<10000x128xf32>
    %ge3A = arith.constant 0.000000e+00 : f32
    %ge3A_52 = vector.broadcast %ge3A : f32 to vector<10000x128xf32>
    %ge3A_53 = arith.cmpf oge, %add3A_51, %ge3A_52 : vector<10000x128xf32>
    %mul3A_54 = vector.broadcast %get3A_30 : vector<1x1xf32> to vector<10000x128xf32>
    %mul3A_55 = arith.mulf %mul3A_54, %add3A_51 : vector<10000x128xf32>
    %select_n3A = arith.select %ge3A_53, %add3A_51, %mul3A_55 : vector<10000x128xi1>, vector<10000x128xf32>
    %swap3A = arith.constant 0 : index
    %swap3A_56 = arith.constant 0 : index
    %swap3A_57 = vector.load %arg7[%swap3A, %swap3A_56] : memref<10000x128xf32, #tpu.memory_space<vmem>>, vector<10000x128xf32>
    tpu.vector_store %arg7[%swap3A, %swap3A_56], %select_n3A {strides = array<i32>} : memref<10000x128xf32, #tpu.memory_space<vmem>>, vector<10000x128xf32>,
    return
  }
}

</mosaic_0001>

<sc_bundles>
// kernel: kernel.12.cloned.1.call-start
scs
__scs_entry_jumppad:
0x0: {  	(pc) =	sbr.rel $0x88, $3  }
0x1: {  	(tag) =	ssettag $0x0;
	lr =	simm.s32 $0x1  }
0x2: {  	[smem:$0x3F95] =	sst lr;
	_ =	strace $0xD0000000  }
0x3: {  	_ = 	snop  }
0x4: {  	_ = 	snop  }
0x5: {  	_ = 	snop  }
0x6: {  	_ = 	snop  }
0x7: {  	_ = 	snop  }
__scs_overlays_trampoline_lowered:
0x8: {  	[smem:$0x3FA4] =	sst s0  }
0x9: {  	[smem:$0x3FA5] =	sst s1  }
0xa: {  	[smem:$0x3FA6] =	sst s2  }
0xb: {  	[smem:$0x3FA7] =	sst s3  }
0xc: {  	[smem:$0x3FA8] =	sst s4  }
0xd: {  	[smem:$0x3FA9] =	sst s5  }
0xe: {  	[smem:$0x3FAA] =	sst s6  }
0xf: {  	[smem:$0x3FAB] =	sst s7  }
0x10: {  	[smem:$0x3FAC] =	sst s8  }
0x11: {  	[smem:$0x3FAD] =	sst s9;
	s0 =	simm.s32 @!p0 $0x0  }
0x12: {  	s1 =	sld [smem:$0x3F93];
	s0 =	simm.s32 @p0 $0x1  }
0x13: {  	[smem:$0x3FAE] =	sst s0;
	s0 =	simm.s32 @!p1 $0x0  }
0x14: {  	s2 =	sld [smem:$0x3F92];
	s0 =	simm.s32 @p1 $0x1  }
0x15: {  	[smem:$0x3FAF] =	sst s0;
	s0 =	simm.s32 @!p2 $0x0  }
0x16: {  	s3 =	sld [smem:$0x3FDB];
	s0 =	simm.s32 @p2 $0x1  }
0x17: {  	s4 =	simm.s32 $0x1BF5;
	[smem:$0x3FB1] =	sst s0  }
0x18: {  	s0 =	sld [smem:$0x3F94];
	_ =	swait.ge [sflag:s4], $0x0  }
0x19: {  	s7 =	sld [smem:$0x3F95]  }
0x1a: {  	s8 =	sadd.s32 $0xFFFFE003, lr  }
0x1b: {  	s9 =	sadd.s32 $0xFFFFFEF7, lr;
	s5 =	simm.s32 $0xFFFFFFFF;
	p2 =	slt.u32 s8, $0xFFFFF086  }
0x1c: {  	p1 =	slt.u32 s9, $0xF7A;
	s5 =	simm.s32 @!p2 $0x0  }
0x1d: {  	s5 =	simm.s32 @p1 $0x1;
	p0 =	seq.s32 s7, s2  }
0x1e: {  	s7 =	smul.u32 @!p0 $0xF7A, s2;
	p2 =	seq.s32 @!p0 s5, $0x0  }
0x1f: {  	s9 =	smul.u32 $0xF7A, s1;
	s8 =	simm.s32 @!p0 $0x1BF5;
	p2 =	por !p2, p0  }
0x20: {  	[sflag:s8] =	ssyncset.s32 @!p0 $0xFFFFF086;
	s6 =	sadd.s32 @!p0 s3, s7;
	s7 =	simm.s32 @!p0 $0x108  }
0x21: {  	s3 =	sadd.s32 s3, s9;
	s6 =	sadd.s32 @!p0 $0x88, s6;
	s7 =	simm.s32 @p2 $0x1082  }
0x22: {  	[simem:s7], [sflag:s8] =	dma.local @!p0 [hbm:s6], $0xF7A  }
0x23: {  	s9 =	sor.u32 $0xD0000000, s2;
	s6 =	simm.s32 $0x108;
	_ =	swait.ge @!p0 [sflag:s8], $0x0  }
0x24: {  	s3 =	sadd.s32 $0x88, s3;
	s6 =	simm.s32 @!p1 $0x1082;
	[sflag:s4] =	ssyncset.s32 $0xFFFFF086  }
0x25: {  	[simem:s6], [sflag:s4] =	dma.local [hbm:s3], $0xF7A  }
0x26: {  	[smem:$0x3F95] =	sst s1;
	(tag) =	ssettag s2;
	_ =	strace s9  }
0x27: {  	s1 =	sld [smem:$0x3FA5]  }
0x28: {  	s2 =	sld [smem:$0x3FA6]  }
0x29: {  	s4 =	sld [smem:$0x3FA8]  }
0x2a: {  	p0 =	seq.s32 s5, $0x0;
	s5 =	sld [smem:$0x3FA9]  }
0x2b: {  	s6 =	sld [smem:$0x3FAA]  }
0x2c: {  	s7 =	sld [smem:$0x3FAB]  }
0x2d: {  	s3 =	simm.s32 $0x108;
	s8 =	sld [smem:$0x3FAC]  }
0x2e: {  	s3 =	simm.s32 @!p0 $0x1082;
	s9 =	sld [smem:$0x3FAD]  }
0x2f: {  	lr =	sadd.s32 s0, s3;
	s0 =	sld [smem:$0x3FA4]  }
0x30: {  	s3 =	sld [smem:$0x3FA7]  }
0x31: {  	[smem:$0x3FB0] =	sst s10  }
0x32: {  	s10 =	sld [smem:$0x3FAE];
	_ =	sdelay $0x3  }
0x33: {  	p0 =	seq.s32 s10, $0x1;
	s10 =	sld [smem:$0x3FB0];
	_ =	sdelay $0x3  }
0x34: {  	[smem:$0x3FB0] =	sst s10  }
0x35: {  	s10 =	sld [smem:$0x3FAF];
	_ =	sdelay $0x3  }
0x36: {  	p1 =	seq.s32 s10, $0x1;
	s10 =	sld [smem:$0x3FB0];
	_ =	sdelay $0x3  }
0x37: {  	[smem:$0x3FB0] =	sst s10  }
0x38: {  	s10 =	sld [smem:$0x3FB1]  }
0x39: {  	_ = 	snop;
	(pc) =	sbr.ind lr, $3  }
0x3a: {  	_ = 	snop  }
0x3b: {  	_ = 	snop  }
0x3c: {  	p2 =	seq.s32 s10, $0x1;
	s10 =	sld [smem:$0x3FB0]  }
0x3d: {  	_ =	shalt  }
0x3e: {  	_ =	shalt  }
0x3f: {  	_ =	shalt  }
0x40: {  	_ =	shalt  }
0x41: {  	_ =	shalt  }
0x42: {  	_ =	shalt  }
0x43: {  	_ =	shalt  }
0x44: {  	_ =	shalt  }
0x45: {  	_ =	shalt  }
0x46: {  	_ =	shalt  }
0x47: {  	_ =	shalt  }
0x48: {  	_ =	shalt  }
0x49: {  	_ =	shalt  }
0x4a: {  	_ =	shalt  }
0x4b: {  	_ =	shalt  }
0x4c: {  	_ =	shalt  }
0x4d: {  	_ =	shalt  }
0x4e: {  	_ =	shalt  }
0x4f: {  	_ =	shalt  }
0x50: {  	_ =	shalt  }
0x51: {  	_ =	shalt  }
0x52: {  	_ =	shalt  }
0x53: {  	_ =	shalt  }
0x54: {  	_ =	shalt  }
0x55: {  	_ =	shalt  }
0x56: {  	_ =	shalt  }
0x57: {  	_ =	shalt  }
0x58: {  	_ =	shalt  }
0x59: {  	_ =	shalt  }
0x5a: {  	_ =	shalt  }
0x5b: {  	_ =	shalt  }
0x5c: {  	_ =	shalt  }
0x5d: {  	_ =	shalt  }
0x5e: {  	_ =	shalt  }
0x5f: {  	_ =	shalt  }
0x60: {  	_ =	shalt  }
0x61: {  	_ =	shalt  }
0x62: {  	_ =	shalt  }
0x63: {  	_ =	shalt  }
0x64: {  	_ =	shalt  }
0x65: {  	_ =	shalt  }
0x66: {  	_ =	shalt  }
0x67: {  	_ =	shalt  }
0x68: {  	_ =	shalt  }
0x69: {  	_ =	shalt  }
0x6a: {  	_ =	shalt  }
0x6b: {  	_ =	shalt  }
0x6c: {  	_ =	shalt  }
0x6d: {  	_ =	shalt  }
0x6e: {  	_ =	shalt  }
0x6f: {  	_ =	shalt  }
0x70: {  	_ =	shalt  }
0x71: {  	_ =	shalt  }
0x72: {  	_ =	shalt  }
0x73: {  	_ =	shalt  }
0x74: {  	_ =	shalt  }
0x75: {  	_ =	shalt  }
0x76: {  	_ =	shalt  }
0x77: {  	_ =	shalt  }
0x78: {  	_ =	shalt  }
0x79: {  	_ =	shalt  }
0x7a: {  	_ =	shalt  }
0x7b: {  	_ =	shalt  }
0x7c: {  	_ =	shalt  }
0x7d: {  	_ =	shalt  }
0x7e: {  	_ =	shalt  }
0x7f: {  	_ =	shalt  }
0x80: {  	_ =	shalt  }
0x81: {  	_ =	shalt  }
0x82: {  	_ =	shalt  }
0x83: {  	_ =	shalt  }
0x84: {  	_ =	shalt  }
0x85: {  	_ =	shalt  }
0x86: {  	_ =	shalt  }
0x87: {  	_ =	shalt  }
.Lfunc_end0:
.L_simem_size_0:
called_computation.1_lowered:
.L_overlay_start_0:
0x88: {  	s2 =	sld [smem:$0x3FD9]  }
0x89: {  	s3 =	sld [smem:$0x3FFE];
	_ =	sdelay $0x1  }
0x8a: {  	s1 =	srdreg.scid  }
0x8b: {  	s0 =	sand.u32 $0x1, s1  }
0x8c: {  	s17 =	sshll.u32 s0, $0xA;
	s2 =	sadd.s32 s3, s2  }
0x8d: {  	s2 =	sadd.s32 s2, s17  }
0x8e: {  	[smem:$0x3FBC] =	sst s2  }
0x8f: {  	_ = 	snop  }
0x90: {  	s2 =	sld [smem:$0x3FD0];
	(tm) =	ssettm $0x1  }
0x91: {  	s18 =	sld [smem:$0x3FFB];
	_ =	sdelay $0x3  }
0x92: {  	_ =	strace s18  }
0x93: {  	s3 =	sld [smem:$0x3FFC];
	_ =	sdelay $0x3  }
0x94: {  	_ =	strace s3  }
0x95: {  	s3 =	sld [smem:$0x3FFD];
	_ =	sdelay $0x3  }
0x96: {  	_ =	strace s3  }
0x97: {  	_ =	strace $0x8FFFFFFF  }
0x98: {  	s19 =	sld [smem:$0x3FDB];
	_ =	sdelay $0x1  }
0x99: {  	s4 =	simm.s32 $_scs_section_size  }
0x9a: {  	s5 =	simm.s32 $_size__tile_overlayer_lowered;
	s6 =	simm.s32 $_tile_overlayer_lowered  }
0x9b: {  	s22 =	simm.s32 $0x1BFF;
	s21 =	sshll.u32 s6, $0x1;
	s3 =	sadd.s32 s4, s19  }
0x9c: {  	s7 =	simm.s32 $0x0;
	s20 =	sshll.u32 s5, $0x1;
	s5 =	sadd.s32 s21, s3  }
0x9d: {  	[timem:s7], [sflag:s22] =	dma.local [hbm:s5], s20  }
0x9e: {  	_ =	swait.ge [sflag:s22], s20  }
0x9f: {  	s4 =	ssub.s32 $0x0, s20;
	[sflag:s22] =	ssyncset.done $0x0  }
0xa0: {  	[sflag:s22] =	ssyncadd.s32 s4;
	_ =	sdelay $0x1  }
0xa1: {  	s23 =	simm.s32 $0x1B8B  }
0xa2: {  	_ =	swait.ge [sflag:s23], $0x1  }
0xa3: {  	[sflag:s23] =	ssyncset.done $0x0  }
0xa4: {  	s25 =	simm.s32 $0x1B8E;
	s24 =	sld [smem:$0x3FFE];
	[sflag:s23] =	ssyncadd.s32 $0xFFFFFFFF  }
0xa5: {  	s26 =	simm.s32 $execute0_lowered;
	[smem:$0x3FD2] =	sst s25  }
0xa6: {  	s5 =	sshll.u32 s26, $0x1;
	_ =	strace $0x80000049;
	[dreg:$0x1] =	wrdreg $0xFFFFFFFF  }
0xa7: {  	s28 =	simm.s32 $_size_execute0_lowered;
	s3 =	sadd.s32 s3, s5;
	[dreg:$0x0] =	wrdreg $0x0  }
0xa8: {  	s5 =	sshll.u32 s28, $0x1;
	[dreg:$0x2] =	wrdreg s3  }
0xa9: {  	[dreg:$0x3] =	wrdreg s5  }
0xaa: {  	[dreg:$0x4] =	wrdreg $0xC0  }
0xab: {  	_ =	task [dreg:s7], $0x5FFFF  }
0xac: {  	[dreg:$0x1] =	wrdreg $0xFFFFFFFF  }
0xad: {  	[dreg:$0x0] =	wrdreg $0x60  }
0xae: {  	[dreg:$0x2] =	wrdreg s2  }
0xaf: {  	[dreg:$0x3] =	wrdreg s24  }
0xb0: {  	[dreg:$0x4] =	wrdreg $0xAA000  }
0xb1: {  	[dreg:$0x5] =	wrdreg $0x9  }
0xb2: {  	_ =	task.clear_ibuf [dreg:s7], $0x6FFFF;
	_ =	strace $0x90000049  }
0xb3: {  	s29 =	simm.s32 $0x9;
	_ =	strace $0x8000004B  }
0xb4: {  	_ =	swait.ge [sflag:s29], $0x1  }
0xb5: {  	[sflag:s29] =	ssyncadd.s32 $0xFFFFFFFF  }
0xb6: {  	_ =	strace $0x9000004B  }
0xb7: {  	_ =	sfence  }
0xb8: {  	s30 =	sld [smem:$0x0];
	_ =	sdelay $0x2  }
0xb9: {  	s31 =	sshll.u32 s1, $0xD;
	s1 =	sshrl.u32 s1, $0x2  }
0xba: {  	s3 =	sand.u32 $0x4000, s31;
	s1 =	sadd.s32 s1, s30  }
0xbb: {  	s0 =	sor.u32 s3, s0;
	s1 =	sshll.u32 s1, $0x11  }
0xbc: {  	s0 =	sor.u32 s1, s0  }
0xbd: {  	s0 =	sadd.s32 $0x8F2B, s0  }
0xbe: {  	[sflag:s0] =	ssyncadd.remote.s32 $0x1  }
0xbf: {  	_ =	sfence.sel $0xFFFF  }
0xc0: {  	[dreg:$0x0] =	wrdreg $0xFFFFFFFF;
	(pc) =	sbr.abs _section_cstart, $3  }
0xc1: {  	[dreg:$0x1] =	wrdreg $0xFFFFFFFF  }
0xc2: {  	_ =	task.clear_ibuf [dreg:s7], $0x2FFFF;
	_ =	strace $0x9FFFFFFF  }
0xc3: {  	(tm) =	ssettm $0x7FFFFFFF  }
tec
execute0_lowered:
.L_overlay_start_1:
0x0: {  	(tag) =	ssettag $0x1  }
0x1: {  	s0 =	rddreg [dreg:$0x0]  }
0x2: {  	s2 =	rddreg [dreg:$0x1]  }
0x3: {  	s1 =	rddreg [dreg:$0x2];
	s3 =	simm.s32 $0x0;
	s4 =	srdreg.scid  }
0x4: {  	s19 =	stileid.u32;
	s21 =	simm.s32 $0x2900;
	s22 =	simm.s32 $0x6A00  }
0x5: {  	s23 =	simm.s32 $0x1;
	s28 =	simm.s32 $0x0;
	s8 =	smul.u32 $0x280, s19  }
0x6: {  	[smem:$0x7FF] =	sst s3;
	s11 =	sand.u32 $0x1, s4;
	s9 =	smul.u32 $0x50000, s19  }
0x7: {  	s4 =	sadd.s32 $0x3600, s2;
	s16 =	sadd.s32 $0x2B600, s2;
	s18 =	smul.u32 $0x14000, s19  }
0x8: {  	s2 =	sadd.s32 $0x53600, s2;
	_ =	strace $0x8000004A;
	s5 =	ssub.s32 $0x2, s11  }
0x9: {  	s7 =	sshll.u32 s11, $0x4;
	p0 =	seq.s32 s11, $0x1;
	s6 =	sshrl.u32 s5, $0x1  }
0xa: {  	s10 =	sor.u32 s19, s7;
	s24 =	sshrl.u32 s9, $0x2;
	s13 =	sadd.s32 $0x80, s8  }
0xb: {  	s14 =	sadd.s32 $0x100, s8;
	s15 =	sadd.s32 $0x180, s8;
	s17 =	sadd.s32 $0x200, s8  }
0xc: {  	s19 =	smul.u32 $0x2800, s19;
	s18 =	sshrl.u32 s18, $0x3;
	s12 =	ssub.s32 s5, s6  }
0xd: {  	s5 =	sadd.s32 s24, s1;
	s25 =	sshll.u32 s13, $0x7;
	s26 =	sshll.u32 s14, $0x7  }
0xe: {  	s29 =	sshll.u32 s15, $0x7;
	s30 =	sshll.u32 s17, $0x7;
	s10 =	smul.u32 $0x500, s10  }
0xf: {  	s13 =	sshll.u32 s13, $0x4;
	s14 =	sshll.u32 s14, $0x4;
	s31 =	sshll.u32 s15, $0x4  }
0x10: {  	s17 =	sshll.u32 s17, $0x4;
	s24 =	simm.s32 $0x2880;
	s6 =	sadd.s32 s25, s1  }
0x11: {  	s7 =	sadd.s32 s26, s1;
	s8 =	sadd.s32 s29, s1;
	s9 =	sadd.s32 s30, s1  }
0x12: {  	s12 =	smax.u32 s12, $0x1;
	s10 =	sadd.s32 s0, s10;
	s0 =	sadd.s32 $0x28000, s18  }
0x13: {  	s25 =	simm.s32 $0x2;
	s26 =	simm.s32 $0x2980;
	s19 =	smov.u32 @p0 s0  }
0x14: {  	s18 =	simm.s32 $0x3;
	s11 =	sadd.s32 s16, s19;
	s16 =	smov.u32 @p0 s2  }
0x15: {  	s19 =	simm.s32 $0x80;
	s13 =	sadd.s32 s13, s16;
	s14 =	sadd.s32 s14, s16  }
0x16: {  	v0 =	vimm.f32 $0.0e+00;
	s15 =	sadd.s32 s31, s16;
	s16 =	sadd.s32 s17, s16;
	s17 =	simm.s32 $0x2A00  }
.LBB2_1:
0x17: {  	s0 =	sand.u32 $0xFE00, s3  }
0x18: {  	s2 =	sand.u32 $0x70, s3;
	s20 =	sshrl.u32 s0, $0x2  }
0x19: {  	s0 =	simm.s32 $0x40;
	s20 =	sor.u32 s2, s20;
	s2 =	simm.s32 $0x0  }
.LBB2_2:
0x1a: {  	p0 =	sne.s32 s0, $0xFFC0  }
0x1b: {  	[tilespmem:s20+$0x2A00] =	vst v0;
	s2 =	sadd.s32 $0x10, s2;
	s20 =	smov.u32 s0;
	s0 =	sadd.s32 $0x40, s0  }
.Ltmp0:
0x1c: {  	(pc) =	sbr.rel @p0 .LBB2_2-.Ltmp0, $4  }
0x1d: {  	_ = 	snop  }
0x1e: {  	s20 =	sand.u32 $0xFE00, s20  }
0x1f: {  	s29 =	sand.u32 $0x70, s2;
	s20 =	sshrl.u32 s20, $0x2  }
0x20: {  	s20 =	sor.u32 s29, s20  }
0x21: {  	[tilespmem:s20+$0x2A00] =	vst v0  }
0x22: {  	[spmem:s5] =	stream.linear.scatter [tilespmem:s17], [sflag:$0x3], $0x4000, $0x38;
	[tilespmem:$0x1EA00] =	vst v63  }
0x23: {  	_ =	swait.ge [sflag:s18], $0x4000  }
0x24: {  	[sflag:s18] =	ssyncset.done $0x0  }
0x25: {  	[sflag:s18] =	ssyncadd.s32 $0xFFFFC000  }
0x26: {  	[spmem:s6] =	stream.linear.scatter [tilespmem:s17], [sflag:$0x3], $0x4000, $0x38;
	[tilespmem:$0x1EA00] =	vst v63  }
0x27: {  	_ =	swait.ge [sflag:s18], $0x4000  }
0x28: {  	[sflag:s18] =	ssyncset.done $0x0  }
0x29: {  	[sflag:s18] =	ssyncadd.s32 $0xFFFFC000  }
0x2a: {  	[spmem:s7] =	stream.linear.scatter [tilespmem:s17], [sflag:$0x3], $0x4000, $0x38;
	[tilespmem:$0x1EA00] =	vst v63  }
0x2b: {  	_ =	swait.ge [sflag:s18], $0x4000  }
0x2c: {  	[sflag:s18] =	ssyncset.done $0x0  }
0x2d: {  	[sflag:s18] =	ssyncadd.s32 $0xFFFFC000  }
0x2e: {  	[spmem:s8] =	stream.linear.scatter [tilespmem:s17], [sflag:$0x3], $0x4000, $0x38;
	[tilespmem:$0x1EA00] =	vst v63  }
0x2f: {  	_ =	swait.ge [sflag:s18], $0x4000  }
0x30: {  	[sflag:s18] =	ssyncset.done $0x0  }
0x31: {  	[sflag:s18] =	ssyncadd.s32 $0xFFFFC000  }
0x32: {  	[spmem:s9] =	stream.linear.scatter [tilespmem:s17], [sflag:$0x3], $0x4000, $0x38;
	[tilespmem:$0x1EA00] =	vst v63  }
0x33: {  	_ =	swait.ge [sflag:s18], $0x4000  }
0x34: {  	[sflag:s18] =	ssyncset.done $0x0  }
0x35: {  	[sflag:s18] =	ssyncadd.s32 $0xFFFFC000  }
0x36: {  	s0 =	simm.s32 $0x0;
	[bflag:$0x0] =	sbarrier.arrive $0xFFFF  }
0x37: {  	[tilespmem:s0], [sflag:$0x3] =	stream.linear.gather [hbm4b:s10+s0], $0x2800, $0x38;
	[tilespmem:$0x1EA00] =	vst v63  }
0x38: {  	_ =	swait.ge [sflag:s18], $0x2800  }
0x39: {  	[sflag:s18] =	ssyncset.done $0x0  }
0x3a: {  	[sflag:s18] =	ssyncadd.s32 $0xFFFFD800  }
0x3b: {  	v1 =	vld [tilespmem:$0x0];
	_ =	sdelay $0x1  }
0x3c: {  	v2 =	vld [tilespmem:$0x10];
	_ =	sdelay $0x1  }
0x3d: {  	v3 =	vld [tilespmem:$0x20]  }
0x3e: {  	v4 =	vand.u32 $0x3FFF, v1  }
0x3f: {  	v62 =	vld [tilespmem:$0x30];
	v1 =	vshrl.u32 v1, $0xE;
	[tilespmem:$0x2800] =	vst v4  }
0x40: {  	[tilespmem:$0x2880] =	vst v1;
	v1 =	vand.u32 $0x3FFF, v2  }
0x41: {  	[tilespmem:$0x2810] =	vst v1;
	v1 =	vshrl.u32 v2, $0xE;
	v2 =	vld [tilespmem:$0x40]  }
0x42: {  	[tilespmem:$0x2890] =	vst v1;
	v1 =	vand.u32 $0x3FFF, v3  }
0x43: {  	[tilespmem:$0x2820] =	vst v1;
	v1 =	vshrl.u32 v3, $0xE;
	v3 =	vld [tilespmem:$0x50]  }
0x44: {  	[tilespmem:$0x28A0] =	vst v1;
	v1 =	vand.u32 $0x3FFF, v62  }
0x45: {  	v63 =	vld [tilespmem:$0x60];
	[tilespmem:$0x2830] =	vst v1;
	v1 =	vshrl.u32 v62, $0xE  }
0x46: {  	[tilespmem:$0x28B0] =	vst v1;
	v1 =	vand.u32 $0x3FFF, v2  }
0x47: {  	[tilespmem:$0x2840] =	vst v1;
	v1 =	vshrl.u32 v2, $0xE;
	v2 =	vld [tilespmem:$0x70]  }
0x48: {  	[tilespmem:$0x28C0] =	vst v1;
	v1 =	vand.u32 $0x3FFF, v3  }
0x49: {  	[tilespmem:$0x2850] =	vst v1;
	v1 =	vshrl.u32 v3, $0xE  }
0x4a: {  	[tilespmem:$0x28D0] =	vst v1;
	v1 =	vand.u32 $0x3FFF, v63  }
0x4b: {  	[tilespmem:$0x2860] =	vst v1;
	v1 =	vshrl.u32 v63, $0xE  }
0x4c: {  	[tilespmem:$0x28E0] =	vst v1;
	v1 =	vand.u32 $0x3FFF, v2  }
0x4d: {  	[tilespmem:$0x2870] =	vst v1;
	v1 =	vshrl.u32 v2, $0xE  }
0x4e: {  	s20 =	simm.s32 $0x2800;
	s31 =	simm.s32 $0x0;
	[tilespmem:$0x28F0] =	vst v1  }
0x4f: {  	[tilespmem:s17], [sflag:$0x1] =	stream.indirect.gather [hbm4b:s4+s19], $0x80, s20, s19, $0xb8;
	[tilespmem:$0x1EA00] =	vst v63  }
0x50: {  	v1 =	vld [tilespmem:s31+$0x80];
	_ =	sdelay $0x4  }
0x51: {  	v2 =	vand.u32 $0x3FFF, v1  }
0x52: {  	v1 =	vshrl.u32 v1, $0xE;
	[tilespmem:$0x2900] =	vst v2  }
0x53: {  	[tilespmem:$0x2980] =	vst v1  }
0x54: {  	v1 =	vld [tilespmem:s31+$0x90];
	_ =	sdelay $0x4  }
0x55: {  	v2 =	vand.u32 $0x3FFF, v1  }
0x56: {  	v1 =	vshrl.u32 v1, $0xE;
	[tilespmem:$0x2910] =	vst v2  }
0x57: {  	[tilespmem:$0x2990] =	vst v1  }
0x58: {  	v1 =	vld [tilespmem:s31+$0xA0];
	_ =	sdelay $0x4  }
0x59: {  	v2 =	vand.u32 $0x3FFF, v1  }
0x5a: {  	v1 =	vshrl.u32 v1, $0xE;
	[tilespmem:$0x2920] =	vst v2  }
0x5b: {  	[tilespmem:$0x29A0] =	vst v1  }
0x5c: {  	v1 =	vld [tilespmem:s31+$0xB0];
	_ =	sdelay $0x4  }
0x5d: {  	v2 =	vand.u32 $0x3FFF, v1  }
0x5e: {  	v1 =	vshrl.u32 v1, $0xE;
	[tilespmem:$0x2930] =	vst v2  }
0x5f: {  	[tilespmem:$0x29B0] =	vst v1  }
0x60: {  	v1 =	vld [tilespmem:s31+$0xC0];
	_ =	sdelay $0x4  }
0x61: {  	v2 =	vand.u32 $0x3FFF, v1  }
0x62: {  	v1 =	vshrl.u32 v1, $0xE;
	[tilespmem:$0x2940] =	vst v2  }
0x63: {  	[tilespmem:$0x29C0] =	vst v1  }
0x64: {  	v1 =	vld [tilespmem:s31+$0xD0];
	_ =	sdelay $0x4  }
0x65: {  	v2 =	vand.u32 $0x3FFF, v1  }
0x66: {  	v1 =	vshrl.u32 v1, $0xE;
	[tilespmem:$0x2950] =	vst v2  }
0x67: {  	[tilespmem:$0x29D0] =	vst v1  }
0x68: {  	v1 =	vld [tilespmem:s31+$0xE0];
	_ =	sdelay $0x4  }
0x69: {  	v2 =	vand.u32 $0x3FFF, v1  }
0x6a: {  	v1 =	vshrl.u32 v1, $0xE;
	[tilespmem:$0x2960] =	vst v2  }
0x6b: {  	[tilespmem:$0x29E0] =	vst v1  }
0x6c: {  	v1 =	vld [tilespmem:s31+$0xF0];
	_ =	sdelay $0x4  }
0x6d: {  	v2 =	vand.u32 $0x3FFF, v1  }
0x6e: {  	v1 =	vshrl.u32 v1, $0xE;
	[tilespmem:$0x2970] =	vst v2  }
0x6f: {  	[tilespmem:$0x29F0] =	vst v1  }
0x70: {  	[tilespmem:s22], [sflag:$0x2] =	stream.indirect.gather [hbm4b:s4+s19], $0x80, s21, s19, $0xb8;
	[tilespmem:$0x1EA00] =	vst v63  }
0x71: {  	_ =	swait.ge [sflag:s23], $0x4000  }
0x72: {  	[sflag:s23] =	ssyncset.done $0x0  }
0x73: {  	[sflag:s23] =	ssyncadd.s32 $0xFFFFC000  }
0x74: {  	[spmem:s1] =	stream.indirect.scatter.add.f32 [tilespmem:s17], [sflag:$0x3], $0x80, s24, s19, $0xb8;
	[tilespmem:$0x1EA00] =	vst v63  }
0x75: {  	_ =	swait.ge [sflag:s18], $0x4000  }
0x76: {  	p1 =	por $0x0, $0x0;
	[sflag:s18] =	ssyncset.done $0x0  }
0x77: {  	s30 =	simm.s32 @!p1 $0x0;
	[sflag:s18] =	ssyncadd.s32 $0xFFFFC000  }
0x78: {  	v1 =	vld @!p1 [tilespmem:s30+$0x100];
	_ =	sdelay $0x4  }
0x79: {  	v2 =	vand.u32 @!p1 $0x3FFF, v1  }
0x7a: {  	v1 =	vshrl.u32 @!p1 v1, $0xE;
	[tilespmem:$0x2800] =	vst @!p1 v2  }
0x7b: {  	[tilespmem:$0x2880] =	vst @!p1 v1  }
0x7c: {  	v1 =	vld @!p1 [tilespmem:s30+$0x110];
	_ =	sdelay $0x4  }
0x7d: {  	v2 =	vand.u32 @!p1 $0x3FFF, v1  }
0x7e: {  	v1 =	vshrl.u32 @!p1 v1, $0xE;
	[tilespmem:$0x2810] =	vst @!p1 v2  }
0x7f: {  	[tilespmem:$0x2890] =	vst @!p1 v1  }
0x80: {  	v1 =	vld @!p1 [tilespmem:s30+$0x120];
	_ =	sdelay $0x4  }
0x81: {  	v2 =	vand.u32 @!p1 $0x3FFF, v1  }
0x82: {  	v1 =	vshrl.u32 @!p1 v1, $0xE;
	[tilespmem:$0x2820] =	vst @!p1 v2  }
0x83: {  	[tilespmem:$0x28A0] =	vst @!p1 v1  }
0x84: {  	v1 =	vld @!p1 [tilespmem:s30+$0x130];
	_ =	sdelay $0x4  }
0x85: {  	v2 =	vand.u32 @!p1 $0x3FFF, v1  }
0x86: {  	v1 =	vshrl.u32 @!p1 v1, $0xE;
	[tilespmem:$0x2830] =	vst @!p1 v2  }
0x87: {  	[tilespmem:$0x28B0] =	vst @!p1 v1  }
0x88: {  	v1 =	vld @!p1 [tilespmem:s30+$0x140];
	_ =	sdelay $0x4  }
0x89: {  	v2 =	vand.u32 @!p1 $0x3FFF, v1  }
0x8a: {  	v1 =	vshrl.u32 @!p1 v1, $0xE;
	[tilespmem:$0x2840] =	vst @!p1 v2  }
0x8b: {  	[tilespmem:$0x28C0] =	vst @!p1 v1  }
0x8c: {  	v1 =	vld @!p1 [tilespmem:s30+$0x150];
	_ =	sdelay $0x4  }
0x8d: {  	v2 =	vand.u32 @!p1 $0x3FFF, v1  }
0x8e: {  	v1 =	vshrl.u32 @!p1 v1, $0xE;
	[tilespmem:$0x2850] =	vst @!p1 v2  }
0x8f: {  	[tilespmem:$0x28D0] =	vst @!p1 v1  }
0x90: {  	v1 =	vld @!p1 [tilespmem:s30+$0x160];
	_ =	sdelay $0x4  }
0x91: {  	s29 =	simm.s32 $0x400;
	v2 =	vand.u32 @!p1 $0x3FFF, v1  }
0x92: {  	s2 =	simm.s32 @!p1 $0x2800;
	s0 =	simm.s32 @!p1 $0x80;
	s20 =	simm.s32 @!p1 $0x2A00;
	v1 =	vshrl.u32 @!p1 v1, $0xE;
	[tilespmem:$0x2860] =	vst @!p1 v2  }
.LBB2_4:
0x93: {  	[tilespmem:$0x28E0] =	vst @!p1 v1;
	s31 =	smov.u32 s29;
	s29 =	sadd.s32 $0x400, s29  }
0x94: {  	p0 =	sne.s32 s29, $0xA000;
	v1 =	vld @!p1 [tilespmem:s30+$0x170];
	_ =	sdelay $0x4  }
0x95: {  	v2 =	vand.u32 @!p1 $0x3FFF, v1;
	v1 =	vshrl.u32 @!p1 v1, $0xE  }
0x96: {  	[tilespmem:$0x2870] =	vst @!p1 v2  }
0x97: {  	[tilespmem:$0x28F0] =	vst @!p1 v1  }
0x98: {  	[tilespmem:s20], [sflag:$0x1] =	stream.indirect.gather @!p1 [hbm4b:s4+s0], $0x80, s2, s0, $0xb8;
	[tilespmem:$0x1EA00] =	vst v63  }
0x99: {  	_ =	swait.ge [sflag:s25], $0x4000  }
0x9a: {  	[sflag:s25] =	ssyncset.done $0x0  }
0x9b: {  	[sflag:s25] =	ssyncadd.s32 $0xFFFFC000  }
0x9c: {  	[spmem:s1] =	stream.indirect.scatter.add.f32 [tilespmem:s22], [sflag:$0x3], $0x80, s26, s19, $0xb8;
	[tilespmem:$0x1EA00] =	vst v63  }
0x9d: {  	_ =	swait.ge [sflag:s18], $0x4000  }
0x9e: {  	[sflag:s18] =	ssyncset.done $0x0  }
0x9f: {  	s30 =	sshra.s32 s31, $0x2;
	[sflag:s18] =	ssyncadd.s32 $0xFFFFC000  }
0xa0: {  	v1 =	vld [tilespmem:s30+$0x80];
	_ =	sdelay $0x4  }
0xa1: {  	v2 =	vand.u32 $0x3FFF, v1;
	v1 =	vshrl.u32 v1, $0xE  }
0xa2: {  	[tilespmem:$0x2900] =	vst v2  }
0xa3: {  	[tilespmem:$0x2980] =	vst v1  }
0xa4: {  	v1 =	vld [tilespmem:s30+$0x90];
	_ =	sdelay $0x4  }
0xa5: {  	v2 =	vand.u32 $0x3FFF, v1;
	v1 =	vshrl.u32 v1, $0xE  }
0xa6: {  	[tilespmem:$0x2910] =	vst v2  }
0xa7: {  	[tilespmem:$0x2990] =	vst v1  }
0xa8: {  	v1 =	vld [tilespmem:s30+$0xA0];
	_ =	sdelay $0x4  }
0xa9: {  	v2 =	vand.u32 $0x3FFF, v1;
	v1 =	vshrl.u32 v1, $0xE  }
0xaa: {  	[tilespmem:$0x2920] =	vst v2  }
0xab: {  	[tilespmem:$0x29A0] =	vst v1  }
0xac: {  	v1 =	vld [tilespmem:s30+$0xB0];
	_ =	sdelay $0x4  }
0xad: {  	v2 =	vand.u32 $0x3FFF, v1;
	v1 =	vshrl.u32 v1, $0xE  }
0xae: {  	[tilespmem:$0x2930] =	vst v2  }
0xaf: {  	[tilespmem:$0x29B0] =	vst v1  }
0xb0: {  	v1 =	vld [tilespmem:s30+$0xC0];
	_ =	sdelay $0x4  }
0xb1: {  	v2 =	vand.u32 $0x3FFF, v1;
	v1 =	vshrl.u32 v1, $0xE  }
0xb2: {  	[tilespmem:$0x2940] =	vst v2  }
0xb3: {  	[tilespmem:$0x29C0] =	vst v1  }
0xb4: {  	v1 =	vld [tilespmem:s30+$0xD0];
	_ =	sdelay $0x4  }
0xb5: {  	v2 =	vand.u32 $0x3FFF, v1;
	v1 =	vshrl.u32 v1, $0xE  }
0xb6: {  	[tilespmem:$0x2950] =	vst v2  }
0xb7: {  	[tilespmem:$0x29D0] =	vst v1  }
0xb8: {  	v1 =	vld [tilespmem:s30+$0xE0];
	_ =	sdelay $0x4  }
0xb9: {  	v2 =	vand.u32 $0x3FFF, v1;
	v1 =	vshrl.u32 v1, $0xE  }
0xba: {  	[tilespmem:$0x2960] =	vst v2  }
0xbb: {  	[tilespmem:$0x29E0] =	vst v1  }
0xbc: {  	v1 =	vld [tilespmem:s30+$0xF0];
	_ =	sdelay $0x4  }
0xbd: {  	v2 =	vand.u32 $0x3FFF, v1;
	v1 =	vshrl.u32 v1, $0xE  }
0xbe: {  	p1 =	seq.s32 s31, $0x9C00;
	[tilespmem:$0x2970] =	vst v2  }
0xbf: {  	s30 =	sshra.s32 @!p1 s31, $0x2;
	[tilespmem:$0x29F0] =	vst v1  }
0xc0: {  	[tilespmem:s22], [sflag:$0x2] =	stream.indirect.gather [hbm4b:s4+s19], $0x80, s21, s19, $0xb8;
	[tilespmem:$0x1EA00] =	vst v63  }
0xc1: {  	_ =	swait.ge [sflag:s23], $0x4000  }
0xc2: {  	[sflag:s23] =	ssyncset.done $0x0  }
0xc3: {  	[sflag:s23] =	ssyncadd.s32 $0xFFFFC000  }
0xc4: {  	[spmem:s1] =	stream.indirect.scatter.add.f32 [tilespmem:s17], [sflag:$0x3], $0x80, s24, s19, $0xb8;
	[tilespmem:$0x1EA00] =	vst v63  }
0xc5: {  	_ =	swait.ge [sflag:s18], $0x4000  }
0xc6: {  	[sflag:s18] =	ssyncset.done $0x0  }
0xc7: {  	[sflag:s18] =	ssyncadd.s32 $0xFFFFC000  }
0xc8: {  	v1 =	vld @!p1 [tilespmem:s30+$0x100];
	_ =	sdelay $0x4  }
0xc9: {  	v2 =	vand.u32 @!p1 $0x3FFF, v1;
	v1 =	vshrl.u32 @!p1 v1, $0xE  }
0xca: {  	[tilespmem:$0x2800] =	vst @!p1 v2  }
0xcb: {  	[tilespmem:$0x2880] =	vst @!p1 v1  }
0xcc: {  	v1 =	vld @!p1 [tilespmem:s30+$0x110];
	_ =	sdelay $0x4  }
0xcd: {  	v2 =	vand.u32 @!p1 $0x3FFF, v1;
	v1 =	vshrl.u32 @!p1 v1, $0xE  }
0xce: {  	[tilespmem:$0x2810] =	vst @!p1 v2  }
0xcf: {  	[tilespmem:$0x2890] =	vst @!p1 v1  }
0xd0: {  	v1 =	vld @!p1 [tilespmem:s30+$0x120];
	_ =	sdelay $0x4  }
0xd1: {  	v2 =	vand.u32 @!p1 $0x3FFF, v1;
	v1 =	vshrl.u32 @!p1 v1, $0xE  }
0xd2: {  	[tilespmem:$0x2820] =	vst @!p1 v2  }
0xd3: {  	[tilespmem:$0x28A0] =	vst @!p1 v1  }
0xd4: {  	v1 =	vld @!p1 [tilespmem:s30+$0x130];
	_ =	sdelay $0x4  }
0xd5: {  	v2 =	vand.u32 @!p1 $0x3FFF, v1;
	v1 =	vshrl.u32 @!p1 v1, $0xE  }
0xd6: {  	[tilespmem:$0x2830] =	vst @!p1 v2  }
0xd7: {  	[tilespmem:$0x28B0] =	vst @!p1 v1  }
0xd8: {  	v1 =	vld @!p1 [tilespmem:s30+$0x140];
	_ =	sdelay $0x4  }
0xd9: {  	v2 =	vand.u32 @!p1 $0x3FFF, v1;
	v1 =	vshrl.u32 @!p1 v1, $0xE  }
0xda: {  	[tilespmem:$0x2840] =	vst @!p1 v2  }
0xdb: {  	[tilespmem:$0x28C0] =	vst @!p1 v1  }
0xdc: {  	v1 =	vld @!p1 [tilespmem:s30+$0x150];
	_ =	sdelay $0x4  }
0xdd: {  	v2 =	vand.u32 @!p1 $0x3FFF, v1;
	v1 =	vshrl.u32 @!p1 v1, $0xE  }
0xde: {  	[tilespmem:$0x2850] =	vst @!p1 v2  }
0xdf: {  	s0 =	simm.s32 @!p1 $0x80;
	s2 =	simm.s32 @!p1 $0x2800;
	s20 =	simm.s32 @!p1 $0x2A00;
	[tilespmem:$0x28D0] =	vst @!p1 v1  }
0xe0: {  	v1 =	vld @!p1 [tilespmem:s30+$0x160];
	_ =	sdelay $0x1  }
.Ltmp1:
0xe1: {  	(pc) =	sbr.rel @p0 .LBB2_4-.Ltmp1, $3  }
0xe2: {  	_ =	sdelay $0x1  }
0xe3: {  	v2 =	vand.u32 @!p1 $0x3FFF, v1;
	v1 =	vshrl.u32 @!p1 v1, $0xE  }
0xe4: {  	[tilespmem:$0x2860] =	vst @!p1 v2  }
0xe5: {  	[tilespmem:$0x28E0] =	vst @!p1 v1  }
0xe6: {  	v1 =	vld @!p1 [tilespmem:s30+$0x170];
	_ =	sdelay $0x4  }
0xe7: {  	v2 =	vand.u32 @!p1 $0x3FFF, v1  }
0xe8: {  	v1 =	vshrl.u32 @!p1 v1, $0xE;
	[tilespmem:$0x2870] =	vst @!p1 v2  }
0xe9: {  	[tilespmem:$0x28F0] =	vst @!p1 v1  }
0xea: {  	[tilespmem:s20], [sflag:$0x1] =	stream.indirect.gather @!p1 [hbm4b:s4+s0], $0x80, s2, s0, $0xb8;
	[tilespmem:$0x1EA00] =	vst v63  }
0xeb: {  	_ =	swait.ge [sflag:s25], $0x4000  }
0xec: {  	[sflag:s25] =	ssyncset.done $0x0  }
0xed: {  	[sflag:s25] =	ssyncadd.s32 $0xFFFFC000  }
0xee: {  	[spmem:s1] =	stream.indirect.scatter.add.f32 [tilespmem:s22], [sflag:$0x3], $0x80, s26, s19, $0xb8;
	[tilespmem:$0x1EA00] =	vst v63  }
0xef: {  	_ =	swait.ge [sflag:s18], $0x4000  }
0xf0: {  	[sflag:s18] =	ssyncset.done $0x0  }
0xf1: {  	[sflag:s18] =	ssyncadd.s32 $0xFFFFC000  }
0xf2: {  	[bflag:$0x0] =	sbarrier.arrive $0xFFFF  }
0xf3: {  	[tilespmem:s17], [sflag:$0x3] =	stream.linear.gather [spmem:s5], $0x4000, $0x38;
	[tilespmem:$0x1EA00] =	vst v63  }
0xf4: {  	_ =	swait.ge [sflag:s18], $0x4000  }
0xf5: {  	[sflag:s18] =	ssyncset.done $0x0  }
0xf6: {  	[sflag:s18] =	ssyncadd.s32 $0xFFFFC000  }
0xf7: {  	[hbm4b:s11+s3] =	stream.linear.scatter [tilespmem:s17], [sflag:$0x3], $0x4000, $0x38;
	[tilespmem:$0x1EA00] =	vst v63  }
0xf8: {  	_ =	swait.ge [sflag:s18], $0x4000  }
0xf9: {  	[sflag:s18] =	ssyncset.done $0x0  }
0xfa: {  	[sflag:s18] =	ssyncadd.s32 $0xFFFFC000  }
0xfb: {  	[tilespmem:s17], [sflag:$0x3] =	stream.linear.gather [spmem:s6], $0x4000, $0x38;
	[tilespmem:$0x1EA00] =	vst v63  }
0xfc: {  	_ =	swait.ge [sflag:s18], $0x4000  }
0xfd: {  	[sflag:s18] =	ssyncset.done $0x0  }
0xfe: {  	[sflag:s18] =	ssyncadd.s32 $0xFFFFC000  }
0xff: {  	[hbm4b:s13+s3] =	stream.linear.scatter [tilespmem:s17], [sflag:$0x3], $0x4000, $0x38;
	[tilespmem:$0x1EA00] =	vst v63  }
0x100: {  	_ =	swait.ge [sflag:s18], $0x4000  }
0x101: {  	[sflag:s18] =	ssyncset.done $0x0  }
0x102: {  	[sflag:s18] =	ssyncadd.s32 $0xFFFFC000  }
0x103: {  	[tilespmem:s17], [sflag:$0x3] =	stream.linear.gather [spmem:s7], $0x4000, $0x38;
	[tilespmem:$0x1EA00] =	vst v63  }
0x104: {  	_ =	swait.ge [sflag:s18], $0x4000  }
0x105: {  	[sflag:s18] =	ssyncset.done $0x0  }
0x106: {  	[sflag:s18] =	ssyncadd.s32 $0xFFFFC000  }
0x107: {  	[hbm4b:s14+s3] =	stream.linear.scatter [tilespmem:s17], [sflag:$0x3], $0x4000, $0x38;
	[tilespmem:$0x1EA00] =	vst v63  }
0x108: {  	_ =	swait.ge [sflag:s18], $0x4000  }
0x109: {  	[sflag:s18] =	ssyncset.done $0x0  }
0x10a: {  	[sflag:s18] =	ssyncadd.s32 $0xFFFFC000  }
0x10b: {  	[tilespmem:s17], [sflag:$0x3] =	stream.linear.gather [spmem:s8], $0x4000, $0x38;
	[tilespmem:$0x1EA00] =	vst v63  }
0x10c: {  	_ =	swait.ge [sflag:s18], $0x4000  }
0x10d: {  	[sflag:s18] =	ssyncset.done $0x0  }
0x10e: {  	[sflag:s18] =	ssyncadd.s32 $0xFFFFC000  }
0x10f: {  	[hbm4b:s15+s3] =	stream.linear.scatter [tilespmem:s17], [sflag:$0x3], $0x4000, $0x38;
	[tilespmem:$0x1EA00] =	vst v63  }
0x110: {  	_ =	swait.ge [sflag:s18], $0x4000  }
0x111: {  	[sflag:s18] =	ssyncset.done $0x0  }
0x112: {  	[sflag:s18] =	ssyncadd.s32 $0xFFFFC000  }
0x113: {  	[tilespmem:s17], [sflag:$0x3] =	stream.linear.gather [spmem:s9], $0x4000, $0x38;
	[tilespmem:$0x1EA00] =	vst v63  }
0x114: {  	s28 =	sadd.s32 $0x1, s28;
	_ =	swait.ge [sflag:s18], $0x4000  }
0x115: {  	p0 =	sne.s32 s28, s12;
	[sflag:s18] =	ssyncset.done $0x0  }
.Ltmp2:
0x116: {  	[sflag:s18] =	ssyncadd.s32 $0xFFFFC000;
	(pc) =	sbr.rel @p0 .LBB2_1-.Ltmp2, $4  }
0x117: {  	[hbm4b:s16+s3] =	stream.linear.scatter [tilespmem:s17], [sflag:$0x3], $0x4000, $0x38;
	[tilespmem:$0x1EA00] =	vst v63  }
0x118: {  	_ =	swait.ge [sflag:s18], $0x4000  }
0x119: {  	[sflag:s18] =	ssyncset.done $0x0  }
0x11a: {  	[sflag:s18] =	ssyncadd.s32 $0xFFFFC000  }
0x11b: {  	_ =	sfence.sel $0x180000  }
0x11c: {  	[bflag:$0x0] =	sbarrier.arrive $0xFFFF  }
0x11d: {  	_ =	strace $0x9000004A  }
0x11e: {  	s0 =	stileid.u32;
	[bflag:$0x2] =	sbarrier.arrive $0xFFFF  }
0x11f: {  	p0 =	sne.s32 s0, $0x0;
	s0 =	rddreg [dreg:$0x3]  }
0x120: {  	s0 =	sadd.s32 @!p0 $0x100000, s0  }
0x121: {  	[sflag:s0] =	ssyncadd.tile.s32 @!p0 $0x1;
	_ =	shalt  }
.Lfunc_end2:
_tile_overlayer_lowered:
.L_overlay_start_2:
0x122: {  	(tag) =	ssettag $0x2  }
0x123: {  	s0 =	rddreg [dreg:$0x0];
	s2 =	stileid.u32  }
0x124: {  	s1 =	rddreg [dreg:$0x1];
	p0 =	sne.s32 s2, $0x0  }
0x125: {  	s3 =	rddreg [dreg:$0x2];
	[bflag:$0x3] =	sbarrier.arrive $0xFFFF;
	s2 =	simm.s32 @!p0 $0x1C03  }
0x126: {  	[timem:s3], [sflag:s2] =	dma.local @!p0 [hbm:s0], s1  }
0x127: {  	s0 =	simm.s32 @!p0 $0x3  }
0x128: {  	_ =	swait.ge @!p0 [sflag:s0], s1  }
0x129: {  	s1 =	ssub.s32 @!p0 $0x0, s1;
	[sflag:s0] =	ssyncset.done @!p0 $0x0  }
0x12a: {  	[sflag:s0] =	ssyncadd.s32 @!p0 s1  }
0x12b: {  	[bflag:$0x3] =	sbarrier.arrive $0xFFFF  }
0x12c: {  	_ =	shalt  }

// kernel: kernel.15.cloned.1.call-start
scs
__scs_entry_jumppad:
0x0: {  	(pc) =	sbr.rel $0x88, $3  }
0x1: {  	(tag) =	ssettag $0x0;
	lr =	simm.s32 $0x1  }
0x2: {  	[smem:$0x3F95] =	sst lr;
	_ =	strace $0xD0000000  }
0x3: {  	_ = 	snop  }
0x4: {  	_ = 	snop  }
0x5: {  	_ = 	snop  }
0x6: {  	_ = 	snop  }
0x7: {  	_ = 	snop  }
__scs_overlays_trampoline_lowered:
0x8: {  	[smem:$0x3FA4] =	sst s0  }
0x9: {  	[smem:$0x3FA5] =	sst s1  }
0xa: {  	[smem:$0x3FA6] =	sst s2  }
0xb: {  	[smem:$0x3FA7] =	sst s3  }
0xc: {  	[smem:$0x3FA8] =	sst s4  }
0xd: {  	[smem:$0x3FA9] =	sst s5  }
0xe: {  	[smem:$0x3FAA] =	sst s6  }
0xf: {  	[smem:$0x3FAB] =	sst s7  }
0x10: {  	[smem:$0x3FAC] =	sst s8  }
0x11: {  	[smem:$0x3FAD] =	sst s9;
	s0 =	simm.s32 @!p0 $0x0  }
0x12: {  	s1 =	sld [smem:$0x3F93];
	s0 =	simm.s32 @p0 $0x1  }
0x13: {  	[smem:$0x3FAE] =	sst s0;
	s0 =	simm.s32 @!p1 $0x0  }
0x14: {  	s2 =	sld [smem:$0x3F92];
	s0 =	simm.s32 @p1 $0x1  }
0x15: {  	[smem:$0x3FAF] =	sst s0;
	s0 =	simm.s32 @!p2 $0x0  }
0x16: {  	s3 =	sld [smem:$0x3FDB];
	s0 =	simm.s32 @p2 $0x1  }
0x17: {  	s4 =	simm.s32 $0x1BF5;
	[smem:$0x3FB1] =	sst s0  }
0x18: {  	s0 =	sld [smem:$0x3F94];
	_ =	swait.ge [sflag:s4], $0x0  }
0x19: {  	s7 =	sld [smem:$0x3F95]  }
0x1a: {  	s8 =	sadd.s32 $0xFFFFE003, lr  }
0x1b: {  	s9 =	sadd.s32 $0xFFFFFEF7, lr;
	s5 =	simm.s32 $0xFFFFFFFF;
	p2 =	slt.u32 s8, $0xFFFFF086  }
0x1c: {  	p1 =	slt.u32 s9, $0xF7A;
	s5 =	simm.s32 @!p2 $0x0  }
0x1d: {  	s5 =	simm.s32 @p1 $0x1;
	p0 =	seq.s32 s7, s2  }
0x1e: {  	s7 =	smul.u32 @!p0 $0xF7A, s2;
	p2 =	seq.s32 @!p0 s5, $0x0  }
0x1f: {  	s9 =	smul.u32 $0xF7A, s1;
	s8 =	simm.s32 @!p0 $0x1BF5;
	p2 =	por !p2, p0  }
0x20: {  	[sflag:s8] =	ssyncset.s32 @!p0 $0xFFFFF086;
	s6 =	sadd.s32 @!p0 s3, s7;
	s7 =	simm.s32 @!p0 $0x108  }
0x21: {  	s3 =	sadd.s32 s3, s9;
	s6 =	sadd.s32 @!p0 $0x88, s6;
	s7 =	simm.s32 @p2 $0x1082  }
0x22: {  	[simem:s7], [sflag:s8] =	dma.local @!p0 [hbm:s6], $0xF7A  }
0x23: {  	s9 =	sor.u32 $0xD0000000, s2;
	s6 =	simm.s32 $0x108;
	_ =	swait.ge @!p0 [sflag:s8], $0x0  }
0x24: {  	s3 =	sadd.s32 $0x88, s3;
	s6 =	simm.s32 @!p1 $0x1082;
	[sflag:s4] =	ssyncset.s32 $0xFFFFF086  }
0x25: {  	[simem:s6], [sflag:s4] =	dma.local [hbm:s3], $0xF7A  }
0x26: {  	[smem:$0x3F95] =	sst s1;
	(tag) =	ssettag s2;
	_ =	strace s9  }
0x27: {  	s1 =	sld [smem:$0x3FA5]  }
0x28: {  	s2 =	sld [smem:$0x3FA6]  }
0x29: {  	s4 =	sld [smem:$0x3FA8]  }
0x2a: {  	p0 =	seq.s32 s5, $0x0;
	s5 =	sld [smem:$0x3FA9]  }
0x2b: {  	s6 =	sld [smem:$0x3FAA]  }
0x2c: {  	s7 =	sld [smem:$0x3FAB]  }
0x2d: {  	s3 =	simm.s32 $0x108;
	s8 =	sld [smem:$0x3FAC]  }
0x2e: {  	s3 =	simm.s32 @!p0 $0x1082;
	s9 =	sld [smem:$0x3FAD]  }
0x2f: {  	lr =	sadd.s32 s0, s3;
	s0 =	sld [smem:$0x3FA4]  }
0x30: {  	s3 =	sld [smem:$0x3FA7]  }
0x31: {  	[smem:$0x3FB0] =	sst s10  }
0x32: {  	s10 =	sld [smem:$0x3FAE];
	_ =	sdelay $0x3  }
0x33: {  	p0 =	seq.s32 s10, $0x1;
	s10 =	sld [smem:$0x3FB0];
	_ =	sdelay $0x3  }
0x34: {  	[smem:$0x3FB0] =	sst s10  }
0x35: {  	s10 =	sld [smem:$0x3FAF];
	_ =	sdelay $0x3  }
0x36: {  	p1 =	seq.s32 s10, $0x1;
	s10 =	sld [smem:$0x3FB0];
	_ =	sdelay $0x3  }
0x37: {  	[smem:$0x3FB0] =	sst s10  }
0x38: {  	s10 =	sld [smem:$0x3FB1]  }
0x39: {  	_ = 	snop;
	(pc) =	sbr.ind lr, $3  }
0x3a: {  	_ = 	snop  }
0x3b: {  	_ = 	snop  }
0x3c: {  	p2 =	seq.s32 s10, $0x1;
	s10 =	sld [smem:$0x3FB0]  }
0x3d: {  	_ =	shalt  }
0x3e: {  	_ =	shalt  }
0x3f: {  	_ =	shalt  }
0x40: {  	_ =	shalt  }
0x41: {  	_ =	shalt  }
0x42: {  	_ =	shalt  }
0x43: {  	_ =	shalt  }
0x44: {  	_ =	shalt  }
0x45: {  	_ =	shalt  }
0x46: {  	_ =	shalt  }
0x47: {  	_ =	shalt  }
0x48: {  	_ =	shalt  }
0x49: {  	_ =	shalt  }
0x4a: {  	_ =	shalt  }
0x4b: {  	_ =	shalt  }
0x4c: {  	_ =	shalt  }
0x4d: {  	_ =	shalt  }
0x4e: {  	_ =	shalt  }
0x4f: {  	_ =	shalt  }
0x50: {  	_ =	shalt  }
0x51: {  	_ =	shalt  }
0x52: {  	_ =	shalt  }
0x53: {  	_ =	shalt  }
0x54: {  	_ =	shalt  }
0x55: {  	_ =	shalt  }
0x56: {  	_ =	shalt  }
0x57: {  	_ =	shalt  }
0x58: {  	_ =	shalt  }
0x59: {  	_ =	shalt  }
0x5a: {  	_ =	shalt  }
0x5b: {  	_ =	shalt  }
0x5c: {  	_ =	shalt  }
0x5d: {  	_ =	shalt  }
0x5e: {  	_ =	shalt  }
0x5f: {  	_ =	shalt  }
0x60: {  	_ =	shalt  }
0x61: {  	_ =	shalt  }
0x62: {  	_ =	shalt  }
0x63: {  	_ =	shalt  }
0x64: {  	_ =	shalt  }
0x65: {  	_ =	shalt  }
0x66: {  	_ =	shalt  }
0x67: {  	_ =	shalt  }
0x68: {  	_ =	shalt  }
0x69: {  	_ =	shalt  }
0x6a: {  	_ =	shalt  }
0x6b: {  	_ =	shalt  }
0x6c: {  	_ =	shalt  }
0x6d: {  	_ =	shalt  }
0x6e: {  	_ =	shalt  }
0x6f: {  	_ =	shalt  }
0x70: {  	_ =	shalt  }
0x71: {  	_ =	shalt  }
0x72: {  	_ =	shalt  }
0x73: {  	_ =	shalt  }
0x74: {  	_ =	shalt  }
0x75: {  	_ =	shalt  }
0x76: {  	_ =	shalt  }
0x77: {  	_ =	shalt  }
0x78: {  	_ =	shalt  }
0x79: {  	_ =	shalt  }
0x7a: {  	_ =	shalt  }
0x7b: {  	_ =	shalt  }
0x7c: {  	_ =	shalt  }
0x7d: {  	_ =	shalt  }
0x7e: {  	_ =	shalt  }
0x7f: {  	_ =	shalt  }
0x80: {  	_ =	shalt  }
0x81: {  	_ =	shalt  }
0x82: {  	_ =	shalt  }
0x83: {  	_ =	shalt  }
0x84: {  	_ =	shalt  }
0x85: {  	_ =	shalt  }
0x86: {  	_ =	shalt  }
0x87: {  	_ =	shalt  }
.Lfunc_end0:
.L_simem_size_0:
called_computation.2_lowered:
.L_overlay_start_0:
0x88: {  	s2 =	sld [smem:$0x3FD9]  }
0x89: {  	s3 =	sld [smem:$0x3FFE];
	_ =	sdelay $0x1  }
0x8a: {  	s1 =	srdreg.scid  }
0x8b: {  	s0 =	sand.u32 $0x1, s1  }
0x8c: {  	s17 =	sshll.u32 s0, $0xA;
	s2 =	sadd.s32 s3, s2  }
0x8d: {  	s2 =	sadd.s32 s2, s17  }
0x8e: {  	[smem:$0x3FBC] =	sst s2  }
0x8f: {  	_ = 	snop  }
0x90: {  	s2 =	sld [smem:$0x3FD0];
	(tm) =	ssettm $0x1  }
0x91: {  	s18 =	sld [smem:$0x3FFB];
	_ =	sdelay $0x3  }
0x92: {  	_ =	strace s18  }
0x93: {  	s3 =	sld [smem:$0x3FFC];
	_ =	sdelay $0x3  }
0x94: {  	_ =	strace s3  }
0x95: {  	s3 =	sld [smem:$0x3FFD];
	_ =	sdelay $0x3  }
0x96: {  	_ =	strace s3  }
0x97: {  	_ =	strace $0x8FFFFFFF  }
0x98: {  	s19 =	sld [smem:$0x3FDB];
	_ =	sdelay $0x1  }
0x99: {  	s4 =	simm.s32 $_scs_section_size  }
0x9a: {  	s5 =	simm.s32 $_size__tile_overlayer_lowered;
	s6 =	simm.s32 $_tile_overlayer_lowered  }
0x9b: {  	s22 =	simm.s32 $0x1BFF;
	s21 =	sshll.u32 s6, $0x1;
	s3 =	sadd.s32 s4, s19  }
0x9c: {  	s7 =	simm.s32 $0x0;
	s20 =	sshll.u32 s5, $0x1;
	s5 =	sadd.s32 s21, s3  }
0x9d: {  	[timem:s7], [sflag:s22] =	dma.local [hbm:s5], s20  }
0x9e: {  	_ =	swait.ge [sflag:s22], s20  }
0x9f: {  	s4 =	ssub.s32 $0x0, s20;
	[sflag:s22] =	ssyncset.done $0x0  }
0xa0: {  	[sflag:s22] =	ssyncadd.s32 s4;
	_ =	sdelay $0x1  }
0xa1: {  	s23 =	simm.s32 $0x1B8B  }
0xa2: {  	_ =	swait.ge [sflag:s23], $0x1  }
0xa3: {  	[sflag:s23] =	ssyncset.done $0x0  }
0xa4: {  	s25 =	simm.s32 $0x1B8E;
	s24 =	sld [smem:$0x3FFE];
	[sflag:s23] =	ssyncadd.s32 $0xFFFFFFFF  }
0xa5: {  	s26 =	simm.s32 $execute0_lowered;
	[smem:$0x3FD2] =	sst s25  }
0xa6: {  	s5 =	sshll.u32 s26, $0x1;
	_ =	strace $0x8000004C;
	[dreg:$0x1] =	wrdreg $0xFFFFFFFF  }
0xa7: {  	s28 =	simm.s32 $_size_execute0_lowered;
	s3 =	sadd.s32 s3, s5;
	[dreg:$0x0] =	wrdreg $0x0  }
0xa8: {  	s5 =	sshll.u32 s28, $0x1;
	[dreg:$0x2] =	wrdreg s3  }
0xa9: {  	[dreg:$0x3] =	wrdreg s5  }
0xaa: {  	[dreg:$0x4] =	wrdreg $0xC0  }
0xab: {  	_ =	task [dreg:s7], $0x5FFFF  }
0xac: {  	[dreg:$0x1] =	wrdreg $0xFFFFFFFF  }
0xad: {  	[dreg:$0x0] =	wrdreg $0x60  }
0xae: {  	[dreg:$0x2] =	wrdreg s2  }
0xaf: {  	[dreg:$0x3] =	wrdreg s24  }
0xb0: {  	[dreg:$0x4] =	wrdreg $0xAA000  }
0xb1: {  	[dreg:$0x5] =	wrdreg $0x9  }
0xb2: {  	_ =	task.clear_ibuf [dreg:s7], $0x6FFFF;
	_ =	strace $0x9000004C  }
0xb3: {  	s29 =	simm.s32 $0x9;
	_ =	strace $0x8000004E  }
0xb4: {  	_ =	swait.ge [sflag:s29], $0x1  }
0xb5: {  	[sflag:s29] =	ssyncadd.s32 $0xFFFFFFFF  }
0xb6: {  	_ =	strace $0x9000004E  }
0xb7: {  	_ =	sfence  }
0xb8: {  	s30 =	sld [smem:$0x0];
	_ =	sdelay $0x2  }
0xb9: {  	s31 =	sshll.u32 s1, $0xD;
	s1 =	sshrl.u32 s1, $0x2  }
0xba: {  	s3 =	sand.u32 $0x4000, s31;
	s1 =	sadd.s32 s1, s30  }
0xbb: {  	s0 =	sor.u32 s3, s0;
	s1 =	sshll.u32 s1, $0x11  }
0xbc: {  	s0 =	sor.u32 s1, s0  }
0xbd: {  	s0 =	sadd.s32 $0x8F2B, s0  }
0xbe: {  	[sflag:s0] =	ssyncadd.remote.s32 $0x1  }
0xbf: {  	_ =	sfence.sel $0xFFFF  }
0xc0: {  	[dreg:$0x0] =	wrdreg $0xFFFFFFFF;
	(pc) =	sbr.abs _section_cstart, $3  }
0xc1: {  	[dreg:$0x1] =	wrdreg $0xFFFFFFFF  }
0xc2: {  	_ =	task.clear_ibuf [dreg:s7], $0x2FFFF;
	_ =	strace $0x9FFFFFFF  }
0xc3: {  	(tm) =	ssettm $0x7FFFFFFF  }
tec
execute0_lowered:
.L_overlay_start_1:
0x0: {  	(tag) =	ssettag $0x1  }
0x1: {  	s0 =	rddreg [dreg:$0x0]  }
0x2: {  	s2 =	rddreg [dreg:$0x1]  }
0x3: {  	s1 =	rddreg [dreg:$0x2];
	s3 =	simm.s32 $0x0;
	s4 =	srdreg.scid  }
0x4: {  	s19 =	stileid.u32;
	s21 =	simm.s32 $0x2900;
	s22 =	simm.s32 $0x6A00  }
0x5: {  	s23 =	simm.s32 $0x1;
	s28 =	simm.s32 $0x0;
	s8 =	smul.u32 $0x280, s19  }
0x6: {  	[smem:$0x7FF] =	sst s3;
	s11 =	sand.u32 $0x1, s4;
	s9 =	smul.u32 $0x50000, s19  }
0x7: {  	s4 =	sadd.s32 $0x3600, s2;
	s16 =	sadd.s32 $0x2B600, s2;
	s18 =	smul.u32 $0x14000, s19  }
0x8: {  	s2 =	sadd.s32 $0x53600, s2;
	_ =	strace $0x8000004D;
	s5 =	ssub.s32 $0x2, s11  }
0x9: {  	s7 =	sshll.u32 s11, $0x4;
	p0 =	seq.s32 s11, $0x1;
	s6 =	sshrl.u32 s5, $0x1  }
0xa: {  	s10 =	sor.u32 s19, s7;
	s24 =	sshrl.u32 s9, $0x2;
	s13 =	sadd.s32 $0x80, s8  }
0xb: {  	s14 =	sadd.s32 $0x100, s8;
	s15 =	sadd.s32 $0x180, s8;
	s17 =	sadd.s32 $0x200, s8  }
0xc: {  	s19 =	smul.u32 $0x2800, s19;
	s18 =	sshrl.u32 s18, $0x3;
	s12 =	ssub.s32 s5, s6  }
0xd: {  	s5 =	sadd.s32 s24, s1;
	s25 =	sshll.u32 s13, $0x7;
	s26 =	sshll.u32 s14, $0x7  }
0xe: {  	s29 =	sshll.u32 s15, $0x7;
	s30 =	sshll.u32 s17, $0x7;
	s10 =	smul.u32 $0x500, s10  }
0xf: {  	s13 =	sshll.u32 s13, $0x4;
	s14 =	sshll.u32 s14, $0x4;
	s31 =	sshll.u32 s15, $0x4  }
0x10: {  	s17 =	sshll.u32 s17, $0x4;
	s24 =	simm.s32 $0x2880;
	s6 =	sadd.s32 s25, s1  }
0x11: {  	s7 =	sadd.s32 s26, s1;
	s8 =	sadd.s32 s29, s1;
	s9 =	sadd.s32 s30, s1  }
0x12: {  	s12 =	smax.u32 s12, $0x1;
	s10 =	sadd.s32 s0, s10;
	s0 =	sadd.s32 $0x28000, s18  }
0x13: {  	s25 =	simm.s32 $0x2;
	s26 =	simm.s32 $0x2980;
	s19 =	smov.u32 @p0 s0  }
0x14: {  	s18 =	simm.s32 $0x3;
	s11 =	sadd.s32 s16, s19;
	s16 =	smov.u32 @p0 s2  }
0x15: {  	s19 =	simm.s32 $0x80;
	s13 =	sadd.s32 s13, s16;
	s14 =	sadd.s32 s14, s16  }
0x16: {  	v0 =	vimm.f32 $0.0e+00;
	s15 =	sadd.s32 s31, s16;
	s16 =	sadd.s32 s17, s16;
	s17 =	simm.s32 $0x2A00  }
.LBB2_1:
0x17: {  	s0 =	sand.u32 $0xFE00, s3  }
0x18: {  	s2 =	sand.u32 $0x70, s3;
	s20 =	sshrl.u32 s0, $0x2  }
0x19: {  	s0 =	simm.s32 $0x40;
	s20 =	sor.u32 s2, s20;
	s2 =	simm.s32 $0x0  }
.LBB2_2:
0x1a: {  	p0 =	sne.s32 s0, $0xFFC0  }
0x1b: {  	[tilespmem:s20+$0x2A00] =	vst v0;
	s2 =	sadd.s32 $0x10, s2;
	s20 =	smov.u32 s0;
	s0 =	sadd.s32 $0x40, s0  }
.Ltmp0:
0x1c: {  	(pc) =	sbr.rel @p0 .LBB2_2-.Ltmp0, $4  }
0x1d: {  	_ = 	snop  }
0x1e: {  	s20 =	sand.u32 $0xFE00, s20  }
0x1f: {  	s29 =	sand.u32 $0x70, s2;
	s20 =	sshrl.u32 s20, $0x2  }
0x20: {  	s20 =	sor.u32 s29, s20  }
0x21: {  	[tilespmem:s20+$0x2A00] =	vst v0  }
0x22: {  	[spmem:s5] =	stream.linear.scatter [tilespmem:s17], [sflag:$0x3], $0x4000, $0x38;
	[tilespmem:$0x1EA00] =	vst v63  }
0x23: {  	_ =	swait.ge [sflag:s18], $0x4000  }
0x24: {  	[sflag:s18] =	ssyncset.done $0x0  }
0x25: {  	[sflag:s18] =	ssyncadd.s32 $0xFFFFC000  }
0x26: {  	[spmem:s6] =	stream.linear.scatter [tilespmem:s17], [sflag:$0x3], $0x4000, $0x38;
	[tilespmem:$0x1EA00] =	vst v63  }
0x27: {  	_ =	swait.ge [sflag:s18], $0x4000  }
0x28: {  	[sflag:s18] =	ssyncset.done $0x0  }
0x29: {  	[sflag:s18] =	ssyncadd.s32 $0xFFFFC000  }
0x2a: {  	[spmem:s7] =	stream.linear.scatter [tilespmem:s17], [sflag:$0x3], $0x4000, $0x38;
	[tilespmem:$0x1EA00] =	vst v63  }
0x2b: {  	_ =	swait.ge [sflag:s18], $0x4000  }
0x2c: {  	[sflag:s18] =	ssyncset.done $0x0  }
0x2d: {  	[sflag:s18] =	ssyncadd.s32 $0xFFFFC000  }
0x2e: {  	[spmem:s8] =	stream.linear.scatter [tilespmem:s17], [sflag:$0x3], $0x4000, $0x38;
	[tilespmem:$0x1EA00] =	vst v63  }
0x2f: {  	_ =	swait.ge [sflag:s18], $0x4000  }
0x30: {  	[sflag:s18] =	ssyncset.done $0x0  }
0x31: {  	[sflag:s18] =	ssyncadd.s32 $0xFFFFC000  }
0x32: {  	[spmem:s9] =	stream.linear.scatter [tilespmem:s17], [sflag:$0x3], $0x4000, $0x38;
	[tilespmem:$0x1EA00] =	vst v63  }
0x33: {  	_ =	swait.ge [sflag:s18], $0x4000  }
0x34: {  	[sflag:s18] =	ssyncset.done $0x0  }
0x35: {  	[sflag:s18] =	ssyncadd.s32 $0xFFFFC000  }
0x36: {  	s0 =	simm.s32 $0x0;
	[bflag:$0x0] =	sbarrier.arrive $0xFFFF  }
0x37: {  	[tilespmem:s0], [sflag:$0x3] =	stream.linear.gather [hbm4b:s10+s0], $0x2800, $0x38;
	[tilespmem:$0x1EA00] =	vst v63  }
0x38: {  	_ =	swait.ge [sflag:s18], $0x2800  }
0x39: {  	[sflag:s18] =	ssyncset.done $0x0  }
0x3a: {  	[sflag:s18] =	ssyncadd.s32 $0xFFFFD800  }
0x3b: {  	v1 =	vld [tilespmem:$0x0];
	_ =	sdelay $0x1  }
0x3c: {  	v2 =	vld [tilespmem:$0x10];
	_ =	sdelay $0x1  }
0x3d: {  	v3 =	vld [tilespmem:$0x20]  }
0x3e: {  	v4 =	vand.u32 $0x3FFF, v1  }
0x3f: {  	v62 =	vld [tilespmem:$0x30];
	v1 =	vshrl.u32 v1, $0xE;
	[tilespmem:$0x2800] =	vst v4  }
0x40: {  	[tilespmem:$0x2880] =	vst v1;
	v1 =	vand.u32 $0x3FFF, v2  }
0x41: {  	[tilespmem:$0x2810] =	vst v1;
	v1 =	vshrl.u32 v2, $0xE;
	v2 =	vld [tilespmem:$0x40]  }
0x42: {  	[tilespmem:$0x2890] =	vst v1;
	v1 =	vand.u32 $0x3FFF, v3  }
0x43: {  	[tilespmem:$0x2820] =	vst v1;
	v1 =	vshrl.u32 v3, $0xE;
	v3 =	vld [tilespmem:$0x50]  }
0x44: {  	[tilespmem:$0x28A0] =	vst v1;
	v1 =	vand.u32 $0x3FFF, v62  }
0x45: {  	v63 =	vld [tilespmem:$0x60];
	[tilespmem:$0x2830] =	vst v1;
	v1 =	vshrl.u32 v62, $0xE  }
0x46: {  	[tilespmem:$0x28B0] =	vst v1;
	v1 =	vand.u32 $0x3FFF, v2  }
0x47: {  	[tilespmem:$0x2840] =	vst v1;
	v1 =	vshrl.u32 v2, $0xE;
	v2 =	vld [tilespmem:$0x70]  }
0x48: {  	[tilespmem:$0x28C0] =	vst v1;
	v1 =	vand.u32 $0x3FFF, v3  }
0x49: {  	[tilespmem:$0x2850] =	vst v1;
	v1 =	vshrl.u32 v3, $0xE  }
0x4a: {  	[tilespmem:$0x28D0] =	vst v1;
	v1 =	vand.u32 $0x3FFF, v63  }
0x4b: {  	[tilespmem:$0x2860] =	vst v1;
	v1 =	vshrl.u32 v63, $0xE  }
0x4c: {  	[tilespmem:$0x28E0] =	vst v1;
	v1 =	vand.u32 $0x3FFF, v2  }
0x4d: {  	[tilespmem:$0x2870] =	vst v1;
	v1 =	vshrl.u32 v2, $0xE  }
0x4e: {  	s20 =	simm.s32 $0x2800;
	s31 =	simm.s32 $0x0;
	[tilespmem:$0x28F0] =	vst v1  }
0x4f: {  	[tilespmem:s17], [sflag:$0x1] =	stream.indirect.gather [hbm4b:s4+s19], $0x80, s20, s19, $0xb8;
	[tilespmem:$0x1EA00] =	vst v63  }
0x50: {  	v1 =	vld [tilespmem:s31+$0x80];
	_ =	sdelay $0x4  }
0x51: {  	v2 =	vand.u32 $0x3FFF, v1  }
0x52: {  	v1 =	vshrl.u32 v1, $0xE;
	[tilespmem:$0x2900] =	vst v2  }
0x53: {  	[tilespmem:$0x2980] =	vst v1  }
0x54: {  	v1 =	vld [tilespmem:s31+$0x90];
	_ =	sdelay $0x4  }
0x55: {  	v2 =	vand.u32 $0x3FFF, v1  }
0x56: {  	v1 =	vshrl.u32 v1, $0xE;
	[tilespmem:$0x2910] =	vst v2  }
0x57: {  	[tilespmem:$0x2990] =	vst v1  }
0x58: {  	v1 =	vld [tilespmem:s31+$0xA0];
	_ =	sdelay $0x4  }
0x59: {  	v2 =	vand.u32 $0x3FFF, v1  }
0x5a: {  	v1 =	vshrl.u32 v1, $0xE;
	[tilespmem:$0x2920] =	vst v2  }
0x5b: {  	[tilespmem:$0x29A0] =	vst v1  }
0x5c: {  	v1 =	vld [tilespmem:s31+$0xB0];
	_ =	sdelay $0x4  }
0x5d: {  	v2 =	vand.u32 $0x3FFF, v1  }
0x5e: {  	v1 =	vshrl.u32 v1, $0xE;
	[tilespmem:$0x2930] =	vst v2  }
0x5f: {  	[tilespmem:$0x29B0] =	vst v1  }
0x60: {  	v1 =	vld [tilespmem:s31+$0xC0];
	_ =	sdelay $0x4  }
0x61: {  	v2 =	vand.u32 $0x3FFF, v1  }
0x62: {  	v1 =	vshrl.u32 v1, $0xE;
	[tilespmem:$0x2940] =	vst v2  }
0x63: {  	[tilespmem:$0x29C0] =	vst v1  }
0x64: {  	v1 =	vld [tilespmem:s31+$0xD0];
	_ =	sdelay $0x4  }
0x65: {  	v2 =	vand.u32 $0x3FFF, v1  }
0x66: {  	v1 =	vshrl.u32 v1, $0xE;
	[tilespmem:$0x2950] =	vst v2  }
0x67: {  	[tilespmem:$0x29D0] =	vst v1  }
0x68: {  	v1 =	vld [tilespmem:s31+$0xE0];
	_ =	sdelay $0x4  }
0x69: {  	v2 =	vand.u32 $0x3FFF, v1  }
0x6a: {  	v1 =	vshrl.u32 v1, $0xE;
	[tilespmem:$0x2960] =	vst v2  }
0x6b: {  	[tilespmem:$0x29E0] =	vst v1  }
0x6c: {  	v1 =	vld [tilespmem:s31+$0xF0];
	_ =	sdelay $0x4  }
0x6d: {  	v2 =	vand.u32 $0x3FFF, v1  }
0x6e: {  	v1 =	vshrl.u32 v1, $0xE;
	[tilespmem:$0x2970] =	vst v2  }
0x6f: {  	[tilespmem:$0x29F0] =	vst v1  }
0x70: {  	[tilespmem:s22], [sflag:$0x2] =	stream.indirect.gather [hbm4b:s4+s19], $0x80, s21, s19, $0xb8;
	[tilespmem:$0x1EA00] =	vst v63  }
0x71: {  	_ =	swait.ge [sflag:s23], $0x4000  }
0x72: {  	[sflag:s23] =	ssyncset.done $0x0  }
0x73: {  	[sflag:s23] =	ssyncadd.s32 $0xFFFFC000  }
0x74: {  	[spmem:s1] =	stream.indirect.scatter.add.f32 [tilespmem:s17], [sflag:$0x3], $0x80, s24, s19, $0xb8;
	[tilespmem:$0x1EA00] =	vst v63  }
0x75: {  	_ =	swait.ge [sflag:s18], $0x4000  }
0x76: {  	p1 =	por $0x0, $0x0;
	[sflag:s18] =	ssyncset.done $0x0  }
0x77: {  	s30 =	simm.s32 @!p1 $0x0;
	[sflag:s18] =	ssyncadd.s32 $0xFFFFC000  }
0x78: {  	v1 =	vld @!p1 [tilespmem:s30+$0x100];
	_ =	sdelay $0x4  }
0x79: {  	v2 =	vand.u32 @!p1 $0x3FFF, v1  }
0x7a: {  	v1 =	vshrl.u32 @!p1 v1, $0xE;
	[tilespmem:$0x2800] =	vst @!p1 v2  }
0x7b: {  	[tilespmem:$0x2880] =	vst @!p1 v1  }
0x7c: {  	v1 =	vld @!p1 [tilespmem:s30+$0x110];
	_ =	sdelay $0x4  }
0x7d: {  	v2 =	vand.u32 @!p1 $0x3FFF, v1  }
0x7e: {  	v1 =	vshrl.u32 @!p1 v1, $0xE;
	[tilespmem:$0x2810] =	vst @!p1 v2  }
0x7f: {  	[tilespmem:$0x2890] =	vst @!p1 v1  }
0x80: {  	v1 =	vld @!p1 [tilespmem:s30+$0x120];
	_ =	sdelay $0x4  }
0x81: {  	v2 =	vand.u32 @!p1 $0x3FFF, v1  }
0x82: {  	v1 =	vshrl.u32 @!p1 v1, $0xE;
	[tilespmem:$0x2820] =	vst @!p1 v2  }
0x83: {  	[tilespmem:$0x28A0] =	vst @!p1 v1  }
0x84: {  	v1 =	vld @!p1 [tilespmem:s30+$0x130];
	_ =	sdelay $0x4  }
0x85: {  	v2 =	vand.u32 @!p1 $0x3FFF, v1  }
0x86: {  	v1 =	vshrl.u32 @!p1 v1, $0xE;
	[tilespmem:$0x2830] =	vst @!p1 v2  }
0x87: {  	[tilespmem:$0x28B0] =	vst @!p1 v1  }
0x88: {  	v1 =	vld @!p1 [tilespmem:s30+$0x140];
	_ =	sdelay $0x4  }
0x89: {  	v2 =	vand.u32 @!p1 $0x3FFF, v1  }
0x8a: {  	v1 =	vshrl.u32 @!p1 v1, $0xE;
	[tilespmem:$0x2840] =	vst @!p1 v2  }
0x8b: {  	[tilespmem:$0x28C0] =	vst @!p1 v1  }
0x8c: {  	v1 =	vld @!p1 [tilespmem:s30+$0x150];
	_ =	sdelay $0x4  }
0x8d: {  	v2 =	vand.u32 @!p1 $0x3FFF, v1  }
0x8e: {  	v1 =	vshrl.u32 @!p1 v1, $0xE;
	[tilespmem:$0x2850] =	vst @!p1 v2  }
0x8f: {  	[tilespmem:$0x28D0] =	vst @!p1 v1  }
0x90: {  	v1 =	vld @!p1 [tilespmem:s30+$0x160];
	_ =	sdelay $0x4  }
0x91: {  	s29 =	simm.s32 $0x400;
	v2 =	vand.u32 @!p1 $0x3FFF, v1  }
0x92: {  	s2 =	simm.s32 @!p1 $0x2800;
	s0 =	simm.s32 @!p1 $0x80;
	s20 =	simm.s32 @!p1 $0x2A00;
	v1 =	vshrl.u32 @!p1 v1, $0xE;
	[tilespmem:$0x2860] =	vst @!p1 v2  }
.LBB2_4:
0x93: {  	[tilespmem:$0x28E0] =	vst @!p1 v1;
	s31 =	smov.u32 s29;
	s29 =	sadd.s32 $0x400, s29  }
0x94: {  	p0 =	sne.s32 s29, $0xA000;
	v1 =	vld @!p1 [tilespmem:s30+$0x170];
	_ =	sdelay $0x4  }
0x95: {  	v2 =	vand.u32 @!p1 $0x3FFF, v1;
	v1 =	vshrl.u32 @!p1 v1, $0xE  }
0x96: {  	[tilespmem:$0x2870] =	vst @!p1 v2  }
0x97: {  	[tilespmem:$0x28F0] =	vst @!p1 v1  }
0x98: {  	[tilespmem:s20], [sflag:$0x1] =	stream.indirect.gather @!p1 [hbm4b:s4+s0], $0x80, s2, s0, $0xb8;
	[tilespmem:$0x1EA00] =	vst v63  }
0x99: {  	_ =	swait.ge [sflag:s25], $0x4000  }
0x9a: {  	[sflag:s25] =	ssyncset.done $0x0  }
0x9b: {  	[sflag:s25] =	ssyncadd.s32 $0xFFFFC000  }
0x9c: {  	[spmem:s1] =	stream.indirect.scatter.add.f32 [tilespmem:s22], [sflag:$0x3], $0x80, s26, s19, $0xb8;
	[tilespmem:$0x1EA00] =	vst v63  }
0x9d: {  	_ =	swait.ge [sflag:s18], $0x4000  }
0x9e: {  	[sflag:s18] =	ssyncset.done $0x0  }
0x9f: {  	s30 =	sshra.s32 s31, $0x2;
	[sflag:s18] =	ssyncadd.s32 $0xFFFFC000  }
0xa0: {  	v1 =	vld [tilespmem:s30+$0x80];
	_ =	sdelay $0x4  }
0xa1: {  	v2 =	vand.u32 $0x3FFF, v1;
	v1 =	vshrl.u32 v1, $0xE  }
0xa2: {  	[tilespmem:$0x2900] =	vst v2  }
0xa3: {  	[tilespmem:$0x2980] =	vst v1  }
0xa4: {  	v1 =	vld [tilespmem:s30+$0x90];
	_ =	sdelay $0x4  }
0xa5: {  	v2 =	vand.u32 $0x3FFF, v1;
	v1 =	vshrl.u32 v1, $0xE  }
0xa6: {  	[tilespmem:$0x2910] =	vst v2  }
0xa7: {  	[tilespmem:$0x2990] =	vst v1  }
0xa8: {  	v1 =	vld [tilespmem:s30+$0xA0];
	_ =	sdelay $0x4  }
0xa9: {  	v2 =	vand.u32 $0x3FFF, v1;
	v1 =	vshrl.u32 v1, $0xE  }
0xaa: {  	[tilespmem:$0x2920] =	vst v2  }
0xab: {  	[tilespmem:$0x29A0] =	vst v1  }
0xac: {  	v1 =	vld [tilespmem:s30+$0xB0];
	_ =	sdelay $0x4  }
0xad: {  	v2 =	vand.u32 $0x3FFF, v1;
	v1 =	vshrl.u32 v1, $0xE  }
0xae: {  	[tilespmem:$0x2930] =	vst v2  }
0xaf: {  	[tilespmem:$0x29B0] =	vst v1  }
0xb0: {  	v1 =	vld [tilespmem:s30+$0xC0];
	_ =	sdelay $0x4  }
0xb1: {  	v2 =	vand.u32 $0x3FFF, v1;
	v1 =	vshrl.u32 v1, $0xE  }
0xb2: {  	[tilespmem:$0x2940] =	vst v2  }
0xb3: {  	[tilespmem:$0x29C0] =	vst v1  }
0xb4: {  	v1 =	vld [tilespmem:s30+$0xD0];
	_ =	sdelay $0x4  }
0xb5: {  	v2 =	vand.u32 $0x3FFF, v1;
	v1 =	vshrl.u32 v1, $0xE  }
0xb6: {  	[tilespmem:$0x2950] =	vst v2  }
0xb7: {  	[tilespmem:$0x29D0] =	vst v1  }
0xb8: {  	v1 =	vld [tilespmem:s30+$0xE0];
	_ =	sdelay $0x4  }
0xb9: {  	v2 =	vand.u32 $0x3FFF, v1;
	v1 =	vshrl.u32 v1, $0xE  }
0xba: {  	[tilespmem:$0x2960] =	vst v2  }
0xbb: {  	[tilespmem:$0x29E0] =	vst v1  }
0xbc: {  	v1 =	vld [tilespmem:s30+$0xF0];
	_ =	sdelay $0x4  }
0xbd: {  	v2 =	vand.u32 $0x3FFF, v1;
	v1 =	vshrl.u32 v1, $0xE  }
0xbe: {  	p1 =	seq.s32 s31, $0x9C00;
	[tilespmem:$0x2970] =	vst v2  }
0xbf: {  	s30 =	sshra.s32 @!p1 s31, $0x2;
	[tilespmem:$0x29F0] =	vst v1  }
0xc0: {  	[tilespmem:s22], [sflag:$0x2] =	stream.indirect.gather [hbm4b:s4+s19], $0x80, s21, s19, $0xb8;
	[tilespmem:$0x1EA00] =	vst v63  }
0xc1: {  	_ =	swait.ge [sflag:s23], $0x4000  }
0xc2: {  	[sflag:s23] =	ssyncset.done $0x0  }
0xc3: {  	[sflag:s23] =	ssyncadd.s32 $0xFFFFC000  }
0xc4: {  	[spmem:s1] =	stream.indirect.scatter.add.f32 [tilespmem:s17], [sflag:$0x3], $0x80, s24, s19, $0xb8;
	[tilespmem:$0x1EA00] =	vst v63  }
0xc5: {  	_ =	swait.ge [sflag:s18], $0x4000  }
0xc6: {  	[sflag:s18] =	ssyncset.done $0x0  }
0xc7: {  	[sflag:s18] =	ssyncadd.s32 $0xFFFFC000  }
0xc8: {  	v1 =	vld @!p1 [tilespmem:s30+$0x100];
	_ =	sdelay $0x4  }
0xc9: {  	v2 =	vand.u32 @!p1 $0x3FFF, v1;
	v1 =	vshrl.u32 @!p1 v1, $0xE  }
0xca: {  	[tilespmem:$0x2800] =	vst @!p1 v2  }
0xcb: {  	[tilespmem:$0x2880] =	vst @!p1 v1  }
0xcc: {  	v1 =	vld @!p1 [tilespmem:s30+$0x110];
	_ =	sdelay $0x4  }
0xcd: {  	v2 =	vand.u32 @!p1 $0x3FFF, v1;
	v1 =	vshrl.u32 @!p1 v1, $0xE  }
0xce: {  	[tilespmem:$0x2810] =	vst @!p1 v2  }
0xcf: {  	[tilespmem:$0x2890] =	vst @!p1 v1  }
0xd0: {  	v1 =	vld @!p1 [tilespmem:s30+$0x120];
	_ =	sdelay $0x4  }
0xd1: {  	v2 =	vand.u32 @!p1 $0x3FFF, v1;
	v1 =	vshrl.u32 @!p1 v1, $0xE  }
0xd2: {  	[tilespmem:$0x2820] =	vst @!p1 v2  }
0xd3: {  	[tilespmem:$0x28A0] =	vst @!p1 v1  }
0xd4: {  	v1 =	vld @!p1 [tilespmem:s30+$0x130];
	_ =	sdelay $0x4  }
0xd5: {  	v2 =	vand.u32 @!p1 $0x3FFF, v1;
	v1 =	vshrl.u32 @!p1 v1, $0xE  }
0xd6: {  	[tilespmem:$0x2830] =	vst @!p1 v2  }
0xd7: {  	[tilespmem:$0x28B0] =	vst @!p1 v1  }
0xd8: {  	v1 =	vld @!p1 [tilespmem:s30+$0x140];
	_ =	sdelay $0x4  }
0xd9: {  	v2 =	vand.u32 @!p1 $0x3FFF, v1;
	v1 =	vshrl.u32 @!p1 v1, $0xE  }
0xda: {  	[tilespmem:$0x2840] =	vst @!p1 v2  }
0xdb: {  	[tilespmem:$0x28C0] =	vst @!p1 v1  }
0xdc: {  	v1 =	vld @!p1 [tilespmem:s30+$0x150];
	_ =	sdelay $0x4  }
0xdd: {  	v2 =	vand.u32 @!p1 $0x3FFF, v1;
	v1 =	vshrl.u32 @!p1 v1, $0xE  }
0xde: {  	[tilespmem:$0x2850] =	vst @!p1 v2  }
0xdf: {  	s0 =	simm.s32 @!p1 $0x80;
	s2 =	simm.s32 @!p1 $0x2800;
	s20 =	simm.s32 @!p1 $0x2A00;
	[tilespmem:$0x28D0] =	vst @!p1 v1  }
0xe0: {  	v1 =	vld @!p1 [tilespmem:s30+$0x160];
	_ =	sdelay $0x1  }
.Ltmp1:
0xe1: {  	(pc) =	sbr.rel @p0 .LBB2_4-.Ltmp1, $3  }
0xe2: {  	_ =	sdelay $0x1  }
0xe3: {  	v2 =	vand.u32 @!p1 $0x3FFF, v1;
	v1 =	vshrl.u32 @!p1 v1, $0xE  }
0xe4: {  	[tilespmem:$0x2860] =	vst @!p1 v2  }
0xe5: {  	[tilespmem:$0x28E0] =	vst @!p1 v1  }
0xe6: {  	v1 =	vld @!p1 [tilespmem:s30+$0x170];
	_ =	sdelay $0x4  }
0xe7: {  	v2 =	vand.u32 @!p1 $0x3FFF, v1  }
0xe8: {  	v1 =	vshrl.u32 @!p1 v1, $0xE;
	[tilespmem:$0x2870] =	vst @!p1 v2  }
0xe9: {  	[tilespmem:$0x28F0] =	vst @!p1 v1  }
0xea: {  	[tilespmem:s20], [sflag:$0x1] =	stream.indirect.gather @!p1 [hbm4b:s4+s0], $0x80, s2, s0, $0xb8;
	[tilespmem:$0x1EA00] =	vst v63  }
0xeb: {  	_ =	swait.ge [sflag:s25], $0x4000  }
0xec: {  	[sflag:s25] =	ssyncset.done $0x0  }
0xed: {  	[sflag:s25] =	ssyncadd.s32 $0xFFFFC000  }
0xee: {  	[spmem:s1] =	stream.indirect.scatter.add.f32 [tilespmem:s22], [sflag:$0x3], $0x80, s26, s19, $0xb8;
	[tilespmem:$0x1EA00] =	vst v63  }
0xef: {  	_ =	swait.ge [sflag:s18], $0x4000  }
0xf0: {  	[sflag:s18] =	ssyncset.done $0x0  }
0xf1: {  	[sflag:s18] =	ssyncadd.s32 $0xFFFFC000  }
0xf2: {  	[bflag:$0x0] =	sbarrier.arrive $0xFFFF  }
0xf3: {  	[tilespmem:s17], [sflag:$0x3] =	stream.linear.gather [spmem:s5], $0x4000, $0x38;
	[tilespmem:$0x1EA00] =	vst v63  }
0xf4: {  	_ =	swait.ge [sflag:s18], $0x4000  }
0xf5: {  	[sflag:s18] =	ssyncset.done $0x0  }
0xf6: {  	[sflag:s18] =	ssyncadd.s32 $0xFFFFC000  }
0xf7: {  	[hbm4b:s11+s3] =	stream.linear.scatter [tilespmem:s17], [sflag:$0x3], $0x4000, $0x38;
	[tilespmem:$0x1EA00] =	vst v63  }
0xf8: {  	_ =	swait.ge [sflag:s18], $0x4000  }
0xf9: {  	[sflag:s18] =	ssyncset.done $0x0  }
0xfa: {  	[sflag:s18] =	ssyncadd.s32 $0xFFFFC000  }
0xfb: {  	[tilespmem:s17], [sflag:$0x3] =	stream.linear.gather [spmem:s6], $0x4000, $0x38;
	[tilespmem:$0x1EA00] =	vst v63  }
0xfc: {  	_ =	swait.ge [sflag:s18], $0x4000  }
0xfd: {  	[sflag:s18] =	ssyncset.done $0x0  }
0xfe: {  	[sflag:s18] =	ssyncadd.s32 $0xFFFFC000  }
0xff: {  	[hbm4b:s13+s3] =	stream.linear.scatter [tilespmem:s17], [sflag:$0x3], $0x4000, $0x38;
	[tilespmem:$0x1EA00] =	vst v63  }
0x100: {  	_ =	swait.ge [sflag:s18], $0x4000  }
0x101: {  	[sflag:s18] =	ssyncset.done $0x0  }
0x102: {  	[sflag:s18] =	ssyncadd.s32 $0xFFFFC000  }
0x103: {  	[tilespmem:s17], [sflag:$0x3] =	stream.linear.gather [spmem:s7], $0x4000, $0x38;
	[tilespmem:$0x1EA00] =	vst v63  }
0x104: {  	_ =	swait.ge [sflag:s18], $0x4000  }
0x105: {  	[sflag:s18] =	ssyncset.done $0x0  }
0x106: {  	[sflag:s18] =	ssyncadd.s32 $0xFFFFC000  }
0x107: {  	[hbm4b:s14+s3] =	stream.linear.scatter [tilespmem:s17], [sflag:$0x3], $0x4000, $0x38;
	[tilespmem:$0x1EA00] =	vst v63  }
0x108: {  	_ =	swait.ge [sflag:s18], $0x4000  }
0x109: {  	[sflag:s18] =	ssyncset.done $0x0  }
0x10a: {  	[sflag:s18] =	ssyncadd.s32 $0xFFFFC000  }
0x10b: {  	[tilespmem:s17], [sflag:$0x3] =	stream.linear.gather [spmem:s8], $0x4000, $0x38;
	[tilespmem:$0x1EA00] =	vst v63  }
0x10c: {  	_ =	swait.ge [sflag:s18], $0x4000  }
0x10d: {  	[sflag:s18] =	ssyncset.done $0x0  }
0x10e: {  	[sflag:s18] =	ssyncadd.s32 $0xFFFFC000  }
0x10f: {  	[hbm4b:s15+s3] =	stream.linear.scatter [tilespmem:s17], [sflag:$0x3], $0x4000, $0x38;
	[tilespmem:$0x1EA00] =	vst v63  }
0x110: {  	_ =	swait.ge [sflag:s18], $0x4000  }
0x111: {  	[sflag:s18] =	ssyncset.done $0x0  }
0x112: {  	[sflag:s18] =	ssyncadd.s32 $0xFFFFC000  }
0x113: {  	[tilespmem:s17], [sflag:$0x3] =	stream.linear.gather [spmem:s9], $0x4000, $0x38;
	[tilespmem:$0x1EA00] =	vst v63  }
0x114: {  	s28 =	sadd.s32 $0x1, s28;
	_ =	swait.ge [sflag:s18], $0x4000  }
0x115: {  	p0 =	sne.s32 s28, s12;
	[sflag:s18] =	ssyncset.done $0x0  }
.Ltmp2:
0x116: {  	[sflag:s18] =	ssyncadd.s32 $0xFFFFC000;
	(pc) =	sbr.rel @p0 .LBB2_1-.Ltmp2, $4  }
0x117: {  	[hbm4b:s16+s3] =	stream.linear.scatter [tilespmem:s17], [sflag:$0x3], $0x4000, $0x38;
	[tilespmem:$0x1EA00] =	vst v63  }
0x118: {  	_ =	swait.ge [sflag:s18], $0x4000  }
0x119: {  	[sflag:s18] =	ssyncset.done $0x0  }
0x11a: {  	[sflag:s18] =	ssyncadd.s32 $0xFFFFC000  }
0x11b: {  	_ =	sfence.sel $0x180000  }
0x11c: {  	[bflag:$0x0] =	sbarrier.arrive $0xFFFF  }
0x11d: {  	_ =	strace $0x9000004D  }
0x11e: {  	s0 =	stileid.u32;
	[bflag:$0x2] =	sbarrier.arrive $0xFFFF  }
0x11f: {  	p0 =	sne.s32 s0, $0x0;
	s0 =	rddreg [dreg:$0x3]  }
0x120: {  	s0 =	sadd.s32 @!p0 $0x100000, s0  }
0x121: {  	[sflag:s0] =	ssyncadd.tile.s32 @!p0 $0x1;
	_ =	shalt  }
.Lfunc_end2:
_tile_overlayer_lowered:
.L_overlay_start_2:
0x122: {  	(tag) =	ssettag $0x2  }
0x123: {  	s0 =	rddreg [dreg:$0x0];
	s2 =	stileid.u32  }
0x124: {  	s1 =	rddreg [dreg:$0x1];
	p0 =	sne.s32 s2, $0x0  }
0x125: {  	s3 =	rddreg [dreg:$0x2];
	[bflag:$0x3] =	sbarrier.arrive $0xFFFF;
	s2 =	simm.s32 @!p0 $0x1C03  }
0x126: {  	[timem:s3], [sflag:s2] =	dma.local @!p0 [hbm:s0], s1  }
0x127: {  	s0 =	simm.s32 @!p0 $0x3  }
0x128: {  	_ =	swait.ge @!p0 [sflag:s0], s1  }
0x129: {  	s1 =	ssub.s32 @!p0 $0x0, s1;
	[sflag:s0] =	ssyncset.done @!p0 $0x0  }
0x12a: {  	[sflag:s0] =	ssyncadd.s32 @!p0 s1  }
0x12b: {  	[bflag:$0x3] =	sbarrier.arrive $0xFFFF  }
0x12c: {  	_ =	shalt  }

// kernel: kernel.9.cloned.1.call-start
scs
__scs_entry_jumppad:
0x0: {  	(pc) =	sbr.rel $0x88, $3  }
0x1: {  	(tag) =	ssettag $0x0;
	lr =	simm.s32 $0x1  }
0x2: {  	[smem:$0x3F95] =	sst lr;
	_ =	strace $0xD0000000  }
0x3: {  	_ = 	snop  }
0x4: {  	_ = 	snop  }
0x5: {  	_ = 	snop  }
0x6: {  	_ = 	snop  }
0x7: {  	_ = 	snop  }
__scs_overlays_trampoline_lowered:
0x8: {  	[smem:$0x3FA4] =	sst s0  }
0x9: {  	[smem:$0x3FA5] =	sst s1  }
0xa: {  	[smem:$0x3FA6] =	sst s2  }
0xb: {  	[smem:$0x3FA7] =	sst s3  }
0xc: {  	[smem:$0x3FA8] =	sst s4  }
0xd: {  	[smem:$0x3FA9] =	sst s5  }
0xe: {  	[smem:$0x3FAA] =	sst s6  }
0xf: {  	[smem:$0x3FAB] =	sst s7  }
0x10: {  	[smem:$0x3FAC] =	sst s8  }
0x11: {  	[smem:$0x3FAD] =	sst s9;
	s0 =	simm.s32 @!p0 $0x0  }
0x12: {  	s1 =	sld [smem:$0x3F93];
	s0 =	simm.s32 @p0 $0x1  }
0x13: {  	[smem:$0x3FAE] =	sst s0;
	s0 =	simm.s32 @!p1 $0x0  }
0x14: {  	s2 =	sld [smem:$0x3F92];
	s0 =	simm.s32 @p1 $0x1  }
0x15: {  	[smem:$0x3FAF] =	sst s0;
	s0 =	simm.s32 @!p2 $0x0  }
0x16: {  	s3 =	sld [smem:$0x3FDB];
	s0 =	simm.s32 @p2 $0x1  }
0x17: {  	s4 =	simm.s32 $0x1BF5;
	[smem:$0x3FB1] =	sst s0  }
0x18: {  	s0 =	sld [smem:$0x3F94];
	_ =	swait.ge [sflag:s4], $0x0  }
0x19: {  	s7 =	sld [smem:$0x3F95]  }
0x1a: {  	s8 =	sadd.s32 $0xFFFFE003, lr  }
0x1b: {  	s9 =	sadd.s32 $0xFFFFFEF7, lr;
	s5 =	simm.s32 $0xFFFFFFFF;
	p2 =	slt.u32 s8, $0xFFFFF086  }
0x1c: {  	p1 =	slt.u32 s9, $0xF7A;
	s5 =	simm.s32 @!p2 $0x0  }
0x1d: {  	s5 =	simm.s32 @p1 $0x1;
	p0 =	seq.s32 s7, s2  }
0x1e: {  	s7 =	smul.u32 @!p0 $0xF7A, s2;
	p2 =	seq.s32 @!p0 s5, $0x0  }
0x1f: {  	s9 =	smul.u32 $0xF7A, s1;
	s8 =	simm.s32 @!p0 $0x1BF5;
	p2 =	por !p2, p0  }
0x20: {  	[sflag:s8] =	ssyncset.s32 @!p0 $0xFFFFF086;
	s6 =	sadd.s32 @!p0 s3, s7;
	s7 =	simm.s32 @!p0 $0x108  }
0x21: {  	s3 =	sadd.s32 s3, s9;
	s6 =	sadd.s32 @!p0 $0x88, s6;
	s7 =	simm.s32 @p2 $0x1082  }
0x22: {  	[simem:s7], [sflag:s8] =	dma.local @!p0 [hbm:s6], $0xF7A  }
0x23: {  	s9 =	sor.u32 $0xD0000000, s2;
	s6 =	simm.s32 $0x108;
	_ =	swait.ge @!p0 [sflag:s8], $0x0  }
0x24: {  	s3 =	sadd.s32 $0x88, s3;
	s6 =	simm.s32 @!p1 $0x1082;
	[sflag:s4] =	ssyncset.s32 $0xFFFFF086  }
0x25: {  	[simem:s6], [sflag:s4] =	dma.local [hbm:s3], $0xF7A  }
0x26: {  	[smem:$0x3F95] =	sst s1;
	(tag) =	ssettag s2;
	_ =	strace s9  }
0x27: {  	s1 =	sld [smem:$0x3FA5]  }
0x28: {  	s2 =	sld [smem:$0x3FA6]  }
0x29: {  	s4 =	sld [smem:$0x3FA8]  }
0x2a: {  	p0 =	seq.s32 s5, $0x0;
	s5 =	sld [smem:$0x3FA9]  }
0x2b: {  	s6 =	sld [smem:$0x3FAA]  }
0x2c: {  	s7 =	sld [smem:$0x3FAB]  }
0x2d: {  	s3 =	simm.s32 $0x108;
	s8 =	sld [smem:$0x3FAC]  }
0x2e: {  	s3 =	simm.s32 @!p0 $0x1082;
	s9 =	sld [smem:$0x3FAD]  }
0x2f: {  	lr =	sadd.s32 s0, s3;
	s0 =	sld [smem:$0x3FA4]  }
0x30: {  	s3 =	sld [smem:$0x3FA7]  }
0x31: {  	[smem:$0x3FB0] =	sst s10  }
0x32: {  	s10 =	sld [smem:$0x3FAE];
	_ =	sdelay $0x3  }
0x33: {  	p0 =	seq.s32 s10, $0x1;
	s10 =	sld [smem:$0x3FB0];
	_ =	sdelay $0x3  }
0x34: {  	[smem:$0x3FB0] =	sst s10  }
0x35: {  	s10 =	sld [smem:$0x3FAF];
	_ =	sdelay $0x3  }
0x36: {  	p1 =	seq.s32 s10, $0x1;
	s10 =	sld [smem:$0x3FB0];
	_ =	sdelay $0x3  }
0x37: {  	[smem:$0x3FB0] =	sst s10  }
0x38: {  	s10 =	sld [smem:$0x3FB1]  }
0x39: {  	_ = 	snop;
	(pc) =	sbr.ind lr, $3  }
0x3a: {  	_ = 	snop  }
0x3b: {  	_ = 	snop  }
0x3c: {  	p2 =	seq.s32 s10, $0x1;
	s10 =	sld [smem:$0x3FB0]  }
0x3d: {  	_ =	shalt  }
0x3e: {  	_ =	shalt  }
0x3f: {  	_ =	shalt  }
0x40: {  	_ =	shalt  }
0x41: {  	_ =	shalt  }
0x42: {  	_ =	shalt  }
0x43: {  	_ =	shalt  }
0x44: {  	_ =	shalt  }
0x45: {  	_ =	shalt  }
0x46: {  	_ =	shalt  }
0x47: {  	_ =	shalt  }
0x48: {  	_ =	shalt  }
0x49: {  	_ =	shalt  }
0x4a: {  	_ =	shalt  }
0x4b: {  	_ =	shalt  }
0x4c: {  	_ =	shalt  }
0x4d: {  	_ =	shalt  }
0x4e: {  	_ =	shalt  }
0x4f: {  	_ =	shalt  }
0x50: {  	_ =	shalt  }
0x51: {  	_ =	shalt  }
0x52: {  	_ =	shalt  }
0x53: {  	_ =	shalt  }
0x54: {  	_ =	shalt  }
0x55: {  	_ =	shalt  }
0x56: {  	_ =	shalt  }
0x57: {  	_ =	shalt  }
0x58: {  	_ =	shalt  }
0x59: {  	_ =	shalt  }
0x5a: {  	_ =	shalt  }
0x5b: {  	_ =	shalt  }
0x5c: {  	_ =	shalt  }
0x5d: {  	_ =	shalt  }
0x5e: {  	_ =	shalt  }
0x5f: {  	_ =	shalt  }
0x60: {  	_ =	shalt  }
0x61: {  	_ =	shalt  }
0x62: {  	_ =	shalt  }
0x63: {  	_ =	shalt  }
0x64: {  	_ =	shalt  }
0x65: {  	_ =	shalt  }
0x66: {  	_ =	shalt  }
0x67: {  	_ =	shalt  }
0x68: {  	_ =	shalt  }
0x69: {  	_ =	shalt  }
0x6a: {  	_ =	shalt  }
0x6b: {  	_ =	shalt  }
0x6c: {  	_ =	shalt  }
0x6d: {  	_ =	shalt  }
0x6e: {  	_ =	shalt  }
0x6f: {  	_ =	shalt  }
0x70: {  	_ =	shalt  }
0x71: {  	_ =	shalt  }
0x72: {  	_ =	shalt  }
0x73: {  	_ =	shalt  }
0x74: {  	_ =	shalt  }
0x75: {  	_ =	shalt  }
0x76: {  	_ =	shalt  }
0x77: {  	_ =	shalt  }
0x78: {  	_ =	shalt  }
0x79: {  	_ =	shalt  }
0x7a: {  	_ =	shalt  }
0x7b: {  	_ =	shalt  }
0x7c: {  	_ =	shalt  }
0x7d: {  	_ =	shalt  }
0x7e: {  	_ =	shalt  }
0x7f: {  	_ =	shalt  }
0x80: {  	_ =	shalt  }
0x81: {  	_ =	shalt  }
0x82: {  	_ =	shalt  }
0x83: {  	_ =	shalt  }
0x84: {  	_ =	shalt  }
0x85: {  	_ =	shalt  }
0x86: {  	_ =	shalt  }
0x87: {  	_ =	shalt  }
.Lfunc_end0:
.L_simem_size_0:
called_computation_lowered:
.L_overlay_start_0:
0x88: {  	s2 =	sld [smem:$0x3FD9]  }
0x89: {  	s3 =	sld [smem:$0x3FFE];
	_ =	sdelay $0x1  }
0x8a: {  	s1 =	srdreg.scid  }
0x8b: {  	s0 =	sand.u32 $0x1, s1  }
0x8c: {  	s17 =	sshll.u32 s0, $0xA;
	s2 =	sadd.s32 s3, s2  }
0x8d: {  	s2 =	sadd.s32 s2, s17  }
0x8e: {  	[smem:$0x3FBC] =	sst s2  }
0x8f: {  	_ = 	snop  }
0x90: {  	s2 =	sld [smem:$0x3FD0];
	(tm) =	ssettm $0x1  }
0x91: {  	s18 =	sld [smem:$0x3FFB];
	_ =	sdelay $0x3  }
0x92: {  	_ =	strace s18  }
0x93: {  	s3 =	sld [smem:$0x3FFC];
	_ =	sdelay $0x3  }
0x94: {  	_ =	strace s3  }
0x95: {  	s3 =	sld [smem:$0x3FFD];
	_ =	sdelay $0x3  }
0x96: {  	_ =	strace s3  }
0x97: {  	_ =	strace $0x8FFFFFFF  }
0x98: {  	s19 =	sld [smem:$0x3FDB];
	_ =	sdelay $0x1  }
0x99: {  	s4 =	simm.s32 $_scs_section_size  }
0x9a: {  	s5 =	simm.s32 $_size__tile_overlayer_lowered;
	s6 =	simm.s32 $_tile_overlayer_lowered  }
0x9b: {  	s22 =	simm.s32 $0x1BFF;
	s21 =	sshll.u32 s6, $0x1;
	s3 =	sadd.s32 s4, s19  }
0x9c: {  	s7 =	simm.s32 $0x0;
	s20 =	sshll.u32 s5, $0x1;
	s5 =	sadd.s32 s21, s3  }
0x9d: {  	[timem:s7], [sflag:s22] =	dma.local [hbm:s5], s20  }
0x9e: {  	_ =	swait.ge [sflag:s22], s20  }
0x9f: {  	s4 =	ssub.s32 $0x0, s20;
	[sflag:s22] =	ssyncset.done $0x0  }
0xa0: {  	[sflag:s22] =	ssyncadd.s32 s4;
	_ =	sdelay $0x1  }
0xa1: {  	s23 =	simm.s32 $0x1B8B  }
0xa2: {  	_ =	swait.ge [sflag:s23], $0x1  }
0xa3: {  	[sflag:s23] =	ssyncset.done $0x0  }
0xa4: {  	s25 =	simm.s32 $0x1B8E;
	s24 =	sld [smem:$0x3FFE];
	[sflag:s23] =	ssyncadd.s32 $0xFFFFFFFF  }
0xa5: {  	s26 =	simm.s32 $execute0_lowered;
	[smem:$0x3FD2] =	sst s25  }
0xa6: {  	s5 =	sshll.u32 s26, $0x1;
	_ =	strace $0x80000046;
	[dreg:$0x1] =	wrdreg $0xFFFFFFFF  }
0xa7: {  	s28 =	simm.s32 $_size_execute0_lowered;
	s3 =	sadd.s32 s3, s5;
	[dreg:$0x0] =	wrdreg $0x0  }
0xa8: {  	s5 =	sshll.u32 s28, $0x1;
	[dreg:$0x2] =	wrdreg s3  }
0xa9: {  	[dreg:$0x3] =	wrdreg s5  }
0xaa: {  	[dreg:$0x4] =	wrdreg $0xC0  }
0xab: {  	_ =	task [dreg:s7], $0x5FFFF  }
0xac: {  	[dreg:$0x1] =	wrdreg $0xFFFFFFFF  }
0xad: {  	[dreg:$0x0] =	wrdreg $0x60  }
0xae: {  	[dreg:$0x2] =	wrdreg s2  }
0xaf: {  	[dreg:$0x3] =	wrdreg s24  }
0xb0: {  	[dreg:$0x4] =	wrdreg $0x6C000  }
0xb1: {  	[dreg:$0x5] =	wrdreg $0x9  }
0xb2: {  	_ =	task.clear_ibuf [dreg:s7], $0x6FFFF;
	_ =	strace $0x90000046  }
0xb3: {  	s29 =	simm.s32 $0x9;
	_ =	strace $0x80000048  }
0xb4: {  	_ =	swait.ge [sflag:s29], $0x1  }
0xb5: {  	[sflag:s29] =	ssyncadd.s32 $0xFFFFFFFF  }
0xb6: {  	_ =	strace $0x90000048  }
0xb7: {  	_ =	sfence  }
0xb8: {  	s30 =	sld [smem:$0x0];
	_ =	sdelay $0x2  }
0xb9: {  	s31 =	sshll.u32 s1, $0xD;
	s1 =	sshrl.u32 s1, $0x2  }
0xba: {  	s3 =	sand.u32 $0x4000, s31;
	s1 =	sadd.s32 s1, s30  }
0xbb: {  	s0 =	sor.u32 s3, s0;
	s1 =	sshll.u32 s1, $0x11  }
0xbc: {  	s0 =	sor.u32 s1, s0  }
0xbd: {  	s0 =	sadd.s32 $0x8F2B, s0  }
0xbe: {  	[sflag:s0] =	ssyncadd.remote.s32 $0x1  }
0xbf: {  	_ =	sfence.sel $0xFFFF  }
0xc0: {  	[dreg:$0x0] =	wrdreg $0xFFFFFFFF;
	(pc) =	sbr.abs _section_cstart, $3  }
0xc1: {  	[dreg:$0x1] =	wrdreg $0xFFFFFFFF  }
0xc2: {  	_ =	task.clear_ibuf [dreg:s7], $0x2FFFF;
	_ =	strace $0x9FFFFFFF  }
0xc3: {  	(tm) =	ssettm $0x7FFFFFFF  }
tec
execute0_lowered:
.L_overlay_start_1:
0x0: {  	(tag) =	ssettag $0x1  }
0x1: {  	s3 =	rddreg [dreg:$0x0]  }
0x2: {  	s4 =	rddreg [dreg:$0x1]  }
0x3: {  	s5 =	rddreg [dreg:$0x2]  }
0x4: {  	s0 =	rddreg [dreg:$0x3]  }
0x5: {  	s2 =	simm.s32 $0x0;
	s6 =	srdreg.scid;
	s1 =	stileid.u32  }
0x6: {  	s11 =	simm.s32 $0x0;
	[smem:$0x7FF] =	sst s2;
	s6 =	sand.u32 $0x1, s6  }
0x7: {  	s7 =	sshll.u32 s1, $0xA;
	s31 =	sshll.u32 s1, $0xE;
	_ =	strace $0x80000047  }
0x8: {  	s8 =	sshll.u32 s6, $0xE;
	s9 =	sshll.u32 s6, $0x4;
	s6 =	ssub.s32 $0x2, s6  }
0x9: {  	s8 =	sor.u32 s7, s8;
	s9 =	sor.u32 s1, s9;
	s10 =	sshrl.u32 s6, $0x1  }
0xa: {  	s8 =	sshrl.u32 s8, $0x3;
	s9 =	smul.u32 $0x500, s9;
	s10 =	ssub.s32 s6, s10  }
0xb: {  	s8 =	sadd.s32 s8, s4;
	s4 =	sadd.s32 s31, s5;
	s5 =	sadd.s32 s7, s5  }
0xc: {  	s7 =	smax.u32 s10, $0x1;
	s10 =	simm.s32 $0x6800;
	s3 =	sadd.s32 s3, s9  }
0xd: {  	v0 =	vimm.f32 $0.0e+00;
	v1 =	vimm.f32 $1.000000000e+00;
	s6 =	sadd.s32 $0x3600, s8;
	s8 =	simm.s32 $0x1;
	s9 =	simm.s32 $0x2800  }
.LBB2_1:
0xe: {  	s12 =	simm.s32 $0x40;
	s13 =	simm.s32 $0x0  }
.LBB2_2:
0xf: {  	p0 =	sne.s32 s12, $0xFFC0;
	[tilespmem:s13+$0x2800] =	vst v0;
	s13 =	smov.u32 s12;
	s12 =	sadd.s32 $0x40, s12  }
.Ltmp0:
0x10: {  	(pc) =	sbr.rel @p0 .LBB2_2-.Ltmp0, $2  }
0x11: {  	_ =	sdelay $0x2  }
0x12: {  	s13 =	sshra.s32 s13, $0x2  }
0x13: {  	[tilespmem:s13+$0x2800] =	vst v0;
	s12 =	simm.s32 $0x0  }
0x14: {  	[tilespmem:s12], [sflag:$0x1] =	stream.linear.gather [hbm4b:s3+s12], $0x2800, $0x38;
	[tilespmem:$0xAC00] =	vst v63  }
0x15: {  	_ =	swait.ge [sflag:s8], $0x2800  }
0x16: {  	[sflag:s8] =	ssyncset.done $0x0  }
0x17: {  	[sflag:s8] =	ssyncadd.s32 $0xFFFFD800  }
.LBB2_4:
0x18: {  	s13 =	sshra.s32 s12, $0x2  }
0x19: {  	v2 =	vld [tilespmem:s13+$0x0];
	_ =	sdelay $0x4  }
0x1a: {  	v2 =	vshrl.u32 v2, $0xE;
	_ =	sdelay $0x4  }
0x1b: {  	[tilespmem:v2+s9+$0x0] =	vst.idx.add.f32.msk $0xffff, v1  }
0x1c: {  	v2 =	vld [tilespmem:s13+$0x10];
	_ =	sdelay $0x4  }
0x1d: {  	v2 =	vshrl.u32 v2, $0xE;
	_ =	sdelay $0x4  }
0x1e: {  	[tilespmem:v2+s9+$0x0] =	vst.idx.add.f32.msk $0xffff, v1  }
0x1f: {  	v2 =	vld [tilespmem:s13+$0x20];
	_ =	sdelay $0x4  }
0x20: {  	v2 =	vshrl.u32 v2, $0xE;
	_ =	sdelay $0x4  }
0x21: {  	[tilespmem:v2+s9+$0x0] =	vst.idx.add.f32.msk $0xffff, v1  }
0x22: {  	v2 =	vld [tilespmem:s13+$0x30];
	_ =	sdelay $0x4  }
0x23: {  	v2 =	vshrl.u32 v2, $0xE;
	_ =	sdelay $0x4  }
0x24: {  	[tilespmem:v2+s9+$0x0] =	vst.idx.add.f32.msk $0xffff, v1  }
0x25: {  	v2 =	vld [tilespmem:s13+$0x40];
	_ =	sdelay $0x4  }
0x26: {  	v2 =	vshrl.u32 v2, $0xE;
	_ =	sdelay $0x4  }
0x27: {  	[tilespmem:v2+s9+$0x0] =	vst.idx.add.f32.msk $0xffff, v1  }
0x28: {  	v2 =	vld [tilespmem:s13+$0x50];
	_ =	sdelay $0x4  }
0x29: {  	v2 =	vshrl.u32 v2, $0xE;
	_ =	sdelay $0x4  }
0x2a: {  	[tilespmem:v2+s9+$0x0] =	vst.idx.add.f32.msk $0xffff, v1  }
0x2b: {  	v2 =	vld [tilespmem:s13+$0x60];
	_ =	sdelay $0x4  }
0x2c: {  	v2 =	vshrl.u32 v2, $0xE;
	_ =	sdelay $0x4  }
0x2d: {  	[tilespmem:v2+s9+$0x0] =	vst.idx.add.f32.msk $0xffff, v1  }
0x2e: {  	v2 =	vld [tilespmem:s13+$0x70];
	_ =	sdelay $0x4  }
0x2f: {  	p0 =	sne.s32 s12, $0x9E00;
	v2 =	vshrl.u32 v2, $0xE  }
.Ltmp1:
0x30: {  	_ = 	snop;
	(pc) =	sbr.rel @p0 .LBB2_4-.Ltmp1, $2  }
0x31: {  	_ =	sdelay $0x2  }
0x32: {  	s12 =	sadd.s32 $0x200, s12;
	[tilespmem:v2+s9+$0x0] =	vst.idx.add.f32.msk $0xffff, v1  }
0x33: {  	[spmem:s4] =	stream.linear.scatter [tilespmem:s9], [sflag:$0x1], $0x4000, $0x38;
	[tilespmem:$0xAC00] =	vst v63  }
0x34: {  	_ =	swait.ge [sflag:s8], $0x4000  }
0x35: {  	[sflag:s8] =	ssyncset.done $0x0  }
0x36: {  	[sflag:s8] =	ssyncadd.s32 $0xFFFFC000  }
0x37: {  	[bflag:$0x0] =	sbarrier.arrive $0xFFFF  }
0x38: {  	[tilespmem:s9], [sflag:$0x1] =	stream.linear.gather [spmem:s5], $0x400, $0x38;
	[tilespmem:$0xAC00] =	vst v63  }
0x39: {  	_ =	swait.ge [sflag:s8], $0x400  }
0x3a: {  	[sflag:s8] =	ssyncset.done $0x0  }
0x3b: {  	s12 =	sadd.s32 $0x4000, s5;
	[sflag:s8] =	ssyncadd.s32 $0xFFFFFC00  }
0x3c: {  	[tilespmem:s10], [sflag:$0x1] =	stream.linear.gather [spmem:s12], $0x400, $0x38;
	[tilespmem:$0xAC00] =	vst v63  }
0x3d: {  	_ =	swait.ge [sflag:s8], $0x400  }
0x3e: {  	[sflag:s8] =	ssyncset.done $0x0  }
0x3f: {  	[sflag:s8] =	ssyncadd.s32 $0xFFFFFC00  }
0x40: {  	v2 =	vld [tilespmem:$0x6AB0]  }
0x41: {  	v4 =	vld [tilespmem:$0x2810]  }
0x42: {  	v5 =	vld [tilespmem:$0x6810]  }
0x43: {  	v6 =	vld [tilespmem:$0x2820]  }
0x44: {  	v7 =	vld [tilespmem:$0x6820]  }
0x45: {  	v8 =	vld [tilespmem:$0x2830]  }
0x46: {  	v9 =	vld [tilespmem:$0x6830]  }
0x47: {  	v10 =	vld [tilespmem:$0x2840]  }
0x48: {  	v11 =	vld [tilespmem:$0x6840]  }
0x49: {  	v12 =	vld [tilespmem:$0x2850]  }
0x4a: {  	v13 =	vld [tilespmem:$0x6850]  }
0x4b: {  	v14 =	vld [tilespmem:$0x2860]  }
0x4c: {  	v15 =	vld [tilespmem:$0x6860]  }
0x4d: {  	v16 =	vld [tilespmem:$0x2870]  }
0x4e: {  	v17 =	vld [tilespmem:$0x6870]  }
0x4f: {  	v18 =	vld [tilespmem:$0x2880]  }
0x50: {  	v19 =	vld [tilespmem:$0x6880]  }
0x51: {  	v20 =	vld [tilespmem:$0x2890]  }
0x52: {  	v21 =	vld [tilespmem:$0x6890]  }
0x53: {  	v22 =	vld [tilespmem:$0x28A0]  }
0x54: {  	v23 =	vld [tilespmem:$0x68A0]  }
0x55: {  	v24 =	vld [tilespmem:$0x28B0]  }
0x56: {  	v25 =	vld [tilespmem:$0x68B0]  }
0x57: {  	v26 =	vld [tilespmem:$0x28C0]  }
0x58: {  	v27 =	vld [tilespmem:$0x68C0]  }
0x59: {  	v28 =	vld [tilespmem:$0x28D0]  }
0x5a: {  	v29 =	vld [tilespmem:$0x68D0]  }
0x5b: {  	v30 =	vld [tilespmem:$0x28E0]  }
0x5c: {  	v31 =	vld [tilespmem:$0x68E0]  }
0x5d: {  	v32 =	vld [tilespmem:$0x28F0]  }
0x5e: {  	v33 =	vld [tilespmem:$0x68F0]  }
0x5f: {  	v34 =	vld [tilespmem:$0x2900]  }
0x60: {  	v35 =	vld [tilespmem:$0x6900]  }
0x61: {  	v36 =	vld [tilespmem:$0x2910]  }
0x62: {  	v37 =	vld [tilespmem:$0x6910]  }
0x63: {  	v38 =	vld [tilespmem:$0x2920]  }
0x64: {  	v39 =	vld [tilespmem:$0x6920]  }
0x65: {  	v40 =	vld [tilespmem:$0x2930]  }
0x66: {  	v41 =	vld [tilespmem:$0x6930]  }
0x67: {  	v42 =	vld [tilespmem:$0x2940]  }
0x68: {  	v43 =	vld [tilespmem:$0x6940]  }
0x69: {  	v44 =	vld [tilespmem:$0x2950]  }
0x6a: {  	v45 =	vld [tilespmem:$0x6950]  }
0x6b: {  	v46 =	vld [tilespmem:$0x2960]  }
0x6c: {  	v47 =	vld [tilespmem:$0x6960]  }
0x6d: {  	v48 =	vld [tilespmem:$0x2970]  }
0x6e: {  	v49 =	vld [tilespmem:$0x6970]  }
0x6f: {  	v50 =	vld [tilespmem:$0x2980]  }
0x70: {  	v51 =	vld [tilespmem:$0x6980]  }
0x71: {  	v52 =	vld [tilespmem:$0x2990]  }
0x72: {  	v53 =	vld [tilespmem:$0x6990]  }
0x73: {  	v54 =	vld [tilespmem:$0x29A0]  }
0x74: {  	v55 =	vld [tilespmem:$0x69A0]  }
0x75: {  	v56 =	vld [tilespmem:$0x29B0]  }
0x76: {  	v57 =	vld [tilespmem:$0x69B0]  }
0x77: {  	v58 =	vld [tilespmem:$0x29C0]  }
0x78: {  	v59 =	vld [tilespmem:$0x69C0]  }
0x79: {  	v60 =	vld [tilespmem:$0x29D0]  }
0x7a: {  	v3 =	vld [tilespmem:$0x2A00]  }
0x7b: {  	v61 =	vld [tilespmem:$0x69D0]  }
0x7c: {  	v62 =	vld [tilespmem:$0x29E0]  }
0x7d: {  	v63 =	vld [tilespmem:$0x69E0]  }
0x7e: {  	[tilespmem:$0x1FFE0] =	vst v2;
	v2 =	vld [tilespmem:$0x6800]  }
0x7f: {  	[tilespmem:$0x1FFA0] =	vst v3;
	v3 =	vld [tilespmem:$0x6A00]  }
0x80: {  	v4 =	vadd.f32 v5, v4;
	v5 =	vld [tilespmem:$0x2A20]  }
0x81: {  	v6 =	vadd.f32 v7, v6;
	v7 =	vld [tilespmem:$0x6A20]  }
0x82: {  	v13 =	vadd.f32 v13, v12;
	v12 =	vld [tilespmem:$0x2A50]  }
0x83: {  	v17 =	vadd.f32 v17, v16;
	v16 =	vld [tilespmem:$0x2A70]  }
0x84: {  	v19 =	vadd.f32 v19, v18;
	v18 =	vld [tilespmem:$0x2A80]  }
0x85: {  	v21 =	vadd.f32 v21, v20;
	v20 =	vld [tilespmem:$0x2A90]  }
0x86: {  	v23 =	vadd.f32 v23, v22;
	v22 =	vld [tilespmem:$0x2AA0]  }
0x87: {  	v25 =	vadd.f32 v25, v24;
	v24 =	vld [tilespmem:$0x2AB0]  }
0x88: {  	v27 =	vadd.f32 v27, v26;
	v26 =	vld [tilespmem:$0x2AC0];
	[tilespmem:$0x2810] =	vst v4  }
0x89: {  	v29 =	vadd.f32 v29, v28;
	v28 =	vld [tilespmem:$0x2AD0];
	[tilespmem:$0x2820] =	vst v6  }
0x8a: {  	v31 =	vadd.f32 v31, v30;
	v33 =	vadd.f32 v33, v32;
	v30 =	vld [tilespmem:$0x2AE0];
	[tilespmem:$0x2850] =	vst v13  }
0x8b: {  	v35 =	vadd.f32 v35, v34;
	v38 =	vadd.f32 v39, v38;
	v32 =	vld [tilespmem:$0x2AF0];
	[tilespmem:$0x2870] =	vst v17  }
0x8c: {  	v39 =	vadd.f32 v41, v40;
	v40 =	vadd.f32 v43, v42;
	v34 =	vld [tilespmem:$0x2B00];
	[tilespmem:$0x2880] =	vst v19  }
0x8d: {  	v41 =	vadd.f32 v45, v44;
	v45 =	vadd.f32 v53, v52;
	v53 =	vld [tilespmem:$0x6B10];
	[tilespmem:$0x2890] =	vst v21  }
0x8e: {  	v42 =	vadd.f32 v47, v46;
	v46 =	vadd.f32 v55, v54;
	v55 =	vld [tilespmem:$0x2B20];
	[tilespmem:$0x28A0] =	vst v23  }
0x8f: {  	v47 =	vadd.f32 v57, v56;
	v57 =	vld [tilespmem:$0x6B20];
	[tilespmem:$0x28B0] =	vst v25  }
0x90: {  	[tilespmem:$0x1FFB0] =	vst v3;
	v3 =	vld [tilespmem:$0x2A10]  }
0x91: {  	v43 =	vadd.f32 v49, v48;
	v48 =	vadd.f32 v59, v58;
	v58 =	vld [tilespmem:$0x2B30];
	[tilespmem:$0x28C0] =	vst v27  }
0x92: {  	v49 =	vadd.f32 v61, v60;
	v60 =	vld [tilespmem:$0x6B30];
	[tilespmem:$0x28D0] =	vst v29  }
0x93: {  	v61 =	vld [tilespmem:$0x2B40];
	[tilespmem:$0x28E0] =	vst v31  }
0x94: {  	[tilespmem:$0x1FFF0] =	vst v2;
	v2 =	vld [tilespmem:$0x29F0]  }
0x95: {  	v37 =	vadd.f32 v37, v36;
	[tilespmem:$0x1FFC0] =	vst v3;
	v3 =	vld [tilespmem:$0x6A10]  }
0x96: {  	v44 =	vadd.f32 v51, v50;
	v50 =	vadd.f32 v63, v62;
	v63 =	vld [tilespmem:$0x6B40];
	[tilespmem:$0x28F0] =	vst v33  }
0x97: {  	v51 =	vld [tilespmem:$0x1FFA0];
	[tilespmem:$0x2900] =	vst v35  }
0x98: {  	v4 =	vadd.f32 v9, v8;
	v8 =	vld [tilespmem:$0x2A30];
	[tilespmem:$0x2910] =	vst v37  }
0x99: {  	[tilespmem:$0x1FF90] =	vst v2;
	v2 =	vld [tilespmem:$0x69F0]  }
0x9a: {  	[tilespmem:$0x1FFD0] =	vst v3;
	v3 =	vld [tilespmem:$0x1FF90]  }
0x9b: {  	v9 =	vld [tilespmem:$0x6A30];
	[tilespmem:$0x2920] =	vst v38  }
0x9c: {  	v6 =	vadd.f32 v11, v10;
	v10 =	vld [tilespmem:$0x2A40];
	[tilespmem:$0x2930] =	vst v39  }
0x9d: {  	v11 =	vld [tilespmem:$0x6A40];
	[tilespmem:$0x2940] =	vst v40  }
0x9e: {  	v13 =	vld [tilespmem:$0x6A50];
	[tilespmem:$0x2950] =	vst v41  }
0x9f: {  	v17 =	vld [tilespmem:$0x6A70];
	[tilespmem:$0x2960] =	vst v42;
	v2 =	vadd.f32 v2, v3  }
0xa0: {  	[tilespmem:$0x2970] =	vst v43;
	v54 =	vld [tilespmem:$0x1FFD0]  }
0xa1: {  	[tilespmem:$0x29F0] =	vst v2;
	v2 =	vld [tilespmem:$0x1FFC0]  }
0xa2: {  	v19 =	vld [tilespmem:$0x6A80];
	[tilespmem:$0x2980] =	vst v44  }
0xa3: {  	v21 =	vld [tilespmem:$0x6A90];
	[tilespmem:$0x2990] =	vst v45  }
0xa4: {  	v23 =	vld [tilespmem:$0x6AA0];
	[tilespmem:$0x29A0] =	vst v46  }
0xa5: {  	v25 =	vld [tilespmem:$0x2800];
	[tilespmem:$0x29B0] =	vst v47  }
0xa6: {  	v27 =	vld [tilespmem:$0x6AC0];
	[tilespmem:$0x29C0] =	vst v48;
	v2 =	vadd.f32 v54, v2  }
0xa7: {  	v29 =	vld [tilespmem:$0x6AD0];
	[tilespmem:$0x29D0] =	vst v49  }
0xa8: {  	v31 =	vld [tilespmem:$0x6AE0];
	[tilespmem:$0x2A10] =	vst v2;
	v2 =	vadd.f32 v9, v8  }
0xa9: {  	v33 =	vld [tilespmem:$0x6AF0];
	[tilespmem:$0x29E0] =	vst v50  }
0xaa: {  	v35 =	vld [tilespmem:$0x6B00];
	[tilespmem:$0x2A30] =	vst v2;
	v2 =	vadd.f32 v13, v12  }
0xab: {  	v37 =	vld [tilespmem:$0x2B50];
	[tilespmem:$0x2830] =	vst v4  }
0xac: {  	v39 =	vld [tilespmem:$0x6B50];
	[tilespmem:$0x2A50] =	vst v2;
	v2 =	vadd.f32 v17, v16  }
0xad: {  	v40 =	vld [tilespmem:$0x2B60];
	[tilespmem:$0x2840] =	vst v6;
	v6 =	vadd.f32 v15, v14  }
0xae: {  	v42 =	vld [tilespmem:$0x6B60];
	[tilespmem:$0x2A70] =	vst v2;
	v2 =	vadd.f32 v21, v20  }
0xaf: {  	v14 =	vld [tilespmem:$0x2A60];
	v56 =	vadd.f32 v7, v5;
	[tilespmem:$0x2860] =	vst v6  }
0xb0: {  	v59 =	vadd.f32 v11, v10;
	[tilespmem:$0x2A90] =	vst v2;
	v2 =	vld [tilespmem:$0x1FFE0]  }
0xb1: {  	v15 =	vld [tilespmem:$0x6A60];
	[tilespmem:$0x2A20] =	vst v56;
	v38 =	vadd.f32 v19, v18  }
0xb2: {  	v43 =	vld [tilespmem:$0x2B70];
	v41 =	vadd.f32 v23, v22;
	[tilespmem:$0x2A40] =	vst v59  }
0xb3: {  	v52 =	vld [tilespmem:$0x1FFB0];
	v47 =	vadd.f32 v29, v28;
	[tilespmem:$0x2A80] =	vst v38  }
0xb4: {  	v45 =	vld [tilespmem:$0x6B70];
	v50 =	vadd.f32 v33, v32;
	[tilespmem:$0x2AA0] =	vst v41  }
0xb5: {  	[tilespmem:$0x2AD0] =	vst v47;
	v3 =	vld [tilespmem:$0x2B10];
	v2 =	vadd.f32 v2, v24  }
0xb6: {  	v46 =	vld [tilespmem:$0x2B80];
	v62 =	vadd.f32 v15, v14;
	[tilespmem:$0x2AF0] =	vst v50  }
0xb7: {  	v48 =	vld [tilespmem:$0x6B80];
	[tilespmem:$0x2AB0] =	vst v2;
	v2 =	vadd.f32 v27, v26  }
0xb8: {  	v49 =	vld [tilespmem:$0x2B90];
	v4 =	vadd.f32 v52, v51;
	[tilespmem:$0x2A60] =	vst v62  }
0xb9: {  	v44 =	vld [tilespmem:$0x1FFF0];
	[tilespmem:$0x2AC0] =	vst v2;
	v2 =	vadd.f32 v31, v30  }
0xba: {  	v56 =	vld [tilespmem:$0x2BC0];
	[tilespmem:$0x2A00] =	vst v4;
	v3 =	vadd.f32 v53, v3  }
0xbb: {  	v59 =	vld [tilespmem:$0x6BD0];
	[tilespmem:$0x2AE0] =	vst v2;
	v2 =	vadd.f32 v35, v34  }
0xbc: {  	v51 =	vld [tilespmem:$0x6B90];
	[tilespmem:$0x2B10] =	vst v3;
	v3 =	vadd.f32 v60, v58  }
0xbd: {  	v52 =	vld [tilespmem:$0x2BA0];
	[tilespmem:$0x2B00] =	vst v2;
	v2 =	vadd.f32 v57, v55  }
0xbe: {  	v53 =	vld [tilespmem:$0x6BA0];
	[tilespmem:$0x2B30] =	vst v3;
	v3 =	vadd.f32 v39, v37  }
0xbf: {  	v54 =	vld [tilespmem:$0x2BB0];
	[tilespmem:$0x2B20] =	vst v2;
	v2 =	vadd.f32 v63, v61  }
0xc0: {  	v58 =	vld [tilespmem:$0x2BD0];
	[tilespmem:$0x2B50] =	vst v3;
	v3 =	vadd.f32 v45, v43  }
0xc1: {  	v55 =	vld [tilespmem:$0x6BB0];
	[tilespmem:$0x2B40] =	vst v2;
	v2 =	vadd.f32 v42, v40  }
0xc2: {  	v16 =	vadd.f32 v44, v25;
	[tilespmem:$0x2B70] =	vst v3;
	v57 =	vld [tilespmem:$0x6BC0]  }
0xc3: {  	v60 =	vld [tilespmem:$0x2BE0];
	[tilespmem:$0x2B60] =	vst v2;
	v2 =	vadd.f32 v48, v46  }
0xc4: {  	v3 =	vadd.f32 v51, v49;
	[tilespmem:$0x2800] =	vst v16;
	v61 =	vld [tilespmem:$0x6BE0]  }
0xc5: {  	v62 =	vld [tilespmem:$0x2BF0];
	[tilespmem:$0x2B80] =	vst v2;
	v2 =	vadd.f32 v53, v52  }
0xc6: {  	[tilespmem:$0x2B90] =	vst v3;
	v63 =	vld [tilespmem:$0x6BF0];
	v3 =	vadd.f32 v55, v54  }
0xc7: {  	[tilespmem:$0x2BA0] =	vst v2;
	v2 =	vadd.f32 v57, v56  }
0xc8: {  	[tilespmem:$0x2BB0] =	vst v3;
	v3 =	vadd.f32 v59, v58  }
0xc9: {  	[tilespmem:$0x2BC0] =	vst v2;
	v2 =	vadd.f32 v61, v60  }
0xca: {  	[tilespmem:$0x2BD0] =	vst v3  }
0xcb: {  	s12 =	simm.s32 $0x20000;
	[tilespmem:$0x2BE0] =	vst v2;
	v2 =	vadd.f32 v63, v62  }
.LBB2_6:
0xcc: {  	_ = 	snop  }
0xcd: {  	s13 =	sshra.s32 s12, $0x2;
	p0 =	sne.s32 s12, $0xF0000;
	s12 =	sadd.s32 $0x10000, s12;
	[tilespmem:$0x2BF0] =	vst v2  }
0xce: {  	s13 =	sadd.s32 s13, s5  }
0xcf: {  	[tilespmem:s10], [sflag:$0x1] =	stream.linear.gather [spmem:s13], $0x400, $0x38;
	[tilespmem:$0xAC00] =	vst v63  }
0xd0: {  	_ =	swait.ge [sflag:s8], $0x400  }
0xd1: {  	[sflag:s8] =	ssyncset.done $0x0  }
0xd2: {  	[sflag:s8] =	ssyncadd.s32 $0xFFFFFC00  }
0xd3: {  	v3 =	vld [tilespmem:$0x6AB0]  }
0xd4: {  	v2 =	vld [tilespmem:$0x6800]  }
0xd5: {  	v4 =	vld [tilespmem:$0x2810]  }
0xd6: {  	v5 =	vld [tilespmem:$0x6810]  }
0xd7: {  	v6 =	vld [tilespmem:$0x2820]  }
0xd8: {  	v7 =	vld [tilespmem:$0x6820]  }
0xd9: {  	v8 =	vld [tilespmem:$0x2830]  }
0xda: {  	v9 =	vld [tilespmem:$0x6830]  }
0xdb: {  	v4 =	vadd.f32 v5, v4;
	v5 =	vld [tilespmem:$0x2840]  }
0xdc: {  	v10 =	vld [tilespmem:$0x6840]  }
0xdd: {  	[tilespmem:$0x2810] =	vst v4;
	v4 =	vadd.f32 v7, v6;
	v6 =	vld [tilespmem:$0x2850]  }
0xde: {  	v7 =	vld [tilespmem:$0x6850]  }
0xdf: {  	[tilespmem:$0x2820] =	vst v4;
	v4 =	vadd.f32 v9, v8;
	v8 =	vld [tilespmem:$0x2860]  }
0xe0: {  	v9 =	vld [tilespmem:$0x6860]  }
0xe1: {  	[tilespmem:$0x2830] =	vst v4;
	v4 =	vadd.f32 v10, v5;
	v5 =	vld [tilespmem:$0x2870]  }
0xe2: {  	v10 =	vld [tilespmem:$0x6870]  }
0xe3: {  	[tilespmem:$0x2840] =	vst v4;
	v4 =	vadd.f32 v7, v6;
	v6 =	vld [tilespmem:$0x2880]  }
0xe4: {  	v7 =	vld [tilespmem:$0x6880]  }
0xe5: {  	[tilespmem:$0x2850] =	vst v4;
	v4 =	vadd.f32 v9, v8;
	v8 =	vld [tilespmem:$0x2890]  }
0xe6: {  	v9 =	vld [tilespmem:$0x6890]  }
0xe7: {  	[tilespmem:$0x2860] =	vst v4;
	v4 =	vadd.f32 v10, v5;
	v5 =	vld [tilespmem:$0x28A0]  }
0xe8: {  	v10 =	vld [tilespmem:$0x68A0]  }
0xe9: {  	[tilespmem:$0x2870] =	vst v4;
	v4 =	vadd.f32 v7, v6;
	v6 =	vld [tilespmem:$0x28B0]  }
0xea: {  	v7 =	vld [tilespmem:$0x68B0]  }
0xeb: {  	[tilespmem:$0x2880] =	vst v4;
	v4 =	vadd.f32 v9, v8;
	v8 =	vld [tilespmem:$0x28C0]  }
0xec: {  	v9 =	vld [tilespmem:$0x68C0]  }
0xed: {  	[tilespmem:$0x2890] =	vst v4;
	v4 =	vadd.f32 v10, v5;
	v5 =	vld [tilespmem:$0x28D0]  }
0xee: {  	v10 =	vld [tilespmem:$0x68D0]  }
0xef: {  	[tilespmem:$0x28A0] =	vst v4;
	v4 =	vadd.f32 v7, v6;
	v6 =	vld [tilespmem:$0x28E0]  }
0xf0: {  	v7 =	vld [tilespmem:$0x68E0]  }
0xf1: {  	[tilespmem:$0x28B0] =	vst v4;
	v4 =	vadd.f32 v9, v8;
	v8 =	vld [tilespmem:$0x28F0]  }
0xf2: {  	v9 =	vld [tilespmem:$0x68F0]  }
0xf3: {  	[tilespmem:$0x28C0] =	vst v4;
	v4 =	vadd.f32 v10, v5;
	v5 =	vld [tilespmem:$0x2900]  }
0xf4: {  	v10 =	vld [tilespmem:$0x6900]  }
0xf5: {  	[tilespmem:$0x28D0] =	vst v4;
	v4 =	vadd.f32 v7, v6;
	v6 =	vld [tilespmem:$0x2910]  }
0xf6: {  	v7 =	vld [tilespmem:$0x6910]  }
0xf7: {  	[tilespmem:$0x28E0] =	vst v4;
	v4 =	vadd.f32 v9, v8;
	v8 =	vld [tilespmem:$0x2920]  }
0xf8: {  	v9 =	vld [tilespmem:$0x6920]  }
0xf9: {  	[tilespmem:$0x28F0] =	vst v4;
	v4 =	vadd.f32 v10, v5;
	v5 =	vld [tilespmem:$0x2930]  }
0xfa: {  	v10 =	vld [tilespmem:$0x6930]  }
0xfb: {  	[tilespmem:$0x2900] =	vst v4;
	v4 =	vadd.f32 v7, v6;
	v6 =	vld [tilespmem:$0x2940]  }
0xfc: {  	v7 =	vld [tilespmem:$0x6940]  }
0xfd: {  	[tilespmem:$0x2910] =	vst v4;
	v4 =	vadd.f32 v9, v8;
	v8 =	vld [tilespmem:$0x2950]  }
0xfe: {  	v9 =	vld [tilespmem:$0x6950]  }
0xff: {  	[tilespmem:$0x2920] =	vst v4;
	v4 =	vadd.f32 v10, v5;
	v5 =	vld [tilespmem:$0x2960]  }
0x100: {  	v10 =	vld [tilespmem:$0x6960]  }
0x101: {  	[tilespmem:$0x2930] =	vst v4;
	v4 =	vadd.f32 v7, v6;
	v6 =	vld [tilespmem:$0x2970]  }
0x102: {  	v7 =	vld [tilespmem:$0x6970]  }
0x103: {  	[tilespmem:$0x2940] =	vst v4;
	v4 =	vadd.f32 v9, v8;
	v8 =	vld [tilespmem:$0x2980]  }
0x104: {  	v9 =	vld [tilespmem:$0x6980]  }
0x105: {  	[tilespmem:$0x2950] =	vst v4;
	v4 =	vadd.f32 v10, v5;
	v5 =	vld [tilespmem:$0x2990]  }
0x106: {  	v10 =	vld [tilespmem:$0x6990]  }
0x107: {  	[tilespmem:$0x2960] =	vst v4;
	v4 =	vadd.f32 v7, v6;
	v6 =	vld [tilespmem:$0x29A0]  }
0x108: {  	v7 =	vld [tilespmem:$0x69A0]  }
0x109: {  	[tilespmem:$0x2970] =	vst v4;
	v4 =	vadd.f32 v9, v8;
	v8 =	vld [tilespmem:$0x29B0]  }
0x10a: {  	v9 =	vld [tilespmem:$0x69B0]  }
0x10b: {  	[tilespmem:$0x2980] =	vst v4;
	v4 =	vadd.f32 v10, v5;
	v5 =	vld [tilespmem:$0x29C0]  }
0x10c: {  	v10 =	vld [tilespmem:$0x69C0]  }
0x10d: {  	[tilespmem:$0x2990] =	vst v4;
	v4 =	vadd.f32 v7, v6;
	v6 =	vld [tilespmem:$0x29D0]  }
0x10e: {  	v7 =	vld [tilespmem:$0x69D0]  }
0x10f: {  	[tilespmem:$0x29A0] =	vst v4;
	v4 =	vadd.f32 v9, v8;
	v8 =	vld [tilespmem:$0x29E0]  }
0x110: {  	v9 =	vld [tilespmem:$0x69E0]  }
0x111: {  	[tilespmem:$0x29B0] =	vst v4;
	v4 =	vadd.f32 v10, v5;
	v5 =	vld [tilespmem:$0x29F0]  }
0x112: {  	v10 =	vld [tilespmem:$0x69F0]  }
0x113: {  	[tilespmem:$0x29C0] =	vst v4;
	v4 =	vadd.f32 v7, v6;
	v6 =	vld [tilespmem:$0x2A00]  }
0x114: {  	v7 =	vld [tilespmem:$0x6A00]  }
0x115: {  	[tilespmem:$0x29D0] =	vst v4;
	v4 =	vadd.f32 v9, v8;
	v8 =	vld [tilespmem:$0x2A10]  }
0x116: {  	v9 =	vld [tilespmem:$0x6A10]  }
0x117: {  	[tilespmem:$0x29E0] =	vst v4;
	v4 =	vadd.f32 v10, v5;
	v5 =	vld [tilespmem:$0x2A20]  }
0x118: {  	v10 =	vld [tilespmem:$0x6A20]  }
0x119: {  	[tilespmem:$0x29F0] =	vst v4;
	v4 =	vadd.f32 v7, v6;
	v6 =	vld [tilespmem:$0x2A30]  }
0x11a: {  	v7 =	vld [tilespmem:$0x6A30]  }
0x11b: {  	[tilespmem:$0x2A00] =	vst v4;
	v4 =	vadd.f32 v9, v8;
	v8 =	vld [tilespmem:$0x2A40]  }
0x11c: {  	v9 =	vld [tilespmem:$0x6A40]  }
0x11d: {  	[tilespmem:$0x2A10] =	vst v4;
	v4 =	vadd.f32 v10, v5;
	v5 =	vld [tilespmem:$0x2A50]  }
0x11e: {  	v10 =	vld [tilespmem:$0x6A50]  }
0x11f: {  	[tilespmem:$0x2A20] =	vst v4;
	v4 =	vadd.f32 v7, v6;
	v6 =	vld [tilespmem:$0x2A60]  }
0x120: {  	v7 =	vld [tilespmem:$0x6A60]  }
0x121: {  	[tilespmem:$0x2A30] =	vst v4;
	v4 =	vadd.f32 v9, v8;
	v8 =	vld [tilespmem:$0x2A70]  }
0x122: {  	v9 =	vld [tilespmem:$0x6A70]  }
0x123: {  	[tilespmem:$0x2A40] =	vst v4;
	v4 =	vadd.f32 v10, v5;
	v5 =	vld [tilespmem:$0x2A80]  }
0x124: {  	v10 =	vld [tilespmem:$0x6A80]  }
0x125: {  	[tilespmem:$0x2A50] =	vst v4;
	v4 =	vadd.f32 v7, v6;
	v6 =	vld [tilespmem:$0x2A90]  }
0x126: {  	v7 =	vld [tilespmem:$0x6A90]  }
0x127: {  	[tilespmem:$0x2A60] =	vst v4;
	v4 =	vadd.f32 v9, v8;
	v8 =	vld [tilespmem:$0x2AA0]  }
0x128: {  	v9 =	vld [tilespmem:$0x6AA0]  }
0x129: {  	[tilespmem:$0x2A70] =	vst v4;
	v4 =	vadd.f32 v10, v5;
	v5 =	vld [tilespmem:$0x2AB0]  }
0x12a: {  	v10 =	vld [tilespmem:$0x2800]  }
0x12b: {  	[tilespmem:$0x2A80] =	vst v4;
	v4 =	vadd.f32 v7, v6;
	v6 =	vld [tilespmem:$0x2AC0]  }
0x12c: {  	v7 =	vld [tilespmem:$0x6AC0]  }
0x12d: {  	[tilespmem:$0x2A90] =	vst v4;
	v4 =	vadd.f32 v9, v8;
	v8 =	vld [tilespmem:$0x2AD0]  }
0x12e: {  	v3 =	vadd.f32 v3, v5;
	v5 =	vld [tilespmem:$0x6AD0]  }
0x12f: {  	v2 =	vadd.f32 v2, v10;
	[tilespmem:$0x2AA0] =	vst v4;
	v4 =	vld [tilespmem:$0x2AE0]  }
0x130: {  	[tilespmem:$0x2AB0] =	vst v3;
	v3 =	vld [tilespmem:$0x6AE0]  }
0x131: {  	[tilespmem:$0x2800] =	vst v2;
	v2 =	vadd.f32 v7, v6;
	v6 =	vld [tilespmem:$0x2AF0]  }
0x132: {  	v7 =	vld [tilespmem:$0x6AF0]  }
0x133: {  	[tilespmem:$0x2AC0] =	vst v2;
	v2 =	vadd.f32 v5, v8;
	v5 =	vld [tilespmem:$0x2B00]  }
0x134: {  	v8 =	vld [tilespmem:$0x6B00]  }
0x135: {  	[tilespmem:$0x2AD0] =	vst v2;
	v2 =	vadd.f32 v3, v4;
	v3 =	vld [tilespmem:$0x2B10]  }
0x136: {  	v4 =	vld [tilespmem:$0x6B10]  }
0x137: {  	[tilespmem:$0x2AE0] =	vst v2;
	v2 =	vadd.f32 v7, v6;
	v6 =	vld [tilespmem:$0x2B20]  }
0x138: {  	v7 =	vld [tilespmem:$0x6B20]  }
0x139: {  	[tilespmem:$0x2AF0] =	vst v2;
	v2 =	vadd.f32 v8, v5;
	v5 =	vld [tilespmem:$0x2B30]  }
0x13a: {  	v8 =	vld [tilespmem:$0x6B30]  }
0x13b: {  	[tilespmem:$0x2B00] =	vst v2;
	v2 =	vadd.f32 v4, v3;
	v3 =	vld [tilespmem:$0x2B40]  }
0x13c: {  	v4 =	vld [tilespmem:$0x6B40]  }
0x13d: {  	[tilespmem:$0x2B10] =	vst v2;
	v2 =	vadd.f32 v7, v6;
	v6 =	vld [tilespmem:$0x2B50]  }
0x13e: {  	v7 =	vld [tilespmem:$0x6B50]  }
0x13f: {  	[tilespmem:$0x2B20] =	vst v2;
	v2 =	vadd.f32 v8, v5;
	v5 =	vld [tilespmem:$0x2B60]  }
0x140: {  	v8 =	vld [tilespmem:$0x6B60]  }
0x141: {  	[tilespmem:$0x2B30] =	vst v2;
	v2 =	vadd.f32 v4, v3;
	v3 =	vld [tilespmem:$0x2B70]  }
0x142: {  	v4 =	vld [tilespmem:$0x6B70]  }
0x143: {  	[tilespmem:$0x2B40] =	vst v2;
	v2 =	vadd.f32 v7, v6;
	v6 =	vld [tilespmem:$0x2B80]  }
0x144: {  	v7 =	vld [tilespmem:$0x6B80]  }
0x145: {  	[tilespmem:$0x2B50] =	vst v2;
	v2 =	vadd.f32 v8, v5;
	v5 =	vld [tilespmem:$0x2B90]  }
0x146: {  	v8 =	vld [tilespmem:$0x6B90]  }
0x147: {  	[tilespmem:$0x2B60] =	vst v2;
	v2 =	vadd.f32 v4, v3;
	v3 =	vld [tilespmem:$0x2BA0]  }
0x148: {  	v4 =	vld [tilespmem:$0x6BA0]  }
0x149: {  	[tilespmem:$0x2B70] =	vst v2;
	v2 =	vadd.f32 v7, v6;
	v6 =	vld [tilespmem:$0x2BB0]  }
0x14a: {  	v7 =	vld [tilespmem:$0x6BB0]  }
0x14b: {  	[tilespmem:$0x2B80] =	vst v2;
	v2 =	vadd.f32 v8, v5;
	v5 =	vld [tilespmem:$0x2BC0]  }
0x14c: {  	v8 =	vld [tilespmem:$0x6BC0]  }
0x14d: {  	[tilespmem:$0x2B90] =	vst v2;
	v2 =	vadd.f32 v4, v3;
	v3 =	vld [tilespmem:$0x2BD0]  }
0x14e: {  	v4 =	vld [tilespmem:$0x6BD0]  }
0x14f: {  	[tilespmem:$0x2BA0] =	vst v2;
	v2 =	vadd.f32 v7, v6;
	v6 =	vld [tilespmem:$0x2BE0]  }
0x150: {  	v7 =	vld [tilespmem:$0x6BE0]  }
0x151: {  	[tilespmem:$0x2BB0] =	vst v2;
	v2 =	vadd.f32 v8, v5;
	v5 =	vld [tilespmem:$0x2BF0]  }
0x152: {  	v8 =	vld [tilespmem:$0x6BF0]  }
.Ltmp2:
0x153: {  	[tilespmem:$0x2BC0] =	vst v2;
	v2 =	vadd.f32 v4, v3;
	(pc) =	sbr.rel @p0 .LBB2_6-.Ltmp2, $3  }
0x154: {  	_ = 	snop  }
0x155: {  	[tilespmem:$0x2BD0] =	vst v2;
	v2 =	vadd.f32 v7, v6;
	_ =	sdelay $0x1  }
0x156: {  	[tilespmem:$0x2BE0] =	vst v2;
	v2 =	vadd.f32 v8, v5  }
0x157: {  	s11 =	sadd.s32 $0x1, s11  }
0x158: {  	p0 =	sne.s32 s11, s7  }
.Ltmp3:
0x159: {  	[tilespmem:$0x2BF0] =	vst v2;
	(pc) =	sbr.rel @p0 .LBB2_1-.Ltmp3, $4  }
0x15a: {  	[hbm4b:s6+s2] =	stream.linear.scatter [tilespmem:s9], [sflag:$0x1], $0x400, $0x38;
	[tilespmem:$0xAC00] =	vst v63  }
0x15b: {  	_ =	swait.ge [sflag:s8], $0x400  }
0x15c: {  	[sflag:s8] =	ssyncset.done $0x0  }
0x15d: {  	[sflag:s8] =	ssyncadd.s32 $0xFFFFFC00  }
0x15e: {  	_ =	sfence.sel $0x180000  }
0x15f: {  	[bflag:$0x0] =	sbarrier.arrive $0xFFFF  }
0x160: {  	p0 =	sne.s32 s1, $0x0;
	_ =	strace $0x90000047  }
0x161: {  	s0 =	sadd.s32 @!p0 $0x100000, s0;
	[bflag:$0x2] =	sbarrier.arrive $0xFFFF  }
0x162: {  	[sflag:s0] =	ssyncadd.tile.s32 @!p0 $0x1;
	_ =	shalt  }
.Lfunc_end2:
_tile_overlayer_lowered:
.L_overlay_start_2:
0x163: {  	(tag) =	ssettag $0x2  }
0x164: {  	s0 =	rddreg [dreg:$0x0];
	s2 =	stileid.u32  }
0x165: {  	s1 =	rddreg [dreg:$0x1];
	p0 =	sne.s32 s2, $0x0  }
0x166: {  	s3 =	rddreg [dreg:$0x2];
	[bflag:$0x3] =	sbarrier.arrive $0xFFFF;
	s2 =	simm.s32 @!p0 $0x1C01  }
0x167: {  	[timem:s3], [sflag:s2] =	dma.local @!p0 [hbm:s0], s1  }
0x168: {  	s0 =	simm.s32 @!p0 $0x1  }
0x169: {  	_ =	swait.ge @!p0 [sflag:s0], s1  }
0x16a: {  	s1 =	ssub.s32 @!p0 $0x0, s1;
	[sflag:s0] =	ssyncset.done @!p0 $0x0  }
0x16b: {  	[sflag:s0] =	ssyncadd.s32 @!p0 s1  }
0x16c: {  	[bflag:$0x3] =	sbarrier.arrive $0xFFFF  }
0x16d: {  	_ =	shalt  }

</sc_bundles>
